<compile_context>
chip_gen: v7x
topology: tpu7x:2x2x1
jax: 0.10.2.dev20260603
libtpu: 0.0.44.dev20260713+nightly
codegen_flags: <defaults>
</compile_context>

<pallas_src>
import functools

import jax
import jax.numpy as jnp
from jax import lax
from jax.experimental import pallas as pl
from jax.experimental.pallas import tpu as pltpu
from jax.experimental.pallas import tpu_sc as plsc

_N = 10000
_D = 128
_E = 320000
_G = 8
_NPAD = 10240
_C = 128
_NC = 2
_NS = 16
_NW = _NC * _NS
_CPT = 79
_EPAD = _NW * _CPT * _C
_RPT = _NPAD // _NS

_mesh = plsc.VectorSubcoreMesh(
    core_axis_name="c", subcore_axis_name="s", num_cores=_NC, num_subcores=_NS)

_Z16 = lambda: jnp.zeros((16,), jnp.float32)


def _reduce_stage(s, c, local_v, stage_sh, red_v, tmp_v, out_hbm):
    pltpu.sync_copy(local_v, stage_sh.at[s])
    plsc.subcore_barrier()
    col = s * _RPT
    pltpu.sync_copy(stage_sh.at[0, pl.ds(col, _RPT)], red_v)

    def addrow(r, _):
        pltpu.sync_copy(stage_sh.at[r, pl.ds(col, _RPT)], tmp_v)

        def addv(j, _2):
            sl = pl.ds(j * 16, 16)
            red_v[sl] = red_v[sl] + tmp_v[sl]
            return 0

        lax.fori_loop(0, _RPT // 16, addv, 0)
        return 0

    lax.fori_loop(1, _NS, addrow, 0)
    pltpu.sync_copy(red_v, out_hbm.at[c, pl.ds(col, _RPT)])


@functools.partial(
    pl.kernel,
    out_type=(jax.ShapeDtypeStruct((_NC, _NPAD, _D), jnp.float32),
              jax.ShapeDtypeStruct((_NC, _NPAD), jnp.float32)),
    mesh=_mesh,
    compiler_params=pltpu.CompilerParams(needs_layout_passes=False),
    scratch_types=[
        pltpu.VMEM((_C,), jnp.int32),
        pltpu.VMEM((_C,), jnp.int32),
        pltpu.VMEM((_C,), jnp.int32),
        pltpu.VMEM((_C, _D), jnp.float32),
        pltpu.VMEM((_NPAD,), jnp.float32),
        pltpu.VMEM((_NPAD,), jnp.float32),
        pltpu.VMEM((_RPT,), jnp.float32),
        pltpu.VMEM((_RPT,), jnp.float32),
        pltpu.VMEM_SHARED((_NPAD, _D), jnp.float32),
        pltpu.VMEM_SHARED((_NS, _NPAD), jnp.float32),
        pltpu.SemaphoreType.DMA,
    ],
)
def _mp_kernel(x_hbm, src_hbm, dst_hbm, sel_hbm, agg_out, cnt_out,
               src_v, dst_v, dm_v, rows_v, sv, cnt_v, red_v, tmp_v, acc_sh,
               stage_sh, sem):
    c = lax.axis_index("c")
    s = lax.axis_index("s")
    wid = c * _NS + s
    ones16 = jnp.ones((16,), jnp.float32)

    pltpu.sync_copy(sel_hbm, sv)

    def zrow(i, _):
        for j in range(_D // 16):
            rows_v[i, pl.ds(j * 16, 16)] = _Z16()
        return 0

    lax.fori_loop(0, _C, zrow, 0)
    for j in range(_RPT // _C):
        pltpu.sync_copy(rows_v, acc_sh.at[pl.ds(s * _RPT + j * _C, _C), :])

    def zcnt(i, _):
        cnt_v[pl.ds(i * 16, 16)] = _Z16()
        return 0

    lax.fori_loop(0, _NPAD // 16, zcnt, 0)
    plsc.subcore_barrier()

    def step(g, _):
        base = (wid * _CPT + g) * _C
        pltpu.sync_copy(src_hbm.at[pl.ds(base, _C)], src_v)
        pltpu.sync_copy(dst_hbm.at[pl.ds(base, _C)], dst_v)
        for j in range(_C // 16):
            sl = pl.ds(j * 16, 16)
            s16 = src_v[sl]
            d16 = dst_v[sl]
            ok = (plsc.load_gather(sv, [s16])
                  * plsc.load_gather(sv, [d16])) > 0.5
            dm16 = jnp.where(ok, d16, _N)
            dm_v[sl] = dm16
            plsc.addupdate_scatter(cnt_v, [dm16], ones16)
        pltpu.async_copy(x_hbm.at[src_v], rows_v, sem).wait()
        pltpu.sync_copy(rows_v, acc_sh.at[dm_v], add=True)
        return 0

    lax.fori_loop(0, _CPT, step, 0)
    plsc.subcore_barrier()

    _reduce_stage(s, c, cnt_v, stage_sh, red_v, tmp_v, cnt_out)

    for j in range(_RPT // _C):
        r0 = s * _RPT + j * _C
        pltpu.sync_copy(acc_sh.at[pl.ds(r0, _C), :],
                        agg_out.at[c, pl.ds(r0, _C), :])


_R = 1280


def _dense_body(agg_ref, cnt0_ref, cnt1_ref, x_ref, wl_ref, bl_ref, wr_ref,
                wc_ref, xn_ref, pr_ref):
    asum = agg_ref[0] + agg_ref[1]
    cd = jnp.maximum(cnt0_ref[0, 0] + cnt1_ref[0, 0], 1.0)
    mean = asum / cd[:, None]
    xn = (jnp.dot(mean, wl_ref[...], preferred_element_type=jnp.float32)
          + bl_ref[...]
          + jnp.dot(x_ref[...], wr_ref[...],
                    preferred_element_type=jnp.float32))
    xn = jnp.maximum(xn, 0.0)
    xn_ref[...] = xn
    pr_ref[...] = jnp.dot(xn, wc_ref[...], preferred_element_type=jnp.float32)


def _dense(agg, cnt, x, Wl, bl2, Wr, Wcat):
    cnt3 = cnt.reshape(_NC * 8, 1, _R)
    return pl.pallas_call(
        _dense_body,
        grid=(_NPAD // _R,),
        in_specs=[
            pl.BlockSpec((_NC, _R, _D), lambda i: (0, i, 0)),
            pl.BlockSpec((1, 1, _R), lambda i: (i, 0, 0)),
            pl.BlockSpec((1, 1, _R), lambda i: (i + 8, 0, 0)),
            pl.BlockSpec((_R, _D), lambda i: (i, 0)),
            pl.BlockSpec((_D, _D), lambda i: (0, 0)),
            pl.BlockSpec((1, _D), lambda i: (0, 0)),
            pl.BlockSpec((_D, _D), lambda i: (0, 0)),
            pl.BlockSpec((_D, 8), lambda i: (0, 0)),
        ],
        out_specs=[
            pl.BlockSpec((_R, _D), lambda i: (i, 0)),
            pl.BlockSpec((_R, 8), lambda i: (i, 0)),
        ],
        out_shape=[
            jax.ShapeDtypeStruct((_NPAD, _D), jnp.float32),
            jax.ShapeDtypeStruct((_NPAD, 8), jnp.float32),
        ],
    )(agg, cnt3, cnt3, x, Wl, bl2, Wr, Wcat)


def kernel(x, edge_attr, params, edge_index, batch, pat_idxs):
    f32 = jnp.float32
    x = x.at[:, :12].set(x[:, :12] / jnp.max(x[:, :12], axis=0, keepdims=True))
    b = batch
    src = edge_index[0]
    dst = edge_index[1]
    onehot = b[:, None] == jnp.arange(_G, dtype=b.dtype)[None, :]
    pad = _EPAD - _E
    srcp = jnp.concatenate([src, jnp.zeros((pad,), jnp.int32)])
    dstp = jnp.concatenate([dst, jnp.full((pad,), _N, jnp.int32)])
    node_valid = jnp.ones((_N,), bool)
    selv = jnp.concatenate([jnp.ones((_N,), f32),
                            jnp.zeros((_NPAD - _N,), f32)])
    xpad = jnp.concatenate([x, jnp.zeros((_NPAD - _N, _D), f32)])
    xs = []
    for i in range(3):
        agg, cnt = _mp_kernel(xpad, srcp, dstp, selv)
        bl2 = params['conv%d_bl' % i].reshape(1, _D)
        Wcat = jnp.concatenate(
            [params['pool%d_Wrel' % i], params['pool%d_Wroot' % i],
             jnp.zeros((_D, 6), f32)], axis=1)
        xn, pr = _dense(agg, cnt, xpad, params['conv%d_Wl' % i], bl2,
                        params['conv%d_Wr' % i], Wcat)
        sagg, _ = _mp_kernel(xn, srcp, dstp, selv)
        s = ((sagg[0, :_N] + sagg[1, :_N]) @ params['pool%d_Wrel' % i][:, 0]
             + params['pool%d_brel' % i][0] + pr[:_N, 1])
        bits = jax.lax.bitcast_convert_type(s, jnp.uint32)
        msk = jnp.where((bits >> 31).astype(jnp.int32) == 1,
                        jnp.uint32(0xFFFFFFFF), jnp.uint32(0x80000000))
        key = jnp.where(node_valid, bits ^ msk, jnp.uint32(0))
        vcount = jnp.sum(onehot & node_valid[:, None], axis=0).astype(f32)
        k = jnp.ceil(0.2 * vcount).astype(jnp.int32)

        def bs_body(_, lohi):
            lo, hi = lohi
            mid = lo + (hi - lo) // 2
            tn = jnp.sum(jnp.where(onehot, mid[None, :], jnp.uint32(0)),
                         axis=1)
            cnt = jnp.sum((onehot & (key > tn)[:, None]).astype(jnp.int32),
                          axis=0)
            ge = cnt >= k
            return jnp.where(ge, mid + 1, lo), jnp.where(ge, hi, mid)

        lo, hi = lax.fori_loop(0, 32, bs_body,
                               (jnp.zeros((_G,), jnp.uint32),
                                jnp.full((_G,), 0xFFFFFFFF, jnp.uint32)))
        Tn = jnp.sum(jnp.where(onehot, lo[None, :], jnp.uint32(0)), axis=1)
        selhard = node_valid & (key > Tn)
        tie = node_valid & (key == Tn)
        c1 = jnp.sum((onehot & selhard[:, None]).astype(jnp.int32), axis=0)
        m = k - c1
        tiecnt = jnp.sum((onehot & tie[:, None]).astype(jnp.int32), axis=0)
        base = jnp.concatenate([jnp.zeros((1,), jnp.int32),
                                jnp.cumsum(tiecnt)[:-1]])
        cs = jnp.cumsum(tie.astype(jnp.int32))
        basen = jnp.sum(jnp.where(onehot, base[None, :], 0), axis=1)
        mn = jnp.sum(jnp.where(onehot, m[None, :], 0), axis=1)
        sel = selhard | (tie & (cs - 1 - basen < mn))

        xcore = jnp.where(sel[:, None], xn[:_N] * jnp.tanh(s)[:, None], 0.0)
        xpad = jnp.concatenate([xcore, jnp.zeros((_NPAD - _N, _D), f32)])
        selv = jnp.concatenate([sel.astype(f32),
                                jnp.zeros((_NPAD - _N,), f32)])
        node_valid = sel
        oh_sel = onehot & sel[:, None]
        gmax = jnp.stack([
            jnp.max(jnp.where(oh_sel[:, g][:, None], xcore, -jnp.inf), axis=0)
            for g in range(_G)])
        gsum = jnp.dot(oh_sel.astype(f32).T, xcore,
                       preferred_element_type=f32)
        gcnt = jnp.sum(oh_sel, axis=0).astype(f32)
        gmean = gsum / jnp.maximum(gcnt, 1.0)[:, None]
        xs.append(jnp.concatenate([gmax, gmean], axis=1))
    h = xs[0] + xs[1] + xs[2]
    h = jax.nn.relu(h @ params['enc1_W'] + params['enc1_b'])
    h = jax.nn.relu(h @ params['enc2_W'] + params['enc2_b'])
    grade = jax.nn.log_softmax(h @ params['grade_W'] + params['grade_b'],
                               axis=1)
    hazard = jax.nn.sigmoid(h @ params['hazard_W'] + params['hazard_b']) * 6.0 - 3.0
    return (h, grade, hazard)

# --- scband reference (transcript-rebuilt; emitter-appended) ---
"""Pipeline reference for scband-gnn-53919019434191 (READ-ONLY COPY).

The authoritative reference and input builder live on the scoring server;
editing this copy changes nothing except your own understanding.
"""

import jax, jax.numpy as jnp
import numpy as np

XDIM = 128
HDIM = 128
FDIM = 32
RATIO = 0.2
N_NODES = 10000
N_EDGES = 320000
D_EDGE = 4
N_GRAPHS = 8


def _init_linear(key, fan_in, fan_out, bias=True):
    k1, k2 = jax.random.split(key)
    lim = 1.0 / np.sqrt(fan_in)
    W = jax.random.uniform(k1, (fan_in, fan_out), minval=-lim, maxval=lim, dtype=jnp.float32)
    b = jax.random.uniform(k2, (fan_out,), minval=-lim, maxval=lim, dtype=jnp.float32) if bias else None
    return W, b


def setup_inputs(seed: int = 0):
    key = jax.random.key(seed)
    ks = jax.random.split(key, 32)
    x = jax.random.normal(ks[0], (N_NODES, XDIM), dtype=jnp.float32)
    edge_index = jax.random.randint(ks[1], (2, N_EDGES), 0, N_NODES, dtype=jnp.int32)
    edge_attr = jax.random.uniform(ks[2], (N_EDGES, D_EDGE), dtype=jnp.float32)
    batch = jnp.sort(jax.random.randint(ks[3], (N_NODES,), 0, N_GRAPHS, dtype=jnp.int32))
    pat_idxs = jnp.sort(jax.random.randint(ks[4], (N_GRAPHS,), 0, 2, dtype=jnp.int32))
    params = {}
    hidden = [XDIM, HDIM, HDIM]
    ki = 5
    for i, ic in enumerate(hidden):
        Wl, bl = _init_linear(ks[ki], ic, HDIM); ki += 1
        Wr, _ = _init_linear(ks[ki], ic, HDIM, bias=False); ki += 1
        params['conv%d_Wl' % i] = Wl
        params['conv%d_bl' % i] = bl
        params['conv%d_Wr' % i] = Wr
        Wrel, brel = _init_linear(ks[ki], HDIM, 1); ki += 1
        Wroot, _ = _init_linear(ks[ki], HDIM, 1, bias=False); ki += 1
        params['pool%d_Wrel' % i] = Wrel
        params['pool%d_brel' % i] = brel
        params['pool%d_Wroot' % i] = Wroot
    W, b = _init_linear(ks[ki], HDIM * 2, HDIM); ki += 1
    params['enc1_W'] = W; params['enc1_b'] = b
    W, b = _init_linear(ks[ki], HDIM, FDIM); ki += 1
    params['enc2_W'] = W; params['enc2_b'] = b
    W, b = _init_linear(ks[ki], FDIM, 3); ki += 1
    params['grade_W'] = W; params['grade_b'] = b
    W, b = _init_linear(ks[ki], FDIM, 1); ki += 1
    params['hazard_W'] = W; params['hazard_b'] = b
    return {"x": x, "edge_attr": edge_attr, "params": params,
            "edge_index": edge_index, "batch": batch, "pat_idxs": pat_idxs}


def _segment_mean(v, idx, num, w):
    s = jax.ops.segment_sum(v * w[:, None], idx, num_segments=num)
    c = jax.ops.segment_sum(w, idx, num_segments=num)
    return s / jnp.maximum(c, 1.0)[:, None]


def _sage_conv(x, ei, w, Wl, bl, Wr):
    # PyG SAGEConv: lin_l(mean_{j in N(i)} x_j) + lin_r(x_i); bias on lin_l only
    agg = _segment_mean(x[ei[0]], ei[1], x.shape[0], w)
    return agg @ Wl + bl + x @ Wr


def _graph_conv_score(x, ei, w, Wrel, brel, Wroot):
    # PyG GraphConv (SAGPooling attn GNN): lin_rel(sum_j x_j) + lin_root(x_i)
    agg = jax.ops.segment_sum(x[ei[0]] * w[:, None], ei[1], num_segments=x.shape[0])
    return (agg @ Wrel + brel + x @ Wroot)[:, 0]


def reference(x, edge_attr, params, edge_index, batch, pat_idxs):
    # normalize_graphs
    x = x.at[:, :12].set(x[:, :12] / jnp.max(x[:, :12], axis=0, keepdims=True))
    ea = edge_attr / jnp.max(edge_attr, axis=0, keepdims=True)
    num_graphs = N_GRAPHS
    ei = edge_index
    b = batch
    n = x.shape[0]
    node_valid = jnp.ones((n,), dtype=bool)
    edge_valid = jnp.ones((ei.shape[1],), dtype=bool)
    counts_total = jax.ops.segment_sum(jnp.ones_like(b), b, num_segments=num_graphs)
    starts = jnp.concatenate([jnp.zeros((1,), counts_total.dtype),
                              jnp.cumsum(counts_total)[:-1]])
    xs = []
    for i in range(3):
        ew = edge_valid.astype(x.dtype)
        x = jax.nn.relu(_sage_conv(x, ei, ew, params['conv%d_Wl' % i], params['conv%d_bl' % i], params['conv%d_Wr' % i]))
        s = _graph_conv_score(x, ei, ew, params['pool%d_Wrel' % i], params['pool%d_brel' % i], params['pool%d_Wroot' % i])
        # top-k per graph: graph asc, score desc, stable (index asc) ties
        eff = jnp.where(node_valid, s, -jnp.inf)
        order = jnp.lexsort((-eff, b))
        g_of = b[order]
        pos = jnp.arange(n, dtype=starts.dtype) - starts[g_of]
        vcount = jax.ops.segment_sum(node_valid.astype(x.dtype), b, num_segments=num_graphs)
        k = jnp.ceil(RATIO * vcount).astype(starts.dtype)
        sel_sorted = node_valid[order] & (pos < k[g_of])
        sel = jnp.zeros((n,), dtype=bool).at[order].set(sel_sorted)
        x = jnp.where(sel[:, None], x * jnp.tanh(s)[:, None], 0.0)
        # filter_adj: keep edges with both endpoints retained
        edge_valid = edge_valid & sel[ei[0]] & sel[ei[1]]
        ea = jnp.where(edge_valid[:, None], ea, 0.0)
        node_valid = sel
        # compact retained nodes in perm order (fixed-shape)
        sel_o = sel[order]
        dest = jnp.where(sel_o, jnp.cumsum(sel_o.astype(starts.dtype)) - 1, n)
        x_c = jnp.zeros_like(x).at[dest].set(x[order], mode='drop')
        b_c = jnp.full((n,), num_graphs, dtype=b.dtype).at[dest].set(g_of, mode='drop')
        gmax = jax.ops.segment_max(x_c, b_c, num_segments=num_graphs + 1)[:num_graphs]
        gsum = jax.ops.segment_sum(x_c, b_c, num_segments=num_graphs + 1)[:num_graphs]
        gcnt = jax.ops.segment_sum(sel.astype(x.dtype), b, num_segments=num_graphs)
        gmean = gsum / jnp.maximum(gcnt, 1.0)[:, None]
        xs.append(jnp.concatenate([gmax, gmean], axis=1))
    h = jnp.sum(jnp.stack(xs), axis=0)
    h = jax.nn.relu(h @ params['enc1_W'] + params['enc1_b'])
    h = jax.nn.relu(h @ params['enc2_W'] + params['enc2_b'])
    grade = jax.nn.log_softmax(h @ params['grade_W'] + params['grade_b'], axis=1)
    hazard = jax.nn.sigmoid(h @ params['hazard_W'] + params['hazard_b']) * 6.0 - 3.0
    return (h, grade, hazard)

if __name__ == "__main__":
    import jax
    _d = setup_inputs()
    print(jax.jit(kernel)(*tuple(_d.values())))

</pallas_src>

<mosaic_0001>
#map = affine_map<(d0, d1) -> (0, 0)>
#map1 = affine_map<(d0, d1) -> (0)>
#map2 = affine_map<(d0, d1) -> (0, 0, 0)>
module attributes {stable_mosaic.version = 14 : i64} {
  func.func @_mp_kernel(%arg0: i32, %arg1: i32, %arg2: memref<10240x128xf32, #tpu.memory_space<hbm>>, %arg3: memref<323584xi32, #tpu.memory_space<hbm>>, %arg4: memref<323584xi32, #tpu.memory_space<hbm>>, %arg5: memref<10240xf32, #tpu.memory_space<hbm>>, %arg6: memref<2x10240x128xf32, #tpu.memory_space<hbm>>, %arg7: memref<2x10240xf32, #tpu.memory_space<hbm>>, %arg8: memref<128xi32, #tpu.memory_space<vmem>>, %arg9: memref<128xi32, #tpu.memory_space<vmem>>, %arg10: memref<128xi32, #tpu.memory_space<vmem>>, %arg11: memref<128x128xf32, #tpu.memory_space<vmem>>, %arg12: memref<10240xf32, #tpu.memory_space<vmem>>, %arg13: memref<10240xf32, #tpu.memory_space<vmem>>, %arg14: memref<640xf32, #tpu.memory_space<vmem>>, %arg15: memref<640xf32, #tpu.memory_space<vmem>>, %arg16: memref<10240x128xf32, #tpu.memory_space<vmem_shared>>, %arg17: memref<16x10240xf32, #tpu.memory_space<vmem_shared>>, %arg18: memref<!tpu.dma_semaphore, #tpu.memory_space<semaphore_mem>>) attributes {dimension_semantics = [#tpu.dimension_semantics<core_parallel>, #tpu.dimension_semantics<subcore_parallel>], iteration_bounds = array<i64: 2, 16>, scalar_prefetch = 0 : i64, scratch_operands = 11 : i64, tpu.core_type = #tpu.core_type<sc_vector_subcore>, window_params = [{transform_indices = #map}, {transform_indices = #map1}, {transform_indices = #map1}, {transform_indices = #map1}, {transform_indices = #map2}, {transform_indices = #map}]} {
    %mul3A = arith.constant 16 : i32
    %mul3A_0 = arith.muli %arg0, %mul3A : i32
    %add3A = arith.addi %mul3A_0, %arg1 : i32
    %broadcast_in_dim3A = arith.constant 1.000000e+00 : f32
    %broadcast_in_dim3A_1 = vector.broadcast %broadcast_in_dim3A : f32 to vector<16xf32>
    "tpu.region"() ({
      %run_scoped3A_73 = tpu.sem_alloc : memref<!tpu.dma_semaphore, #tpu.memory_space<semaphore_mem>>
      tpu.enqueue_dma source(%arg5 : memref<10240xf32, #tpu.memory_space<hbm>>) target(%arg12 : memref<10240xf32, #tpu.memory_space<vmem>>) target_semaphore(%run_scoped3A_73 : memref<!tpu.dma_semaphore, #tpu.memory_space<semaphore_mem>>)
      tpu.wait_dma2 semaphore(%run_scoped3A_73 : memref<!tpu.dma_semaphore, #tpu.memory_space<semaphore_mem>>) src(%arg5 : memref<10240xf32, #tpu.memory_space<hbm>>) dst(%arg12 : memref<10240xf32, #tpu.memory_space<vmem>>)
      tpu.yield
    }) : () -> ()
    %scan3A = arith.constant 0 : i32
    %scan3A_2 = arith.constant 0 : i32
    %scan3A_3 = arith.constant 128 : i32
    %scan3A_4 = arith.addi %scan3A_2, %scan3A_3 : i32
    %scan3A_5 = arith.constant 1 : i32
    %scan3A_6 = scf.for %scan3A_73 = %scan3A_2 to %scan3A_4 step %scan3A_5 iter_args(%scan3A_74 = %scan3A) -> (i32)  : i32 {
      %broadcast_in_dim3A_75 = arith.constant 0.000000e+00 : f32
      %broadcast_in_dim3A_76 = vector.broadcast %broadcast_in_dim3A_75 : f32 to vector<16xf32>
      %swap3A = arith.index_cast %scan3A_73 : i32 to index
      %swap3A_77 = arith.constant 0 : index
      %swap3A_78 = tpu.vector_load %arg11[%swap3A, %swap3A_77] {strides = array<i32>} : memref<128x128xf32, #tpu.memory_space<vmem>>, vector<16xf32>,
      tpu.vector_store %arg11[%swap3A, %swap3A_77], %broadcast_in_dim3A_76 {strides = array<i32>} : memref<128x128xf32, #tpu.memory_space<vmem>>, vector<16xf32>,
      %broadcast_in_dim3A_79 = arith.constant 0.000000e+00 : f32
      %broadcast_in_dim3A_80 = vector.broadcast %broadcast_in_dim3A_79 : f32 to vector<16xf32>
      %swap3A_81 = arith.index_cast %scan3A_73 : i32 to index
      %swap3A_82 = arith.constant 16 : index
      %swap3A_83 = tpu.vector_load %arg11[%swap3A_81, %swap3A_82] {strides = array<i32>} : memref<128x128xf32, #tpu.memory_space<vmem>>, vector<16xf32>,
      tpu.vector_store %arg11[%swap3A_81, %swap3A_82], %broadcast_in_dim3A_80 {strides = array<i32>} : memref<128x128xf32, #tpu.memory_space<vmem>>, vector<16xf32>,
      %broadcast_in_dim3A_84 = arith.constant 0.000000e+00 : f32
      %broadcast_in_dim3A_85 = vector.broadcast %broadcast_in_dim3A_84 : f32 to vector<16xf32>
      %swap3A_86 = arith.index_cast %scan3A_73 : i32 to index
      %swap3A_87 = arith.constant 32 : index
      %swap3A_88 = tpu.vector_load %arg11[%swap3A_86, %swap3A_87] {strides = array<i32>} : memref<128x128xf32, #tpu.memory_space<vmem>>, vector<16xf32>,
      tpu.vector_store %arg11[%swap3A_86, %swap3A_87], %broadcast_in_dim3A_85 {strides = array<i32>} : memref<128x128xf32, #tpu.memory_space<vmem>>, vector<16xf32>,
      %broadcast_in_dim3A_89 = arith.constant 0.000000e+00 : f32
      %broadcast_in_dim3A_90 = vector.broadcast %broadcast_in_dim3A_89 : f32 to vector<16xf32>
      %swap3A_91 = arith.index_cast %scan3A_73 : i32 to index
      %swap3A_92 = arith.constant 48 : index
      %swap3A_93 = tpu.vector_load %arg11[%swap3A_91, %swap3A_92] {strides = array<i32>} : memref<128x128xf32, #tpu.memory_space<vmem>>, vector<16xf32>,
      tpu.vector_store %arg11[%swap3A_91, %swap3A_92], %broadcast_in_dim3A_90 {strides = array<i32>} : memref<128x128xf32, #tpu.memory_space<vmem>>, vector<16xf32>,
      %broadcast_in_dim3A_94 = arith.constant 0.000000e+00 : f32
      %broadcast_in_dim3A_95 = vector.broadcast %broadcast_in_dim3A_94 : f32 to vector<16xf32>
      %swap3A_96 = arith.index_cast %scan3A_73 : i32 to index
      %swap3A_97 = arith.constant 64 : index
      %swap3A_98 = tpu.vector_load %arg11[%swap3A_96, %swap3A_97] {strides = array<i32>} : memref<128x128xf32, #tpu.memory_space<vmem>>, vector<16xf32>,
      tpu.vector_store %arg11[%swap3A_96, %swap3A_97], %broadcast_in_dim3A_95 {strides = array<i32>} : memref<128x128xf32, #tpu.memory_space<vmem>>, vector<16xf32>,
      %broadcast_in_dim3A_99 = arith.constant 0.000000e+00 : f32
      %broadcast_in_dim3A_100 = vector.broadcast %broadcast_in_dim3A_99 : f32 to vector<16xf32>
      %swap3A_101 = arith.index_cast %scan3A_73 : i32 to index
      %swap3A_102 = arith.constant 80 : index
      %swap3A_103 = tpu.vector_load %arg11[%swap3A_101, %swap3A_102] {strides = array<i32>} : memref<128x128xf32, #tpu.memory_space<vmem>>, vector<16xf32>,
      tpu.vector_store %arg11[%swap3A_101, %swap3A_102], %broadcast_in_dim3A_100 {strides = array<i32>} : memref<128x128xf32, #tpu.memory_space<vmem>>, vector<16xf32>,
      %broadcast_in_dim3A_104 = arith.constant 0.000000e+00 : f32
      %broadcast_in_dim3A_105 = vector.broadcast %broadcast_in_dim3A_104 : f32 to vector<16xf32>
      %swap3A_106 = arith.index_cast %scan3A_73 : i32 to index
      %swap3A_107 = arith.constant 96 : index
      %swap3A_108 = tpu.vector_load %arg11[%swap3A_106, %swap3A_107] {strides = array<i32>} : memref<128x128xf32, #tpu.memory_space<vmem>>, vector<16xf32>,
      tpu.vector_store %arg11[%swap3A_106, %swap3A_107], %broadcast_in_dim3A_105 {strides = array<i32>} : memref<128x128xf32, #tpu.memory_space<vmem>>, vector<16xf32>,
      %broadcast_in_dim3A_109 = arith.constant 0.000000e+00 : f32
      %broadcast_in_dim3A_110 = vector.broadcast %broadcast_in_dim3A_109 : f32 to vector<16xf32>
      %swap3A_111 = arith.index_cast %scan3A_73 : i32 to index
      %swap3A_112 = arith.constant 112 : index
      %swap3A_113 = tpu.vector_load %arg11[%swap3A_111, %swap3A_112] {strides = array<i32>} : memref<128x128xf32, #tpu.memory_space<vmem>>, vector<16xf32>,
      tpu.vector_store %arg11[%swap3A_111, %swap3A_112], %broadcast_in_dim3A_110 {strides = array<i32>} : memref<128x128xf32, #tpu.memory_space<vmem>>, vector<16xf32>,
      %scan3A_114 = arith.constant 0 : i32
      scf.yield %scan3A_114 : i32
    }
    %scan3A_7 = arith.constant 128 : i32
    %mul3A_8 = arith.constant 640 : i32
    %mul3A_9 = arith.muli %arg1, %mul3A_8 : i32
    %add3A_10 = arith.constant 0 : i32
    %add3A_11 = arith.addi %mul3A_9, %add3A_10 : i32
    "tpu.region"() ({
      %run_scoped3A_73 = tpu.sem_alloc : memref<!tpu.dma_semaphore, #tpu.memory_space<semaphore_mem>>
      %dma_start3A = arith.constant 0 : i32
      %dma_start3A_74 = tpu.memref_slice %arg16[%add3A_11, %dma_start3A] : memref<10240x128xf32, #tpu.memory_space<vmem_shared>> -> memref<128x128xf32, #tpu.memory_space<vmem_shared>>
      %dma_start3A_75 = arith.constant 0 : i32
      %dma_start3A_76 = tpu.memref_slice %arg16[%add3A_11, %dma_start3A_75] : memref<10240x128xf32, #tpu.memory_space<vmem_shared>> -> memref<128x128xf32, #tpu.memory_space<vmem_shared>>
      tpu.enqueue_dma source(%arg11 : memref<128x128xf32, #tpu.memory_space<vmem>>) target(%dma_start3A_76 : memref<128x128xf32, #tpu.memory_space<vmem_shared>>) target_semaphore(%run_scoped3A_73 : memref<!tpu.dma_semaphore, #tpu.memory_space<semaphore_mem>>)
      %dma_wait3A = arith.constant 0 : i32
      %dma_wait3A_77 = tpu.memref_slice %arg16[%add3A_11, %dma_wait3A] : memref<10240x128xf32, #tpu.memory_space<vmem_shared>> -> memref<128x128xf32, #tpu.memory_space<vmem_shared>>
      %dma_wait3A_78 = arith.constant 0 : i32
      %dma_wait3A_79 = tpu.memref_slice %arg16[%add3A_11, %dma_wait3A_78] : memref<10240x128xf32, #tpu.memory_space<vmem_shared>> -> memref<128x128xf32, #tpu.memory_space<vmem_shared>>
      tpu.wait_dma2 semaphore(%run_scoped3A_73 : memref<!tpu.dma_semaphore, #tpu.memory_space<semaphore_mem>>) src(%arg11 : memref<128x128xf32, #tpu.memory_space<vmem>>) dst(%dma_wait3A_79 : memref<128x128xf32, #tpu.memory_space<vmem_shared>>)
      tpu.yield
    }) : () -> ()
    %mul3A_12 = arith.constant 640 : i32
    %mul3A_13 = arith.muli %arg1, %mul3A_12 : i32
    %add3A_14 = arith.constant 128 : i32
    %add3A_15 = arith.addi %mul3A_13, %add3A_14 : i32
    "tpu.region"() ({
      %run_scoped3A_73 = tpu.sem_alloc : memref<!tpu.dma_semaphore, #tpu.memory_space<semaphore_mem>>
      %dma_start3A = arith.constant 0 : i32
      %dma_start3A_74 = tpu.memref_slice %arg16[%add3A_15, %dma_start3A] : memref<10240x128xf32, #tpu.memory_space<vmem_shared>> -> memref<128x128xf32, #tpu.memory_space<vmem_shared>>
      %dma_start3A_75 = arith.constant 0 : i32
      %dma_start3A_76 = tpu.memref_slice %arg16[%add3A_15, %dma_start3A_75] : memref<10240x128xf32, #tpu.memory_space<vmem_shared>> -> memref<128x128xf32, #tpu.memory_space<vmem_shared>>
      tpu.enqueue_dma source(%arg11 : memref<128x128xf32, #tpu.memory_space<vmem>>) target(%dma_start3A_76 : memref<128x128xf32, #tpu.memory_space<vmem_shared>>) target_semaphore(%run_scoped3A_73 : memref<!tpu.dma_semaphore, #tpu.memory_space<semaphore_mem>>)
      %dma_wait3A = arith.constant 0 : i32
      %dma_wait3A_77 = tpu.memref_slice %arg16[%add3A_15, %dma_wait3A] : memref<10240x128xf32, #tpu.memory_space<vmem_shared>> -> memref<128x128xf32, #tpu.memory_space<vmem_shared>>
      %dma_wait3A_78 = arith.constant 0 : i32
      %dma_wait3A_79 = tpu.memref_slice %arg16[%add3A_15, %dma_wait3A_78] : memref<10240x128xf32, #tpu.memory_space<vmem_shared>> -> memref<128x128xf32, #tpu.memory_space<vmem_shared>>
      tpu.wait_dma2 semaphore(%run_scoped3A_73 : memref<!tpu.dma_semaphore, #tpu.memory_space<semaphore_mem>>) src(%arg11 : memref<128x128xf32, #tpu.memory_space<vmem>>) dst(%dma_wait3A_79 : memref<128x128xf32, #tpu.memory_space<vmem_shared>>)
      tpu.yield
    }) : () -> ()
    %mul3A_16 = arith.constant 640 : i32
    %mul3A_17 = arith.muli %arg1, %mul3A_16 : i32
    %add3A_18 = arith.constant 256 : i32
    %add3A_19 = arith.addi %mul3A_17, %add3A_18 : i32
    "tpu.region"() ({
      %run_scoped3A_73 = tpu.sem_alloc : memref<!tpu.dma_semaphore, #tpu.memory_space<semaphore_mem>>
      %dma_start3A = arith.constant 0 : i32
      %dma_start3A_74 = tpu.memref_slice %arg16[%add3A_19, %dma_start3A] : memref<10240x128xf32, #tpu.memory_space<vmem_shared>> -> memref<128x128xf32, #tpu.memory_space<vmem_shared>>
      %dma_start3A_75 = arith.constant 0 : i32
      %dma_start3A_76 = tpu.memref_slice %arg16[%add3A_19, %dma_start3A_75] : memref<10240x128xf32, #tpu.memory_space<vmem_shared>> -> memref<128x128xf32, #tpu.memory_space<vmem_shared>>
      tpu.enqueue_dma source(%arg11 : memref<128x128xf32, #tpu.memory_space<vmem>>) target(%dma_start3A_76 : memref<128x128xf32, #tpu.memory_space<vmem_shared>>) target_semaphore(%run_scoped3A_73 : memref<!tpu.dma_semaphore, #tpu.memory_space<semaphore_mem>>)
      %dma_wait3A = arith.constant 0 : i32
      %dma_wait3A_77 = tpu.memref_slice %arg16[%add3A_19, %dma_wait3A] : memref<10240x128xf32, #tpu.memory_space<vmem_shared>> -> memref<128x128xf32, #tpu.memory_space<vmem_shared>>
      %dma_wait3A_78 = arith.constant 0 : i32
      %dma_wait3A_79 = tpu.memref_slice %arg16[%add3A_19, %dma_wait3A_78] : memref<10240x128xf32, #tpu.memory_space<vmem_shared>> -> memref<128x128xf32, #tpu.memory_space<vmem_shared>>
      tpu.wait_dma2 semaphore(%run_scoped3A_73 : memref<!tpu.dma_semaphore, #tpu.memory_space<semaphore_mem>>) src(%arg11 : memref<128x128xf32, #tpu.memory_space<vmem>>) dst(%dma_wait3A_79 : memref<128x128xf32, #tpu.memory_space<vmem_shared>>)
      tpu.yield
    }) : () -> ()
    %mul3A_20 = arith.constant 640 : i32
    %mul3A_21 = arith.muli %arg1, %mul3A_20 : i32
    %add3A_22 = arith.constant 384 : i32
    %add3A_23 = arith.addi %mul3A_21, %add3A_22 : i32
    "tpu.region"() ({
      %run_scoped3A_73 = tpu.sem_alloc : memref<!tpu.dma_semaphore, #tpu.memory_space<semaphore_mem>>
      %dma_start3A = arith.constant 0 : i32
      %dma_start3A_74 = tpu.memref_slice %arg16[%add3A_23, %dma_start3A] : memref<10240x128xf32, #tpu.memory_space<vmem_shared>> -> memref<128x128xf32, #tpu.memory_space<vmem_shared>>
      %dma_start3A_75 = arith.constant 0 : i32
      %dma_start3A_76 = tpu.memref_slice %arg16[%add3A_23, %dma_start3A_75] : memref<10240x128xf32, #tpu.memory_space<vmem_shared>> -> memref<128x128xf32, #tpu.memory_space<vmem_shared>>
      tpu.enqueue_dma source(%arg11 : memref<128x128xf32, #tpu.memory_space<vmem>>) target(%dma_start3A_76 : memref<128x128xf32, #tpu.memory_space<vmem_shared>>) target_semaphore(%run_scoped3A_73 : memref<!tpu.dma_semaphore, #tpu.memory_space<semaphore_mem>>)
      %dma_wait3A = arith.constant 0 : i32
      %dma_wait3A_77 = tpu.memref_slice %arg16[%add3A_23, %dma_wait3A] : memref<10240x128xf32, #tpu.memory_space<vmem_shared>> -> memref<128x128xf32, #tpu.memory_space<vmem_shared>>
      %dma_wait3A_78 = arith.constant 0 : i32
      %dma_wait3A_79 = tpu.memref_slice %arg16[%add3A_23, %dma_wait3A_78] : memref<10240x128xf32, #tpu.memory_space<vmem_shared>> -> memref<128x128xf32, #tpu.memory_space<vmem_shared>>
      tpu.wait_dma2 semaphore(%run_scoped3A_73 : memref<!tpu.dma_semaphore, #tpu.memory_space<semaphore_mem>>) src(%arg11 : memref<128x128xf32, #tpu.memory_space<vmem>>) dst(%dma_wait3A_79 : memref<128x128xf32, #tpu.memory_space<vmem_shared>>)
      tpu.yield
    }) : () -> ()
    %mul3A_24 = arith.constant 640 : i32
    %mul3A_25 = arith.muli %arg1, %mul3A_24 : i32
    %add3A_26 = arith.constant 512 : i32
    %add3A_27 = arith.addi %mul3A_25, %add3A_26 : i32
    "tpu.region"() ({
      %run_scoped3A_73 = tpu.sem_alloc : memref<!tpu.dma_semaphore, #tpu.memory_space<semaphore_mem>>
      %dma_start3A = arith.constant 0 : i32
      %dma_start3A_74 = tpu.memref_slice %arg16[%add3A_27, %dma_start3A] : memref<10240x128xf32, #tpu.memory_space<vmem_shared>> -> memref<128x128xf32, #tpu.memory_space<vmem_shared>>
      %dma_start3A_75 = arith.constant 0 : i32
      %dma_start3A_76 = tpu.memref_slice %arg16[%add3A_27, %dma_start3A_75] : memref<10240x128xf32, #tpu.memory_space<vmem_shared>> -> memref<128x128xf32, #tpu.memory_space<vmem_shared>>
      tpu.enqueue_dma source(%arg11 : memref<128x128xf32, #tpu.memory_space<vmem>>) target(%dma_start3A_76 : memref<128x128xf32, #tpu.memory_space<vmem_shared>>) target_semaphore(%run_scoped3A_73 : memref<!tpu.dma_semaphore, #tpu.memory_space<semaphore_mem>>)
      %dma_wait3A = arith.constant 0 : i32
      %dma_wait3A_77 = tpu.memref_slice %arg16[%add3A_27, %dma_wait3A] : memref<10240x128xf32, #tpu.memory_space<vmem_shared>> -> memref<128x128xf32, #tpu.memory_space<vmem_shared>>
      %dma_wait3A_78 = arith.constant 0 : i32
      %dma_wait3A_79 = tpu.memref_slice %arg16[%add3A_27, %dma_wait3A_78] : memref<10240x128xf32, #tpu.memory_space<vmem_shared>> -> memref<128x128xf32, #tpu.memory_space<vmem_shared>>
      tpu.wait_dma2 semaphore(%run_scoped3A_73 : memref<!tpu.dma_semaphore, #tpu.memory_space<semaphore_mem>>) src(%arg11 : memref<128x128xf32, #tpu.memory_space<vmem>>) dst(%dma_wait3A_79 : memref<128x128xf32, #tpu.memory_space<vmem_shared>>)
      tpu.yield
    }) : () -> ()
    %scan3A_28 = arith.constant 0 : i32
    %scan3A_29 = arith.constant 0 : i32
    %scan3A_30 = arith.constant 640 : i32
    %scan3A_31 = arith.addi %scan3A_29, %scan3A_30 : i32
    %scan3A_32 = arith.constant 1 : i32
    %scan3A_33 = scf.for %scan3A_73 = %scan3A_29 to %scan3A_31 step %scan3A_32 iter_args(%scan3A_74 = %scan3A_28) -> (i32)  : i32 {
      %broadcast_in_dim3A_75 = arith.constant 0.000000e+00 : f32
      %broadcast_in_dim3A_76 = vector.broadcast %broadcast_in_dim3A_75 : f32 to vector<16xf32>
      %mul3A_77 = arith.constant 16 : i32
      %mul3A_78 = arith.muli %scan3A_73, %mul3A_77 : i32
      %swap3A = arith.index_cast %mul3A_78 : i32 to index
      %swap3A_79 = tpu.vector_load %arg13[%swap3A] {strides = array<i32>} : memref<10240xf32, #tpu.memory_space<vmem>>, vector<16xf32>,
      tpu.vector_store %arg13[%swap3A], %broadcast_in_dim3A_76 {strides = array<i32>} : memref<10240xf32, #tpu.memory_space<vmem>>, vector<16xf32>,
      %scan3A_80 = arith.constant 0 : i32
      scf.yield %scan3A_80 : i32
    }
    %scan3A_34 = arith.constant 640 : i32
    %barrier3A = arith.constant 0 : index
    tpu.barrier barrier_id(%barrier3A)
    %scan3A_35 = arith.constant 0 : i32
    %scan3A_36 = arith.constant 0 : i32
    %scan3A_37 = arith.constant 79 : i32
    %scan3A_38 = arith.addi %scan3A_36, %scan3A_37 : i32
    %scan3A_39 = arith.constant 1 : i32
    %scan3A_40 = scf.for %scan3A_73 = %scan3A_36 to %scan3A_38 step %scan3A_39 iter_args(%scan3A_74 = %scan3A_35) -> (i32)  : i32 {
      %mul3A_75 = arith.constant 79 : i32
      %mul3A_76 = arith.muli %add3A, %mul3A_75 : i32
      %add3A_77 = arith.addi %mul3A_76, %scan3A_73 : i32
      %mul3A_78 = arith.constant 128 : i32
      %mul3A_79 = arith.muli %add3A_77, %mul3A_78 : i32
      "tpu.region"() ({
        %run_scoped3A_199 = tpu.sem_alloc : memref<!tpu.dma_semaphore, #tpu.memory_space<semaphore_mem>>
        %dma_start3A_200 = tpu.memref_slice %arg3[%mul3A_79] : memref<323584xi32, #tpu.memory_space<hbm>> -> memref<128xi32, #tpu.memory_space<hbm>>
        %dma_start3A_201 = tpu.memref_slice %arg3[%mul3A_79] : memref<323584xi32, #tpu.memory_space<hbm>> -> memref<128xi32, #tpu.memory_space<hbm>>
        tpu.enqueue_dma source(%dma_start3A_201 : memref<128xi32, #tpu.memory_space<hbm>>) target(%arg8 : memref<128xi32, #tpu.memory_space<vmem>>) target_semaphore(%run_scoped3A_199 : memref<!tpu.dma_semaphore, #tpu.memory_space<semaphore_mem>>)
        %dma_wait3A_202 = tpu.memref_slice %arg3[%mul3A_79] : memref<323584xi32, #tpu.memory_space<hbm>> -> memref<128xi32, #tpu.memory_space<hbm>>
        %dma_wait3A_203 = tpu.memref_slice %arg3[%mul3A_79] : memref<323584xi32, #tpu.memory_space<hbm>> -> memref<128xi32, #tpu.memory_space<hbm>>
        tpu.wait_dma2 semaphore(%run_scoped3A_199 : memref<!tpu.dma_semaphore, #tpu.memory_space<semaphore_mem>>) src(%dma_wait3A_203 : memref<128xi32, #tpu.memory_space<hbm>>) dst(%arg8 : memref<128xi32, #tpu.memory_space<vmem>>)
        tpu.yield
      }) : () -> ()
      "tpu.region"() ({
        %run_scoped3A_199 = tpu.sem_alloc : memref<!tpu.dma_semaphore, #tpu.memory_space<semaphore_mem>>
        %dma_start3A_200 = tpu.memref_slice %arg4[%mul3A_79] : memref<323584xi32, #tpu.memory_space<hbm>> -> memref<128xi32, #tpu.memory_space<hbm>>
        %dma_start3A_201 = tpu.memref_slice %arg4[%mul3A_79] : memref<323584xi32, #tpu.memory_space<hbm>> -> memref<128xi32, #tpu.memory_space<hbm>>
        tpu.enqueue_dma source(%dma_start3A_201 : memref<128xi32, #tpu.memory_space<hbm>>) target(%arg9 : memref<128xi32, #tpu.memory_space<vmem>>) target_semaphore(%run_scoped3A_199 : memref<!tpu.dma_semaphore, #tpu.memory_space<semaphore_mem>>)
        %dma_wait3A_202 = tpu.memref_slice %arg4[%mul3A_79] : memref<323584xi32, #tpu.memory_space<hbm>> -> memref<128xi32, #tpu.memory_space<hbm>>
        %dma_wait3A_203 = tpu.memref_slice %arg4[%mul3A_79] : memref<323584xi32, #tpu.memory_space<hbm>> -> memref<128xi32, #tpu.memory_space<hbm>>
        tpu.wait_dma2 semaphore(%run_scoped3A_199 : memref<!tpu.dma_semaphore, #tpu.memory_space<semaphore_mem>>) src(%dma_wait3A_203 : memref<128xi32, #tpu.memory_space<hbm>>) dst(%arg9 : memref<128xi32, #tpu.memory_space<vmem>>)
        tpu.yield
      }) : () -> ()
      %get3A = arith.constant 0 : index
      %get3A_80 = tpu.vector_load %arg8[%get3A] {strides = array<i32>} : memref<128xi32, #tpu.memory_space<vmem>>, vector<16xi32>,
      %get3A_81 = arith.constant 0 : index
      %get3A_82 = tpu.vector_load %arg9[%get3A_81] {strides = array<i32>} : memref<128xi32, #tpu.memory_space<vmem>>, vector<16xi32>,
      %gather3A = tpu.vector_load_idx %arg12[%get3A_80] : memref<10240xf32, #tpu.memory_space<vmem>>[vector<16xi32>], vector<16xf32>,
      %gather3A_83 = tpu.vector_load_idx %arg12[%get3A_82] : memref<10240xf32, #tpu.memory_space<vmem>>[vector<16xi32>], vector<16xf32>,
      %mul3A_84 = arith.mulf %gather3A, %gather3A_83 : vector<16xf32>
      %gt3A = arith.constant 5.000000e-01 : f32
      %gt3A_85 = vector.broadcast %gt3A : f32 to vector<16xf32>
      %gt3A_86 = arith.cmpf ogt, %mul3A_84, %gt3A_85 : vector<16xf32>
      %jit3A = arith.constant 10000 : i32
      %broadcast_in_dim3A_87 = vector.broadcast %jit3A : i32 to vector<16xi32>
      %select_n3A = arith.select %gt3A_86, %get3A_82, %broadcast_in_dim3A_87 : vector<16xi1>, vector<16xi32>
      %swap3A = arith.constant 0 : index
      %swap3A_88 = tpu.vector_load %arg10[%swap3A] {strides = array<i32>} : memref<128xi32, #tpu.memory_space<vmem>>, vector<16xi32>,
      tpu.vector_store %arg10[%swap3A], %select_n3A {strides = array<i32>} : memref<128xi32, #tpu.memory_space<vmem>>, vector<16xi32>,
      tpu.vector_store_idx %arg13[%select_n3A], %broadcast_in_dim3A_1 {add = true} : memref<10240xf32, #tpu.memory_space<vmem>>[vector<16xi32>], vector<16xf32>,
      %get3A_89 = arith.constant 16 : index
      %get3A_90 = tpu.vector_load %arg8[%get3A_89] {strides = array<i32>} : memref<128xi32, #tpu.memory_space<vmem>>, vector<16xi32>,
      %get3A_91 = arith.constant 16 : index
      %get3A_92 = tpu.vector_load %arg9[%get3A_91] {strides = array<i32>} : memref<128xi32, #tpu.memory_space<vmem>>, vector<16xi32>,
      %gather3A_93 = tpu.vector_load_idx %arg12[%get3A_90] : memref<10240xf32, #tpu.memory_space<vmem>>[vector<16xi32>], vector<16xf32>,
      %gather3A_94 = tpu.vector_load_idx %arg12[%get3A_92] : memref<10240xf32, #tpu.memory_space<vmem>>[vector<16xi32>], vector<16xf32>,
      %mul3A_95 = arith.mulf %gather3A_93, %gather3A_94 : vector<16xf32>
      %gt3A_96 = arith.constant 5.000000e-01 : f32
      %gt3A_97 = vector.broadcast %gt3A_96 : f32 to vector<16xf32>
      %gt3A_98 = arith.cmpf ogt, %mul3A_95, %gt3A_97 : vector<16xf32>
      %jit3A_99 = arith.constant 10000 : i32
      %broadcast_in_dim3A_100 = vector.broadcast %jit3A_99 : i32 to vector<16xi32>
      %select_n3A_101 = arith.select %gt3A_98, %get3A_92, %broadcast_in_dim3A_100 : vector<16xi1>, vector<16xi32>
      %swap3A_102 = arith.constant 16 : index
      %swap3A_103 = tpu.vector_load %arg10[%swap3A_102] {strides = array<i32>} : memref<128xi32, #tpu.memory_space<vmem>>, vector<16xi32>,
      tpu.vector_store %arg10[%swap3A_102], %select_n3A_101 {strides = array<i32>} : memref<128xi32, #tpu.memory_space<vmem>>, vector<16xi32>,
      tpu.vector_store_idx %arg13[%select_n3A_101], %broadcast_in_dim3A_1 {add = true} : memref<10240xf32, #tpu.memory_space<vmem>>[vector<16xi32>], vector<16xf32>,
      %get3A_104 = arith.constant 32 : index
      %get3A_105 = tpu.vector_load %arg8[%get3A_104] {strides = array<i32>} : memref<128xi32, #tpu.memory_space<vmem>>, vector<16xi32>,
      %get3A_106 = arith.constant 32 : index
      %get3A_107 = tpu.vector_load %arg9[%get3A_106] {strides = array<i32>} : memref<128xi32, #tpu.memory_space<vmem>>, vector<16xi32>,
      %gather3A_108 = tpu.vector_load_idx %arg12[%get3A_105] : memref<10240xf32, #tpu.memory_space<vmem>>[vector<16xi32>], vector<16xf32>,
      %gather3A_109 = tpu.vector_load_idx %arg12[%get3A_107] : memref<10240xf32, #tpu.memory_space<vmem>>[vector<16xi32>], vector<16xf32>,
      %mul3A_110 = arith.mulf %gather3A_108, %gather3A_109 : vector<16xf32>
      %gt3A_111 = arith.constant 5.000000e-01 : f32
      %gt3A_112 = vector.broadcast %gt3A_111 : f32 to vector<16xf32>
      %gt3A_113 = arith.cmpf ogt, %mul3A_110, %gt3A_112 : vector<16xf32>
      %jit3A_114 = arith.constant 10000 : i32
      %broadcast_in_dim3A_115 = vector.broadcast %jit3A_114 : i32 to vector<16xi32>
      %select_n3A_116 = arith.select %gt3A_113, %get3A_107, %broadcast_in_dim3A_115 : vector<16xi1>, vector<16xi32>
      %swap3A_117 = arith.constant 32 : index
      %swap3A_118 = tpu.vector_load %arg10[%swap3A_117] {strides = array<i32>} : memref<128xi32, #tpu.memory_space<vmem>>, vector<16xi32>,
      tpu.vector_store %arg10[%swap3A_117], %select_n3A_116 {strides = array<i32>} : memref<128xi32, #tpu.memory_space<vmem>>, vector<16xi32>,
      tpu.vector_store_idx %arg13[%select_n3A_116], %broadcast_in_dim3A_1 {add = true} : memref<10240xf32, #tpu.memory_space<vmem>>[vector<16xi32>], vector<16xf32>,
      %get3A_119 = arith.constant 48 : index
      %get3A_120 = tpu.vector_load %arg8[%get3A_119] {strides = array<i32>} : memref<128xi32, #tpu.memory_space<vmem>>, vector<16xi32>,
      %get3A_121 = arith.constant 48 : index
      %get3A_122 = tpu.vector_load %arg9[%get3A_121] {strides = array<i32>} : memref<128xi32, #tpu.memory_space<vmem>>, vector<16xi32>,
      %gather3A_123 = tpu.vector_load_idx %arg12[%get3A_120] : memref<10240xf32, #tpu.memory_space<vmem>>[vector<16xi32>], vector<16xf32>,
      %gather3A_124 = tpu.vector_load_idx %arg12[%get3A_122] : memref<10240xf32, #tpu.memory_space<vmem>>[vector<16xi32>], vector<16xf32>,
      %mul3A_125 = arith.mulf %gather3A_123, %gather3A_124 : vector<16xf32>
      %gt3A_126 = arith.constant 5.000000e-01 : f32
      %gt3A_127 = vector.broadcast %gt3A_126 : f32 to vector<16xf32>
      %gt3A_128 = arith.cmpf ogt, %mul3A_125, %gt3A_127 : vector<16xf32>
      %jit3A_129 = arith.constant 10000 : i32
      %broadcast_in_dim3A_130 = vector.broadcast %jit3A_129 : i32 to vector<16xi32>
      %select_n3A_131 = arith.select %gt3A_128, %get3A_122, %broadcast_in_dim3A_130 : vector<16xi1>, vector<16xi32>
      %swap3A_132 = arith.constant 48 : index
      %swap3A_133 = tpu.vector_load %arg10[%swap3A_132] {strides = array<i32>} : memref<128xi32, #tpu.memory_space<vmem>>, vector<16xi32>,
      tpu.vector_store %arg10[%swap3A_132], %select_n3A_131 {strides = array<i32>} : memref<128xi32, #tpu.memory_space<vmem>>, vector<16xi32>,
      tpu.vector_store_idx %arg13[%select_n3A_131], %broadcast_in_dim3A_1 {add = true} : memref<10240xf32, #tpu.memory_space<vmem>>[vector<16xi32>], vector<16xf32>,
      %get3A_134 = arith.constant 64 : index
      %get3A_135 = tpu.vector_load %arg8[%get3A_134] {strides = array<i32>} : memref<128xi32, #tpu.memory_space<vmem>>, vector<16xi32>,
      %get3A_136 = arith.constant 64 : index
      %get3A_137 = tpu.vector_load %arg9[%get3A_136] {strides = array<i32>} : memref<128xi32, #tpu.memory_space<vmem>>, vector<16xi32>,
      %gather3A_138 = tpu.vector_load_idx %arg12[%get3A_135] : memref<10240xf32, #tpu.memory_space<vmem>>[vector<16xi32>], vector<16xf32>,
      %gather3A_139 = tpu.vector_load_idx %arg12[%get3A_137] : memref<10240xf32, #tpu.memory_space<vmem>>[vector<16xi32>], vector<16xf32>,
      %mul3A_140 = arith.mulf %gather3A_138, %gather3A_139 : vector<16xf32>
      %gt3A_141 = arith.constant 5.000000e-01 : f32
      %gt3A_142 = vector.broadcast %gt3A_141 : f32 to vector<16xf32>
      %gt3A_143 = arith.cmpf ogt, %mul3A_140, %gt3A_142 : vector<16xf32>
      %jit3A_144 = arith.constant 10000 : i32
      %broadcast_in_dim3A_145 = vector.broadcast %jit3A_144 : i32 to vector<16xi32>
      %select_n3A_146 = arith.select %gt3A_143, %get3A_137, %broadcast_in_dim3A_145 : vector<16xi1>, vector<16xi32>
      %swap3A_147 = arith.constant 64 : index
      %swap3A_148 = tpu.vector_load %arg10[%swap3A_147] {strides = array<i32>} : memref<128xi32, #tpu.memory_space<vmem>>, vector<16xi32>,
      tpu.vector_store %arg10[%swap3A_147], %select_n3A_146 {strides = array<i32>} : memref<128xi32, #tpu.memory_space<vmem>>, vector<16xi32>,
      tpu.vector_store_idx %arg13[%select_n3A_146], %broadcast_in_dim3A_1 {add = true} : memref<10240xf32, #tpu.memory_space<vmem>>[vector<16xi32>], vector<16xf32>,
      %get3A_149 = arith.constant 80 : index
      %get3A_150 = tpu.vector_load %arg8[%get3A_149] {strides = array<i32>} : memref<128xi32, #tpu.memory_space<vmem>>, vector<16xi32>,
      %get3A_151 = arith.constant 80 : index
      %get3A_152 = tpu.vector_load %arg9[%get3A_151] {strides = array<i32>} : memref<128xi32, #tpu.memory_space<vmem>>, vector<16xi32>,
      %gather3A_153 = tpu.vector_load_idx %arg12[%get3A_150] : memref<10240xf32, #tpu.memory_space<vmem>>[vector<16xi32>], vector<16xf32>,
      %gather3A_154 = tpu.vector_load_idx %arg12[%get3A_152] : memref<10240xf32, #tpu.memory_space<vmem>>[vector<16xi32>], vector<16xf32>,
      %mul3A_155 = arith.mulf %gather3A_153, %gather3A_154 : vector<16xf32>
      %gt3A_156 = arith.constant 5.000000e-01 : f32
      %gt3A_157 = vector.broadcast %gt3A_156 : f32 to vector<16xf32>
      %gt3A_158 = arith.cmpf ogt, %mul3A_155, %gt3A_157 : vector<16xf32>
      %jit3A_159 = arith.constant 10000 : i32
      %broadcast_in_dim3A_160 = vector.broadcast %jit3A_159 : i32 to vector<16xi32>
      %select_n3A_161 = arith.select %gt3A_158, %get3A_152, %broadcast_in_dim3A_160 : vector<16xi1>, vector<16xi32>
      %swap3A_162 = arith.constant 80 : index
      %swap3A_163 = tpu.vector_load %arg10[%swap3A_162] {strides = array<i32>} : memref<128xi32, #tpu.memory_space<vmem>>, vector<16xi32>,
      tpu.vector_store %arg10[%swap3A_162], %select_n3A_161 {strides = array<i32>} : memref<128xi32, #tpu.memory_space<vmem>>, vector<16xi32>,
      tpu.vector_store_idx %arg13[%select_n3A_161], %broadcast_in_dim3A_1 {add = true} : memref<10240xf32, #tpu.memory_space<vmem>>[vector<16xi32>], vector<16xf32>,
      %get3A_164 = arith.constant 96 : index
      %get3A_165 = tpu.vector_load %arg8[%get3A_164] {strides = array<i32>} : memref<128xi32, #tpu.memory_space<vmem>>, vector<16xi32>,
      %get3A_166 = arith.constant 96 : index
      %get3A_167 = tpu.vector_load %arg9[%get3A_166] {strides = array<i32>} : memref<128xi32, #tpu.memory_space<vmem>>, vector<16xi32>,
      %gather3A_168 = tpu.vector_load_idx %arg12[%get3A_165] : memref<10240xf32, #tpu.memory_space<vmem>>[vector<16xi32>], vector<16xf32>,
      %gather3A_169 = tpu.vector_load_idx %arg12[%get3A_167] : memref<10240xf32, #tpu.memory_space<vmem>>[vector<16xi32>], vector<16xf32>,
      %mul3A_170 = arith.mulf %gather3A_168, %gather3A_169 : vector<16xf32>
      %gt3A_171 = arith.constant 5.000000e-01 : f32
      %gt3A_172 = vector.broadcast %gt3A_171 : f32 to vector<16xf32>
      %gt3A_173 = arith.cmpf ogt, %mul3A_170, %gt3A_172 : vector<16xf32>
      %jit3A_174 = arith.constant 10000 : i32
      %broadcast_in_dim3A_175 = vector.broadcast %jit3A_174 : i32 to vector<16xi32>
      %select_n3A_176 = arith.select %gt3A_173, %get3A_167, %broadcast_in_dim3A_175 : vector<16xi1>, vector<16xi32>
      %swap3A_177 = arith.constant 96 : index
      %swap3A_178 = tpu.vector_load %arg10[%swap3A_177] {strides = array<i32>} : memref<128xi32, #tpu.memory_space<vmem>>, vector<16xi32>,
      tpu.vector_store %arg10[%swap3A_177], %select_n3A_176 {strides = array<i32>} : memref<128xi32, #tpu.memory_space<vmem>>, vector<16xi32>,
      tpu.vector_store_idx %arg13[%select_n3A_176], %broadcast_in_dim3A_1 {add = true} : memref<10240xf32, #tpu.memory_space<vmem>>[vector<16xi32>], vector<16xf32>,
      %get3A_179 = arith.constant 112 : index
      %get3A_180 = tpu.vector_load %arg8[%get3A_179] {strides = array<i32>} : memref<128xi32, #tpu.memory_space<vmem>>, vector<16xi32>,
      %get3A_181 = arith.constant 112 : index
      %get3A_182 = tpu.vector_load %arg9[%get3A_181] {strides = array<i32>} : memref<128xi32, #tpu.memory_space<vmem>>, vector<16xi32>,
      %gather3A_183 = tpu.vector_load_idx %arg12[%get3A_180] : memref<10240xf32, #tpu.memory_space<vmem>>[vector<16xi32>], vector<16xf32>,
      %gather3A_184 = tpu.vector_load_idx %arg12[%get3A_182] : memref<10240xf32, #tpu.memory_space<vmem>>[vector<16xi32>], vector<16xf32>,
      %mul3A_185 = arith.mulf %gather3A_183, %gather3A_184 : vector<16xf32>
      %gt3A_186 = arith.constant 5.000000e-01 : f32
      %gt3A_187 = vector.broadcast %gt3A_186 : f32 to vector<16xf32>
      %gt3A_188 = arith.cmpf ogt, %mul3A_185, %gt3A_187 : vector<16xf32>
      %jit3A_189 = arith.constant 10000 : i32
      %broadcast_in_dim3A_190 = vector.broadcast %jit3A_189 : i32 to vector<16xi32>
      %select_n3A_191 = arith.select %gt3A_188, %get3A_182, %broadcast_in_dim3A_190 : vector<16xi1>, vector<16xi32>
      %swap3A_192 = arith.constant 112 : index
      %swap3A_193 = tpu.vector_load %arg10[%swap3A_192] {strides = array<i32>} : memref<128xi32, #tpu.memory_space<vmem>>, vector<16xi32>,
      tpu.vector_store %arg10[%swap3A_192], %select_n3A_191 {strides = array<i32>} : memref<128xi32, #tpu.memory_space<vmem>>, vector<16xi32>,
      tpu.vector_store_idx %arg13[%select_n3A_191], %broadcast_in_dim3A_1 {add = true} : memref<10240xf32, #tpu.memory_space<vmem>>[vector<16xi32>], vector<16xf32>,
      %dma_start3A = arith.constant 0 : i32
      %dma_start3A_194 = arith.constant 0 : i32
      %dma_start3A_195 = tpu.memref_slice %arg2[%dma_start3A, %dma_start3A_194] : memref<10240x128xf32, #tpu.memory_space<hbm>> -> memref<10240x128xf32, #tpu.memory_space<hbm>>
      tpu.enqueue_indirect_dma source(%dma_start3A_195 : memref<10240x128xf32, #tpu.memory_space<hbm>>) target(%arg11 : memref<128x128xf32, #tpu.memory_space<vmem>>) offsets(%arg8 : memref<128xi32, #tpu.memory_space<vmem>>) semaphore(%arg18 : memref<!tpu.dma_semaphore, #tpu.memory_space<semaphore_mem>>)
      %dma_wait3A = arith.constant 0 : i32
      %dma_wait3A_196 = arith.constant 0 : i32
      %dma_wait3A_197 = tpu.memref_slice %arg2[%dma_wait3A, %dma_wait3A_196] : memref<10240x128xf32, #tpu.memory_space<hbm>> -> memref<10240x128xf32, #tpu.memory_space<hbm>>
      tpu.wait_indirect_dma semaphore(%arg18 : memref<!tpu.dma_semaphore, #tpu.memory_space<semaphore_mem>>) src(%dma_wait3A_197 : memref<10240x128xf32, #tpu.memory_space<hbm>>) dst(%arg11 : memref<128x128xf32, #tpu.memory_space<vmem>>)
      "tpu.region"() ({
        %run_scoped3A_199 = tpu.sem_alloc : memref<!tpu.dma_semaphore, #tpu.memory_space<semaphore_mem>>
        %dma_start3A_200 = arith.constant 0 : i32
        %dma_start3A_201 = arith.constant 0 : i32
        %dma_start3A_202 = tpu.memref_slice %arg16[%dma_start3A_200, %dma_start3A_201] : memref<10240x128xf32, #tpu.memory_space<vmem_shared>> -> memref<10240x128xf32, #tpu.memory_space<vmem_shared>>
        tpu.enqueue_indirect_dma source(%arg11 : memref<128x128xf32, #tpu.memory_space<vmem>>) target(%dma_start3A_202 : memref<10240x128xf32, #tpu.memory_space<vmem_shared>>) offsets(%arg10 : memref<128xi32, #tpu.memory_space<vmem>>) semaphore(%run_scoped3A_199 : memref<!tpu.dma_semaphore, #tpu.memory_space<semaphore_mem>>) {add = true}
        %dma_wait3A_203 = arith.constant 0 : i32
        %dma_wait3A_204 = arith.constant 0 : i32
        %dma_wait3A_205 = tpu.memref_slice %arg16[%dma_wait3A_203, %dma_wait3A_204] : memref<10240x128xf32, #tpu.memory_space<vmem_shared>> -> memref<10240x128xf32, #tpu.memory_space<vmem_shared>>
        tpu.wait_indirect_dma semaphore(%run_scoped3A_199 : memref<!tpu.dma_semaphore, #tpu.memory_space<semaphore_mem>>) src(%arg11 : memref<128x128xf32, #tpu.memory_space<vmem>>) dst(%dma_wait3A_205 : memref<10240x128xf32, #tpu.memory_space<vmem_shared>>)
        tpu.yield
      }) : () -> ()
      %scan3A_198 = arith.constant 0 : i32
      scf.yield %scan3A_198 : i32
    }
    %scan3A_41 = arith.constant 79 : i32
    %barrier3A_42 = arith.constant 0 : index
    tpu.barrier barrier_id(%barrier3A_42)
    "tpu.region"() ({
      %run_scoped3A_73 = tpu.sem_alloc : memref<!tpu.dma_semaphore, #tpu.memory_space<semaphore_mem>>
      %dma_start3A = arith.constant 0 : i32
      %dma_start3A_74 = tpu.memref_slice %arg17[%arg1, %dma_start3A] : memref<16x10240xf32, #tpu.memory_space<vmem_shared>> -> memref<1x10240xf32, #tpu.memory_space<vmem_shared>>
      %dma_start3A_75 = tpu.memref_squeeze %dma_start3A_74 : memref<1x10240xf32, #tpu.memory_space<vmem_shared>> -> memref<10240xf32, #tpu.memory_space<vmem_shared>>
      %dma_start3A_76 = arith.constant 0 : i32
      %dma_start3A_77 = tpu.memref_slice %arg17[%arg1, %dma_start3A_76] : memref<16x10240xf32, #tpu.memory_space<vmem_shared>> -> memref<1x10240xf32, #tpu.memory_space<vmem_shared>>
      %dma_start3A_78 = tpu.memref_squeeze %dma_start3A_77 : memref<1x10240xf32, #tpu.memory_space<vmem_shared>> -> memref<10240xf32, #tpu.memory_space<vmem_shared>>
      tpu.enqueue_dma source(%arg13 : memref<10240xf32, #tpu.memory_space<vmem>>) target(%dma_start3A_78 : memref<10240xf32, #tpu.memory_space<vmem_shared>>) target_semaphore(%run_scoped3A_73 : memref<!tpu.dma_semaphore, #tpu.memory_space<semaphore_mem>>)
      %dma_wait3A = arith.constant 0 : i32
      %dma_wait3A_79 = tpu.memref_slice %arg17[%arg1, %dma_wait3A] : memref<16x10240xf32, #tpu.memory_space<vmem_shared>> -> memref<1x10240xf32, #tpu.memory_space<vmem_shared>>
      %dma_wait3A_80 = tpu.memref_squeeze %dma_wait3A_79 : memref<1x10240xf32, #tpu.memory_space<vmem_shared>> -> memref<10240xf32, #tpu.memory_space<vmem_shared>>
      %dma_wait3A_81 = arith.constant 0 : i32
      %dma_wait3A_82 = tpu.memref_slice %arg17[%arg1, %dma_wait3A_81] : memref<16x10240xf32, #tpu.memory_space<vmem_shared>> -> memref<1x10240xf32, #tpu.memory_space<vmem_shared>>
      %dma_wait3A_83 = tpu.memref_squeeze %dma_wait3A_82 : memref<1x10240xf32, #tpu.memory_space<vmem_shared>> -> memref<10240xf32, #tpu.memory_space<vmem_shared>>
      tpu.wait_dma2 semaphore(%run_scoped3A_73 : memref<!tpu.dma_semaphore, #tpu.memory_space<semaphore_mem>>) src(%arg13 : memref<10240xf32, #tpu.memory_space<vmem>>) dst(%dma_wait3A_83 : memref<10240xf32, #tpu.memory_space<vmem_shared>>)
      tpu.yield
    }) : () -> ()
    %barrier3A_43 = arith.constant 0 : index
    tpu.barrier barrier_id(%barrier3A_43)
    %mul3A_44 = arith.constant 640 : i32
    %mul3A_45 = arith.muli %arg1, %mul3A_44 : i32
    %run_scoped3A = arith.constant 0 : i32
    "tpu.region"() ({
      %run_scoped3A_73 = tpu.sem_alloc : memref<!tpu.dma_semaphore, #tpu.memory_space<semaphore_mem>>
      %dma_start3A = tpu.memref_slice %arg17[%run_scoped3A, %mul3A_45] : memref<16x10240xf32, #tpu.memory_space<vmem_shared>> -> memref<1x640xf32, #tpu.memory_space<vmem_shared>>
      %dma_start3A_74 = tpu.memref_squeeze %dma_start3A : memref<1x640xf32, #tpu.memory_space<vmem_shared>> -> memref<640xf32, #tpu.memory_space<vmem_shared>>
      %dma_start3A_75 = tpu.memref_slice %arg17[%run_scoped3A, %mul3A_45] : memref<16x10240xf32, #tpu.memory_space<vmem_shared>> -> memref<1x640xf32, #tpu.memory_space<vmem_shared>>
      %dma_start3A_76 = tpu.memref_squeeze %dma_start3A_75 : memref<1x640xf32, #tpu.memory_space<vmem_shared>> -> memref<640xf32, #tpu.memory_space<vmem_shared>>
      tpu.enqueue_dma source(%dma_start3A_76 : memref<640xf32, #tpu.memory_space<vmem_shared>>) target(%arg14 : memref<640xf32, #tpu.memory_space<vmem>>) target_semaphore(%run_scoped3A_73 : memref<!tpu.dma_semaphore, #tpu.memory_space<semaphore_mem>>)
      %dma_wait3A = tpu.memref_slice %arg17[%run_scoped3A, %mul3A_45] : memref<16x10240xf32, #tpu.memory_space<vmem_shared>> -> memref<1x640xf32, #tpu.memory_space<vmem_shared>>
      %dma_wait3A_77 = tpu.memref_squeeze %dma_wait3A : memref<1x640xf32, #tpu.memory_space<vmem_shared>> -> memref<640xf32, #tpu.memory_space<vmem_shared>>
      %dma_wait3A_78 = tpu.memref_slice %arg17[%run_scoped3A, %mul3A_45] : memref<16x10240xf32, #tpu.memory_space<vmem_shared>> -> memref<1x640xf32, #tpu.memory_space<vmem_shared>>
      %dma_wait3A_79 = tpu.memref_squeeze %dma_wait3A_78 : memref<1x640xf32, #tpu.memory_space<vmem_shared>> -> memref<640xf32, #tpu.memory_space<vmem_shared>>
      tpu.wait_dma2 semaphore(%run_scoped3A_73 : memref<!tpu.dma_semaphore, #tpu.memory_space<semaphore_mem>>) src(%dma_wait3A_79 : memref<640xf32, #tpu.memory_space<vmem_shared>>) dst(%arg14 : memref<640xf32, #tpu.memory_space<vmem>>)
      tpu.yield
    }) : () -> ()
    %scan3A_46 = arith.constant 0 : i32
    %scan3A_47 = arith.constant 1 : i32
    %scan3A_48 = arith.constant 15 : i32
    %scan3A_49 = arith.addi %scan3A_47, %scan3A_48 : i32
    %scan3A_50 = arith.constant 1 : i32
    %scan3A_51 = scf.for %scan3A_73 = %scan3A_47 to %scan3A_49 step %scan3A_50 iter_args(%scan3A_74 = %scan3A_46) -> (i32)  : i32 {
      "tpu.region"() ({
        %run_scoped3A_83 = tpu.sem_alloc : memref<!tpu.dma_semaphore, #tpu.memory_space<semaphore_mem>>
        %dma_start3A = tpu.memref_slice %arg17[%scan3A_73, %mul3A_45] : memref<16x10240xf32, #tpu.memory_space<vmem_shared>> -> memref<1x640xf32, #tpu.memory_space<vmem_shared>>
        %dma_start3A_84 = tpu.memref_squeeze %dma_start3A : memref<1x640xf32, #tpu.memory_space<vmem_shared>> -> memref<640xf32, #tpu.memory_space<vmem_shared>>
        %dma_start3A_85 = tpu.memref_slice %arg17[%scan3A_73, %mul3A_45] : memref<16x10240xf32, #tpu.memory_space<vmem_shared>> -> memref<1x640xf32, #tpu.memory_space<vmem_shared>>
        %dma_start3A_86 = tpu.memref_squeeze %dma_start3A_85 : memref<1x640xf32, #tpu.memory_space<vmem_shared>> -> memref<640xf32, #tpu.memory_space<vmem_shared>>
        tpu.enqueue_dma source(%dma_start3A_86 : memref<640xf32, #tpu.memory_space<vmem_shared>>) target(%arg15 : memref<640xf32, #tpu.memory_space<vmem>>) target_semaphore(%run_scoped3A_83 : memref<!tpu.dma_semaphore, #tpu.memory_space<semaphore_mem>>)
        %dma_wait3A = tpu.memref_slice %arg17[%scan3A_73, %mul3A_45] : memref<16x10240xf32, #tpu.memory_space<vmem_shared>> -> memref<1x640xf32, #tpu.memory_space<vmem_shared>>
        %dma_wait3A_87 = tpu.memref_squeeze %dma_wait3A : memref<1x640xf32, #tpu.memory_space<vmem_shared>> -> memref<640xf32, #tpu.memory_space<vmem_shared>>
        %dma_wait3A_88 = tpu.memref_slice %arg17[%scan3A_73, %mul3A_45] : memref<16x10240xf32, #tpu.memory_space<vmem_shared>> -> memref<1x640xf32, #tpu.memory_space<vmem_shared>>
        %dma_wait3A_89 = tpu.memref_squeeze %dma_wait3A_88 : memref<1x640xf32, #tpu.memory_space<vmem_shared>> -> memref<640xf32, #tpu.memory_space<vmem_shared>>
        tpu.wait_dma2 semaphore(%run_scoped3A_83 : memref<!tpu.dma_semaphore, #tpu.memory_space<semaphore_mem>>) src(%dma_wait3A_89 : memref<640xf32, #tpu.memory_space<vmem_shared>>) dst(%arg15 : memref<640xf32, #tpu.memory_space<vmem>>)
        tpu.yield
      }) : () -> ()
      %scan3A_75 = arith.constant 0 : i32
      %scan3A_76 = arith.constant 0 : i32
      %scan3A_77 = arith.constant 40 : i32
      %scan3A_78 = arith.addi %scan3A_76, %scan3A_77 : i32
      %scan3A_79 = arith.constant 1 : i32
      %scan3A_80 = scf.for %scan3A_83 = %scan3A_76 to %scan3A_78 step %scan3A_79 iter_args(%scan3A_84 = %scan3A_75) -> (i32)  : i32 {
        %mul3A_85 = arith.constant 16 : i32
        %mul3A_86 = arith.muli %scan3A_83, %mul3A_85 : i32
        %get3A = arith.index_cast %mul3A_86 : i32 to index
        %get3A_87 = tpu.vector_load %arg14[%get3A] {strides = array<i32>} : memref<640xf32, #tpu.memory_space<vmem>>, vector<16xf32>,
        %get3A_88 = arith.index_cast %mul3A_86 : i32 to index
        %get3A_89 = tpu.vector_load %arg15[%get3A_88] {strides = array<i32>} : memref<640xf32, #tpu.memory_space<vmem>>, vector<16xf32>,
        %add3A_90 = arith.addf %get3A_87, %get3A_89 : vector<16xf32>
        %swap3A = arith.index_cast %mul3A_86 : i32 to index
        %swap3A_91 = tpu.vector_load %arg14[%swap3A] {strides = array<i32>} : memref<640xf32, #tpu.memory_space<vmem>>, vector<16xf32>,
        tpu.vector_store %arg14[%swap3A], %add3A_90 {strides = array<i32>} : memref<640xf32, #tpu.memory_space<vmem>>, vector<16xf32>,
        %scan3A_92 = arith.constant 0 : i32
        scf.yield %scan3A_92 : i32
      }
      %scan3A_81 = arith.constant 40 : i32
      %scan3A_82 = arith.constant 0 : i32
      scf.yield %scan3A_82 : i32
    }
    %scan3A_52 = arith.constant 15 : i32
    "tpu.region"() ({
      %run_scoped3A_73 = tpu.sem_alloc : memref<!tpu.dma_semaphore, #tpu.memory_space<semaphore_mem>>
      %dma_start3A = tpu.memref_slice %arg7[%arg0, %mul3A_45] : memref<2x10240xf32, #tpu.memory_space<hbm>> -> memref<1x640xf32, #tpu.memory_space<hbm>>
      %dma_start3A_74 = tpu.memref_squeeze %dma_start3A : memref<1x640xf32, #tpu.memory_space<hbm>> -> memref<640xf32, #tpu.memory_space<hbm>>
      %dma_start3A_75 = tpu.memref_slice %arg7[%arg0, %mul3A_45] : memref<2x10240xf32, #tpu.memory_space<hbm>> -> memref<1x640xf32, #tpu.memory_space<hbm>>
      %dma_start3A_76 = tpu.memref_squeeze %dma_start3A_75 : memref<1x640xf32, #tpu.memory_space<hbm>> -> memref<640xf32, #tpu.memory_space<hbm>>
      tpu.enqueue_dma source(%arg14 : memref<640xf32, #tpu.memory_space<vmem>>) target(%dma_start3A_76 : memref<640xf32, #tpu.memory_space<hbm>>) target_semaphore(%run_scoped3A_73 : memref<!tpu.dma_semaphore, #tpu.memory_space<semaphore_mem>>)
      %dma_wait3A = tpu.memref_slice %arg7[%arg0, %mul3A_45] : memref<2x10240xf32, #tpu.memory_space<hbm>> -> memref<1x640xf32, #tpu.memory_space<hbm>>
      %dma_wait3A_77 = tpu.memref_squeeze %dma_wait3A : memref<1x640xf32, #tpu.memory_space<hbm>> -> memref<640xf32, #tpu.memory_space<hbm>>
      %dma_wait3A_78 = tpu.memref_slice %arg7[%arg0, %mul3A_45] : memref<2x10240xf32, #tpu.memory_space<hbm>> -> memref<1x640xf32, #tpu.memory_space<hbm>>
      %dma_wait3A_79 = tpu.memref_squeeze %dma_wait3A_78 : memref<1x640xf32, #tpu.memory_space<hbm>> -> memref<640xf32, #tpu.memory_space<hbm>>
      tpu.wait_dma2 semaphore(%run_scoped3A_73 : memref<!tpu.dma_semaphore, #tpu.memory_space<semaphore_mem>>) src(%arg14 : memref<640xf32, #tpu.memory_space<vmem>>) dst(%dma_wait3A_79 : memref<640xf32, #tpu.memory_space<hbm>>)
      tpu.yield
    }) : () -> ()
    %mul3A_53 = arith.constant 640 : i32
    %mul3A_54 = arith.muli %arg1, %mul3A_53 : i32
    %add3A_55 = arith.constant 0 : i32
    %add3A_56 = arith.addi %mul3A_54, %add3A_55 : i32
    "tpu.region"() ({
      %run_scoped3A_73 = tpu.sem_alloc : memref<!tpu.dma_semaphore, #tpu.memory_space<semaphore_mem>>
      %dma_start3A = arith.constant 0 : i32
      %dma_start3A_74 = tpu.memref_slice %arg6[%arg0, %add3A_56, %dma_start3A] : memref<2x10240x128xf32, #tpu.memory_space<hbm>> -> memref<1x128x128xf32, #tpu.memory_space<hbm>>
      %dma_start3A_75 = tpu.memref_squeeze %dma_start3A_74 : memref<1x128x128xf32, #tpu.memory_space<hbm>> -> memref<128x128xf32, #tpu.memory_space<hbm>>
      %dma_start3A_76 = arith.constant 0 : i32
      %dma_start3A_77 = tpu.memref_slice %arg16[%add3A_56, %dma_start3A_76] : memref<10240x128xf32, #tpu.memory_space<vmem_shared>> -> memref<128x128xf32, #tpu.memory_space<vmem_shared>>
      tpu.enqueue_dma source(%dma_start3A_77 : memref<128x128xf32, #tpu.memory_space<vmem_shared>>) target(%dma_start3A_75 : memref<128x128xf32, #tpu.memory_space<hbm>>) target_semaphore(%run_scoped3A_73 : memref<!tpu.dma_semaphore, #tpu.memory_space<semaphore_mem>>)
      %dma_wait3A = arith.constant 0 : i32
      %dma_wait3A_78 = tpu.memref_slice %arg6[%arg0, %add3A_56, %dma_wait3A] : memref<2x10240x128xf32, #tpu.memory_space<hbm>> -> memref<1x128x128xf32, #tpu.memory_space<hbm>>
      %dma_wait3A_79 = tpu.memref_squeeze %dma_wait3A_78 : memref<1x128x128xf32, #tpu.memory_space<hbm>> -> memref<128x128xf32, #tpu.memory_space<hbm>>
      %dma_wait3A_80 = arith.constant 0 : i32
      %dma_wait3A_81 = tpu.memref_slice %arg16[%add3A_56, %dma_wait3A_80] : memref<10240x128xf32, #tpu.memory_space<vmem_shared>> -> memref<128x128xf32, #tpu.memory_space<vmem_shared>>
      tpu.wait_dma2 semaphore(%run_scoped3A_73 : memref<!tpu.dma_semaphore, #tpu.memory_space<semaphore_mem>>) src(%dma_wait3A_81 : memref<128x128xf32, #tpu.memory_space<vmem_shared>>) dst(%dma_wait3A_79 : memref<128x128xf32, #tpu.memory_space<hbm>>)
      tpu.yield
    }) : () -> ()
    %mul3A_57 = arith.constant 640 : i32
    %mul3A_58 = arith.muli %arg1, %mul3A_57 : i32
    %add3A_59 = arith.constant 128 : i32
    %add3A_60 = arith.addi %mul3A_58, %add3A_59 : i32
    "tpu.region"() ({
      %run_scoped3A_73 = tpu.sem_alloc : memref<!tpu.dma_semaphore, #tpu.memory_space<semaphore_mem>>
      %dma_start3A = arith.constant 0 : i32
      %dma_start3A_74 = tpu.memref_slice %arg6[%arg0, %add3A_60, %dma_start3A] : memref<2x10240x128xf32, #tpu.memory_space<hbm>> -> memref<1x128x128xf32, #tpu.memory_space<hbm>>
      %dma_start3A_75 = tpu.memref_squeeze %dma_start3A_74 : memref<1x128x128xf32, #tpu.memory_space<hbm>> -> memref<128x128xf32, #tpu.memory_space<hbm>>
      %dma_start3A_76 = arith.constant 0 : i32
      %dma_start3A_77 = tpu.memref_slice %arg16[%add3A_60, %dma_start3A_76] : memref<10240x128xf32, #tpu.memory_space<vmem_shared>> -> memref<128x128xf32, #tpu.memory_space<vmem_shared>>
      tpu.enqueue_dma source(%dma_start3A_77 : memref<128x128xf32, #tpu.memory_space<vmem_shared>>) target(%dma_start3A_75 : memref<128x128xf32, #tpu.memory_space<hbm>>) target_semaphore(%run_scoped3A_73 : memref<!tpu.dma_semaphore, #tpu.memory_space<semaphore_mem>>)
      %dma_wait3A = arith.constant 0 : i32
      %dma_wait3A_78 = tpu.memref_slice %arg6[%arg0, %add3A_60, %dma_wait3A] : memref<2x10240x128xf32, #tpu.memory_space<hbm>> -> memref<1x128x128xf32, #tpu.memory_space<hbm>>
      %dma_wait3A_79 = tpu.memref_squeeze %dma_wait3A_78 : memref<1x128x128xf32, #tpu.memory_space<hbm>> -> memref<128x128xf32, #tpu.memory_space<hbm>>
      %dma_wait3A_80 = arith.constant 0 : i32
      %dma_wait3A_81 = tpu.memref_slice %arg16[%add3A_60, %dma_wait3A_80] : memref<10240x128xf32, #tpu.memory_space<vmem_shared>> -> memref<128x128xf32, #tpu.memory_space<vmem_shared>>
      tpu.wait_dma2 semaphore(%run_scoped3A_73 : memref<!tpu.dma_semaphore, #tpu.memory_space<semaphore_mem>>) src(%dma_wait3A_81 : memref<128x128xf32, #tpu.memory_space<vmem_shared>>) dst(%dma_wait3A_79 : memref<128x128xf32, #tpu.memory_space<hbm>>)
      tpu.yield
    }) : () -> ()
    %mul3A_61 = arith.constant 640 : i32
    %mul3A_62 = arith.muli %arg1, %mul3A_61 : i32
    %add3A_63 = arith.constant 256 : i32
    %add3A_64 = arith.addi %mul3A_62, %add3A_63 : i32
    "tpu.region"() ({
      %run_scoped3A_73 = tpu.sem_alloc : memref<!tpu.dma_semaphore, #tpu.memory_space<semaphore_mem>>
      %dma_start3A = arith.constant 0 : i32
      %dma_start3A_74 = tpu.memref_slice %arg6[%arg0, %add3A_64, %dma_start3A] : memref<2x10240x128xf32, #tpu.memory_space<hbm>> -> memref<1x128x128xf32, #tpu.memory_space<hbm>>
      %dma_start3A_75 = tpu.memref_squeeze %dma_start3A_74 : memref<1x128x128xf32, #tpu.memory_space<hbm>> -> memref<128x128xf32, #tpu.memory_space<hbm>>
      %dma_start3A_76 = arith.constant 0 : i32
      %dma_start3A_77 = tpu.memref_slice %arg16[%add3A_64, %dma_start3A_76] : memref<10240x128xf32, #tpu.memory_space<vmem_shared>> -> memref<128x128xf32, #tpu.memory_space<vmem_shared>>
      tpu.enqueue_dma source(%dma_start3A_77 : memref<128x128xf32, #tpu.memory_space<vmem_shared>>) target(%dma_start3A_75 : memref<128x128xf32, #tpu.memory_space<hbm>>) target_semaphore(%run_scoped3A_73 : memref<!tpu.dma_semaphore, #tpu.memory_space<semaphore_mem>>)
      %dma_wait3A = arith.constant 0 : i32
      %dma_wait3A_78 = tpu.memref_slice %arg6[%arg0, %add3A_64, %dma_wait3A] : memref<2x10240x128xf32, #tpu.memory_space<hbm>> -> memref<1x128x128xf32, #tpu.memory_space<hbm>>
      %dma_wait3A_79 = tpu.memref_squeeze %dma_wait3A_78 : memref<1x128x128xf32, #tpu.memory_space<hbm>> -> memref<128x128xf32, #tpu.memory_space<hbm>>
      %dma_wait3A_80 = arith.constant 0 : i32
      %dma_wait3A_81 = tpu.memref_slice %arg16[%add3A_64, %dma_wait3A_80] : memref<10240x128xf32, #tpu.memory_space<vmem_shared>> -> memref<128x128xf32, #tpu.memory_space<vmem_shared>>
      tpu.wait_dma2 semaphore(%run_scoped3A_73 : memref<!tpu.dma_semaphore, #tpu.memory_space<semaphore_mem>>) src(%dma_wait3A_81 : memref<128x128xf32, #tpu.memory_space<vmem_shared>>) dst(%dma_wait3A_79 : memref<128x128xf32, #tpu.memory_space<hbm>>)
      tpu.yield
    }) : () -> ()
    %mul3A_65 = arith.constant 640 : i32
    %mul3A_66 = arith.muli %arg1, %mul3A_65 : i32
    %add3A_67 = arith.constant 384 : i32
    %add3A_68 = arith.addi %mul3A_66, %add3A_67 : i32
    "tpu.region"() ({
      %run_scoped3A_73 = tpu.sem_alloc : memref<!tpu.dma_semaphore, #tpu.memory_space<semaphore_mem>>
      %dma_start3A = arith.constant 0 : i32
      %dma_start3A_74 = tpu.memref_slice %arg6[%arg0, %add3A_68, %dma_start3A] : memref<2x10240x128xf32, #tpu.memory_space<hbm>> -> memref<1x128x128xf32, #tpu.memory_space<hbm>>
      %dma_start3A_75 = tpu.memref_squeeze %dma_start3A_74 : memref<1x128x128xf32, #tpu.memory_space<hbm>> -> memref<128x128xf32, #tpu.memory_space<hbm>>
      %dma_start3A_76 = arith.constant 0 : i32
      %dma_start3A_77 = tpu.memref_slice %arg16[%add3A_68, %dma_start3A_76] : memref<10240x128xf32, #tpu.memory_space<vmem_shared>> -> memref<128x128xf32, #tpu.memory_space<vmem_shared>>
      tpu.enqueue_dma source(%dma_start3A_77 : memref<128x128xf32, #tpu.memory_space<vmem_shared>>) target(%dma_start3A_75 : memref<128x128xf32, #tpu.memory_space<hbm>>) target_semaphore(%run_scoped3A_73 : memref<!tpu.dma_semaphore, #tpu.memory_space<semaphore_mem>>)
      %dma_wait3A = arith.constant 0 : i32
      %dma_wait3A_78 = tpu.memref_slice %arg6[%arg0, %add3A_68, %dma_wait3A] : memref<2x10240x128xf32, #tpu.memory_space<hbm>> -> memref<1x128x128xf32, #tpu.memory_space<hbm>>
      %dma_wait3A_79 = tpu.memref_squeeze %dma_wait3A_78 : memref<1x128x128xf32, #tpu.memory_space<hbm>> -> memref<128x128xf32, #tpu.memory_space<hbm>>
      %dma_wait3A_80 = arith.constant 0 : i32
      %dma_wait3A_81 = tpu.memref_slice %arg16[%add3A_68, %dma_wait3A_80] : memref<10240x128xf32, #tpu.memory_space<vmem_shared>> -> memref<128x128xf32, #tpu.memory_space<vmem_shared>>
      tpu.wait_dma2 semaphore(%run_scoped3A_73 : memref<!tpu.dma_semaphore, #tpu.memory_space<semaphore_mem>>) src(%dma_wait3A_81 : memref<128x128xf32, #tpu.memory_space<vmem_shared>>) dst(%dma_wait3A_79 : memref<128x128xf32, #tpu.memory_space<hbm>>)
      tpu.yield
    }) : () -> ()
    %mul3A_69 = arith.constant 640 : i32
    %mul3A_70 = arith.muli %arg1, %mul3A_69 : i32
    %add3A_71 = arith.constant 512 : i32
    %add3A_72 = arith.addi %mul3A_70, %add3A_71 : i32
    "tpu.region"() ({
      %run_scoped3A_73 = tpu.sem_alloc : memref<!tpu.dma_semaphore, #tpu.memory_space<semaphore_mem>>
      %dma_start3A = arith.constant 0 : i32
      %dma_start3A_74 = tpu.memref_slice %arg6[%arg0, %add3A_72, %dma_start3A] : memref<2x10240x128xf32, #tpu.memory_space<hbm>> -> memref<1x128x128xf32, #tpu.memory_space<hbm>>
      %dma_start3A_75 = tpu.memref_squeeze %dma_start3A_74 : memref<1x128x128xf32, #tpu.memory_space<hbm>> -> memref<128x128xf32, #tpu.memory_space<hbm>>
      %dma_start3A_76 = arith.constant 0 : i32
      %dma_start3A_77 = tpu.memref_slice %arg16[%add3A_72, %dma_start3A_76] : memref<10240x128xf32, #tpu.memory_space<vmem_shared>> -> memref<128x128xf32, #tpu.memory_space<vmem_shared>>
      tpu.enqueue_dma source(%dma_start3A_77 : memref<128x128xf32, #tpu.memory_space<vmem_shared>>) target(%dma_start3A_75 : memref<128x128xf32, #tpu.memory_space<hbm>>) target_semaphore(%run_scoped3A_73 : memref<!tpu.dma_semaphore, #tpu.memory_space<semaphore_mem>>)
      %dma_wait3A = arith.constant 0 : i32
      %dma_wait3A_78 = tpu.memref_slice %arg6[%arg0, %add3A_72, %dma_wait3A] : memref<2x10240x128xf32, #tpu.memory_space<hbm>> -> memref<1x128x128xf32, #tpu.memory_space<hbm>>
      %dma_wait3A_79 = tpu.memref_squeeze %dma_wait3A_78 : memref<1x128x128xf32, #tpu.memory_space<hbm>> -> memref<128x128xf32, #tpu.memory_space<hbm>>
      %dma_wait3A_80 = arith.constant 0 : i32
      %dma_wait3A_81 = tpu.memref_slice %arg16[%add3A_72, %dma_wait3A_80] : memref<10240x128xf32, #tpu.memory_space<vmem_shared>> -> memref<128x128xf32, #tpu.memory_space<vmem_shared>>
      tpu.wait_dma2 semaphore(%run_scoped3A_73 : memref<!tpu.dma_semaphore, #tpu.memory_space<semaphore_mem>>) src(%dma_wait3A_81 : memref<128x128xf32, #tpu.memory_space<vmem_shared>>) dst(%dma_wait3A_79 : memref<128x128xf32, #tpu.memory_space<hbm>>)
      tpu.yield
    }) : () -> ()
    return
  }
}

#map = affine_map<(d0, d1) -> (0, 0)>
#map1 = affine_map<(d0, d1) -> (0)>
#map2 = affine_map<(d0, d1) -> (0, 0, 0)>
module attributes {stable_mosaic.version = 14 : i64} {
  func.func @_mp_kernel(%arg0: i32, %arg1: i32, %arg2: memref<10240x128xf32, #tpu.memory_space<hbm>>, %arg3: memref<323584xi32, #tpu.memory_space<hbm>>, %arg4: memref<323584xi32, #tpu.memory_space<hbm>>, %arg5: memref<10240xf32, #tpu.memory_space<hbm>>, %arg6: memref<2x10240x128xf32, #tpu.memory_space<hbm>>, %arg7: memref<2x10240xf32, #tpu.memory_space<hbm>>, %arg8: memref<128xi32, #tpu.memory_space<vmem>>, %arg9: memref<128xi32, #tpu.memory_space<vmem>>, %arg10: memref<128xi32, #tpu.memory_space<vmem>>, %arg11: memref<128x128xf32, #tpu.memory_space<vmem>>, %arg12: memref<10240xf32, #tpu.memory_space<vmem>>, %arg13: memref<10240xf32, #tpu.memory_space<vmem>>, %arg14: memref<640xf32, #tpu.memory_space<vmem>>, %arg15: memref<640xf32, #tpu.memory_space<vmem>>, %arg16: memref<10240x128xf32, #tpu.memory_space<vmem_shared>>, %arg17: memref<16x10240xf32, #tpu.memory_space<vmem_shared>>, %arg18: memref<!tpu.dma_semaphore, #tpu.memory_space<semaphore_mem>>) attributes {dimension_semantics = [#tpu.dimension_semantics<core_parallel>, #tpu.dimension_semantics<subcore_parallel>], iteration_bounds = array<i64: 2, 16>, scalar_prefetch = 0 : i64, scratch_operands = 11 : i64, tpu.core_type = #tpu.core_type<sc_vector_subcore>, window_params = [{transform_indices = #map}, {transform_indices = #map1}, {transform_indices = #map1}, {transform_indices = #map1}, {transform_indices = #map2}, {transform_indices = #map}]} {
    %mul3A = arith.constant 16 : i32
    %mul3A_0 = arith.muli %arg0, %mul3A : i32
    %add3A = arith.addi %mul3A_0, %arg1 : i32
    %broadcast_in_dim3A = arith.constant 1.000000e+00 : f32
    %broadcast_in_dim3A_1 = vector.broadcast %broadcast_in_dim3A : f32 to vector<16xf32>
    "tpu.region"() ({
      %run_scoped3A_73 = tpu.sem_alloc : memref<!tpu.dma_semaphore, #tpu.memory_space<semaphore_mem>>
      tpu.enqueue_dma source(%arg5 : memref<10240xf32, #tpu.memory_space<hbm>>) target(%arg12 : memref<10240xf32, #tpu.memory_space<vmem>>) target_semaphore(%run_scoped3A_73 : memref<!tpu.dma_semaphore, #tpu.memory_space<semaphore_mem>>)
      tpu.wait_dma2 semaphore(%run_scoped3A_73 : memref<!tpu.dma_semaphore, #tpu.memory_space<semaphore_mem>>) src(%arg5 : memref<10240xf32, #tpu.memory_space<hbm>>) dst(%arg12 : memref<10240xf32, #tpu.memory_space<vmem>>)
      tpu.yield
    }) : () -> ()
    %scan3A = arith.constant 0 : i32
    %scan3A_2 = arith.constant 0 : i32
    %scan3A_3 = arith.constant 128 : i32
    %scan3A_4 = arith.addi %scan3A_2, %scan3A_3 : i32
    %scan3A_5 = arith.constant 1 : i32
    %scan3A_6 = scf.for %scan3A_73 = %scan3A_2 to %scan3A_4 step %scan3A_5 iter_args(%scan3A_74 = %scan3A) -> (i32)  : i32 {
      %broadcast_in_dim3A_75 = arith.constant 0.000000e+00 : f32
      %broadcast_in_dim3A_76 = vector.broadcast %broadcast_in_dim3A_75 : f32 to vector<16xf32>
      %swap3A = arith.index_cast %scan3A_73 : i32 to index
      %swap3A_77 = arith.constant 0 : index
      %swap3A_78 = tpu.vector_load %arg11[%swap3A, %swap3A_77] {strides = array<i32>} : memref<128x128xf32, #tpu.memory_space<vmem>>, vector<16xf32>,
      tpu.vector_store %arg11[%swap3A, %swap3A_77], %broadcast_in_dim3A_76 {strides = array<i32>} : memref<128x128xf32, #tpu.memory_space<vmem>>, vector<16xf32>,
      %broadcast_in_dim3A_79 = arith.constant 0.000000e+00 : f32
      %broadcast_in_dim3A_80 = vector.broadcast %broadcast_in_dim3A_79 : f32 to vector<16xf32>
      %swap3A_81 = arith.index_cast %scan3A_73 : i32 to index
      %swap3A_82 = arith.constant 16 : index
      %swap3A_83 = tpu.vector_load %arg11[%swap3A_81, %swap3A_82] {strides = array<i32>} : memref<128x128xf32, #tpu.memory_space<vmem>>, vector<16xf32>,
      tpu.vector_store %arg11[%swap3A_81, %swap3A_82], %broadcast_in_dim3A_80 {strides = array<i32>} : memref<128x128xf32, #tpu.memory_space<vmem>>, vector<16xf32>,
      %broadcast_in_dim3A_84 = arith.constant 0.000000e+00 : f32
      %broadcast_in_dim3A_85 = vector.broadcast %broadcast_in_dim3A_84 : f32 to vector<16xf32>
      %swap3A_86 = arith.index_cast %scan3A_73 : i32 to index
      %swap3A_87 = arith.constant 32 : index
      %swap3A_88 = tpu.vector_load %arg11[%swap3A_86, %swap3A_87] {strides = array<i32>} : memref<128x128xf32, #tpu.memory_space<vmem>>, vector<16xf32>,
      tpu.vector_store %arg11[%swap3A_86, %swap3A_87], %broadcast_in_dim3A_85 {strides = array<i32>} : memref<128x128xf32, #tpu.memory_space<vmem>>, vector<16xf32>,
      %broadcast_in_dim3A_89 = arith.constant 0.000000e+00 : f32
      %broadcast_in_dim3A_90 = vector.broadcast %broadcast_in_dim3A_89 : f32 to vector<16xf32>
      %swap3A_91 = arith.index_cast %scan3A_73 : i32 to index
      %swap3A_92 = arith.constant 48 : index
      %swap3A_93 = tpu.vector_load %arg11[%swap3A_91, %swap3A_92] {strides = array<i32>} : memref<128x128xf32, #tpu.memory_space<vmem>>, vector<16xf32>,
      tpu.vector_store %arg11[%swap3A_91, %swap3A_92], %broadcast_in_dim3A_90 {strides = array<i32>} : memref<128x128xf32, #tpu.memory_space<vmem>>, vector<16xf32>,
      %broadcast_in_dim3A_94 = arith.constant 0.000000e+00 : f32
      %broadcast_in_dim3A_95 = vector.broadcast %broadcast_in_dim3A_94 : f32 to vector<16xf32>
      %swap3A_96 = arith.index_cast %scan3A_73 : i32 to index
      %swap3A_97 = arith.constant 64 : index
      %swap3A_98 = tpu.vector_load %arg11[%swap3A_96, %swap3A_97] {strides = array<i32>} : memref<128x128xf32, #tpu.memory_space<vmem>>, vector<16xf32>,
      tpu.vector_store %arg11[%swap3A_96, %swap3A_97], %broadcast_in_dim3A_95 {strides = array<i32>} : memref<128x128xf32, #tpu.memory_space<vmem>>, vector<16xf32>,
      %broadcast_in_dim3A_99 = arith.constant 0.000000e+00 : f32
      %broadcast_in_dim3A_100 = vector.broadcast %broadcast_in_dim3A_99 : f32 to vector<16xf32>
      %swap3A_101 = arith.index_cast %scan3A_73 : i32 to index
      %swap3A_102 = arith.constant 80 : index
      %swap3A_103 = tpu.vector_load %arg11[%swap3A_101, %swap3A_102] {strides = array<i32>} : memref<128x128xf32, #tpu.memory_space<vmem>>, vector<16xf32>,
      tpu.vector_store %arg11[%swap3A_101, %swap3A_102], %broadcast_in_dim3A_100 {strides = array<i32>} : memref<128x128xf32, #tpu.memory_space<vmem>>, vector<16xf32>,
      %broadcast_in_dim3A_104 = arith.constant 0.000000e+00 : f32
      %broadcast_in_dim3A_105 = vector.broadcast %broadcast_in_dim3A_104 : f32 to vector<16xf32>
      %swap3A_106 = arith.index_cast %scan3A_73 : i32 to index
      %swap3A_107 = arith.constant 96 : index
      %swap3A_108 = tpu.vector_load %arg11[%swap3A_106, %swap3A_107] {strides = array<i32>} : memref<128x128xf32, #tpu.memory_space<vmem>>, vector<16xf32>,
      tpu.vector_store %arg11[%swap3A_106, %swap3A_107], %broadcast_in_dim3A_105 {strides = array<i32>} : memref<128x128xf32, #tpu.memory_space<vmem>>, vector<16xf32>,
      %broadcast_in_dim3A_109 = arith.constant 0.000000e+00 : f32
      %broadcast_in_dim3A_110 = vector.broadcast %broadcast_in_dim3A_109 : f32 to vector<16xf32>
      %swap3A_111 = arith.index_cast %scan3A_73 : i32 to index
      %swap3A_112 = arith.constant 112 : index
      %swap3A_113 = tpu.vector_load %arg11[%swap3A_111, %swap3A_112] {strides = array<i32>} : memref<128x128xf32, #tpu.memory_space<vmem>>, vector<16xf32>,
      tpu.vector_store %arg11[%swap3A_111, %swap3A_112], %broadcast_in_dim3A_110 {strides = array<i32>} : memref<128x128xf32, #tpu.memory_space<vmem>>, vector<16xf32>,
      %scan3A_114 = arith.constant 0 : i32
      scf.yield %scan3A_114 : i32
    }
    %scan3A_7 = arith.constant 128 : i32
    %mul3A_8 = arith.constant 640 : i32
    %mul3A_9 = arith.muli %arg1, %mul3A_8 : i32
    %add3A_10 = arith.constant 0 : i32
    %add3A_11 = arith.addi %mul3A_9, %add3A_10 : i32
    "tpu.region"() ({
      %run_scoped3A_73 = tpu.sem_alloc : memref<!tpu.dma_semaphore, #tpu.memory_space<semaphore_mem>>
      %dma_start3A = arith.constant 0 : i32
      %dma_start3A_74 = tpu.memref_slice %arg16[%add3A_11, %dma_start3A] : memref<10240x128xf32, #tpu.memory_space<vmem_shared>> -> memref<128x128xf32, #tpu.memory_space<vmem_shared>>
      %dma_start3A_75 = arith.constant 0 : i32
      %dma_start3A_76 = tpu.memref_slice %arg16[%add3A_11, %dma_start3A_75] : memref<10240x128xf32, #tpu.memory_space<vmem_shared>> -> memref<128x128xf32, #tpu.memory_space<vmem_shared>>
      tpu.enqueue_dma source(%arg11 : memref<128x128xf32, #tpu.memory_space<vmem>>) target(%dma_start3A_76 : memref<128x128xf32, #tpu.memory_space<vmem_shared>>) target_semaphore(%run_scoped3A_73 : memref<!tpu.dma_semaphore, #tpu.memory_space<semaphore_mem>>)
      %dma_wait3A = arith.constant 0 : i32
      %dma_wait3A_77 = tpu.memref_slice %arg16[%add3A_11, %dma_wait3A] : memref<10240x128xf32, #tpu.memory_space<vmem_shared>> -> memref<128x128xf32, #tpu.memory_space<vmem_shared>>
      %dma_wait3A_78 = arith.constant 0 : i32
      %dma_wait3A_79 = tpu.memref_slice %arg16[%add3A_11, %dma_wait3A_78] : memref<10240x128xf32, #tpu.memory_space<vmem_shared>> -> memref<128x128xf32, #tpu.memory_space<vmem_shared>>
      tpu.wait_dma2 semaphore(%run_scoped3A_73 : memref<!tpu.dma_semaphore, #tpu.memory_space<semaphore_mem>>) src(%arg11 : memref<128x128xf32, #tpu.memory_space<vmem>>) dst(%dma_wait3A_79 : memref<128x128xf32, #tpu.memory_space<vmem_shared>>)
      tpu.yield
    }) : () -> ()
    %mul3A_12 = arith.constant 640 : i32
    %mul3A_13 = arith.muli %arg1, %mul3A_12 : i32
    %add3A_14 = arith.constant 128 : i32
    %add3A_15 = arith.addi %mul3A_13, %add3A_14 : i32
    "tpu.region"() ({
      %run_scoped3A_73 = tpu.sem_alloc : memref<!tpu.dma_semaphore, #tpu.memory_space<semaphore_mem>>
      %dma_start3A = arith.constant 0 : i32
      %dma_start3A_74 = tpu.memref_slice %arg16[%add3A_15, %dma_start3A] : memref<10240x128xf32, #tpu.memory_space<vmem_shared>> -> memref<128x128xf32, #tpu.memory_space<vmem_shared>>
      %dma_start3A_75 = arith.constant 0 : i32
      %dma_start3A_76 = tpu.memref_slice %arg16[%add3A_15, %dma_start3A_75] : memref<10240x128xf32, #tpu.memory_space<vmem_shared>> -> memref<128x128xf32, #tpu.memory_space<vmem_shared>>
      tpu.enqueue_dma source(%arg11 : memref<128x128xf32, #tpu.memory_space<vmem>>) target(%dma_start3A_76 : memref<128x128xf32, #tpu.memory_space<vmem_shared>>) target_semaphore(%run_scoped3A_73 : memref<!tpu.dma_semaphore, #tpu.memory_space<semaphore_mem>>)
      %dma_wait3A = arith.constant 0 : i32
      %dma_wait3A_77 = tpu.memref_slice %arg16[%add3A_15, %dma_wait3A] : memref<10240x128xf32, #tpu.memory_space<vmem_shared>> -> memref<128x128xf32, #tpu.memory_space<vmem_shared>>
      %dma_wait3A_78 = arith.constant 0 : i32
      %dma_wait3A_79 = tpu.memref_slice %arg16[%add3A_15, %dma_wait3A_78] : memref<10240x128xf32, #tpu.memory_space<vmem_shared>> -> memref<128x128xf32, #tpu.memory_space<vmem_shared>>
      tpu.wait_dma2 semaphore(%run_scoped3A_73 : memref<!tpu.dma_semaphore, #tpu.memory_space<semaphore_mem>>) src(%arg11 : memref<128x128xf32, #tpu.memory_space<vmem>>) dst(%dma_wait3A_79 : memref<128x128xf32, #tpu.memory_space<vmem_shared>>)
      tpu.yield
    }) : () -> ()
    %mul3A_16 = arith.constant 640 : i32
    %mul3A_17 = arith.muli %arg1, %mul3A_16 : i32
    %add3A_18 = arith.constant 256 : i32
    %add3A_19 = arith.addi %mul3A_17, %add3A_18 : i32
    "tpu.region"() ({
      %run_scoped3A_73 = tpu.sem_alloc : memref<!tpu.dma_semaphore, #tpu.memory_space<semaphore_mem>>
      %dma_start3A = arith.constant 0 : i32
      %dma_start3A_74 = tpu.memref_slice %arg16[%add3A_19, %dma_start3A] : memref<10240x128xf32, #tpu.memory_space<vmem_shared>> -> memref<128x128xf32, #tpu.memory_space<vmem_shared>>
      %dma_start3A_75 = arith.constant 0 : i32
      %dma_start3A_76 = tpu.memref_slice %arg16[%add3A_19, %dma_start3A_75] : memref<10240x128xf32, #tpu.memory_space<vmem_shared>> -> memref<128x128xf32, #tpu.memory_space<vmem_shared>>
      tpu.enqueue_dma source(%arg11 : memref<128x128xf32, #tpu.memory_space<vmem>>) target(%dma_start3A_76 : memref<128x128xf32, #tpu.memory_space<vmem_shared>>) target_semaphore(%run_scoped3A_73 : memref<!tpu.dma_semaphore, #tpu.memory_space<semaphore_mem>>)
      %dma_wait3A = arith.constant 0 : i32
      %dma_wait3A_77 = tpu.memref_slice %arg16[%add3A_19, %dma_wait3A] : memref<10240x128xf32, #tpu.memory_space<vmem_shared>> -> memref<128x128xf32, #tpu.memory_space<vmem_shared>>
      %dma_wait3A_78 = arith.constant 0 : i32
      %dma_wait3A_79 = tpu.memref_slice %arg16[%add3A_19, %dma_wait3A_78] : memref<10240x128xf32, #tpu.memory_space<vmem_shared>> -> memref<128x128xf32, #tpu.memory_space<vmem_shared>>
      tpu.wait_dma2 semaphore(%run_scoped3A_73 : memref<!tpu.dma_semaphore, #tpu.memory_space<semaphore_mem>>) src(%arg11 : memref<128x128xf32, #tpu.memory_space<vmem>>) dst(%dma_wait3A_79 : memref<128x128xf32, #tpu.memory_space<vmem_shared>>)
      tpu.yield
    }) : () -> ()
    %mul3A_20 = arith.constant 640 : i32
    %mul3A_21 = arith.muli %arg1, %mul3A_20 : i32
    %add3A_22 = arith.constant 384 : i32
    %add3A_23 = arith.addi %mul3A_21, %add3A_22 : i32
    "tpu.region"() ({
      %run_scoped3A_73 = tpu.sem_alloc : memref<!tpu.dma_semaphore, #tpu.memory_space<semaphore_mem>>
      %dma_start3A = arith.constant 0 : i32
      %dma_start3A_74 = tpu.memref_slice %arg16[%add3A_23, %dma_start3A] : memref<10240x128xf32, #tpu.memory_space<vmem_shared>> -> memref<128x128xf32, #tpu.memory_space<vmem_shared>>
      %dma_start3A_75 = arith.constant 0 : i32
      %dma_start3A_76 = tpu.memref_slice %arg16[%add3A_23, %dma_start3A_75] : memref<10240x128xf32, #tpu.memory_space<vmem_shared>> -> memref<128x128xf32, #tpu.memory_space<vmem_shared>>
      tpu.enqueue_dma source(%arg11 : memref<128x128xf32, #tpu.memory_space<vmem>>) target(%dma_start3A_76 : memref<128x128xf32, #tpu.memory_space<vmem_shared>>) target_semaphore(%run_scoped3A_73 : memref<!tpu.dma_semaphore, #tpu.memory_space<semaphore_mem>>)
      %dma_wait3A = arith.constant 0 : i32
      %dma_wait3A_77 = tpu.memref_slice %arg16[%add3A_23, %dma_wait3A] : memref<10240x128xf32, #tpu.memory_space<vmem_shared>> -> memref<128x128xf32, #tpu.memory_space<vmem_shared>>
      %dma_wait3A_78 = arith.constant 0 : i32
      %dma_wait3A_79 = tpu.memref_slice %arg16[%add3A_23, %dma_wait3A_78] : memref<10240x128xf32, #tpu.memory_space<vmem_shared>> -> memref<128x128xf32, #tpu.memory_space<vmem_shared>>
      tpu.wait_dma2 semaphore(%run_scoped3A_73 : memref<!tpu.dma_semaphore, #tpu.memory_space<semaphore_mem>>) src(%arg11 : memref<128x128xf32, #tpu.memory_space<vmem>>) dst(%dma_wait3A_79 : memref<128x128xf32, #tpu.memory_space<vmem_shared>>)
      tpu.yield
    }) : () -> ()
    %mul3A_24 = arith.constant 640 : i32
    %mul3A_25 = arith.muli %arg1, %mul3A_24 : i32
    %add3A_26 = arith.constant 512 : i32
    %add3A_27 = arith.addi %mul3A_25, %add3A_26 : i32
    "tpu.region"() ({
      %run_scoped3A_73 = tpu.sem_alloc : memref<!tpu.dma_semaphore, #tpu.memory_space<semaphore_mem>>
      %dma_start3A = arith.constant 0 : i32
      %dma_start3A_74 = tpu.memref_slice %arg16[%add3A_27, %dma_start3A] : memref<10240x128xf32, #tpu.memory_space<vmem_shared>> -> memref<128x128xf32, #tpu.memory_space<vmem_shared>>
      %dma_start3A_75 = arith.constant 0 : i32
      %dma_start3A_76 = tpu.memref_slice %arg16[%add3A_27, %dma_start3A_75] : memref<10240x128xf32, #tpu.memory_space<vmem_shared>> -> memref<128x128xf32, #tpu.memory_space<vmem_shared>>
      tpu.enqueue_dma source(%arg11 : memref<128x128xf32, #tpu.memory_space<vmem>>) target(%dma_start3A_76 : memref<128x128xf32, #tpu.memory_space<vmem_shared>>) target_semaphore(%run_scoped3A_73 : memref<!tpu.dma_semaphore, #tpu.memory_space<semaphore_mem>>)
      %dma_wait3A = arith.constant 0 : i32
      %dma_wait3A_77 = tpu.memref_slice %arg16[%add3A_27, %dma_wait3A] : memref<10240x128xf32, #tpu.memory_space<vmem_shared>> -> memref<128x128xf32, #tpu.memory_space<vmem_shared>>
      %dma_wait3A_78 = arith.constant 0 : i32
      %dma_wait3A_79 = tpu.memref_slice %arg16[%add3A_27, %dma_wait3A_78] : memref<10240x128xf32, #tpu.memory_space<vmem_shared>> -> memref<128x128xf32, #tpu.memory_space<vmem_shared>>
      tpu.wait_dma2 semaphore(%run_scoped3A_73 : memref<!tpu.dma_semaphore, #tpu.memory_space<semaphore_mem>>) src(%arg11 : memref<128x128xf32, #tpu.memory_space<vmem>>) dst(%dma_wait3A_79 : memref<128x128xf32, #tpu.memory_space<vmem_shared>>)
      tpu.yield
    }) : () -> ()
    %scan3A_28 = arith.constant 0 : i32
    %scan3A_29 = arith.constant 0 : i32
    %scan3A_30 = arith.constant 640 : i32
    %scan3A_31 = arith.addi %scan3A_29, %scan3A_30 : i32
    %scan3A_32 = arith.constant 1 : i32
    %scan3A_33 = scf.for %scan3A_73 = %scan3A_29 to %scan3A_31 step %scan3A_32 iter_args(%scan3A_74 = %scan3A_28) -> (i32)  : i32 {
      %broadcast_in_dim3A_75 = arith.constant 0.000000e+00 : f32
      %broadcast_in_dim3A_76 = vector.broadcast %broadcast_in_dim3A_75 : f32 to vector<16xf32>
      %mul3A_77 = arith.constant 16 : i32
      %mul3A_78 = arith.muli %scan3A_73, %mul3A_77 : i32
      %swap3A = arith.index_cast %mul3A_78 : i32 to index
      %swap3A_79 = tpu.vector_load %arg13[%swap3A] {strides = array<i32>} : memref<10240xf32, #tpu.memory_space<vmem>>, vector<16xf32>,
      tpu.vector_store %arg13[%swap3A], %broadcast_in_dim3A_76 {strides = array<i32>} : memref<10240xf32, #tpu.memory_space<vmem>>, vector<16xf32>,
      %scan3A_80 = arith.constant 0 : i32
      scf.yield %scan3A_80 : i32
    }
    %scan3A_34 = arith.constant 640 : i32
    %barrier3A = arith.constant 0 : index
    tpu.barrier barrier_id(%barrier3A)
    %scan3A_35 = arith.constant 0 : i32
    %scan3A_36 = arith.constant 0 : i32
    %scan3A_37 = arith.constant 79 : i32
    %scan3A_38 = arith.addi %scan3A_36, %scan3A_37 : i32
    %scan3A_39 = arith.constant 1 : i32
    %scan3A_40 = scf.for %scan3A_73 = %scan3A_36 to %scan3A_38 step %scan3A_39 iter_args(%scan3A_74 = %scan3A_35) -> (i32)  : i32 {
      %mul3A_75 = arith.constant 79 : i32
      %mul3A_76 = arith.muli %add3A, %mul3A_75 : i32
      %add3A_77 = arith.addi %mul3A_76, %scan3A_73 : i32
      %mul3A_78 = arith.constant 128 : i32
      %mul3A_79 = arith.muli %add3A_77, %mul3A_78 : i32
      "tpu.region"() ({
        %run_scoped3A_199 = tpu.sem_alloc : memref<!tpu.dma_semaphore, #tpu.memory_space<semaphore_mem>>
        %dma_start3A_200 = tpu.memref_slice %arg3[%mul3A_79] : memref<323584xi32, #tpu.memory_space<hbm>> -> memref<128xi32, #tpu.memory_space<hbm>>
        %dma_start3A_201 = tpu.memref_slice %arg3[%mul3A_79] : memref<323584xi32, #tpu.memory_space<hbm>> -> memref<128xi32, #tpu.memory_space<hbm>>
        tpu.enqueue_dma source(%dma_start3A_201 : memref<128xi32, #tpu.memory_space<hbm>>) target(%arg8 : memref<128xi32, #tpu.memory_space<vmem>>) target_semaphore(%run_scoped3A_199 : memref<!tpu.dma_semaphore, #tpu.memory_space<semaphore_mem>>)
        %dma_wait3A_202 = tpu.memref_slice %arg3[%mul3A_79] : memref<323584xi32, #tpu.memory_space<hbm>> -> memref<128xi32, #tpu.memory_space<hbm>>
        %dma_wait3A_203 = tpu.memref_slice %arg3[%mul3A_79] : memref<323584xi32, #tpu.memory_space<hbm>> -> memref<128xi32, #tpu.memory_space<hbm>>
        tpu.wait_dma2 semaphore(%run_scoped3A_199 : memref<!tpu.dma_semaphore, #tpu.memory_space<semaphore_mem>>) src(%dma_wait3A_203 : memref<128xi32, #tpu.memory_space<hbm>>) dst(%arg8 : memref<128xi32, #tpu.memory_space<vmem>>)
        tpu.yield
      }) : () -> ()
      "tpu.region"() ({
        %run_scoped3A_199 = tpu.sem_alloc : memref<!tpu.dma_semaphore, #tpu.memory_space<semaphore_mem>>
        %dma_start3A_200 = tpu.memref_slice %arg4[%mul3A_79] : memref<323584xi32, #tpu.memory_space<hbm>> -> memref<128xi32, #tpu.memory_space<hbm>>
        %dma_start3A_201 = tpu.memref_slice %arg4[%mul3A_79] : memref<323584xi32, #tpu.memory_space<hbm>> -> memref<128xi32, #tpu.memory_space<hbm>>
        tpu.enqueue_dma source(%dma_start3A_201 : memref<128xi32, #tpu.memory_space<hbm>>) target(%arg9 : memref<128xi32, #tpu.memory_space<vmem>>) target_semaphore(%run_scoped3A_199 : memref<!tpu.dma_semaphore, #tpu.memory_space<semaphore_mem>>)
        %dma_wait3A_202 = tpu.memref_slice %arg4[%mul3A_79] : memref<323584xi32, #tpu.memory_space<hbm>> -> memref<128xi32, #tpu.memory_space<hbm>>
        %dma_wait3A_203 = tpu.memref_slice %arg4[%mul3A_79] : memref<323584xi32, #tpu.memory_space<hbm>> -> memref<128xi32, #tpu.memory_space<hbm>>
        tpu.wait_dma2 semaphore(%run_scoped3A_199 : memref<!tpu.dma_semaphore, #tpu.memory_space<semaphore_mem>>) src(%dma_wait3A_203 : memref<128xi32, #tpu.memory_space<hbm>>) dst(%arg9 : memref<128xi32, #tpu.memory_space<vmem>>)
        tpu.yield
      }) : () -> ()
      %get3A = arith.constant 0 : index
      %get3A_80 = tpu.vector_load %arg8[%get3A] {strides = array<i32>} : memref<128xi32, #tpu.memory_space<vmem>>, vector<16xi32>,
      %get3A_81 = arith.constant 0 : index
      %get3A_82 = tpu.vector_load %arg9[%get3A_81] {strides = array<i32>} : memref<128xi32, #tpu.memory_space<vmem>>, vector<16xi32>,
      %gather3A = tpu.vector_load_idx %arg12[%get3A_80] : memref<10240xf32, #tpu.memory_space<vmem>>[vector<16xi32>], vector<16xf32>,
      %gather3A_83 = tpu.vector_load_idx %arg12[%get3A_82] : memref<10240xf32, #tpu.memory_space<vmem>>[vector<16xi32>], vector<16xf32>,
      %mul3A_84 = arith.mulf %gather3A, %gather3A_83 : vector<16xf32>
      %gt3A = arith.constant 5.000000e-01 : f32
      %gt3A_85 = vector.broadcast %gt3A : f32 to vector<16xf32>
      %gt3A_86 = arith.cmpf ogt, %mul3A_84, %gt3A_85 : vector<16xf32>
      %jit3A = arith.constant 10000 : i32
      %broadcast_in_dim3A_87 = vector.broadcast %jit3A : i32 to vector<16xi32>
      %select_n3A = arith.select %gt3A_86, %get3A_82, %broadcast_in_dim3A_87 : vector<16xi1>, vector<16xi32>
      %swap3A = arith.constant 0 : index
      %swap3A_88 = tpu.vector_load %arg10[%swap3A] {strides = array<i32>} : memref<128xi32, #tpu.memory_space<vmem>>, vector<16xi32>,
      tpu.vector_store %arg10[%swap3A], %select_n3A {strides = array<i32>} : memref<128xi32, #tpu.memory_space<vmem>>, vector<16xi32>,
      tpu.vector_store_idx %arg13[%select_n3A], %broadcast_in_dim3A_1 {add = true} : memref<10240xf32, #tpu.memory_space<vmem>>[vector<16xi32>], vector<16xf32>,
      %get3A_89 = arith.constant 16 : index
      %get3A_90 = tpu.vector_load %arg8[%get3A_89] {strides = array<i32>} : memref<128xi32, #tpu.memory_space<vmem>>, vector<16xi32>,
      %get3A_91 = arith.constant 16 : index
      %get3A_92 = tpu.vector_load %arg9[%get3A_91] {strides = array<i32>} : memref<128xi32, #tpu.memory_space<vmem>>, vector<16xi32>,
      %gather3A_93 = tpu.vector_load_idx %arg12[%get3A_90] : memref<10240xf32, #tpu.memory_space<vmem>>[vector<16xi32>], vector<16xf32>,
      %gather3A_94 = tpu.vector_load_idx %arg12[%get3A_92] : memref<10240xf32, #tpu.memory_space<vmem>>[vector<16xi32>], vector<16xf32>,
      %mul3A_95 = arith.mulf %gather3A_93, %gather3A_94 : vector<16xf32>
      %gt3A_96 = arith.constant 5.000000e-01 : f32
      %gt3A_97 = vector.broadcast %gt3A_96 : f32 to vector<16xf32>
      %gt3A_98 = arith.cmpf ogt, %mul3A_95, %gt3A_97 : vector<16xf32>
      %jit3A_99 = arith.constant 10000 : i32
      %broadcast_in_dim3A_100 = vector.broadcast %jit3A_99 : i32 to vector<16xi32>
      %select_n3A_101 = arith.select %gt3A_98, %get3A_92, %broadcast_in_dim3A_100 : vector<16xi1>, vector<16xi32>
      %swap3A_102 = arith.constant 16 : index
      %swap3A_103 = tpu.vector_load %arg10[%swap3A_102] {strides = array<i32>} : memref<128xi32, #tpu.memory_space<vmem>>, vector<16xi32>,
      tpu.vector_store %arg10[%swap3A_102], %select_n3A_101 {strides = array<i32>} : memref<128xi32, #tpu.memory_space<vmem>>, vector<16xi32>,
      tpu.vector_store_idx %arg13[%select_n3A_101], %broadcast_in_dim3A_1 {add = true} : memref<10240xf32, #tpu.memory_space<vmem>>[vector<16xi32>], vector<16xf32>,
      %get3A_104 = arith.constant 32 : index
      %get3A_105 = tpu.vector_load %arg8[%get3A_104] {strides = array<i32>} : memref<128xi32, #tpu.memory_space<vmem>>, vector<16xi32>,
      %get3A_106 = arith.constant 32 : index
      %get3A_107 = tpu.vector_load %arg9[%get3A_106] {strides = array<i32>} : memref<128xi32, #tpu.memory_space<vmem>>, vector<16xi32>,
      %gather3A_108 = tpu.vector_load_idx %arg12[%get3A_105] : memref<10240xf32, #tpu.memory_space<vmem>>[vector<16xi32>], vector<16xf32>,
      %gather3A_109 = tpu.vector_load_idx %arg12[%get3A_107] : memref<10240xf32, #tpu.memory_space<vmem>>[vector<16xi32>], vector<16xf32>,
      %mul3A_110 = arith.mulf %gather3A_108, %gather3A_109 : vector<16xf32>
      %gt3A_111 = arith.constant 5.000000e-01 : f32
      %gt3A_112 = vector.broadcast %gt3A_111 : f32 to vector<16xf32>
      %gt3A_113 = arith.cmpf ogt, %mul3A_110, %gt3A_112 : vector<16xf32>
      %jit3A_114 = arith.constant 10000 : i32
      %broadcast_in_dim3A_115 = vector.broadcast %jit3A_114 : i32 to vector<16xi32>
      %select_n3A_116 = arith.select %gt3A_113, %get3A_107, %broadcast_in_dim3A_115 : vector<16xi1>, vector<16xi32>
      %swap3A_117 = arith.constant 32 : index
      %swap3A_118 = tpu.vector_load %arg10[%swap3A_117] {strides = array<i32>} : memref<128xi32, #tpu.memory_space<vmem>>, vector<16xi32>,
      tpu.vector_store %arg10[%swap3A_117], %select_n3A_116 {strides = array<i32>} : memref<128xi32, #tpu.memory_space<vmem>>, vector<16xi32>,
      tpu.vector_store_idx %arg13[%select_n3A_116], %broadcast_in_dim3A_1 {add = true} : memref<10240xf32, #tpu.memory_space<vmem>>[vector<16xi32>], vector<16xf32>,
      %get3A_119 = arith.constant 48 : index
      %get3A_120 = tpu.vector_load %arg8[%get3A_119] {strides = array<i32>} : memref<128xi32, #tpu.memory_space<vmem>>, vector<16xi32>,
      %get3A_121 = arith.constant 48 : index
      %get3A_122 = tpu.vector_load %arg9[%get3A_121] {strides = array<i32>} : memref<128xi32, #tpu.memory_space<vmem>>, vector<16xi32>,
      %gather3A_123 = tpu.vector_load_idx %arg12[%get3A_120] : memref<10240xf32, #tpu.memory_space<vmem>>[vector<16xi32>], vector<16xf32>,
      %gather3A_124 = tpu.vector_load_idx %arg12[%get3A_122] : memref<10240xf32, #tpu.memory_space<vmem>>[vector<16xi32>], vector<16xf32>,
      %mul3A_125 = arith.mulf %gather3A_123, %gather3A_124 : vector<16xf32>
      %gt3A_126 = arith.constant 5.000000e-01 : f32
      %gt3A_127 = vector.broadcast %gt3A_126 : f32 to vector<16xf32>
      %gt3A_128 = arith.cmpf ogt, %mul3A_125, %gt3A_127 : vector<16xf32>
      %jit3A_129 = arith.constant 10000 : i32
      %broadcast_in_dim3A_130 = vector.broadcast %jit3A_129 : i32 to vector<16xi32>
      %select_n3A_131 = arith.select %gt3A_128, %get3A_122, %broadcast_in_dim3A_130 : vector<16xi1>, vector<16xi32>
      %swap3A_132 = arith.constant 48 : index
      %swap3A_133 = tpu.vector_load %arg10[%swap3A_132] {strides = array<i32>} : memref<128xi32, #tpu.memory_space<vmem>>, vector<16xi32>,
      tpu.vector_store %arg10[%swap3A_132], %select_n3A_131 {strides = array<i32>} : memref<128xi32, #tpu.memory_space<vmem>>, vector<16xi32>,
      tpu.vector_store_idx %arg13[%select_n3A_131], %broadcast_in_dim3A_1 {add = true} : memref<10240xf32, #tpu.memory_space<vmem>>[vector<16xi32>], vector<16xf32>,
      %get3A_134 = arith.constant 64 : index
      %get3A_135 = tpu.vector_load %arg8[%get3A_134] {strides = array<i32>} : memref<128xi32, #tpu.memory_space<vmem>>, vector<16xi32>,
      %get3A_136 = arith.constant 64 : index
      %get3A_137 = tpu.vector_load %arg9[%get3A_136] {strides = array<i32>} : memref<128xi32, #tpu.memory_space<vmem>>, vector<16xi32>,
      %gather3A_138 = tpu.vector_load_idx %arg12[%get3A_135] : memref<10240xf32, #tpu.memory_space<vmem>>[vector<16xi32>], vector<16xf32>,
      %gather3A_139 = tpu.vector_load_idx %arg12[%get3A_137] : memref<10240xf32, #tpu.memory_space<vmem>>[vector<16xi32>], vector<16xf32>,
      %mul3A_140 = arith.mulf %gather3A_138, %gather3A_139 : vector<16xf32>
      %gt3A_141 = arith.constant 5.000000e-01 : f32
      %gt3A_142 = vector.broadcast %gt3A_141 : f32 to vector<16xf32>
      %gt3A_143 = arith.cmpf ogt, %mul3A_140, %gt3A_142 : vector<16xf32>
      %jit3A_144 = arith.constant 10000 : i32
      %broadcast_in_dim3A_145 = vector.broadcast %jit3A_144 : i32 to vector<16xi32>
      %select_n3A_146 = arith.select %gt3A_143, %get3A_137, %broadcast_in_dim3A_145 : vector<16xi1>, vector<16xi32>
      %swap3A_147 = arith.constant 64 : index
      %swap3A_148 = tpu.vector_load %arg10[%swap3A_147] {strides = array<i32>} : memref<128xi32, #tpu.memory_space<vmem>>, vector<16xi32>,
      tpu.vector_store %arg10[%swap3A_147], %select_n3A_146 {strides = array<i32>} : memref<128xi32, #tpu.memory_space<vmem>>, vector<16xi32>,
      tpu.vector_store_idx %arg13[%select_n3A_146], %broadcast_in_dim3A_1 {add = true} : memref<10240xf32, #tpu.memory_space<vmem>>[vector<16xi32>], vector<16xf32>,
      %get3A_149 = arith.constant 80 : index
      %get3A_150 = tpu.vector_load %arg8[%get3A_149] {strides = array<i32>} : memref<128xi32, #tpu.memory_space<vmem>>, vector<16xi32>,
      %get3A_151 = arith.constant 80 : index
      %get3A_152 = tpu.vector_load %arg9[%get3A_151] {strides = array<i32>} : memref<128xi32, #tpu.memory_space<vmem>>, vector<16xi32>,
      %gather3A_153 = tpu.vector_load_idx %arg12[%get3A_150] : memref<10240xf32, #tpu.memory_space<vmem>>[vector<16xi32>], vector<16xf32>,
      %gather3A_154 = tpu.vector_load_idx %arg12[%get3A_152] : memref<10240xf32, #tpu.memory_space<vmem>>[vector<16xi32>], vector<16xf32>,
      %mul3A_155 = arith.mulf %gather3A_153, %gather3A_154 : vector<16xf32>
      %gt3A_156 = arith.constant 5.000000e-01 : f32
      %gt3A_157 = vector.broadcast %gt3A_156 : f32 to vector<16xf32>
      %gt3A_158 = arith.cmpf ogt, %mul3A_155, %gt3A_157 : vector<16xf32>
      %jit3A_159 = arith.constant 10000 : i32
      %broadcast_in_dim3A_160 = vector.broadcast %jit3A_159 : i32 to vector<16xi32>
      %select_n3A_161 = arith.select %gt3A_158, %get3A_152, %broadcast_in_dim3A_160 : vector<16xi1>, vector<16xi32>
      %swap3A_162 = arith.constant 80 : index
      %swap3A_163 = tpu.vector_load %arg10[%swap3A_162] {strides = array<i32>} : memref<128xi32, #tpu.memory_space<vmem>>, vector<16xi32>,
      tpu.vector_store %arg10[%swap3A_162], %select_n3A_161 {strides = array<i32>} : memref<128xi32, #tpu.memory_space<vmem>>, vector<16xi32>,
      tpu.vector_store_idx %arg13[%select_n3A_161], %broadcast_in_dim3A_1 {add = true} : memref<10240xf32, #tpu.memory_space<vmem>>[vector<16xi32>], vector<16xf32>,
      %get3A_164 = arith.constant 96 : index
      %get3A_165 = tpu.vector_load %arg8[%get3A_164] {strides = array<i32>} : memref<128xi32, #tpu.memory_space<vmem>>, vector<16xi32>,
      %get3A_166 = arith.constant 96 : index
      %get3A_167 = tpu.vector_load %arg9[%get3A_166] {strides = array<i32>} : memref<128xi32, #tpu.memory_space<vmem>>, vector<16xi32>,
      %gather3A_168 = tpu.vector_load_idx %arg12[%get3A_165] : memref<10240xf32, #tpu.memory_space<vmem>>[vector<16xi32>], vector<16xf32>,
      %gather3A_169 = tpu.vector_load_idx %arg12[%get3A_167] : memref<10240xf32, #tpu.memory_space<vmem>>[vector<16xi32>], vector<16xf32>,
      %mul3A_170 = arith.mulf %gather3A_168, %gather3A_169 : vector<16xf32>
      %gt3A_171 = arith.constant 5.000000e-01 : f32
      %gt3A_172 = vector.broadcast %gt3A_171 : f32 to vector<16xf32>
      %gt3A_173 = arith.cmpf ogt, %mul3A_170, %gt3A_172 : vector<16xf32>
      %jit3A_174 = arith.constant 10000 : i32
      %broadcast_in_dim3A_175 = vector.broadcast %jit3A_174 : i32 to vector<16xi32>
      %select_n3A_176 = arith.select %gt3A_173, %get3A_167, %broadcast_in_dim3A_175 : vector<16xi1>, vector<16xi32>
      %swap3A_177 = arith.constant 96 : index
      %swap3A_178 = tpu.vector_load %arg10[%swap3A_177] {strides = array<i32>} : memref<128xi32, #tpu.memory_space<vmem>>, vector<16xi32>,
      tpu.vector_store %arg10[%swap3A_177], %select_n3A_176 {strides = array<i32>} : memref<128xi32, #tpu.memory_space<vmem>>, vector<16xi32>,
      tpu.vector_store_idx %arg13[%select_n3A_176], %broadcast_in_dim3A_1 {add = true} : memref<10240xf32, #tpu.memory_space<vmem>>[vector<16xi32>], vector<16xf32>,
      %get3A_179 = arith.constant 112 : index
      %get3A_180 = tpu.vector_load %arg8[%get3A_179] {strides = array<i32>} : memref<128xi32, #tpu.memory_space<vmem>>, vector<16xi32>,
      %get3A_181 = arith.constant 112 : index
      %get3A_182 = tpu.vector_load %arg9[%get3A_181] {strides = array<i32>} : memref<128xi32, #tpu.memory_space<vmem>>, vector<16xi32>,
      %gather3A_183 = tpu.vector_load_idx %arg12[%get3A_180] : memref<10240xf32, #tpu.memory_space<vmem>>[vector<16xi32>], vector<16xf32>,
      %gather3A_184 = tpu.vector_load_idx %arg12[%get3A_182] : memref<10240xf32, #tpu.memory_space<vmem>>[vector<16xi32>], vector<16xf32>,
      %mul3A_185 = arith.mulf %gather3A_183, %gather3A_184 : vector<16xf32>
      %gt3A_186 = arith.constant 5.000000e-01 : f32
      %gt3A_187 = vector.broadcast %gt3A_186 : f32 to vector<16xf32>
      %gt3A_188 = arith.cmpf ogt, %mul3A_185, %gt3A_187 : vector<16xf32>
      %jit3A_189 = arith.constant 10000 : i32
      %broadcast_in_dim3A_190 = vector.broadcast %jit3A_189 : i32 to vector<16xi32>
      %select_n3A_191 = arith.select %gt3A_188, %get3A_182, %broadcast_in_dim3A_190 : vector<16xi1>, vector<16xi32>
      %swap3A_192 = arith.constant 112 : index
      %swap3A_193 = tpu.vector_load %arg10[%swap3A_192] {strides = array<i32>} : memref<128xi32, #tpu.memory_space<vmem>>, vector<16xi32>,
      tpu.vector_store %arg10[%swap3A_192], %select_n3A_191 {strides = array<i32>} : memref<128xi32, #tpu.memory_space<vmem>>, vector<16xi32>,
      tpu.vector_store_idx %arg13[%select_n3A_191], %broadcast_in_dim3A_1 {add = true} : memref<10240xf32, #tpu.memory_space<vmem>>[vector<16xi32>], vector<16xf32>,
      %dma_start3A = arith.constant 0 : i32
      %dma_start3A_194 = arith.constant 0 : i32
      %dma_start3A_195 = tpu.memref_slice %arg2[%dma_start3A, %dma_start3A_194] : memref<10240x128xf32, #tpu.memory_space<hbm>> -> memref<10240x128xf32, #tpu.memory_space<hbm>>
      tpu.enqueue_indirect_dma source(%dma_start3A_195 : memref<10240x128xf32, #tpu.memory_space<hbm>>) target(%arg11 : memref<128x128xf32, #tpu.memory_space<vmem>>) offsets(%arg8 : memref<128xi32, #tpu.memory_space<vmem>>) semaphore(%arg18 : memref<!tpu.dma_semaphore, #tpu.memory_space<semaphore_mem>>)
      %dma_wait3A = arith.constant 0 : i32
      %dma_wait3A_196 = arith.constant 0 : i32
      %dma_wait3A_197 = tpu.memref_slice %arg2[%dma_wait3A, %dma_wait3A_196] : memref<10240x128xf32, #tpu.memory_space<hbm>> -> memref<10240x128xf32, #tpu.memory_space<hbm>>
      tpu.wait_indirect_dma semaphore(%arg18 : memref<!tpu.dma_semaphore, #tpu.memory_space<semaphore_mem>>) src(%dma_wait3A_197 : memref<10240x128xf32, #tpu.memory_space<hbm>>) dst(%arg11 : memref<128x128xf32, #tpu.memory_space<vmem>>)
      "tpu.region"() ({
        %run_scoped3A_199 = tpu.sem_alloc : memref<!tpu.dma_semaphore, #tpu.memory_space<semaphore_mem>>
        %dma_start3A_200 = arith.constant 0 : i32
        %dma_start3A_201 = arith.constant 0 : i32
        %dma_start3A_202 = tpu.memref_slice %arg16[%dma_start3A_200, %dma_start3A_201] : memref<10240x128xf32, #tpu.memory_space<vmem_shared>> -> memref<10240x128xf32, #tpu.memory_space<vmem_shared>>
        tpu.enqueue_indirect_dma source(%arg11 : memref<128x128xf32, #tpu.memory_space<vmem>>) target(%dma_start3A_202 : memref<10240x128xf32, #tpu.memory_space<vmem_shared>>) offsets(%arg10 : memref<128xi32, #tpu.memory_space<vmem>>) semaphore(%run_scoped3A_199 : memref<!tpu.dma_semaphore, #tpu.memory_space<semaphore_mem>>) {add = true}
        %dma_wait3A_203 = arith.constant 0 : i32
        %dma_wait3A_204 = arith.constant 0 : i32
        %dma_wait3A_205 = tpu.memref_slice %arg16[%dma_wait3A_203, %dma_wait3A_204] : memref<10240x128xf32, #tpu.memory_space<vmem_shared>> -> memref<10240x128xf32, #tpu.memory_space<vmem_shared>>
        tpu.wait_indirect_dma semaphore(%run_scoped3A_199 : memref<!tpu.dma_semaphore, #tpu.memory_space<semaphore_mem>>) src(%arg11 : memref<128x128xf32, #tpu.memory_space<vmem>>) dst(%dma_wait3A_205 : memref<10240x128xf32, #tpu.memory_space<vmem_shared>>)
        tpu.yield
      }) : () -> ()
      %scan3A_198 = arith.constant 0 : i32
      scf.yield %scan3A_198 : i32
    }
    %scan3A_41 = arith.constant 79 : i32
    %barrier3A_42 = arith.constant 0 : index
    tpu.barrier barrier_id(%barrier3A_42)
    "tpu.region"() ({
      %run_scoped3A_73 = tpu.sem_alloc : memref<!tpu.dma_semaphore, #tpu.memory_space<semaphore_mem>>
      %dma_start3A = arith.constant 0 : i32
      %dma_start3A_74 = tpu.memref_slice %arg17[%arg1, %dma_start3A] : memref<16x10240xf32, #tpu.memory_space<vmem_shared>> -> memref<1x10240xf32, #tpu.memory_space<vmem_shared>>
      %dma_start3A_75 = tpu.memref_squeeze %dma_start3A_74 : memref<1x10240xf32, #tpu.memory_space<vmem_shared>> -> memref<10240xf32, #tpu.memory_space<vmem_shared>>
      %dma_start3A_76 = arith.constant 0 : i32
      %dma_start3A_77 = tpu.memref_slice %arg17[%arg1, %dma_start3A_76] : memref<16x10240xf32, #tpu.memory_space<vmem_shared>> -> memref<1x10240xf32, #tpu.memory_space<vmem_shared>>
      %dma_start3A_78 = tpu.memref_squeeze %dma_start3A_77 : memref<1x10240xf32, #tpu.memory_space<vmem_shared>> -> memref<10240xf32, #tpu.memory_space<vmem_shared>>
      tpu.enqueue_dma source(%arg13 : memref<10240xf32, #tpu.memory_space<vmem>>) target(%dma_start3A_78 : memref<10240xf32, #tpu.memory_space<vmem_shared>>) target_semaphore(%run_scoped3A_73 : memref<!tpu.dma_semaphore, #tpu.memory_space<semaphore_mem>>)
      %dma_wait3A = arith.constant 0 : i32
      %dma_wait3A_79 = tpu.memref_slice %arg17[%arg1, %dma_wait3A] : memref<16x10240xf32, #tpu.memory_space<vmem_shared>> -> memref<1x10240xf32, #tpu.memory_space<vmem_shared>>
      %dma_wait3A_80 = tpu.memref_squeeze %dma_wait3A_79 : memref<1x10240xf32, #tpu.memory_space<vmem_shared>> -> memref<10240xf32, #tpu.memory_space<vmem_shared>>
      %dma_wait3A_81 = arith.constant 0 : i32
      %dma_wait3A_82 = tpu.memref_slice %arg17[%arg1, %dma_wait3A_81] : memref<16x10240xf32, #tpu.memory_space<vmem_shared>> -> memref<1x10240xf32, #tpu.memory_space<vmem_shared>>
      %dma_wait3A_83 = tpu.memref_squeeze %dma_wait3A_82 : memref<1x10240xf32, #tpu.memory_space<vmem_shared>> -> memref<10240xf32, #tpu.memory_space<vmem_shared>>
      tpu.wait_dma2 semaphore(%run_scoped3A_73 : memref<!tpu.dma_semaphore, #tpu.memory_space<semaphore_mem>>) src(%arg13 : memref<10240xf32, #tpu.memory_space<vmem>>) dst(%dma_wait3A_83 : memref<10240xf32, #tpu.memory_space<vmem_shared>>)
      tpu.yield
    }) : () -> ()
    %barrier3A_43 = arith.constant 0 : index
    tpu.barrier barrier_id(%barrier3A_43)
    %mul3A_44 = arith.constant 640 : i32
    %mul3A_45 = arith.muli %arg1, %mul3A_44 : i32
    %run_scoped3A = arith.constant 0 : i32
    "tpu.region"() ({
      %run_scoped3A_73 = tpu.sem_alloc : memref<!tpu.dma_semaphore, #tpu.memory_space<semaphore_mem>>
      %dma_start3A = tpu.memref_slice %arg17[%run_scoped3A, %mul3A_45] : memref<16x10240xf32, #tpu.memory_space<vmem_shared>> -> memref<1x640xf32, #tpu.memory_space<vmem_shared>>
      %dma_start3A_74 = tpu.memref_squeeze %dma_start3A : memref<1x640xf32, #tpu.memory_space<vmem_shared>> -> memref<640xf32, #tpu.memory_space<vmem_shared>>
      %dma_start3A_75 = tpu.memref_slice %arg17[%run_scoped3A, %mul3A_45] : memref<16x10240xf32, #tpu.memory_space<vmem_shared>> -> memref<1x640xf32, #tpu.memory_space<vmem_shared>>
      %dma_start3A_76 = tpu.memref_squeeze %dma_start3A_75 : memref<1x640xf32, #tpu.memory_space<vmem_shared>> -> memref<640xf32, #tpu.memory_space<vmem_shared>>
      tpu.enqueue_dma source(%dma_start3A_76 : memref<640xf32, #tpu.memory_space<vmem_shared>>) target(%arg14 : memref<640xf32, #tpu.memory_space<vmem>>) target_semaphore(%run_scoped3A_73 : memref<!tpu.dma_semaphore, #tpu.memory_space<semaphore_mem>>)
      %dma_wait3A = tpu.memref_slice %arg17[%run_scoped3A, %mul3A_45] : memref<16x10240xf32, #tpu.memory_space<vmem_shared>> -> memref<1x640xf32, #tpu.memory_space<vmem_shared>>
      %dma_wait3A_77 = tpu.memref_squeeze %dma_wait3A : memref<1x640xf32, #tpu.memory_space<vmem_shared>> -> memref<640xf32, #tpu.memory_space<vmem_shared>>
      %dma_wait3A_78 = tpu.memref_slice %arg17[%run_scoped3A, %mul3A_45] : memref<16x10240xf32, #tpu.memory_space<vmem_shared>> -> memref<1x640xf32, #tpu.memory_space<vmem_shared>>
      %dma_wait3A_79 = tpu.memref_squeeze %dma_wait3A_78 : memref<1x640xf32, #tpu.memory_space<vmem_shared>> -> memref<640xf32, #tpu.memory_space<vmem_shared>>
      tpu.wait_dma2 semaphore(%run_scoped3A_73 : memref<!tpu.dma_semaphore, #tpu.memory_space<semaphore_mem>>) src(%dma_wait3A_79 : memref<640xf32, #tpu.memory_space<vmem_shared>>) dst(%arg14 : memref<640xf32, #tpu.memory_space<vmem>>)
      tpu.yield
    }) : () -> ()
    %scan3A_46 = arith.constant 0 : i32
    %scan3A_47 = arith.constant 1 : i32
    %scan3A_48 = arith.constant 15 : i32
    %scan3A_49 = arith.addi %scan3A_47, %scan3A_48 : i32
    %scan3A_50 = arith.constant 1 : i32
    %scan3A_51 = scf.for %scan3A_73 = %scan3A_47 to %scan3A_49 step %scan3A_50 iter_args(%scan3A_74 = %scan3A_46) -> (i32)  : i32 {
      "tpu.region"() ({
        %run_scoped3A_83 = tpu.sem_alloc : memref<!tpu.dma_semaphore, #tpu.memory_space<semaphore_mem>>
        %dma_start3A = tpu.memref_slice %arg17[%scan3A_73, %mul3A_45] : memref<16x10240xf32, #tpu.memory_space<vmem_shared>> -> memref<1x640xf32, #tpu.memory_space<vmem_shared>>
        %dma_start3A_84 = tpu.memref_squeeze %dma_start3A : memref<1x640xf32, #tpu.memory_space<vmem_shared>> -> memref<640xf32, #tpu.memory_space<vmem_shared>>
        %dma_start3A_85 = tpu.memref_slice %arg17[%scan3A_73, %mul3A_45] : memref<16x10240xf32, #tpu.memory_space<vmem_shared>> -> memref<1x640xf32, #tpu.memory_space<vmem_shared>>
        %dma_start3A_86 = tpu.memref_squeeze %dma_start3A_85 : memref<1x640xf32, #tpu.memory_space<vmem_shared>> -> memref<640xf32, #tpu.memory_space<vmem_shared>>
        tpu.enqueue_dma source(%dma_start3A_86 : memref<640xf32, #tpu.memory_space<vmem_shared>>) target(%arg15 : memref<640xf32, #tpu.memory_space<vmem>>) target_semaphore(%run_scoped3A_83 : memref<!tpu.dma_semaphore, #tpu.memory_space<semaphore_mem>>)
        %dma_wait3A = tpu.memref_slice %arg17[%scan3A_73, %mul3A_45] : memref<16x10240xf32, #tpu.memory_space<vmem_shared>> -> memref<1x640xf32, #tpu.memory_space<vmem_shared>>
        %dma_wait3A_87 = tpu.memref_squeeze %dma_wait3A : memref<1x640xf32, #tpu.memory_space<vmem_shared>> -> memref<640xf32, #tpu.memory_space<vmem_shared>>
        %dma_wait3A_88 = tpu.memref_slice %arg17[%scan3A_73, %mul3A_45] : memref<16x10240xf32, #tpu.memory_space<vmem_shared>> -> memref<1x640xf32, #tpu.memory_space<vmem_shared>>
        %dma_wait3A_89 = tpu.memref_squeeze %dma_wait3A_88 : memref<1x640xf32, #tpu.memory_space<vmem_shared>> -> memref<640xf32, #tpu.memory_space<vmem_shared>>
        tpu.wait_dma2 semaphore(%run_scoped3A_83 : memref<!tpu.dma_semaphore, #tpu.memory_space<semaphore_mem>>) src(%dma_wait3A_89 : memref<640xf32, #tpu.memory_space<vmem_shared>>) dst(%arg15 : memref<640xf32, #tpu.memory_space<vmem>>)
        tpu.yield
      }) : () -> ()
      %scan3A_75 = arith.constant 0 : i32
      %scan3A_76 = arith.constant 0 : i32
      %scan3A_77 = arith.constant 40 : i32
      %scan3A_78 = arith.addi %scan3A_76, %scan3A_77 : i32
      %scan3A_79 = arith.constant 1 : i32
      %scan3A_80 = scf.for %scan3A_83 = %scan3A_76 to %scan3A_78 step %scan3A_79 iter_args(%scan3A_84 = %scan3A_75) -> (i32)  : i32 {
        %mul3A_85 = arith.constant 16 : i32
        %mul3A_86 = arith.muli %scan3A_83, %mul3A_85 : i32
        %get3A = arith.index_cast %mul3A_86 : i32 to index
        %get3A_87 = tpu.vector_load %arg14[%get3A] {strides = array<i32>} : memref<640xf32, #tpu.memory_space<vmem>>, vector<16xf32>,
        %get3A_88 = arith.index_cast %mul3A_86 : i32 to index
        %get3A_89 = tpu.vector_load %arg15[%get3A_88] {strides = array<i32>} : memref<640xf32, #tpu.memory_space<vmem>>, vector<16xf32>,
        %add3A_90 = arith.addf %get3A_87, %get3A_89 : vector<16xf32>
        %swap3A = arith.index_cast %mul3A_86 : i32 to index
        %swap3A_91 = tpu.vector_load %arg14[%swap3A] {strides = array<i32>} : memref<640xf32, #tpu.memory_space<vmem>>, vector<16xf32>,
        tpu.vector_store %arg14[%swap3A], %add3A_90 {strides = array<i32>} : memref<640xf32, #tpu.memory_space<vmem>>, vector<16xf32>,
        %scan3A_92 = arith.constant 0 : i32
        scf.yield %scan3A_92 : i32
      }
      %scan3A_81 = arith.constant 40 : i32
      %scan3A_82 = arith.constant 0 : i32
      scf.yield %scan3A_82 : i32
    }
    %scan3A_52 = arith.constant 15 : i32
    "tpu.region"() ({
      %run_scoped3A_73 = tpu.sem_alloc : memref<!tpu.dma_semaphore, #tpu.memory_space<semaphore_mem>>
      %dma_start3A = tpu.memref_slice %arg7[%arg0, %mul3A_45] : memref<2x10240xf32, #tpu.memory_space<hbm>> -> memref<1x640xf32, #tpu.memory_space<hbm>>
      %dma_start3A_74 = tpu.memref_squeeze %dma_start3A : memref<1x640xf32, #tpu.memory_space<hbm>> -> memref<640xf32, #tpu.memory_space<hbm>>
      %dma_start3A_75 = tpu.memref_slice %arg7[%arg0, %mul3A_45] : memref<2x10240xf32, #tpu.memory_space<hbm>> -> memref<1x640xf32, #tpu.memory_space<hbm>>
      %dma_start3A_76 = tpu.memref_squeeze %dma_start3A_75 : memref<1x640xf32, #tpu.memory_space<hbm>> -> memref<640xf32, #tpu.memory_space<hbm>>
      tpu.enqueue_dma source(%arg14 : memref<640xf32, #tpu.memory_space<vmem>>) target(%dma_start3A_76 : memref<640xf32, #tpu.memory_space<hbm>>) target_semaphore(%run_scoped3A_73 : memref<!tpu.dma_semaphore, #tpu.memory_space<semaphore_mem>>)
      %dma_wait3A = tpu.memref_slice %arg7[%arg0, %mul3A_45] : memref<2x10240xf32, #tpu.memory_space<hbm>> -> memref<1x640xf32, #tpu.memory_space<hbm>>
      %dma_wait3A_77 = tpu.memref_squeeze %dma_wait3A : memref<1x640xf32, #tpu.memory_space<hbm>> -> memref<640xf32, #tpu.memory_space<hbm>>
      %dma_wait3A_78 = tpu.memref_slice %arg7[%arg0, %mul3A_45] : memref<2x10240xf32, #tpu.memory_space<hbm>> -> memref<1x640xf32, #tpu.memory_space<hbm>>
      %dma_wait3A_79 = tpu.memref_squeeze %dma_wait3A_78 : memref<1x640xf32, #tpu.memory_space<hbm>> -> memref<640xf32, #tpu.memory_space<hbm>>
      tpu.wait_dma2 semaphore(%run_scoped3A_73 : memref<!tpu.dma_semaphore, #tpu.memory_space<semaphore_mem>>) src(%arg14 : memref<640xf32, #tpu.memory_space<vmem>>) dst(%dma_wait3A_79 : memref<640xf32, #tpu.memory_space<hbm>>)
      tpu.yield
    }) : () -> ()
    %mul3A_53 = arith.constant 640 : i32
    %mul3A_54 = arith.muli %arg1, %mul3A_53 : i32
    %add3A_55 = arith.constant 0 : i32
    %add3A_56 = arith.addi %mul3A_54, %add3A_55 : i32
    "tpu.region"() ({
      %run_scoped3A_73 = tpu.sem_alloc : memref<!tpu.dma_semaphore, #tpu.memory_space<semaphore_mem>>
      %dma_start3A = arith.constant 0 : i32
      %dma_start3A_74 = tpu.memref_slice %arg6[%arg0, %add3A_56, %dma_start3A] : memref<2x10240x128xf32, #tpu.memory_space<hbm>> -> memref<1x128x128xf32, #tpu.memory_space<hbm>>
      %dma_start3A_75 = tpu.memref_squeeze %dma_start3A_74 : memref<1x128x128xf32, #tpu.memory_space<hbm>> -> memref<128x128xf32, #tpu.memory_space<hbm>>
      %dma_start3A_76 = arith.constant 0 : i32
      %dma_start3A_77 = tpu.memref_slice %arg16[%add3A_56, %dma_start3A_76] : memref<10240x128xf32, #tpu.memory_space<vmem_shared>> -> memref<128x128xf32, #tpu.memory_space<vmem_shared>>
      tpu.enqueue_dma source(%dma_start3A_77 : memref<128x128xf32, #tpu.memory_space<vmem_shared>>) target(%dma_start3A_75 : memref<128x128xf32, #tpu.memory_space<hbm>>) target_semaphore(%run_scoped3A_73 : memref<!tpu.dma_semaphore, #tpu.memory_space<semaphore_mem>>)
      %dma_wait3A = arith.constant 0 : i32
      %dma_wait3A_78 = tpu.memref_slice %arg6[%arg0, %add3A_56, %dma_wait3A] : memref<2x10240x128xf32, #tpu.memory_space<hbm>> -> memref<1x128x128xf32, #tpu.memory_space<hbm>>
      %dma_wait3A_79 = tpu.memref_squeeze %dma_wait3A_78 : memref<1x128x128xf32, #tpu.memory_space<hbm>> -> memref<128x128xf32, #tpu.memory_space<hbm>>
      %dma_wait3A_80 = arith.constant 0 : i32
      %dma_wait3A_81 = tpu.memref_slice %arg16[%add3A_56, %dma_wait3A_80] : memref<10240x128xf32, #tpu.memory_space<vmem_shared>> -> memref<128x128xf32, #tpu.memory_space<vmem_shared>>
      tpu.wait_dma2 semaphore(%run_scoped3A_73 : memref<!tpu.dma_semaphore, #tpu.memory_space<semaphore_mem>>) src(%dma_wait3A_81 : memref<128x128xf32, #tpu.memory_space<vmem_shared>>) dst(%dma_wait3A_79 : memref<128x128xf32, #tpu.memory_space<hbm>>)
      tpu.yield
    }) : () -> ()
    %mul3A_57 = arith.constant 640 : i32
    %mul3A_58 = arith.muli %arg1, %mul3A_57 : i32
    %add3A_59 = arith.constant 128 : i32
    %add3A_60 = arith.addi %mul3A_58, %add3A_59 : i32
    "tpu.region"() ({
      %run_scoped3A_73 = tpu.sem_alloc : memref<!tpu.dma_semaphore, #tpu.memory_space<semaphore_mem>>
      %dma_start3A = arith.constant 0 : i32
      %dma_start3A_74 = tpu.memref_slice %arg6[%arg0, %add3A_60, %dma_start3A] : memref<2x10240x128xf32, #tpu.memory_space<hbm>> -> memref<1x128x128xf32, #tpu.memory_space<hbm>>
      %dma_start3A_75 = tpu.memref_squeeze %dma_start3A_74 : memref<1x128x128xf32, #tpu.memory_space<hbm>> -> memref<128x128xf32, #tpu.memory_space<hbm>>
      %dma_start3A_76 = arith.constant 0 : i32
      %dma_start3A_77 = tpu.memref_slice %arg16[%add3A_60, %dma_start3A_76] : memref<10240x128xf32, #tpu.memory_space<vmem_shared>> -> memref<128x128xf32, #tpu.memory_space<vmem_shared>>
      tpu.enqueue_dma source(%dma_start3A_77 : memref<128x128xf32, #tpu.memory_space<vmem_shared>>) target(%dma_start3A_75 : memref<128x128xf32, #tpu.memory_space<hbm>>) target_semaphore(%run_scoped3A_73 : memref<!tpu.dma_semaphore, #tpu.memory_space<semaphore_mem>>)
      %dma_wait3A = arith.constant 0 : i32
      %dma_wait3A_78 = tpu.memref_slice %arg6[%arg0, %add3A_60, %dma_wait3A] : memref<2x10240x128xf32, #tpu.memory_space<hbm>> -> memref<1x128x128xf32, #tpu.memory_space<hbm>>
      %dma_wait3A_79 = tpu.memref_squeeze %dma_wait3A_78 : memref<1x128x128xf32, #tpu.memory_space<hbm>> -> memref<128x128xf32, #tpu.memory_space<hbm>>
      %dma_wait3A_80 = arith.constant 0 : i32
      %dma_wait3A_81 = tpu.memref_slice %arg16[%add3A_60, %dma_wait3A_80] : memref<10240x128xf32, #tpu.memory_space<vmem_shared>> -> memref<128x128xf32, #tpu.memory_space<vmem_shared>>
      tpu.wait_dma2 semaphore(%run_scoped3A_73 : memref<!tpu.dma_semaphore, #tpu.memory_space<semaphore_mem>>) src(%dma_wait3A_81 : memref<128x128xf32, #tpu.memory_space<vmem_shared>>) dst(%dma_wait3A_79 : memref<128x128xf32, #tpu.memory_space<hbm>>)
      tpu.yield
    }) : () -> ()
    %mul3A_61 = arith.constant 640 : i32
    %mul3A_62 = arith.muli %arg1, %mul3A_61 : i32
    %add3A_63 = arith.constant 256 : i32
    %add3A_64 = arith.addi %mul3A_62, %add3A_63 : i32
    "tpu.region"() ({
      %run_scoped3A_73 = tpu.sem_alloc : memref<!tpu.dma_semaphore, #tpu.memory_space<semaphore_mem>>
      %dma_start3A = arith.constant 0 : i32
      %dma_start3A_74 = tpu.memref_slice %arg6[%arg0, %add3A_64, %dma_start3A] : memref<2x10240x128xf32, #tpu.memory_space<hbm>> -> memref<1x128x128xf32, #tpu.memory_space<hbm>>
      %dma_start3A_75 = tpu.memref_squeeze %dma_start3A_74 : memref<1x128x128xf32, #tpu.memory_space<hbm>> -> memref<128x128xf32, #tpu.memory_space<hbm>>
      %dma_start3A_76 = arith.constant 0 : i32
      %dma_start3A_77 = tpu.memref_slice %arg16[%add3A_64, %dma_start3A_76] : memref<10240x128xf32, #tpu.memory_space<vmem_shared>> -> memref<128x128xf32, #tpu.memory_space<vmem_shared>>
      tpu.enqueue_dma source(%dma_start3A_77 : memref<128x128xf32, #tpu.memory_space<vmem_shared>>) target(%dma_start3A_75 : memref<128x128xf32, #tpu.memory_space<hbm>>) target_semaphore(%run_scoped3A_73 : memref<!tpu.dma_semaphore, #tpu.memory_space<semaphore_mem>>)
      %dma_wait3A = arith.constant 0 : i32
      %dma_wait3A_78 = tpu.memref_slice %arg6[%arg0, %add3A_64, %dma_wait3A] : memref<2x10240x128xf32, #tpu.memory_space<hbm>> -> memref<1x128x128xf32, #tpu.memory_space<hbm>>
      %dma_wait3A_79 = tpu.memref_squeeze %dma_wait3A_78 : memref<1x128x128xf32, #tpu.memory_space<hbm>> -> memref<128x128xf32, #tpu.memory_space<hbm>>
      %dma_wait3A_80 = arith.constant 0 : i32
      %dma_wait3A_81 = tpu.memref_slice %arg16[%add3A_64, %dma_wait3A_80] : memref<10240x128xf32, #tpu.memory_space<vmem_shared>> -> memref<128x128xf32, #tpu.memory_space<vmem_shared>>
      tpu.wait_dma2 semaphore(%run_scoped3A_73 : memref<!tpu.dma_semaphore, #tpu.memory_space<semaphore_mem>>) src(%dma_wait3A_81 : memref<128x128xf32, #tpu.memory_space<vmem_shared>>) dst(%dma_wait3A_79 : memref<128x128xf32, #tpu.memory_space<hbm>>)
      tpu.yield
    }) : () -> ()
    %mul3A_65 = arith.constant 640 : i32
    %mul3A_66 = arith.muli %arg1, %mul3A_65 : i32
    %add3A_67 = arith.constant 384 : i32
    %add3A_68 = arith.addi %mul3A_66, %add3A_67 : i32
    "tpu.region"() ({
      %run_scoped3A_73 = tpu.sem_alloc : memref<!tpu.dma_semaphore, #tpu.memory_space<semaphore_mem>>
      %dma_start3A = arith.constant 0 : i32
      %dma_start3A_74 = tpu.memref_slice %arg6[%arg0, %add3A_68, %dma_start3A] : memref<2x10240x128xf32, #tpu.memory_space<hbm>> -> memref<1x128x128xf32, #tpu.memory_space<hbm>>
      %dma_start3A_75 = tpu.memref_squeeze %dma_start3A_74 : memref<1x128x128xf32, #tpu.memory_space<hbm>> -> memref<128x128xf32, #tpu.memory_space<hbm>>
      %dma_start3A_76 = arith.constant 0 : i32
      %dma_start3A_77 = tpu.memref_slice %arg16[%add3A_68, %dma_start3A_76] : memref<10240x128xf32, #tpu.memory_space<vmem_shared>> -> memref<128x128xf32, #tpu.memory_space<vmem_shared>>
      tpu.enqueue_dma source(%dma_start3A_77 : memref<128x128xf32, #tpu.memory_space<vmem_shared>>) target(%dma_start3A_75 : memref<128x128xf32, #tpu.memory_space<hbm>>) target_semaphore(%run_scoped3A_73 : memref<!tpu.dma_semaphore, #tpu.memory_space<semaphore_mem>>)
      %dma_wait3A = arith.constant 0 : i32
      %dma_wait3A_78 = tpu.memref_slice %arg6[%arg0, %add3A_68, %dma_wait3A] : memref<2x10240x128xf32, #tpu.memory_space<hbm>> -> memref<1x128x128xf32, #tpu.memory_space<hbm>>
      %dma_wait3A_79 = tpu.memref_squeeze %dma_wait3A_78 : memref<1x128x128xf32, #tpu.memory_space<hbm>> -> memref<128x128xf32, #tpu.memory_space<hbm>>
      %dma_wait3A_80 = arith.constant 0 : i32
      %dma_wait3A_81 = tpu.memref_slice %arg16[%add3A_68, %dma_wait3A_80] : memref<10240x128xf32, #tpu.memory_space<vmem_shared>> -> memref<128x128xf32, #tpu.memory_space<vmem_shared>>
      tpu.wait_dma2 semaphore(%run_scoped3A_73 : memref<!tpu.dma_semaphore, #tpu.memory_space<semaphore_mem>>) src(%dma_wait3A_81 : memref<128x128xf32, #tpu.memory_space<vmem_shared>>) dst(%dma_wait3A_79 : memref<128x128xf32, #tpu.memory_space<hbm>>)
      tpu.yield
    }) : () -> ()
    %mul3A_69 = arith.constant 640 : i32
    %mul3A_70 = arith.muli %arg1, %mul3A_69 : i32
    %add3A_71 = arith.constant 512 : i32
    %add3A_72 = arith.addi %mul3A_70, %add3A_71 : i32
    "tpu.region"() ({
      %run_scoped3A_73 = tpu.sem_alloc : memref<!tpu.dma_semaphore, #tpu.memory_space<semaphore_mem>>
      %dma_start3A = arith.constant 0 : i32
      %dma_start3A_74 = tpu.memref_slice %arg6[%arg0, %add3A_72, %dma_start3A] : memref<2x10240x128xf32, #tpu.memory_space<hbm>> -> memref<1x128x128xf32, #tpu.memory_space<hbm>>
      %dma_start3A_75 = tpu.memref_squeeze %dma_start3A_74 : memref<1x128x128xf32, #tpu.memory_space<hbm>> -> memref<128x128xf32, #tpu.memory_space<hbm>>
      %dma_start3A_76 = arith.constant 0 : i32
      %dma_start3A_77 = tpu.memref_slice %arg16[%add3A_72, %dma_start3A_76] : memref<10240x128xf32, #tpu.memory_space<vmem_shared>> -> memref<128x128xf32, #tpu.memory_space<vmem_shared>>
      tpu.enqueue_dma source(%dma_start3A_77 : memref<128x128xf32, #tpu.memory_space<vmem_shared>>) target(%dma_start3A_75 : memref<128x128xf32, #tpu.memory_space<hbm>>) target_semaphore(%run_scoped3A_73 : memref<!tpu.dma_semaphore, #tpu.memory_space<semaphore_mem>>)
      %dma_wait3A = arith.constant 0 : i32
      %dma_wait3A_78 = tpu.memref_slice %arg6[%arg0, %add3A_72, %dma_wait3A] : memref<2x10240x128xf32, #tpu.memory_space<hbm>> -> memref<1x128x128xf32, #tpu.memory_space<hbm>>
      %dma_wait3A_79 = tpu.memref_squeeze %dma_wait3A_78 : memref<1x128x128xf32, #tpu.memory_space<hbm>> -> memref<128x128xf32, #tpu.memory_space<hbm>>
      %dma_wait3A_80 = arith.constant 0 : i32
      %dma_wait3A_81 = tpu.memref_slice %arg16[%add3A_72, %dma_wait3A_80] : memref<10240x128xf32, #tpu.memory_space<vmem_shared>> -> memref<128x128xf32, #tpu.memory_space<vmem_shared>>
      tpu.wait_dma2 semaphore(%run_scoped3A_73 : memref<!tpu.dma_semaphore, #tpu.memory_space<semaphore_mem>>) src(%dma_wait3A_81 : memref<128x128xf32, #tpu.memory_space<vmem_shared>>) dst(%dma_wait3A_79 : memref<128x128xf32, #tpu.memory_space<hbm>>)
      tpu.yield
    }) : () -> ()
    return
  }
}

#map = affine_map<(d0, d1) -> (0, 0)>
#map1 = affine_map<(d0, d1) -> (0)>
#map2 = affine_map<(d0, d1) -> (0, 0, 0)>
module attributes {stable_mosaic.version = 14 : i64} {
  func.func @_mp_kernel(%arg0: i32, %arg1: i32, %arg2: memref<10240x128xf32, #tpu.memory_space<hbm>>, %arg3: memref<323584xi32, #tpu.memory_space<hbm>>, %arg4: memref<323584xi32, #tpu.memory_space<hbm>>, %arg5: memref<10240xf32, #tpu.memory_space<hbm>>, %arg6: memref<2x10240x128xf32, #tpu.memory_space<hbm>>, %arg7: memref<2x10240xf32, #tpu.memory_space<hbm>>, %arg8: memref<128xi32, #tpu.memory_space<vmem>>, %arg9: memref<128xi32, #tpu.memory_space<vmem>>, %arg10: memref<128xi32, #tpu.memory_space<vmem>>, %arg11: memref<128x128xf32, #tpu.memory_space<vmem>>, %arg12: memref<10240xf32, #tpu.memory_space<vmem>>, %arg13: memref<10240xf32, #tpu.memory_space<vmem>>, %arg14: memref<640xf32, #tpu.memory_space<vmem>>, %arg15: memref<640xf32, #tpu.memory_space<vmem>>, %arg16: memref<10240x128xf32, #tpu.memory_space<vmem_shared>>, %arg17: memref<16x10240xf32, #tpu.memory_space<vmem_shared>>, %arg18: memref<!tpu.dma_semaphore, #tpu.memory_space<semaphore_mem>>) attributes {dimension_semantics = [#tpu.dimension_semantics<core_parallel>, #tpu.dimension_semantics<subcore_parallel>], iteration_bounds = array<i64: 2, 16>, scalar_prefetch = 0 : i64, scratch_operands = 11 : i64, tpu.core_type = #tpu.core_type<sc_vector_subcore>, window_params = [{transform_indices = #map}, {transform_indices = #map1}, {transform_indices = #map1}, {transform_indices = #map1}, {transform_indices = #map2}, {transform_indices = #map}]} {
    %mul3A = arith.constant 16 : i32
    %mul3A_0 = arith.muli %arg0, %mul3A : i32
    %add3A = arith.addi %mul3A_0, %arg1 : i32
    %broadcast_in_dim3A = arith.constant 1.000000e+00 : f32
    %broadcast_in_dim3A_1 = vector.broadcast %broadcast_in_dim3A : f32 to vector<16xf32>
    "tpu.region"() ({
      %run_scoped3A_73 = tpu.sem_alloc : memref<!tpu.dma_semaphore, #tpu.memory_space<semaphore_mem>>
      tpu.enqueue_dma source(%arg5 : memref<10240xf32, #tpu.memory_space<hbm>>) target(%arg12 : memref<10240xf32, #tpu.memory_space<vmem>>) target_semaphore(%run_scoped3A_73 : memref<!tpu.dma_semaphore, #tpu.memory_space<semaphore_mem>>)
      tpu.wait_dma2 semaphore(%run_scoped3A_73 : memref<!tpu.dma_semaphore, #tpu.memory_space<semaphore_mem>>) src(%arg5 : memref<10240xf32, #tpu.memory_space<hbm>>) dst(%arg12 : memref<10240xf32, #tpu.memory_space<vmem>>)
      tpu.yield
    }) : () -> ()
    %scan3A = arith.constant 0 : i32
    %scan3A_2 = arith.constant 0 : i32
    %scan3A_3 = arith.constant 128 : i32
    %scan3A_4 = arith.addi %scan3A_2, %scan3A_3 : i32
    %scan3A_5 = arith.constant 1 : i32
    %scan3A_6 = scf.for %scan3A_73 = %scan3A_2 to %scan3A_4 step %scan3A_5 iter_args(%scan3A_74 = %scan3A) -> (i32)  : i32 {
      %broadcast_in_dim3A_75 = arith.constant 0.000000e+00 : f32
      %broadcast_in_dim3A_76 = vector.broadcast %broadcast_in_dim3A_75 : f32 to vector<16xf32>
      %swap3A = arith.index_cast %scan3A_73 : i32 to index
      %swap3A_77 = arith.constant 0 : index
      %swap3A_78 = tpu.vector_load %arg11[%swap3A, %swap3A_77] {strides = array<i32>} : memref<128x128xf32, #tpu.memory_space<vmem>>, vector<16xf32>,
      tpu.vector_store %arg11[%swap3A, %swap3A_77], %broadcast_in_dim3A_76 {strides = array<i32>} : memref<128x128xf32, #tpu.memory_space<vmem>>, vector<16xf32>,
      %broadcast_in_dim3A_79 = arith.constant 0.000000e+00 : f32
      %broadcast_in_dim3A_80 = vector.broadcast %broadcast_in_dim3A_79 : f32 to vector<16xf32>
      %swap3A_81 = arith.index_cast %scan3A_73 : i32 to index
      %swap3A_82 = arith.constant 16 : index
      %swap3A_83 = tpu.vector_load %arg11[%swap3A_81, %swap3A_82] {strides = array<i32>} : memref<128x128xf32, #tpu.memory_space<vmem>>, vector<16xf32>,
      tpu.vector_store %arg11[%swap3A_81, %swap3A_82], %broadcast_in_dim3A_80 {strides = array<i32>} : memref<128x128xf32, #tpu.memory_space<vmem>>, vector<16xf32>,
      %broadcast_in_dim3A_84 = arith.constant 0.000000e+00 : f32
      %broadcast_in_dim3A_85 = vector.broadcast %broadcast_in_dim3A_84 : f32 to vector<16xf32>
      %swap3A_86 = arith.index_cast %scan3A_73 : i32 to index
      %swap3A_87 = arith.constant 32 : index
      %swap3A_88 = tpu.vector_load %arg11[%swap3A_86, %swap3A_87] {strides = array<i32>} : memref<128x128xf32, #tpu.memory_space<vmem>>, vector<16xf32>,
      tpu.vector_store %arg11[%swap3A_86, %swap3A_87], %broadcast_in_dim3A_85 {strides = array<i32>} : memref<128x128xf32, #tpu.memory_space<vmem>>, vector<16xf32>,
      %broadcast_in_dim3A_89 = arith.constant 0.000000e+00 : f32
      %broadcast_in_dim3A_90 = vector.broadcast %broadcast_in_dim3A_89 : f32 to vector<16xf32>
      %swap3A_91 = arith.index_cast %scan3A_73 : i32 to index
      %swap3A_92 = arith.constant 48 : index
      %swap3A_93 = tpu.vector_load %arg11[%swap3A_91, %swap3A_92] {strides = array<i32>} : memref<128x128xf32, #tpu.memory_space<vmem>>, vector<16xf32>,
      tpu.vector_store %arg11[%swap3A_91, %swap3A_92], %broadcast_in_dim3A_90 {strides = array<i32>} : memref<128x128xf32, #tpu.memory_space<vmem>>, vector<16xf32>,
      %broadcast_in_dim3A_94 = arith.constant 0.000000e+00 : f32
      %broadcast_in_dim3A_95 = vector.broadcast %broadcast_in_dim3A_94 : f32 to vector<16xf32>
      %swap3A_96 = arith.index_cast %scan3A_73 : i32 to index
      %swap3A_97 = arith.constant 64 : index
      %swap3A_98 = tpu.vector_load %arg11[%swap3A_96, %swap3A_97] {strides = array<i32>} : memref<128x128xf32, #tpu.memory_space<vmem>>, vector<16xf32>,
      tpu.vector_store %arg11[%swap3A_96, %swap3A_97], %broadcast_in_dim3A_95 {strides = array<i32>} : memref<128x128xf32, #tpu.memory_space<vmem>>, vector<16xf32>,
      %broadcast_in_dim3A_99 = arith.constant 0.000000e+00 : f32
      %broadcast_in_dim3A_100 = vector.broadcast %broadcast_in_dim3A_99 : f32 to vector<16xf32>
      %swap3A_101 = arith.index_cast %scan3A_73 : i32 to index
      %swap3A_102 = arith.constant 80 : index
      %swap3A_103 = tpu.vector_load %arg11[%swap3A_101, %swap3A_102] {strides = array<i32>} : memref<128x128xf32, #tpu.memory_space<vmem>>, vector<16xf32>,
      tpu.vector_store %arg11[%swap3A_101, %swap3A_102], %broadcast_in_dim3A_100 {strides = array<i32>} : memref<128x128xf32, #tpu.memory_space<vmem>>, vector<16xf32>,
      %broadcast_in_dim3A_104 = arith.constant 0.000000e+00 : f32
      %broadcast_in_dim3A_105 = vector.broadcast %broadcast_in_dim3A_104 : f32 to vector<16xf32>
      %swap3A_106 = arith.index_cast %scan3A_73 : i32 to index
      %swap3A_107 = arith.constant 96 : index
      %swap3A_108 = tpu.vector_load %arg11[%swap3A_106, %swap3A_107] {strides = array<i32>} : memref<128x128xf32, #tpu.memory_space<vmem>>, vector<16xf32>,
      tpu.vector_store %arg11[%swap3A_106, %swap3A_107], %broadcast_in_dim3A_105 {strides = array<i32>} : memref<128x128xf32, #tpu.memory_space<vmem>>, vector<16xf32>,
      %broadcast_in_dim3A_109 = arith.constant 0.000000e+00 : f32
      %broadcast_in_dim3A_110 = vector.broadcast %broadcast_in_dim3A_109 : f32 to vector<16xf32>
      %swap3A_111 = arith.index_cast %scan3A_73 : i32 to index
      %swap3A_112 = arith.constant 112 : index
      %swap3A_113 = tpu.vector_load %arg11[%swap3A_111, %swap3A_112] {strides = array<i32>} : memref<128x128xf32, #tpu.memory_space<vmem>>, vector<16xf32>,
      tpu.vector_store %arg11[%swap3A_111, %swap3A_112], %broadcast_in_dim3A_110 {strides = array<i32>} : memref<128x128xf32, #tpu.memory_space<vmem>>, vector<16xf32>,
      %scan3A_114 = arith.constant 0 : i32
      scf.yield %scan3A_114 : i32
    }
    %scan3A_7 = arith.constant 128 : i32
    %mul3A_8 = arith.constant 640 : i32
    %mul3A_9 = arith.muli %arg1, %mul3A_8 : i32
    %add3A_10 = arith.constant 0 : i32
    %add3A_11 = arith.addi %mul3A_9, %add3A_10 : i32
    "tpu.region"() ({
      %run_scoped3A_73 = tpu.sem_alloc : memref<!tpu.dma_semaphore, #tpu.memory_space<semaphore_mem>>
      %dma_start3A = arith.constant 0 : i32
      %dma_start3A_74 = tpu.memref_slice %arg16[%add3A_11, %dma_start3A] : memref<10240x128xf32, #tpu.memory_space<vmem_shared>> -> memref<128x128xf32, #tpu.memory_space<vmem_shared>>
      %dma_start3A_75 = arith.constant 0 : i32
      %dma_start3A_76 = tpu.memref_slice %arg16[%add3A_11, %dma_start3A_75] : memref<10240x128xf32, #tpu.memory_space<vmem_shared>> -> memref<128x128xf32, #tpu.memory_space<vmem_shared>>
      tpu.enqueue_dma source(%arg11 : memref<128x128xf32, #tpu.memory_space<vmem>>) target(%dma_start3A_76 : memref<128x128xf32, #tpu.memory_space<vmem_shared>>) target_semaphore(%run_scoped3A_73 : memref<!tpu.dma_semaphore, #tpu.memory_space<semaphore_mem>>)
      %dma_wait3A = arith.constant 0 : i32
      %dma_wait3A_77 = tpu.memref_slice %arg16[%add3A_11, %dma_wait3A] : memref<10240x128xf32, #tpu.memory_space<vmem_shared>> -> memref<128x128xf32, #tpu.memory_space<vmem_shared>>
      %dma_wait3A_78 = arith.constant 0 : i32
      %dma_wait3A_79 = tpu.memref_slice %arg16[%add3A_11, %dma_wait3A_78] : memref<10240x128xf32, #tpu.memory_space<vmem_shared>> -> memref<128x128xf32, #tpu.memory_space<vmem_shared>>
      tpu.wait_dma2 semaphore(%run_scoped3A_73 : memref<!tpu.dma_semaphore, #tpu.memory_space<semaphore_mem>>) src(%arg11 : memref<128x128xf32, #tpu.memory_space<vmem>>) dst(%dma_wait3A_79 : memref<128x128xf32, #tpu.memory_space<vmem_shared>>)
      tpu.yield
    }) : () -> ()
    %mul3A_12 = arith.constant 640 : i32
    %mul3A_13 = arith.muli %arg1, %mul3A_12 : i32
    %add3A_14 = arith.constant 128 : i32
    %add3A_15 = arith.addi %mul3A_13, %add3A_14 : i32
    "tpu.region"() ({
      %run_scoped3A_73 = tpu.sem_alloc : memref<!tpu.dma_semaphore, #tpu.memory_space<semaphore_mem>>
      %dma_start3A = arith.constant 0 : i32
      %dma_start3A_74 = tpu.memref_slice %arg16[%add3A_15, %dma_start3A] : memref<10240x128xf32, #tpu.memory_space<vmem_shared>> -> memref<128x128xf32, #tpu.memory_space<vmem_shared>>
      %dma_start3A_75 = arith.constant 0 : i32
      %dma_start3A_76 = tpu.memref_slice %arg16[%add3A_15, %dma_start3A_75] : memref<10240x128xf32, #tpu.memory_space<vmem_shared>> -> memref<128x128xf32, #tpu.memory_space<vmem_shared>>
      tpu.enqueue_dma source(%arg11 : memref<128x128xf32, #tpu.memory_space<vmem>>) target(%dma_start3A_76 : memref<128x128xf32, #tpu.memory_space<vmem_shared>>) target_semaphore(%run_scoped3A_73 : memref<!tpu.dma_semaphore, #tpu.memory_space<semaphore_mem>>)
      %dma_wait3A = arith.constant 0 : i32
      %dma_wait3A_77 = tpu.memref_slice %arg16[%add3A_15, %dma_wait3A] : memref<10240x128xf32, #tpu.memory_space<vmem_shared>> -> memref<128x128xf32, #tpu.memory_space<vmem_shared>>
      %dma_wait3A_78 = arith.constant 0 : i32
      %dma_wait3A_79 = tpu.memref_slice %arg16[%add3A_15, %dma_wait3A_78] : memref<10240x128xf32, #tpu.memory_space<vmem_shared>> -> memref<128x128xf32, #tpu.memory_space<vmem_shared>>
      tpu.wait_dma2 semaphore(%run_scoped3A_73 : memref<!tpu.dma_semaphore, #tpu.memory_space<semaphore_mem>>) src(%arg11 : memref<128x128xf32, #tpu.memory_space<vmem>>) dst(%dma_wait3A_79 : memref<128x128xf32, #tpu.memory_space<vmem_shared>>)
      tpu.yield
    }) : () -> ()
    %mul3A_16 = arith.constant 640 : i32
    %mul3A_17 = arith.muli %arg1, %mul3A_16 : i32
    %add3A_18 = arith.constant 256 : i32
    %add3A_19 = arith.addi %mul3A_17, %add3A_18 : i32
    "tpu.region"() ({
      %run_scoped3A_73 = tpu.sem_alloc : memref<!tpu.dma_semaphore, #tpu.memory_space<semaphore_mem>>
      %dma_start3A = arith.constant 0 : i32
      %dma_start3A_74 = tpu.memref_slice %arg16[%add3A_19, %dma_start3A] : memref<10240x128xf32, #tpu.memory_space<vmem_shared>> -> memref<128x128xf32, #tpu.memory_space<vmem_shared>>
      %dma_start3A_75 = arith.constant 0 : i32
      %dma_start3A_76 = tpu.memref_slice %arg16[%add3A_19, %dma_start3A_75] : memref<10240x128xf32, #tpu.memory_space<vmem_shared>> -> memref<128x128xf32, #tpu.memory_space<vmem_shared>>
      tpu.enqueue_dma source(%arg11 : memref<128x128xf32, #tpu.memory_space<vmem>>) target(%dma_start3A_76 : memref<128x128xf32, #tpu.memory_space<vmem_shared>>) target_semaphore(%run_scoped3A_73 : memref<!tpu.dma_semaphore, #tpu.memory_space<semaphore_mem>>)
      %dma_wait3A = arith.constant 0 : i32
      %dma_wait3A_77 = tpu.memref_slice %arg16[%add3A_19, %dma_wait3A] : memref<10240x128xf32, #tpu.memory_space<vmem_shared>> -> memref<128x128xf32, #tpu.memory_space<vmem_shared>>
      %dma_wait3A_78 = arith.constant 0 : i32
      %dma_wait3A_79 = tpu.memref_slice %arg16[%add3A_19, %dma_wait3A_78] : memref<10240x128xf32, #tpu.memory_space<vmem_shared>> -> memref<128x128xf32, #tpu.memory_space<vmem_shared>>
      tpu.wait_dma2 semaphore(%run_scoped3A_73 : memref<!tpu.dma_semaphore, #tpu.memory_space<semaphore_mem>>) src(%arg11 : memref<128x128xf32, #tpu.memory_space<vmem>>) dst(%dma_wait3A_79 : memref<128x128xf32, #tpu.memory_space<vmem_shared>>)
      tpu.yield
    }) : () -> ()
    %mul3A_20 = arith.constant 640 : i32
    %mul3A_21 = arith.muli %arg1, %mul3A_20 : i32
    %add3A_22 = arith.constant 384 : i32
    %add3A_23 = arith.addi %mul3A_21, %add3A_22 : i32
    "tpu.region"() ({
      %run_scoped3A_73 = tpu.sem_alloc : memref<!tpu.dma_semaphore, #tpu.memory_space<semaphore_mem>>
      %dma_start3A = arith.constant 0 : i32
      %dma_start3A_74 = tpu.memref_slice %arg16[%add3A_23, %dma_start3A] : memref<10240x128xf32, #tpu.memory_space<vmem_shared>> -> memref<128x128xf32, #tpu.memory_space<vmem_shared>>
      %dma_start3A_75 = arith.constant 0 : i32
      %dma_start3A_76 = tpu.memref_slice %arg16[%add3A_23, %dma_start3A_75] : memref<10240x128xf32, #tpu.memory_space<vmem_shared>> -> memref<128x128xf32, #tpu.memory_space<vmem_shared>>
      tpu.enqueue_dma source(%arg11 : memref<128x128xf32, #tpu.memory_space<vmem>>) target(%dma_start3A_76 : memref<128x128xf32, #tpu.memory_space<vmem_shared>>) target_semaphore(%run_scoped3A_73 : memref<!tpu.dma_semaphore, #tpu.memory_space<semaphore_mem>>)
      %dma_wait3A = arith.constant 0 : i32
      %dma_wait3A_77 = tpu.memref_slice %arg16[%add3A_23, %dma_wait3A] : memref<10240x128xf32, #tpu.memory_space<vmem_shared>> -> memref<128x128xf32, #tpu.memory_space<vmem_shared>>
      %dma_wait3A_78 = arith.constant 0 : i32
      %dma_wait3A_79 = tpu.memref_slice %arg16[%add3A_23, %dma_wait3A_78] : memref<10240x128xf32, #tpu.memory_space<vmem_shared>> -> memref<128x128xf32, #tpu.memory_space<vmem_shared>>
      tpu.wait_dma2 semaphore(%run_scoped3A_73 : memref<!tpu.dma_semaphore, #tpu.memory_space<semaphore_mem>>) src(%arg11 : memref<128x128xf32, #tpu.memory_space<vmem>>) dst(%dma_wait3A_79 : memref<128x128xf32, #tpu.memory_space<vmem_shared>>)
      tpu.yield
    }) : () -> ()
    %mul3A_24 = arith.constant 640 : i32
    %mul3A_25 = arith.muli %arg1, %mul3A_24 : i32
    %add3A_26 = arith.constant 512 : i32
    %add3A_27 = arith.addi %mul3A_25, %add3A_26 : i32
    "tpu.region"() ({
      %run_scoped3A_73 = tpu.sem_alloc : memref<!tpu.dma_semaphore, #tpu.memory_space<semaphore_mem>>
      %dma_start3A = arith.constant 0 : i32
      %dma_start3A_74 = tpu.memref_slice %arg16[%add3A_27, %dma_start3A] : memref<10240x128xf32, #tpu.memory_space<vmem_shared>> -> memref<128x128xf32, #tpu.memory_space<vmem_shared>>
      %dma_start3A_75 = arith.constant 0 : i32
      %dma_start3A_76 = tpu.memref_slice %arg16[%add3A_27, %dma_start3A_75] : memref<10240x128xf32, #tpu.memory_space<vmem_shared>> -> memref<128x128xf32, #tpu.memory_space<vmem_shared>>
      tpu.enqueue_dma source(%arg11 : memref<128x128xf32, #tpu.memory_space<vmem>>) target(%dma_start3A_76 : memref<128x128xf32, #tpu.memory_space<vmem_shared>>) target_semaphore(%run_scoped3A_73 : memref<!tpu.dma_semaphore, #tpu.memory_space<semaphore_mem>>)
      %dma_wait3A = arith.constant 0 : i32
      %dma_wait3A_77 = tpu.memref_slice %arg16[%add3A_27, %dma_wait3A] : memref<10240x128xf32, #tpu.memory_space<vmem_shared>> -> memref<128x128xf32, #tpu.memory_space<vmem_shared>>
      %dma_wait3A_78 = arith.constant 0 : i32
      %dma_wait3A_79 = tpu.memref_slice %arg16[%add3A_27, %dma_wait3A_78] : memref<10240x128xf32, #tpu.memory_space<vmem_shared>> -> memref<128x128xf32, #tpu.memory_space<vmem_shared>>
      tpu.wait_dma2 semaphore(%run_scoped3A_73 : memref<!tpu.dma_semaphore, #tpu.memory_space<semaphore_mem>>) src(%arg11 : memref<128x128xf32, #tpu.memory_space<vmem>>) dst(%dma_wait3A_79 : memref<128x128xf32, #tpu.memory_space<vmem_shared>>)
      tpu.yield
    }) : () -> ()
    %scan3A_28 = arith.constant 0 : i32
    %scan3A_29 = arith.constant 0 : i32
    %scan3A_30 = arith.constant 640 : i32
    %scan3A_31 = arith.addi %scan3A_29, %scan3A_30 : i32
    %scan3A_32 = arith.constant 1 : i32
    %scan3A_33 = scf.for %scan3A_73 = %scan3A_29 to %scan3A_31 step %scan3A_32 iter_args(%scan3A_74 = %scan3A_28) -> (i32)  : i32 {
      %broadcast_in_dim3A_75 = arith.constant 0.000000e+00 : f32
      %broadcast_in_dim3A_76 = vector.broadcast %broadcast_in_dim3A_75 : f32 to vector<16xf32>
      %mul3A_77 = arith.constant 16 : i32
      %mul3A_78 = arith.muli %scan3A_73, %mul3A_77 : i32
      %swap3A = arith.index_cast %mul3A_78 : i32 to index
      %swap3A_79 = tpu.vector_load %arg13[%swap3A] {strides = array<i32>} : memref<10240xf32, #tpu.memory_space<vmem>>, vector<16xf32>,
      tpu.vector_store %arg13[%swap3A], %broadcast_in_dim3A_76 {strides = array<i32>} : memref<10240xf32, #tpu.memory_space<vmem>>, vector<16xf32>,
      %scan3A_80 = arith.constant 0 : i32
      scf.yield %scan3A_80 : i32
    }
    %scan3A_34 = arith.constant 640 : i32
    %barrier3A = arith.constant 0 : index
    tpu.barrier barrier_id(%barrier3A)
    %scan3A_35 = arith.constant 0 : i32
    %scan3A_36 = arith.constant 0 : i32
    %scan3A_37 = arith.constant 79 : i32
    %scan3A_38 = arith.addi %scan3A_36, %scan3A_37 : i32
    %scan3A_39 = arith.constant 1 : i32
    %scan3A_40 = scf.for %scan3A_73 = %scan3A_36 to %scan3A_38 step %scan3A_39 iter_args(%scan3A_74 = %scan3A_35) -> (i32)  : i32 {
      %mul3A_75 = arith.constant 79 : i32
      %mul3A_76 = arith.muli %add3A, %mul3A_75 : i32
      %add3A_77 = arith.addi %mul3A_76, %scan3A_73 : i32
      %mul3A_78 = arith.constant 128 : i32
      %mul3A_79 = arith.muli %add3A_77, %mul3A_78 : i32
      "tpu.region"() ({
        %run_scoped3A_199 = tpu.sem_alloc : memref<!tpu.dma_semaphore, #tpu.memory_space<semaphore_mem>>
        %dma_start3A_200 = tpu.memref_slice %arg3[%mul3A_79] : memref<323584xi32, #tpu.memory_space<hbm>> -> memref<128xi32, #tpu.memory_space<hbm>>
        %dma_start3A_201 = tpu.memref_slice %arg3[%mul3A_79] : memref<323584xi32, #tpu.memory_space<hbm>> -> memref<128xi32, #tpu.memory_space<hbm>>
        tpu.enqueue_dma source(%dma_start3A_201 : memref<128xi32, #tpu.memory_space<hbm>>) target(%arg8 : memref<128xi32, #tpu.memory_space<vmem>>) target_semaphore(%run_scoped3A_199 : memref<!tpu.dma_semaphore, #tpu.memory_space<semaphore_mem>>)
        %dma_wait3A_202 = tpu.memref_slice %arg3[%mul3A_79] : memref<323584xi32, #tpu.memory_space<hbm>> -> memref<128xi32, #tpu.memory_space<hbm>>
        %dma_wait3A_203 = tpu.memref_slice %arg3[%mul3A_79] : memref<323584xi32, #tpu.memory_space<hbm>> -> memref<128xi32, #tpu.memory_space<hbm>>
        tpu.wait_dma2 semaphore(%run_scoped3A_199 : memref<!tpu.dma_semaphore, #tpu.memory_space<semaphore_mem>>) src(%dma_wait3A_203 : memref<128xi32, #tpu.memory_space<hbm>>) dst(%arg8 : memref<128xi32, #tpu.memory_space<vmem>>)
        tpu.yield
      }) : () -> ()
      "tpu.region"() ({
        %run_scoped3A_199 = tpu.sem_alloc : memref<!tpu.dma_semaphore, #tpu.memory_space<semaphore_mem>>
        %dma_start3A_200 = tpu.memref_slice %arg4[%mul3A_79] : memref<323584xi32, #tpu.memory_space<hbm>> -> memref<128xi32, #tpu.memory_space<hbm>>
        %dma_start3A_201 = tpu.memref_slice %arg4[%mul3A_79] : memref<323584xi32, #tpu.memory_space<hbm>> -> memref<128xi32, #tpu.memory_space<hbm>>
        tpu.enqueue_dma source(%dma_start3A_201 : memref<128xi32, #tpu.memory_space<hbm>>) target(%arg9 : memref<128xi32, #tpu.memory_space<vmem>>) target_semaphore(%run_scoped3A_199 : memref<!tpu.dma_semaphore, #tpu.memory_space<semaphore_mem>>)
        %dma_wait3A_202 = tpu.memref_slice %arg4[%mul3A_79] : memref<323584xi32, #tpu.memory_space<hbm>> -> memref<128xi32, #tpu.memory_space<hbm>>
        %dma_wait3A_203 = tpu.memref_slice %arg4[%mul3A_79] : memref<323584xi32, #tpu.memory_space<hbm>> -> memref<128xi32, #tpu.memory_space<hbm>>
        tpu.wait_dma2 semaphore(%run_scoped3A_199 : memref<!tpu.dma_semaphore, #tpu.memory_space<semaphore_mem>>) src(%dma_wait3A_203 : memref<128xi32, #tpu.memory_space<hbm>>) dst(%arg9 : memref<128xi32, #tpu.memory_space<vmem>>)
        tpu.yield
      }) : () -> ()
      %get3A = arith.constant 0 : index
      %get3A_80 = tpu.vector_load %arg8[%get3A] {strides = array<i32>} : memref<128xi32, #tpu.memory_space<vmem>>, vector<16xi32>,
      %get3A_81 = arith.constant 0 : index
      %get3A_82 = tpu.vector_load %arg9[%get3A_81] {strides = array<i32>} : memref<128xi32, #tpu.memory_space<vmem>>, vector<16xi32>,
      %gather3A = tpu.vector_load_idx %arg12[%get3A_80] : memref<10240xf32, #tpu.memory_space<vmem>>[vector<16xi32>], vector<16xf32>,
      %gather3A_83 = tpu.vector_load_idx %arg12[%get3A_82] : memref<10240xf32, #tpu.memory_space<vmem>>[vector<16xi32>], vector<16xf32>,
      %mul3A_84 = arith.mulf %gather3A, %gather3A_83 : vector<16xf32>
      %gt3A = arith.constant 5.000000e-01 : f32
      %gt3A_85 = vector.broadcast %gt3A : f32 to vector<16xf32>
      %gt3A_86 = arith.cmpf ogt, %mul3A_84, %gt3A_85 : vector<16xf32>
      %jit3A = arith.constant 10000 : i32
      %broadcast_in_dim3A_87 = vector.broadcast %jit3A : i32 to vector<16xi32>
      %select_n3A = arith.select %gt3A_86, %get3A_82, %broadcast_in_dim3A_87 : vector<16xi1>, vector<16xi32>
      %swap3A = arith.constant 0 : index
      %swap3A_88 = tpu.vector_load %arg10[%swap3A] {strides = array<i32>} : memref<128xi32, #tpu.memory_space<vmem>>, vector<16xi32>,
      tpu.vector_store %arg10[%swap3A], %select_n3A {strides = array<i32>} : memref<128xi32, #tpu.memory_space<vmem>>, vector<16xi32>,
      tpu.vector_store_idx %arg13[%select_n3A], %broadcast_in_dim3A_1 {add = true} : memref<10240xf32, #tpu.memory_space<vmem>>[vector<16xi32>], vector<16xf32>,
      %get3A_89 = arith.constant 16 : index
      %get3A_90 = tpu.vector_load %arg8[%get3A_89] {strides = array<i32>} : memref<128xi32, #tpu.memory_space<vmem>>, vector<16xi32>,
      %get3A_91 = arith.constant 16 : index
      %get3A_92 = tpu.vector_load %arg9[%get3A_91] {strides = array<i32>} : memref<128xi32, #tpu.memory_space<vmem>>, vector<16xi32>,
      %gather3A_93 = tpu.vector_load_idx %arg12[%get3A_90] : memref<10240xf32, #tpu.memory_space<vmem>>[vector<16xi32>], vector<16xf32>,
      %gather3A_94 = tpu.vector_load_idx %arg12[%get3A_92] : memref<10240xf32, #tpu.memory_space<vmem>>[vector<16xi32>], vector<16xf32>,
      %mul3A_95 = arith.mulf %gather3A_93, %gather3A_94 : vector<16xf32>
      %gt3A_96 = arith.constant 5.000000e-01 : f32
      %gt3A_97 = vector.broadcast %gt3A_96 : f32 to vector<16xf32>
      %gt3A_98 = arith.cmpf ogt, %mul3A_95, %gt3A_97 : vector<16xf32>
      %jit3A_99 = arith.constant 10000 : i32
      %broadcast_in_dim3A_100 = vector.broadcast %jit3A_99 : i32 to vector<16xi32>
      %select_n3A_101 = arith.select %gt3A_98, %get3A_92, %broadcast_in_dim3A_100 : vector<16xi1>, vector<16xi32>
      %swap3A_102 = arith.constant 16 : index
      %swap3A_103 = tpu.vector_load %arg10[%swap3A_102] {strides = array<i32>} : memref<128xi32, #tpu.memory_space<vmem>>, vector<16xi32>,
      tpu.vector_store %arg10[%swap3A_102], %select_n3A_101 {strides = array<i32>} : memref<128xi32, #tpu.memory_space<vmem>>, vector<16xi32>,
      tpu.vector_store_idx %arg13[%select_n3A_101], %broadcast_in_dim3A_1 {add = true} : memref<10240xf32, #tpu.memory_space<vmem>>[vector<16xi32>], vector<16xf32>,
      %get3A_104 = arith.constant 32 : index
      %get3A_105 = tpu.vector_load %arg8[%get3A_104] {strides = array<i32>} : memref<128xi32, #tpu.memory_space<vmem>>, vector<16xi32>,
      %get3A_106 = arith.constant 32 : index
      %get3A_107 = tpu.vector_load %arg9[%get3A_106] {strides = array<i32>} : memref<128xi32, #tpu.memory_space<vmem>>, vector<16xi32>,
      %gather3A_108 = tpu.vector_load_idx %arg12[%get3A_105] : memref<10240xf32, #tpu.memory_space<vmem>>[vector<16xi32>], vector<16xf32>,
      %gather3A_109 = tpu.vector_load_idx %arg12[%get3A_107] : memref<10240xf32, #tpu.memory_space<vmem>>[vector<16xi32>], vector<16xf32>,
      %mul3A_110 = arith.mulf %gather3A_108, %gather3A_109 : vector<16xf32>
      %gt3A_111 = arith.constant 5.000000e-01 : f32
      %gt3A_112 = vector.broadcast %gt3A_111 : f32 to vector<16xf32>
      %gt3A_113 = arith.cmpf ogt, %mul3A_110, %gt3A_112 : vector<16xf32>
      %jit3A_114 = arith.constant 10000 : i32
      %broadcast_in_dim3A_115 = vector.broadcast %jit3A_114 : i32 to vector<16xi32>
      %select_n3A_116 = arith.select %gt3A_113, %get3A_107, %broadcast_in_dim3A_115 : vector<16xi1>, vector<16xi32>
      %swap3A_117 = arith.constant 32 : index
      %swap3A_118 = tpu.vector_load %arg10[%swap3A_117] {strides = array<i32>} : memref<128xi32, #tpu.memory_space<vmem>>, vector<16xi32>,
      tpu.vector_store %arg10[%swap3A_117], %select_n3A_116 {strides = array<i32>} : memref<128xi32, #tpu.memory_space<vmem>>, vector<16xi32>,
      tpu.vector_store_idx %arg13[%select_n3A_116], %broadcast_in_dim3A_1 {add = true} : memref<10240xf32, #tpu.memory_space<vmem>>[vector<16xi32>], vector<16xf32>,
      %get3A_119 = arith.constant 48 : index
      %get3A_120 = tpu.vector_load %arg8[%get3A_119] {strides = array<i32>} : memref<128xi32, #tpu.memory_space<vmem>>, vector<16xi32>,
      %get3A_121 = arith.constant 48 : index
      %get3A_122 = tpu.vector_load %arg9[%get3A_121] {strides = array<i32>} : memref<128xi32, #tpu.memory_space<vmem>>, vector<16xi32>,
      %gather3A_123 = tpu.vector_load_idx %arg12[%get3A_120] : memref<10240xf32, #tpu.memory_space<vmem>>[vector<16xi32>], vector<16xf32>,
      %gather3A_124 = tpu.vector_load_idx %arg12[%get3A_122] : memref<10240xf32, #tpu.memory_space<vmem>>[vector<16xi32>], vector<16xf32>,
      %mul3A_125 = arith.mulf %gather3A_123, %gather3A_124 : vector<16xf32>
      %gt3A_126 = arith.constant 5.000000e-01 : f32
      %gt3A_127 = vector.broadcast %gt3A_126 : f32 to vector<16xf32>
      %gt3A_128 = arith.cmpf ogt, %mul3A_125, %gt3A_127 : vector<16xf32>
      %jit3A_129 = arith.constant 10000 : i32
      %broadcast_in_dim3A_130 = vector.broadcast %jit3A_129 : i32 to vector<16xi32>
      %select_n3A_131 = arith.select %gt3A_128, %get3A_122, %broadcast_in_dim3A_130 : vector<16xi1>, vector<16xi32>
      %swap3A_132 = arith.constant 48 : index
      %swap3A_133 = tpu.vector_load %arg10[%swap3A_132] {strides = array<i32>} : memref<128xi32, #tpu.memory_space<vmem>>, vector<16xi32>,
      tpu.vector_store %arg10[%swap3A_132], %select_n3A_131 {strides = array<i32>} : memref<128xi32, #tpu.memory_space<vmem>>, vector<16xi32>,
      tpu.vector_store_idx %arg13[%select_n3A_131], %broadcast_in_dim3A_1 {add = true} : memref<10240xf32, #tpu.memory_space<vmem>>[vector<16xi32>], vector<16xf32>,
      %get3A_134 = arith.constant 64 : index
      %get3A_135 = tpu.vector_load %arg8[%get3A_134] {strides = array<i32>} : memref<128xi32, #tpu.memory_space<vmem>>, vector<16xi32>,
      %get3A_136 = arith.constant 64 : index
      %get3A_137 = tpu.vector_load %arg9[%get3A_136] {strides = array<i32>} : memref<128xi32, #tpu.memory_space<vmem>>, vector<16xi32>,
      %gather3A_138 = tpu.vector_load_idx %arg12[%get3A_135] : memref<10240xf32, #tpu.memory_space<vmem>>[vector<16xi32>], vector<16xf32>,
      %gather3A_139 = tpu.vector_load_idx %arg12[%get3A_137] : memref<10240xf32, #tpu.memory_space<vmem>>[vector<16xi32>], vector<16xf32>,
      %mul3A_140 = arith.mulf %gather3A_138, %gather3A_139 : vector<16xf32>
      %gt3A_141 = arith.constant 5.000000e-01 : f32
      %gt3A_142 = vector.broadcast %gt3A_141 : f32 to vector<16xf32>
      %gt3A_143 = arith.cmpf ogt, %mul3A_140, %gt3A_142 : vector<16xf32>
      %jit3A_144 = arith.constant 10000 : i32
      %broadcast_in_dim3A_145 = vector.broadcast %jit3A_144 : i32 to vector<16xi32>
      %select_n3A_146 = arith.select %gt3A_143, %get3A_137, %broadcast_in_dim3A_145 : vector<16xi1>, vector<16xi32>
      %swap3A_147 = arith.constant 64 : index
      %swap3A_148 = tpu.vector_load %arg10[%swap3A_147] {strides = array<i32>} : memref<128xi32, #tpu.memory_space<vmem>>, vector<16xi32>,
      tpu.vector_store %arg10[%swap3A_147], %select_n3A_146 {strides = array<i32>} : memref<128xi32, #tpu.memory_space<vmem>>, vector<16xi32>,
      tpu.vector_store_idx %arg13[%select_n3A_146], %broadcast_in_dim3A_1 {add = true} : memref<10240xf32, #tpu.memory_space<vmem>>[vector<16xi32>], vector<16xf32>,
      %get3A_149 = arith.constant 80 : index
      %get3A_150 = tpu.vector_load %arg8[%get3A_149] {strides = array<i32>} : memref<128xi32, #tpu.memory_space<vmem>>, vector<16xi32>,
      %get3A_151 = arith.constant 80 : index
      %get3A_152 = tpu.vector_load %arg9[%get3A_151] {strides = array<i32>} : memref<128xi32, #tpu.memory_space<vmem>>, vector<16xi32>,
      %gather3A_153 = tpu.vector_load_idx %arg12[%get3A_150] : memref<10240xf32, #tpu.memory_space<vmem>>[vector<16xi32>], vector<16xf32>,
      %gather3A_154 = tpu.vector_load_idx %arg12[%get3A_152] : memref<10240xf32, #tpu.memory_space<vmem>>[vector<16xi32>], vector<16xf32>,
      %mul3A_155 = arith.mulf %gather3A_153, %gather3A_154 : vector<16xf32>
      %gt3A_156 = arith.constant 5.000000e-01 : f32
      %gt3A_157 = vector.broadcast %gt3A_156 : f32 to vector<16xf32>
      %gt3A_158 = arith.cmpf ogt, %mul3A_155, %gt3A_157 : vector<16xf32>
      %jit3A_159 = arith.constant 10000 : i32
      %broadcast_in_dim3A_160 = vector.broadcast %jit3A_159 : i32 to vector<16xi32>
      %select_n3A_161 = arith.select %gt3A_158, %get3A_152, %broadcast_in_dim3A_160 : vector<16xi1>, vector<16xi32>
      %swap3A_162 = arith.constant 80 : index
      %swap3A_163 = tpu.vector_load %arg10[%swap3A_162] {strides = array<i32>} : memref<128xi32, #tpu.memory_space<vmem>>, vector<16xi32>,
      tpu.vector_store %arg10[%swap3A_162], %select_n3A_161 {strides = array<i32>} : memref<128xi32, #tpu.memory_space<vmem>>, vector<16xi32>,
      tpu.vector_store_idx %arg13[%select_n3A_161], %broadcast_in_dim3A_1 {add = true} : memref<10240xf32, #tpu.memory_space<vmem>>[vector<16xi32>], vector<16xf32>,
      %get3A_164 = arith.constant 96 : index
      %get3A_165 = tpu.vector_load %arg8[%get3A_164] {strides = array<i32>} : memref<128xi32, #tpu.memory_space<vmem>>, vector<16xi32>,
      %get3A_166 = arith.constant 96 : index
      %get3A_167 = tpu.vector_load %arg9[%get3A_166] {strides = array<i32>} : memref<128xi32, #tpu.memory_space<vmem>>, vector<16xi32>,
      %gather3A_168 = tpu.vector_load_idx %arg12[%get3A_165] : memref<10240xf32, #tpu.memory_space<vmem>>[vector<16xi32>], vector<16xf32>,
      %gather3A_169 = tpu.vector_load_idx %arg12[%get3A_167] : memref<10240xf32, #tpu.memory_space<vmem>>[vector<16xi32>], vector<16xf32>,
      %mul3A_170 = arith.mulf %gather3A_168, %gather3A_169 : vector<16xf32>
      %gt3A_171 = arith.constant 5.000000e-01 : f32
      %gt3A_172 = vector.broadcast %gt3A_171 : f32 to vector<16xf32>
      %gt3A_173 = arith.cmpf ogt, %mul3A_170, %gt3A_172 : vector<16xf32>
      %jit3A_174 = arith.constant 10000 : i32
      %broadcast_in_dim3A_175 = vector.broadcast %jit3A_174 : i32 to vector<16xi32>
      %select_n3A_176 = arith.select %gt3A_173, %get3A_167, %broadcast_in_dim3A_175 : vector<16xi1>, vector<16xi32>
      %swap3A_177 = arith.constant 96 : index
      %swap3A_178 = tpu.vector_load %arg10[%swap3A_177] {strides = array<i32>} : memref<128xi32, #tpu.memory_space<vmem>>, vector<16xi32>,
      tpu.vector_store %arg10[%swap3A_177], %select_n3A_176 {strides = array<i32>} : memref<128xi32, #tpu.memory_space<vmem>>, vector<16xi32>,
      tpu.vector_store_idx %arg13[%select_n3A_176], %broadcast_in_dim3A_1 {add = true} : memref<10240xf32, #tpu.memory_space<vmem>>[vector<16xi32>], vector<16xf32>,
      %get3A_179 = arith.constant 112 : index
      %get3A_180 = tpu.vector_load %arg8[%get3A_179] {strides = array<i32>} : memref<128xi32, #tpu.memory_space<vmem>>, vector<16xi32>,
      %get3A_181 = arith.constant 112 : index
      %get3A_182 = tpu.vector_load %arg9[%get3A_181] {strides = array<i32>} : memref<128xi32, #tpu.memory_space<vmem>>, vector<16xi32>,
      %gather3A_183 = tpu.vector_load_idx %arg12[%get3A_180] : memref<10240xf32, #tpu.memory_space<vmem>>[vector<16xi32>], vector<16xf32>,
      %gather3A_184 = tpu.vector_load_idx %arg12[%get3A_182] : memref<10240xf32, #tpu.memory_space<vmem>>[vector<16xi32>], vector<16xf32>,
      %mul3A_185 = arith.mulf %gather3A_183, %gather3A_184 : vector<16xf32>
      %gt3A_186 = arith.constant 5.000000e-01 : f32
      %gt3A_187 = vector.broadcast %gt3A_186 : f32 to vector<16xf32>
      %gt3A_188 = arith.cmpf ogt, %mul3A_185, %gt3A_187 : vector<16xf32>
      %jit3A_189 = arith.constant 10000 : i32
      %broadcast_in_dim3A_190 = vector.broadcast %jit3A_189 : i32 to vector<16xi32>
      %select_n3A_191 = arith.select %gt3A_188, %get3A_182, %broadcast_in_dim3A_190 : vector<16xi1>, vector<16xi32>
      %swap3A_192 = arith.constant 112 : index
      %swap3A_193 = tpu.vector_load %arg10[%swap3A_192] {strides = array<i32>} : memref<128xi32, #tpu.memory_space<vmem>>, vector<16xi32>,
      tpu.vector_store %arg10[%swap3A_192], %select_n3A_191 {strides = array<i32>} : memref<128xi32, #tpu.memory_space<vmem>>, vector<16xi32>,
      tpu.vector_store_idx %arg13[%select_n3A_191], %broadcast_in_dim3A_1 {add = true} : memref<10240xf32, #tpu.memory_space<vmem>>[vector<16xi32>], vector<16xf32>,
      %dma_start3A = arith.constant 0 : i32
      %dma_start3A_194 = arith.constant 0 : i32
      %dma_start3A_195 = tpu.memref_slice %arg2[%dma_start3A, %dma_start3A_194] : memref<10240x128xf32, #tpu.memory_space<hbm>> -> memref<10240x128xf32, #tpu.memory_space<hbm>>
      tpu.enqueue_indirect_dma source(%dma_start3A_195 : memref<10240x128xf32, #tpu.memory_space<hbm>>) target(%arg11 : memref<128x128xf32, #tpu.memory_space<vmem>>) offsets(%arg8 : memref<128xi32, #tpu.memory_space<vmem>>) semaphore(%arg18 : memref<!tpu.dma_semaphore, #tpu.memory_space<semaphore_mem>>)
      %dma_wait3A = arith.constant 0 : i32
      %dma_wait3A_196 = arith.constant 0 : i32
      %dma_wait3A_197 = tpu.memref_slice %arg2[%dma_wait3A, %dma_wait3A_196] : memref<10240x128xf32, #tpu.memory_space<hbm>> -> memref<10240x128xf32, #tpu.memory_space<hbm>>
      tpu.wait_indirect_dma semaphore(%arg18 : memref<!tpu.dma_semaphore, #tpu.memory_space<semaphore_mem>>) src(%dma_wait3A_197 : memref<10240x128xf32, #tpu.memory_space<hbm>>) dst(%arg11 : memref<128x128xf32, #tpu.memory_space<vmem>>)
      "tpu.region"() ({
        %run_scoped3A_199 = tpu.sem_alloc : memref<!tpu.dma_semaphore, #tpu.memory_space<semaphore_mem>>
        %dma_start3A_200 = arith.constant 0 : i32
        %dma_start3A_201 = arith.constant 0 : i32
        %dma_start3A_202 = tpu.memref_slice %arg16[%dma_start3A_200, %dma_start3A_201] : memref<10240x128xf32, #tpu.memory_space<vmem_shared>> -> memref<10240x128xf32, #tpu.memory_space<vmem_shared>>
        tpu.enqueue_indirect_dma source(%arg11 : memref<128x128xf32, #tpu.memory_space<vmem>>) target(%dma_start3A_202 : memref<10240x128xf32, #tpu.memory_space<vmem_shared>>) offsets(%arg10 : memref<128xi32, #tpu.memory_space<vmem>>) semaphore(%run_scoped3A_199 : memref<!tpu.dma_semaphore, #tpu.memory_space<semaphore_mem>>) {add = true}
        %dma_wait3A_203 = arith.constant 0 : i32
        %dma_wait3A_204 = arith.constant 0 : i32
        %dma_wait3A_205 = tpu.memref_slice %arg16[%dma_wait3A_203, %dma_wait3A_204] : memref<10240x128xf32, #tpu.memory_space<vmem_shared>> -> memref<10240x128xf32, #tpu.memory_space<vmem_shared>>
        tpu.wait_indirect_dma semaphore(%run_scoped3A_199 : memref<!tpu.dma_semaphore, #tpu.memory_space<semaphore_mem>>) src(%arg11 : memref<128x128xf32, #tpu.memory_space<vmem>>) dst(%dma_wait3A_205 : memref<10240x128xf32, #tpu.memory_space<vmem_shared>>)
        tpu.yield
      }) : () -> ()
      %scan3A_198 = arith.constant 0 : i32
      scf.yield %scan3A_198 : i32
    }
    %scan3A_41 = arith.constant 79 : i32
    %barrier3A_42 = arith.constant 0 : index
    tpu.barrier barrier_id(%barrier3A_42)
    "tpu.region"() ({
      %run_scoped3A_73 = tpu.sem_alloc : memref<!tpu.dma_semaphore, #tpu.memory_space<semaphore_mem>>
      %dma_start3A = arith.constant 0 : i32
      %dma_start3A_74 = tpu.memref_slice %arg17[%arg1, %dma_start3A] : memref<16x10240xf32, #tpu.memory_space<vmem_shared>> -> memref<1x10240xf32, #tpu.memory_space<vmem_shared>>
      %dma_start3A_75 = tpu.memref_squeeze %dma_start3A_74 : memref<1x10240xf32, #tpu.memory_space<vmem_shared>> -> memref<10240xf32, #tpu.memory_space<vmem_shared>>
      %dma_start3A_76 = arith.constant 0 : i32
      %dma_start3A_77 = tpu.memref_slice %arg17[%arg1, %dma_start3A_76] : memref<16x10240xf32, #tpu.memory_space<vmem_shared>> -> memref<1x10240xf32, #tpu.memory_space<vmem_shared>>
      %dma_start3A_78 = tpu.memref_squeeze %dma_start3A_77 : memref<1x10240xf32, #tpu.memory_space<vmem_shared>> -> memref<10240xf32, #tpu.memory_space<vmem_shared>>
      tpu.enqueue_dma source(%arg13 : memref<10240xf32, #tpu.memory_space<vmem>>) target(%dma_start3A_78 : memref<10240xf32, #tpu.memory_space<vmem_shared>>) target_semaphore(%run_scoped3A_73 : memref<!tpu.dma_semaphore, #tpu.memory_space<semaphore_mem>>)
      %dma_wait3A = arith.constant 0 : i32
      %dma_wait3A_79 = tpu.memref_slice %arg17[%arg1, %dma_wait3A] : memref<16x10240xf32, #tpu.memory_space<vmem_shared>> -> memref<1x10240xf32, #tpu.memory_space<vmem_shared>>
      %dma_wait3A_80 = tpu.memref_squeeze %dma_wait3A_79 : memref<1x10240xf32, #tpu.memory_space<vmem_shared>> -> memref<10240xf32, #tpu.memory_space<vmem_shared>>
      %dma_wait3A_81 = arith.constant 0 : i32
      %dma_wait3A_82 = tpu.memref_slice %arg17[%arg1, %dma_wait3A_81] : memref<16x10240xf32, #tpu.memory_space<vmem_shared>> -> memref<1x10240xf32, #tpu.memory_space<vmem_shared>>
      %dma_wait3A_83 = tpu.memref_squeeze %dma_wait3A_82 : memref<1x10240xf32, #tpu.memory_space<vmem_shared>> -> memref<10240xf32, #tpu.memory_space<vmem_shared>>
      tpu.wait_dma2 semaphore(%run_scoped3A_73 : memref<!tpu.dma_semaphore, #tpu.memory_space<semaphore_mem>>) src(%arg13 : memref<10240xf32, #tpu.memory_space<vmem>>) dst(%dma_wait3A_83 : memref<10240xf32, #tpu.memory_space<vmem_shared>>)
      tpu.yield
    }) : () -> ()
    %barrier3A_43 = arith.constant 0 : index
    tpu.barrier barrier_id(%barrier3A_43)
    %mul3A_44 = arith.constant 640 : i32
    %mul3A_45 = arith.muli %arg1, %mul3A_44 : i32
    %run_scoped3A = arith.constant 0 : i32
    "tpu.region"() ({
      %run_scoped3A_73 = tpu.sem_alloc : memref<!tpu.dma_semaphore, #tpu.memory_space<semaphore_mem>>
      %dma_start3A = tpu.memref_slice %arg17[%run_scoped3A, %mul3A_45] : memref<16x10240xf32, #tpu.memory_space<vmem_shared>> -> memref<1x640xf32, #tpu.memory_space<vmem_shared>>
      %dma_start3A_74 = tpu.memref_squeeze %dma_start3A : memref<1x640xf32, #tpu.memory_space<vmem_shared>> -> memref<640xf32, #tpu.memory_space<vmem_shared>>
      %dma_start3A_75 = tpu.memref_slice %arg17[%run_scoped3A, %mul3A_45] : memref<16x10240xf32, #tpu.memory_space<vmem_shared>> -> memref<1x640xf32, #tpu.memory_space<vmem_shared>>
      %dma_start3A_76 = tpu.memref_squeeze %dma_start3A_75 : memref<1x640xf32, #tpu.memory_space<vmem_shared>> -> memref<640xf32, #tpu.memory_space<vmem_shared>>
      tpu.enqueue_dma source(%dma_start3A_76 : memref<640xf32, #tpu.memory_space<vmem_shared>>) target(%arg14 : memref<640xf32, #tpu.memory_space<vmem>>) target_semaphore(%run_scoped3A_73 : memref<!tpu.dma_semaphore, #tpu.memory_space<semaphore_mem>>)
      %dma_wait3A = tpu.memref_slice %arg17[%run_scoped3A, %mul3A_45] : memref<16x10240xf32, #tpu.memory_space<vmem_shared>> -> memref<1x640xf32, #tpu.memory_space<vmem_shared>>
      %dma_wait3A_77 = tpu.memref_squeeze %dma_wait3A : memref<1x640xf32, #tpu.memory_space<vmem_shared>> -> memref<640xf32, #tpu.memory_space<vmem_shared>>
      %dma_wait3A_78 = tpu.memref_slice %arg17[%run_scoped3A, %mul3A_45] : memref<16x10240xf32, #tpu.memory_space<vmem_shared>> -> memref<1x640xf32, #tpu.memory_space<vmem_shared>>
      %dma_wait3A_79 = tpu.memref_squeeze %dma_wait3A_78 : memref<1x640xf32, #tpu.memory_space<vmem_shared>> -> memref<640xf32, #tpu.memory_space<vmem_shared>>
      tpu.wait_dma2 semaphore(%run_scoped3A_73 : memref<!tpu.dma_semaphore, #tpu.memory_space<semaphore_mem>>) src(%dma_wait3A_79 : memref<640xf32, #tpu.memory_space<vmem_shared>>) dst(%arg14 : memref<640xf32, #tpu.memory_space<vmem>>)
      tpu.yield
    }) : () -> ()
    %scan3A_46 = arith.constant 0 : i32
    %scan3A_47 = arith.constant 1 : i32
    %scan3A_48 = arith.constant 15 : i32
    %scan3A_49 = arith.addi %scan3A_47, %scan3A_48 : i32
    %scan3A_50 = arith.constant 1 : i32
    %scan3A_51 = scf.for %scan3A_73 = %scan3A_47 to %scan3A_49 step %scan3A_50 iter_args(%scan3A_74 = %scan3A_46) -> (i32)  : i32 {
      "tpu.region"() ({
        %run_scoped3A_83 = tpu.sem_alloc : memref<!tpu.dma_semaphore, #tpu.memory_space<semaphore_mem>>
        %dma_start3A = tpu.memref_slice %arg17[%scan3A_73, %mul3A_45] : memref<16x10240xf32, #tpu.memory_space<vmem_shared>> -> memref<1x640xf32, #tpu.memory_space<vmem_shared>>
        %dma_start3A_84 = tpu.memref_squeeze %dma_start3A : memref<1x640xf32, #tpu.memory_space<vmem_shared>> -> memref<640xf32, #tpu.memory_space<vmem_shared>>
        %dma_start3A_85 = tpu.memref_slice %arg17[%scan3A_73, %mul3A_45] : memref<16x10240xf32, #tpu.memory_space<vmem_shared>> -> memref<1x640xf32, #tpu.memory_space<vmem_shared>>
        %dma_start3A_86 = tpu.memref_squeeze %dma_start3A_85 : memref<1x640xf32, #tpu.memory_space<vmem_shared>> -> memref<640xf32, #tpu.memory_space<vmem_shared>>
        tpu.enqueue_dma source(%dma_start3A_86 : memref<640xf32, #tpu.memory_space<vmem_shared>>) target(%arg15 : memref<640xf32, #tpu.memory_space<vmem>>) target_semaphore(%run_scoped3A_83 : memref<!tpu.dma_semaphore, #tpu.memory_space<semaphore_mem>>)
        %dma_wait3A = tpu.memref_slice %arg17[%scan3A_73, %mul3A_45] : memref<16x10240xf32, #tpu.memory_space<vmem_shared>> -> memref<1x640xf32, #tpu.memory_space<vmem_shared>>
        %dma_wait3A_87 = tpu.memref_squeeze %dma_wait3A : memref<1x640xf32, #tpu.memory_space<vmem_shared>> -> memref<640xf32, #tpu.memory_space<vmem_shared>>
        %dma_wait3A_88 = tpu.memref_slice %arg17[%scan3A_73, %mul3A_45] : memref<16x10240xf32, #tpu.memory_space<vmem_shared>> -> memref<1x640xf32, #tpu.memory_space<vmem_shared>>
        %dma_wait3A_89 = tpu.memref_squeeze %dma_wait3A_88 : memref<1x640xf32, #tpu.memory_space<vmem_shared>> -> memref<640xf32, #tpu.memory_space<vmem_shared>>
        tpu.wait_dma2 semaphore(%run_scoped3A_83 : memref<!tpu.dma_semaphore, #tpu.memory_space<semaphore_mem>>) src(%dma_wait3A_89 : memref<640xf32, #tpu.memory_space<vmem_shared>>) dst(%arg15 : memref<640xf32, #tpu.memory_space<vmem>>)
        tpu.yield
      }) : () -> ()
      %scan3A_75 = arith.constant 0 : i32
      %scan3A_76 = arith.constant 0 : i32
      %scan3A_77 = arith.constant 40 : i32
      %scan3A_78 = arith.addi %scan3A_76, %scan3A_77 : i32
      %scan3A_79 = arith.constant 1 : i32
      %scan3A_80 = scf.for %scan3A_83 = %scan3A_76 to %scan3A_78 step %scan3A_79 iter_args(%scan3A_84 = %scan3A_75) -> (i32)  : i32 {
        %mul3A_85 = arith.constant 16 : i32
        %mul3A_86 = arith.muli %scan3A_83, %mul3A_85 : i32
        %get3A = arith.index_cast %mul3A_86 : i32 to index
        %get3A_87 = tpu.vector_load %arg14[%get3A] {strides = array<i32>} : memref<640xf32, #tpu.memory_space<vmem>>, vector<16xf32>,
        %get3A_88 = arith.index_cast %mul3A_86 : i32 to index
        %get3A_89 = tpu.vector_load %arg15[%get3A_88] {strides = array<i32>} : memref<640xf32, #tpu.memory_space<vmem>>, vector<16xf32>,
        %add3A_90 = arith.addf %get3A_87, %get3A_89 : vector<16xf32>
        %swap3A = arith.index_cast %mul3A_86 : i32 to index
        %swap3A_91 = tpu.vector_load %arg14[%swap3A] {strides = array<i32>} : memref<640xf32, #tpu.memory_space<vmem>>, vector<16xf32>,
        tpu.vector_store %arg14[%swap3A], %add3A_90 {strides = array<i32>} : memref<640xf32, #tpu.memory_space<vmem>>, vector<16xf32>,
        %scan3A_92 = arith.constant 0 : i32
        scf.yield %scan3A_92 : i32
      }
      %scan3A_81 = arith.constant 40 : i32
      %scan3A_82 = arith.constant 0 : i32
      scf.yield %scan3A_82 : i32
    }
    %scan3A_52 = arith.constant 15 : i32
    "tpu.region"() ({
      %run_scoped3A_73 = tpu.sem_alloc : memref<!tpu.dma_semaphore, #tpu.memory_space<semaphore_mem>>
      %dma_start3A = tpu.memref_slice %arg7[%arg0, %mul3A_45] : memref<2x10240xf32, #tpu.memory_space<hbm>> -> memref<1x640xf32, #tpu.memory_space<hbm>>
      %dma_start3A_74 = tpu.memref_squeeze %dma_start3A : memref<1x640xf32, #tpu.memory_space<hbm>> -> memref<640xf32, #tpu.memory_space<hbm>>
      %dma_start3A_75 = tpu.memref_slice %arg7[%arg0, %mul3A_45] : memref<2x10240xf32, #tpu.memory_space<hbm>> -> memref<1x640xf32, #tpu.memory_space<hbm>>
      %dma_start3A_76 = tpu.memref_squeeze %dma_start3A_75 : memref<1x640xf32, #tpu.memory_space<hbm>> -> memref<640xf32, #tpu.memory_space<hbm>>
      tpu.enqueue_dma source(%arg14 : memref<640xf32, #tpu.memory_space<vmem>>) target(%dma_start3A_76 : memref<640xf32, #tpu.memory_space<hbm>>) target_semaphore(%run_scoped3A_73 : memref<!tpu.dma_semaphore, #tpu.memory_space<semaphore_mem>>)
      %dma_wait3A = tpu.memref_slice %arg7[%arg0, %mul3A_45] : memref<2x10240xf32, #tpu.memory_space<hbm>> -> memref<1x640xf32, #tpu.memory_space<hbm>>
      %dma_wait3A_77 = tpu.memref_squeeze %dma_wait3A : memref<1x640xf32, #tpu.memory_space<hbm>> -> memref<640xf32, #tpu.memory_space<hbm>>
      %dma_wait3A_78 = tpu.memref_slice %arg7[%arg0, %mul3A_45] : memref<2x10240xf32, #tpu.memory_space<hbm>> -> memref<1x640xf32, #tpu.memory_space<hbm>>
      %dma_wait3A_79 = tpu.memref_squeeze %dma_wait3A_78 : memref<1x640xf32, #tpu.memory_space<hbm>> -> memref<640xf32, #tpu.memory_space<hbm>>
      tpu.wait_dma2 semaphore(%run_scoped3A_73 : memref<!tpu.dma_semaphore, #tpu.memory_space<semaphore_mem>>) src(%arg14 : memref<640xf32, #tpu.memory_space<vmem>>) dst(%dma_wait3A_79 : memref<640xf32, #tpu.memory_space<hbm>>)
      tpu.yield
    }) : () -> ()
    %mul3A_53 = arith.constant 640 : i32
    %mul3A_54 = arith.muli %arg1, %mul3A_53 : i32
    %add3A_55 = arith.constant 0 : i32
    %add3A_56 = arith.addi %mul3A_54, %add3A_55 : i32
    "tpu.region"() ({
      %run_scoped3A_73 = tpu.sem_alloc : memref<!tpu.dma_semaphore, #tpu.memory_space<semaphore_mem>>
      %dma_start3A = arith.constant 0 : i32
      %dma_start3A_74 = tpu.memref_slice %arg6[%arg0, %add3A_56, %dma_start3A] : memref<2x10240x128xf32, #tpu.memory_space<hbm>> -> memref<1x128x128xf32, #tpu.memory_space<hbm>>
      %dma_start3A_75 = tpu.memref_squeeze %dma_start3A_74 : memref<1x128x128xf32, #tpu.memory_space<hbm>> -> memref<128x128xf32, #tpu.memory_space<hbm>>
      %dma_start3A_76 = arith.constant 0 : i32
      %dma_start3A_77 = tpu.memref_slice %arg16[%add3A_56, %dma_start3A_76] : memref<10240x128xf32, #tpu.memory_space<vmem_shared>> -> memref<128x128xf32, #tpu.memory_space<vmem_shared>>
      tpu.enqueue_dma source(%dma_start3A_77 : memref<128x128xf32, #tpu.memory_space<vmem_shared>>) target(%dma_start3A_75 : memref<128x128xf32, #tpu.memory_space<hbm>>) target_semaphore(%run_scoped3A_73 : memref<!tpu.dma_semaphore, #tpu.memory_space<semaphore_mem>>)
      %dma_wait3A = arith.constant 0 : i32
      %dma_wait3A_78 = tpu.memref_slice %arg6[%arg0, %add3A_56, %dma_wait3A] : memref<2x10240x128xf32, #tpu.memory_space<hbm>> -> memref<1x128x128xf32, #tpu.memory_space<hbm>>
      %dma_wait3A_79 = tpu.memref_squeeze %dma_wait3A_78 : memref<1x128x128xf32, #tpu.memory_space<hbm>> -> memref<128x128xf32, #tpu.memory_space<hbm>>
      %dma_wait3A_80 = arith.constant 0 : i32
      %dma_wait3A_81 = tpu.memref_slice %arg16[%add3A_56, %dma_wait3A_80] : memref<10240x128xf32, #tpu.memory_space<vmem_shared>> -> memref<128x128xf32, #tpu.memory_space<vmem_shared>>
      tpu.wait_dma2 semaphore(%run_scoped3A_73 : memref<!tpu.dma_semaphore, #tpu.memory_space<semaphore_mem>>) src(%dma_wait3A_81 : memref<128x128xf32, #tpu.memory_space<vmem_shared>>) dst(%dma_wait3A_79 : memref<128x128xf32, #tpu.memory_space<hbm>>)
      tpu.yield
    }) : () -> ()
    %mul3A_57 = arith.constant 640 : i32
    %mul3A_58 = arith.muli %arg1, %mul3A_57 : i32
    %add3A_59 = arith.constant 128 : i32
    %add3A_60 = arith.addi %mul3A_58, %add3A_59 : i32
    "tpu.region"() ({
      %run_scoped3A_73 = tpu.sem_alloc : memref<!tpu.dma_semaphore, #tpu.memory_space<semaphore_mem>>
      %dma_start3A = arith.constant 0 : i32
      %dma_start3A_74 = tpu.memref_slice %arg6[%arg0, %add3A_60, %dma_start3A] : memref<2x10240x128xf32, #tpu.memory_space<hbm>> -> memref<1x128x128xf32, #tpu.memory_space<hbm>>
      %dma_start3A_75 = tpu.memref_squeeze %dma_start3A_74 : memref<1x128x128xf32, #tpu.memory_space<hbm>> -> memref<128x128xf32, #tpu.memory_space<hbm>>
      %dma_start3A_76 = arith.constant 0 : i32
      %dma_start3A_77 = tpu.memref_slice %arg16[%add3A_60, %dma_start3A_76] : memref<10240x128xf32, #tpu.memory_space<vmem_shared>> -> memref<128x128xf32, #tpu.memory_space<vmem_shared>>
      tpu.enqueue_dma source(%dma_start3A_77 : memref<128x128xf32, #tpu.memory_space<vmem_shared>>) target(%dma_start3A_75 : memref<128x128xf32, #tpu.memory_space<hbm>>) target_semaphore(%run_scoped3A_73 : memref<!tpu.dma_semaphore, #tpu.memory_space<semaphore_mem>>)
      %dma_wait3A = arith.constant 0 : i32
      %dma_wait3A_78 = tpu.memref_slice %arg6[%arg0, %add3A_60, %dma_wait3A] : memref<2x10240x128xf32, #tpu.memory_space<hbm>> -> memref<1x128x128xf32, #tpu.memory_space<hbm>>
      %dma_wait3A_79 = tpu.memref_squeeze %dma_wait3A_78 : memref<1x128x128xf32, #tpu.memory_space<hbm>> -> memref<128x128xf32, #tpu.memory_space<hbm>>
      %dma_wait3A_80 = arith.constant 0 : i32
      %dma_wait3A_81 = tpu.memref_slice %arg16[%add3A_60, %dma_wait3A_80] : memref<10240x128xf32, #tpu.memory_space<vmem_shared>> -> memref<128x128xf32, #tpu.memory_space<vmem_shared>>
      tpu.wait_dma2 semaphore(%run_scoped3A_73 : memref<!tpu.dma_semaphore, #tpu.memory_space<semaphore_mem>>) src(%dma_wait3A_81 : memref<128x128xf32, #tpu.memory_space<vmem_shared>>) dst(%dma_wait3A_79 : memref<128x128xf32, #tpu.memory_space<hbm>>)
      tpu.yield
    }) : () -> ()
    %mul3A_61 = arith.constant 640 : i32
    %mul3A_62 = arith.muli %arg1, %mul3A_61 : i32
    %add3A_63 = arith.constant 256 : i32
    %add3A_64 = arith.addi %mul3A_62, %add3A_63 : i32
    "tpu.region"() ({
      %run_scoped3A_73 = tpu.sem_alloc : memref<!tpu.dma_semaphore, #tpu.memory_space<semaphore_mem>>
      %dma_start3A = arith.constant 0 : i32
      %dma_start3A_74 = tpu.memref_slice %arg6[%arg0, %add3A_64, %dma_start3A] : memref<2x10240x128xf32, #tpu.memory_space<hbm>> -> memref<1x128x128xf32, #tpu.memory_space<hbm>>
      %dma_start3A_75 = tpu.memref_squeeze %dma_start3A_74 : memref<1x128x128xf32, #tpu.memory_space<hbm>> -> memref<128x128xf32, #tpu.memory_space<hbm>>
      %dma_start3A_76 = arith.constant 0 : i32
      %dma_start3A_77 = tpu.memref_slice %arg16[%add3A_64, %dma_start3A_76] : memref<10240x128xf32, #tpu.memory_space<vmem_shared>> -> memref<128x128xf32, #tpu.memory_space<vmem_shared>>
      tpu.enqueue_dma source(%dma_start3A_77 : memref<128x128xf32, #tpu.memory_space<vmem_shared>>) target(%dma_start3A_75 : memref<128x128xf32, #tpu.memory_space<hbm>>) target_semaphore(%run_scoped3A_73 : memref<!tpu.dma_semaphore, #tpu.memory_space<semaphore_mem>>)
      %dma_wait3A = arith.constant 0 : i32
      %dma_wait3A_78 = tpu.memref_slice %arg6[%arg0, %add3A_64, %dma_wait3A] : memref<2x10240x128xf32, #tpu.memory_space<hbm>> -> memref<1x128x128xf32, #tpu.memory_space<hbm>>
      %dma_wait3A_79 = tpu.memref_squeeze %dma_wait3A_78 : memref<1x128x128xf32, #tpu.memory_space<hbm>> -> memref<128x128xf32, #tpu.memory_space<hbm>>
      %dma_wait3A_80 = arith.constant 0 : i32
      %dma_wait3A_81 = tpu.memref_slice %arg16[%add3A_64, %dma_wait3A_80] : memref<10240x128xf32, #tpu.memory_space<vmem_shared>> -> memref<128x128xf32, #tpu.memory_space<vmem_shared>>
      tpu.wait_dma2 semaphore(%run_scoped3A_73 : memref<!tpu.dma_semaphore, #tpu.memory_space<semaphore_mem>>) src(%dma_wait3A_81 : memref<128x128xf32, #tpu.memory_space<vmem_shared>>) dst(%dma_wait3A_79 : memref<128x128xf32, #tpu.memory_space<hbm>>)
      tpu.yield
    }) : () -> ()
    %mul3A_65 = arith.constant 640 : i32
    %mul3A_66 = arith.muli %arg1, %mul3A_65 : i32
    %add3A_67 = arith.constant 384 : i32
    %add3A_68 = arith.addi %mul3A_66, %add3A_67 : i32
    "tpu.region"() ({
      %run_scoped3A_73 = tpu.sem_alloc : memref<!tpu.dma_semaphore, #tpu.memory_space<semaphore_mem>>
      %dma_start3A = arith.constant 0 : i32
      %dma_start3A_74 = tpu.memref_slice %arg6[%arg0, %add3A_68, %dma_start3A] : memref<2x10240x128xf32, #tpu.memory_space<hbm>> -> memref<1x128x128xf32, #tpu.memory_space<hbm>>
      %dma_start3A_75 = tpu.memref_squeeze %dma_start3A_74 : memref<1x128x128xf32, #tpu.memory_space<hbm>> -> memref<128x128xf32, #tpu.memory_space<hbm>>
      %dma_start3A_76 = arith.constant 0 : i32
      %dma_start3A_77 = tpu.memref_slice %arg16[%add3A_68, %dma_start3A_76] : memref<10240x128xf32, #tpu.memory_space<vmem_shared>> -> memref<128x128xf32, #tpu.memory_space<vmem_shared>>
      tpu.enqueue_dma source(%dma_start3A_77 : memref<128x128xf32, #tpu.memory_space<vmem_shared>>) target(%dma_start3A_75 : memref<128x128xf32, #tpu.memory_space<hbm>>) target_semaphore(%run_scoped3A_73 : memref<!tpu.dma_semaphore, #tpu.memory_space<semaphore_mem>>)
      %dma_wait3A = arith.constant 0 : i32
      %dma_wait3A_78 = tpu.memref_slice %arg6[%arg0, %add3A_68, %dma_wait3A] : memref<2x10240x128xf32, #tpu.memory_space<hbm>> -> memref<1x128x128xf32, #tpu.memory_space<hbm>>
      %dma_wait3A_79 = tpu.memref_squeeze %dma_wait3A_78 : memref<1x128x128xf32, #tpu.memory_space<hbm>> -> memref<128x128xf32, #tpu.memory_space<hbm>>
      %dma_wait3A_80 = arith.constant 0 : i32
      %dma_wait3A_81 = tpu.memref_slice %arg16[%add3A_68, %dma_wait3A_80] : memref<10240x128xf32, #tpu.memory_space<vmem_shared>> -> memref<128x128xf32, #tpu.memory_space<vmem_shared>>
      tpu.wait_dma2 semaphore(%run_scoped3A_73 : memref<!tpu.dma_semaphore, #tpu.memory_space<semaphore_mem>>) src(%dma_wait3A_81 : memref<128x128xf32, #tpu.memory_space<vmem_shared>>) dst(%dma_wait3A_79 : memref<128x128xf32, #tpu.memory_space<hbm>>)
      tpu.yield
    }) : () -> ()
    %mul3A_69 = arith.constant 640 : i32
    %mul3A_70 = arith.muli %arg1, %mul3A_69 : i32
    %add3A_71 = arith.constant 512 : i32
    %add3A_72 = arith.addi %mul3A_70, %add3A_71 : i32
    "tpu.region"() ({
      %run_scoped3A_73 = tpu.sem_alloc : memref<!tpu.dma_semaphore, #tpu.memory_space<semaphore_mem>>
      %dma_start3A = arith.constant 0 : i32
      %dma_start3A_74 = tpu.memref_slice %arg6[%arg0, %add3A_72, %dma_start3A] : memref<2x10240x128xf32, #tpu.memory_space<hbm>> -> memref<1x128x128xf32, #tpu.memory_space<hbm>>
      %dma_start3A_75 = tpu.memref_squeeze %dma_start3A_74 : memref<1x128x128xf32, #tpu.memory_space<hbm>> -> memref<128x128xf32, #tpu.memory_space<hbm>>
      %dma_start3A_76 = arith.constant 0 : i32
      %dma_start3A_77 = tpu.memref_slice %arg16[%add3A_72, %dma_start3A_76] : memref<10240x128xf32, #tpu.memory_space<vmem_shared>> -> memref<128x128xf32, #tpu.memory_space<vmem_shared>>
      tpu.enqueue_dma source(%dma_start3A_77 : memref<128x128xf32, #tpu.memory_space<vmem_shared>>) target(%dma_start3A_75 : memref<128x128xf32, #tpu.memory_space<hbm>>) target_semaphore(%run_scoped3A_73 : memref<!tpu.dma_semaphore, #tpu.memory_space<semaphore_mem>>)
      %dma_wait3A = arith.constant 0 : i32
      %dma_wait3A_78 = tpu.memref_slice %arg6[%arg0, %add3A_72, %dma_wait3A] : memref<2x10240x128xf32, #tpu.memory_space<hbm>> -> memref<1x128x128xf32, #tpu.memory_space<hbm>>
      %dma_wait3A_79 = tpu.memref_squeeze %dma_wait3A_78 : memref<1x128x128xf32, #tpu.memory_space<hbm>> -> memref<128x128xf32, #tpu.memory_space<hbm>>
      %dma_wait3A_80 = arith.constant 0 : i32
      %dma_wait3A_81 = tpu.memref_slice %arg16[%add3A_72, %dma_wait3A_80] : memref<10240x128xf32, #tpu.memory_space<vmem_shared>> -> memref<128x128xf32, #tpu.memory_space<vmem_shared>>
      tpu.wait_dma2 semaphore(%run_scoped3A_73 : memref<!tpu.dma_semaphore, #tpu.memory_space<semaphore_mem>>) src(%dma_wait3A_81 : memref<128x128xf32, #tpu.memory_space<vmem_shared>>) dst(%dma_wait3A_79 : memref<128x128xf32, #tpu.memory_space<hbm>>)
      tpu.yield
    }) : () -> ()
    return
  }
}

#map = affine_map<(d0, d1) -> (0, 0)>
#map1 = affine_map<(d0, d1) -> (0)>
#map2 = affine_map<(d0, d1) -> (0, 0, 0)>
module attributes {stable_mosaic.version = 14 : i64} {
  func.func @_mp_kernel(%arg0: i32, %arg1: i32, %arg2: memref<10240x128xf32, #tpu.memory_space<hbm>>, %arg3: memref<323584xi32, #tpu.memory_space<hbm>>, %arg4: memref<323584xi32, #tpu.memory_space<hbm>>, %arg5: memref<10240xf32, #tpu.memory_space<hbm>>, %arg6: memref<2x10240x128xf32, #tpu.memory_space<hbm>>, %arg7: memref<2x10240xf32, #tpu.memory_space<hbm>>, %arg8: memref<128xi32, #tpu.memory_space<vmem>>, %arg9: memref<128xi32, #tpu.memory_space<vmem>>, %arg10: memref<128xi32, #tpu.memory_space<vmem>>, %arg11: memref<128x128xf32, #tpu.memory_space<vmem>>, %arg12: memref<10240xf32, #tpu.memory_space<vmem>>, %arg13: memref<10240xf32, #tpu.memory_space<vmem>>, %arg14: memref<640xf32, #tpu.memory_space<vmem>>, %arg15: memref<640xf32, #tpu.memory_space<vmem>>, %arg16: memref<10240x128xf32, #tpu.memory_space<vmem_shared>>, %arg17: memref<16x10240xf32, #tpu.memory_space<vmem_shared>>, %arg18: memref<!tpu.dma_semaphore, #tpu.memory_space<semaphore_mem>>) attributes {dimension_semantics = [#tpu.dimension_semantics<core_parallel>, #tpu.dimension_semantics<subcore_parallel>], iteration_bounds = array<i64: 2, 16>, scalar_prefetch = 0 : i64, scratch_operands = 11 : i64, tpu.core_type = #tpu.core_type<sc_vector_subcore>, window_params = [{transform_indices = #map}, {transform_indices = #map1}, {transform_indices = #map1}, {transform_indices = #map1}, {transform_indices = #map2}, {transform_indices = #map}]} {
    %mul3A = arith.constant 16 : i32
    %mul3A_0 = arith.muli %arg0, %mul3A : i32
    %add3A = arith.addi %mul3A_0, %arg1 : i32
    %broadcast_in_dim3A = arith.constant 1.000000e+00 : f32
    %broadcast_in_dim3A_1 = vector.broadcast %broadcast_in_dim3A : f32 to vector<16xf32>
    "tpu.region"() ({
      %run_scoped3A_73 = tpu.sem_alloc : memref<!tpu.dma_semaphore, #tpu.memory_space<semaphore_mem>>
      tpu.enqueue_dma source(%arg5 : memref<10240xf32, #tpu.memory_space<hbm>>) target(%arg12 : memref<10240xf32, #tpu.memory_space<vmem>>) target_semaphore(%run_scoped3A_73 : memref<!tpu.dma_semaphore, #tpu.memory_space<semaphore_mem>>)
      tpu.wait_dma2 semaphore(%run_scoped3A_73 : memref<!tpu.dma_semaphore, #tpu.memory_space<semaphore_mem>>) src(%arg5 : memref<10240xf32, #tpu.memory_space<hbm>>) dst(%arg12 : memref<10240xf32, #tpu.memory_space<vmem>>)
      tpu.yield
    }) : () -> ()
    %scan3A = arith.constant 0 : i32
    %scan3A_2 = arith.constant 0 : i32
    %scan3A_3 = arith.constant 128 : i32
    %scan3A_4 = arith.addi %scan3A_2, %scan3A_3 : i32
    %scan3A_5 = arith.constant 1 : i32
    %scan3A_6 = scf.for %scan3A_73 = %scan3A_2 to %scan3A_4 step %scan3A_5 iter_args(%scan3A_74 = %scan3A) -> (i32)  : i32 {
      %broadcast_in_dim3A_75 = arith.constant 0.000000e+00 : f32
      %broadcast_in_dim3A_76 = vector.broadcast %broadcast_in_dim3A_75 : f32 to vector<16xf32>
      %swap3A = arith.index_cast %scan3A_73 : i32 to index
      %swap3A_77 = arith.constant 0 : index
      %swap3A_78 = tpu.vector_load %arg11[%swap3A, %swap3A_77] {strides = array<i32>} : memref<128x128xf32, #tpu.memory_space<vmem>>, vector<16xf32>,
      tpu.vector_store %arg11[%swap3A, %swap3A_77], %broadcast_in_dim3A_76 {strides = array<i32>} : memref<128x128xf32, #tpu.memory_space<vmem>>, vector<16xf32>,
      %broadcast_in_dim3A_79 = arith.constant 0.000000e+00 : f32
      %broadcast_in_dim3A_80 = vector.broadcast %broadcast_in_dim3A_79 : f32 to vector<16xf32>
      %swap3A_81 = arith.index_cast %scan3A_73 : i32 to index
      %swap3A_82 = arith.constant 16 : index
      %swap3A_83 = tpu.vector_load %arg11[%swap3A_81, %swap3A_82] {strides = array<i32>} : memref<128x128xf32, #tpu.memory_space<vmem>>, vector<16xf32>,
      tpu.vector_store %arg11[%swap3A_81, %swap3A_82], %broadcast_in_dim3A_80 {strides = array<i32>} : memref<128x128xf32, #tpu.memory_space<vmem>>, vector<16xf32>,
      %broadcast_in_dim3A_84 = arith.constant 0.000000e+00 : f32
      %broadcast_in_dim3A_85 = vector.broadcast %broadcast_in_dim3A_84 : f32 to vector<16xf32>
      %swap3A_86 = arith.index_cast %scan3A_73 : i32 to index
      %swap3A_87 = arith.constant 32 : index
      %swap3A_88 = tpu.vector_load %arg11[%swap3A_86, %swap3A_87] {strides = array<i32>} : memref<128x128xf32, #tpu.memory_space<vmem>>, vector<16xf32>,
      tpu.vector_store %arg11[%swap3A_86, %swap3A_87], %broadcast_in_dim3A_85 {strides = array<i32>} : memref<128x128xf32, #tpu.memory_space<vmem>>, vector<16xf32>,
      %broadcast_in_dim3A_89 = arith.constant 0.000000e+00 : f32
      %broadcast_in_dim3A_90 = vector.broadcast %broadcast_in_dim3A_89 : f32 to vector<16xf32>
      %swap3A_91 = arith.index_cast %scan3A_73 : i32 to index
      %swap3A_92 = arith.constant 48 : index
      %swap3A_93 = tpu.vector_load %arg11[%swap3A_91, %swap3A_92] {strides = array<i32>} : memref<128x128xf32, #tpu.memory_space<vmem>>, vector<16xf32>,
      tpu.vector_store %arg11[%swap3A_91, %swap3A_92], %broadcast_in_dim3A_90 {strides = array<i32>} : memref<128x128xf32, #tpu.memory_space<vmem>>, vector<16xf32>,
      %broadcast_in_dim3A_94 = arith.constant 0.000000e+00 : f32
      %broadcast_in_dim3A_95 = vector.broadcast %broadcast_in_dim3A_94 : f32 to vector<16xf32>
      %swap3A_96 = arith.index_cast %scan3A_73 : i32 to index
      %swap3A_97 = arith.constant 64 : index
      %swap3A_98 = tpu.vector_load %arg11[%swap3A_96, %swap3A_97] {strides = array<i32>} : memref<128x128xf32, #tpu.memory_space<vmem>>, vector<16xf32>,
      tpu.vector_store %arg11[%swap3A_96, %swap3A_97], %broadcast_in_dim3A_95 {strides = array<i32>} : memref<128x128xf32, #tpu.memory_space<vmem>>, vector<16xf32>,
      %broadcast_in_dim3A_99 = arith.constant 0.000000e+00 : f32
      %broadcast_in_dim3A_100 = vector.broadcast %broadcast_in_dim3A_99 : f32 to vector<16xf32>
      %swap3A_101 = arith.index_cast %scan3A_73 : i32 to index
      %swap3A_102 = arith.constant 80 : index
      %swap3A_103 = tpu.vector_load %arg11[%swap3A_101, %swap3A_102] {strides = array<i32>} : memref<128x128xf32, #tpu.memory_space<vmem>>, vector<16xf32>,
      tpu.vector_store %arg11[%swap3A_101, %swap3A_102], %broadcast_in_dim3A_100 {strides = array<i32>} : memref<128x128xf32, #tpu.memory_space<vmem>>, vector<16xf32>,
      %broadcast_in_dim3A_104 = arith.constant 0.000000e+00 : f32
      %broadcast_in_dim3A_105 = vector.broadcast %broadcast_in_dim3A_104 : f32 to vector<16xf32>
      %swap3A_106 = arith.index_cast %scan3A_73 : i32 to index
      %swap3A_107 = arith.constant 96 : index
      %swap3A_108 = tpu.vector_load %arg11[%swap3A_106, %swap3A_107] {strides = array<i32>} : memref<128x128xf32, #tpu.memory_space<vmem>>, vector<16xf32>,
      tpu.vector_store %arg11[%swap3A_106, %swap3A_107], %broadcast_in_dim3A_105 {strides = array<i32>} : memref<128x128xf32, #tpu.memory_space<vmem>>, vector<16xf32>,
      %broadcast_in_dim3A_109 = arith.constant 0.000000e+00 : f32
      %broadcast_in_dim3A_110 = vector.broadcast %broadcast_in_dim3A_109 : f32 to vector<16xf32>
      %swap3A_111 = arith.index_cast %scan3A_73 : i32 to index
      %swap3A_112 = arith.constant 112 : index
      %swap3A_113 = tpu.vector_load %arg11[%swap3A_111, %swap3A_112] {strides = array<i32>} : memref<128x128xf32, #tpu.memory_space<vmem>>, vector<16xf32>,
      tpu.vector_store %arg11[%swap3A_111, %swap3A_112], %broadcast_in_dim3A_110 {strides = array<i32>} : memref<128x128xf32, #tpu.memory_space<vmem>>, vector<16xf32>,
      %scan3A_114 = arith.constant 0 : i32
      scf.yield %scan3A_114 : i32
    }
    %scan3A_7 = arith.constant 128 : i32
    %mul3A_8 = arith.constant 640 : i32
    %mul3A_9 = arith.muli %arg1, %mul3A_8 : i32
    %add3A_10 = arith.constant 0 : i32
    %add3A_11 = arith.addi %mul3A_9, %add3A_10 : i32
    "tpu.region"() ({
      %run_scoped3A_73 = tpu.sem_alloc : memref<!tpu.dma_semaphore, #tpu.memory_space<semaphore_mem>>
      %dma_start3A = arith.constant 0 : i32
      %dma_start3A_74 = tpu.memref_slice %arg16[%add3A_11, %dma_start3A] : memref<10240x128xf32, #tpu.memory_space<vmem_shared>> -> memref<128x128xf32, #tpu.memory_space<vmem_shared>>
      %dma_start3A_75 = arith.constant 0 : i32
      %dma_start3A_76 = tpu.memref_slice %arg16[%add3A_11, %dma_start3A_75] : memref<10240x128xf32, #tpu.memory_space<vmem_shared>> -> memref<128x128xf32, #tpu.memory_space<vmem_shared>>
      tpu.enqueue_dma source(%arg11 : memref<128x128xf32, #tpu.memory_space<vmem>>) target(%dma_start3A_76 : memref<128x128xf32, #tpu.memory_space<vmem_shared>>) target_semaphore(%run_scoped3A_73 : memref<!tpu.dma_semaphore, #tpu.memory_space<semaphore_mem>>)
      %dma_wait3A = arith.constant 0 : i32
      %dma_wait3A_77 = tpu.memref_slice %arg16[%add3A_11, %dma_wait3A] : memref<10240x128xf32, #tpu.memory_space<vmem_shared>> -> memref<128x128xf32, #tpu.memory_space<vmem_shared>>
      %dma_wait3A_78 = arith.constant 0 : i32
      %dma_wait3A_79 = tpu.memref_slice %arg16[%add3A_11, %dma_wait3A_78] : memref<10240x128xf32, #tpu.memory_space<vmem_shared>> -> memref<128x128xf32, #tpu.memory_space<vmem_shared>>
      tpu.wait_dma2 semaphore(%run_scoped3A_73 : memref<!tpu.dma_semaphore, #tpu.memory_space<semaphore_mem>>) src(%arg11 : memref<128x128xf32, #tpu.memory_space<vmem>>) dst(%dma_wait3A_79 : memref<128x128xf32, #tpu.memory_space<vmem_shared>>)
      tpu.yield
    }) : () -> ()
    %mul3A_12 = arith.constant 640 : i32
    %mul3A_13 = arith.muli %arg1, %mul3A_12 : i32
    %add3A_14 = arith.constant 128 : i32
    %add3A_15 = arith.addi %mul3A_13, %add3A_14 : i32
    "tpu.region"() ({
      %run_scoped3A_73 = tpu.sem_alloc : memref<!tpu.dma_semaphore, #tpu.memory_space<semaphore_mem>>
      %dma_start3A = arith.constant 0 : i32
      %dma_start3A_74 = tpu.memref_slice %arg16[%add3A_15, %dma_start3A] : memref<10240x128xf32, #tpu.memory_space<vmem_shared>> -> memref<128x128xf32, #tpu.memory_space<vmem_shared>>
      %dma_start3A_75 = arith.constant 0 : i32
      %dma_start3A_76 = tpu.memref_slice %arg16[%add3A_15, %dma_start3A_75] : memref<10240x128xf32, #tpu.memory_space<vmem_shared>> -> memref<128x128xf32, #tpu.memory_space<vmem_shared>>
      tpu.enqueue_dma source(%arg11 : memref<128x128xf32, #tpu.memory_space<vmem>>) target(%dma_start3A_76 : memref<128x128xf32, #tpu.memory_space<vmem_shared>>) target_semaphore(%run_scoped3A_73 : memref<!tpu.dma_semaphore, #tpu.memory_space<semaphore_mem>>)
      %dma_wait3A = arith.constant 0 : i32
      %dma_wait3A_77 = tpu.memref_slice %arg16[%add3A_15, %dma_wait3A] : memref<10240x128xf32, #tpu.memory_space<vmem_shared>> -> memref<128x128xf32, #tpu.memory_space<vmem_shared>>
      %dma_wait3A_78 = arith.constant 0 : i32
      %dma_wait3A_79 = tpu.memref_slice %arg16[%add3A_15, %dma_wait3A_78] : memref<10240x128xf32, #tpu.memory_space<vmem_shared>> -> memref<128x128xf32, #tpu.memory_space<vmem_shared>>
      tpu.wait_dma2 semaphore(%run_scoped3A_73 : memref<!tpu.dma_semaphore, #tpu.memory_space<semaphore_mem>>) src(%arg11 : memref<128x128xf32, #tpu.memory_space<vmem>>) dst(%dma_wait3A_79 : memref<128x128xf32, #tpu.memory_space<vmem_shared>>)
      tpu.yield
    }) : () -> ()
    %mul3A_16 = arith.constant 640 : i32
    %mul3A_17 = arith.muli %arg1, %mul3A_16 : i32
    %add3A_18 = arith.constant 256 : i32
    %add3A_19 = arith.addi %mul3A_17, %add3A_18 : i32
    "tpu.region"() ({
      %run_scoped3A_73 = tpu.sem_alloc : memref<!tpu.dma_semaphore, #tpu.memory_space<semaphore_mem>>
      %dma_start3A = arith.constant 0 : i32
      %dma_start3A_74 = tpu.memref_slice %arg16[%add3A_19, %dma_start3A] : memref<10240x128xf32, #tpu.memory_space<vmem_shared>> -> memref<128x128xf32, #tpu.memory_space<vmem_shared>>
      %dma_start3A_75 = arith.constant 0 : i32
      %dma_start3A_76 = tpu.memref_slice %arg16[%add3A_19, %dma_start3A_75] : memref<10240x128xf32, #tpu.memory_space<vmem_shared>> -> memref<128x128xf32, #tpu.memory_space<vmem_shared>>
      tpu.enqueue_dma source(%arg11 : memref<128x128xf32, #tpu.memory_space<vmem>>) target(%dma_start3A_76 : memref<128x128xf32, #tpu.memory_space<vmem_shared>>) target_semaphore(%run_scoped3A_73 : memref<!tpu.dma_semaphore, #tpu.memory_space<semaphore_mem>>)
      %dma_wait3A = arith.constant 0 : i32
      %dma_wait3A_77 = tpu.memref_slice %arg16[%add3A_19, %dma_wait3A] : memref<10240x128xf32, #tpu.memory_space<vmem_shared>> -> memref<128x128xf32, #tpu.memory_space<vmem_shared>>
      %dma_wait3A_78 = arith.constant 0 : i32
      %dma_wait3A_79 = tpu.memref_slice %arg16[%add3A_19, %dma_wait3A_78] : memref<10240x128xf32, #tpu.memory_space<vmem_shared>> -> memref<128x128xf32, #tpu.memory_space<vmem_shared>>
      tpu.wait_dma2 semaphore(%run_scoped3A_73 : memref<!tpu.dma_semaphore, #tpu.memory_space<semaphore_mem>>) src(%arg11 : memref<128x128xf32, #tpu.memory_space<vmem>>) dst(%dma_wait3A_79 : memref<128x128xf32, #tpu.memory_space<vmem_shared>>)
      tpu.yield
    }) : () -> ()
    %mul3A_20 = arith.constant 640 : i32
    %mul3A_21 = arith.muli %arg1, %mul3A_20 : i32
    %add3A_22 = arith.constant 384 : i32
    %add3A_23 = arith.addi %mul3A_21, %add3A_22 : i32
    "tpu.region"() ({
      %run_scoped3A_73 = tpu.sem_alloc : memref<!tpu.dma_semaphore, #tpu.memory_space<semaphore_mem>>
      %dma_start3A = arith.constant 0 : i32
      %dma_start3A_74 = tpu.memref_slice %arg16[%add3A_23, %dma_start3A] : memref<10240x128xf32, #tpu.memory_space<vmem_shared>> -> memref<128x128xf32, #tpu.memory_space<vmem_shared>>
      %dma_start3A_75 = arith.constant 0 : i32
      %dma_start3A_76 = tpu.memref_slice %arg16[%add3A_23, %dma_start3A_75] : memref<10240x128xf32, #tpu.memory_space<vmem_shared>> -> memref<128x128xf32, #tpu.memory_space<vmem_shared>>
      tpu.enqueue_dma source(%arg11 : memref<128x128xf32, #tpu.memory_space<vmem>>) target(%dma_start3A_76 : memref<128x128xf32, #tpu.memory_space<vmem_shared>>) target_semaphore(%run_scoped3A_73 : memref<!tpu.dma_semaphore, #tpu.memory_space<semaphore_mem>>)
      %dma_wait3A = arith.constant 0 : i32
      %dma_wait3A_77 = tpu.memref_slice %arg16[%add3A_23, %dma_wait3A] : memref<10240x128xf32, #tpu.memory_space<vmem_shared>> -> memref<128x128xf32, #tpu.memory_space<vmem_shared>>
      %dma_wait3A_78 = arith.constant 0 : i32
      %dma_wait3A_79 = tpu.memref_slice %arg16[%add3A_23, %dma_wait3A_78] : memref<10240x128xf32, #tpu.memory_space<vmem_shared>> -> memref<128x128xf32, #tpu.memory_space<vmem_shared>>
      tpu.wait_dma2 semaphore(%run_scoped3A_73 : memref<!tpu.dma_semaphore, #tpu.memory_space<semaphore_mem>>) src(%arg11 : memref<128x128xf32, #tpu.memory_space<vmem>>) dst(%dma_wait3A_79 : memref<128x128xf32, #tpu.memory_space<vmem_shared>>)
      tpu.yield
    }) : () -> ()
    %mul3A_24 = arith.constant 640 : i32
    %mul3A_25 = arith.muli %arg1, %mul3A_24 : i32
    %add3A_26 = arith.constant 512 : i32
    %add3A_27 = arith.addi %mul3A_25, %add3A_26 : i32
    "tpu.region"() ({
      %run_scoped3A_73 = tpu.sem_alloc : memref<!tpu.dma_semaphore, #tpu.memory_space<semaphore_mem>>
      %dma_start3A = arith.constant 0 : i32
      %dma_start3A_74 = tpu.memref_slice %arg16[%add3A_27, %dma_start3A] : memref<10240x128xf32, #tpu.memory_space<vmem_shared>> -> memref<128x128xf32, #tpu.memory_space<vmem_shared>>
      %dma_start3A_75 = arith.constant 0 : i32
      %dma_start3A_76 = tpu.memref_slice %arg16[%add3A_27, %dma_start3A_75] : memref<10240x128xf32, #tpu.memory_space<vmem_shared>> -> memref<128x128xf32, #tpu.memory_space<vmem_shared>>
      tpu.enqueue_dma source(%arg11 : memref<128x128xf32, #tpu.memory_space<vmem>>) target(%dma_start3A_76 : memref<128x128xf32, #tpu.memory_space<vmem_shared>>) target_semaphore(%run_scoped3A_73 : memref<!tpu.dma_semaphore, #tpu.memory_space<semaphore_mem>>)
      %dma_wait3A = arith.constant 0 : i32
      %dma_wait3A_77 = tpu.memref_slice %arg16[%add3A_27, %dma_wait3A] : memref<10240x128xf32, #tpu.memory_space<vmem_shared>> -> memref<128x128xf32, #tpu.memory_space<vmem_shared>>
      %dma_wait3A_78 = arith.constant 0 : i32
      %dma_wait3A_79 = tpu.memref_slice %arg16[%add3A_27, %dma_wait3A_78] : memref<10240x128xf32, #tpu.memory_space<vmem_shared>> -> memref<128x128xf32, #tpu.memory_space<vmem_shared>>
      tpu.wait_dma2 semaphore(%run_scoped3A_73 : memref<!tpu.dma_semaphore, #tpu.memory_space<semaphore_mem>>) src(%arg11 : memref<128x128xf32, #tpu.memory_space<vmem>>) dst(%dma_wait3A_79 : memref<128x128xf32, #tpu.memory_space<vmem_shared>>)
      tpu.yield
    }) : () -> ()
    %scan3A_28 = arith.constant 0 : i32
    %scan3A_29 = arith.constant 0 : i32
    %scan3A_30 = arith.constant 640 : i32
    %scan3A_31 = arith.addi %scan3A_29, %scan3A_30 : i32
    %scan3A_32 = arith.constant 1 : i32
    %scan3A_33 = scf.for %scan3A_73 = %scan3A_29 to %scan3A_31 step %scan3A_32 iter_args(%scan3A_74 = %scan3A_28) -> (i32)  : i32 {
      %broadcast_in_dim3A_75 = arith.constant 0.000000e+00 : f32
      %broadcast_in_dim3A_76 = vector.broadcast %broadcast_in_dim3A_75 : f32 to vector<16xf32>
      %mul3A_77 = arith.constant 16 : i32
      %mul3A_78 = arith.muli %scan3A_73, %mul3A_77 : i32
      %swap3A = arith.index_cast %mul3A_78 : i32 to index
      %swap3A_79 = tpu.vector_load %arg13[%swap3A] {strides = array<i32>} : memref<10240xf32, #tpu.memory_space<vmem>>, vector<16xf32>,
      tpu.vector_store %arg13[%swap3A], %broadcast_in_dim3A_76 {strides = array<i32>} : memref<10240xf32, #tpu.memory_space<vmem>>, vector<16xf32>,
      %scan3A_80 = arith.constant 0 : i32
      scf.yield %scan3A_80 : i32
    }
    %scan3A_34 = arith.constant 640 : i32
    %barrier3A = arith.constant 0 : index
    tpu.barrier barrier_id(%barrier3A)
    %scan3A_35 = arith.constant 0 : i32
    %scan3A_36 = arith.constant 0 : i32
    %scan3A_37 = arith.constant 79 : i32
    %scan3A_38 = arith.addi %scan3A_36, %scan3A_37 : i32
    %scan3A_39 = arith.constant 1 : i32
    %scan3A_40 = scf.for %scan3A_73 = %scan3A_36 to %scan3A_38 step %scan3A_39 iter_args(%scan3A_74 = %scan3A_35) -> (i32)  : i32 {
      %mul3A_75 = arith.constant 79 : i32
      %mul3A_76 = arith.muli %add3A, %mul3A_75 : i32
      %add3A_77 = arith.addi %mul3A_76, %scan3A_73 : i32
      %mul3A_78 = arith.constant 128 : i32
      %mul3A_79 = arith.muli %add3A_77, %mul3A_78 : i32
      "tpu.region"() ({
        %run_scoped3A_199 = tpu.sem_alloc : memref<!tpu.dma_semaphore, #tpu.memory_space<semaphore_mem>>
        %dma_start3A_200 = tpu.memref_slice %arg3[%mul3A_79] : memref<323584xi32, #tpu.memory_space<hbm>> -> memref<128xi32, #tpu.memory_space<hbm>>
        %dma_start3A_201 = tpu.memref_slice %arg3[%mul3A_79] : memref<323584xi32, #tpu.memory_space<hbm>> -> memref<128xi32, #tpu.memory_space<hbm>>
        tpu.enqueue_dma source(%dma_start3A_201 : memref<128xi32, #tpu.memory_space<hbm>>) target(%arg8 : memref<128xi32, #tpu.memory_space<vmem>>) target_semaphore(%run_scoped3A_199 : memref<!tpu.dma_semaphore, #tpu.memory_space<semaphore_mem>>)
        %dma_wait3A_202 = tpu.memref_slice %arg3[%mul3A_79] : memref<323584xi32, #tpu.memory_space<hbm>> -> memref<128xi32, #tpu.memory_space<hbm>>
        %dma_wait3A_203 = tpu.memref_slice %arg3[%mul3A_79] : memref<323584xi32, #tpu.memory_space<hbm>> -> memref<128xi32, #tpu.memory_space<hbm>>
        tpu.wait_dma2 semaphore(%run_scoped3A_199 : memref<!tpu.dma_semaphore, #tpu.memory_space<semaphore_mem>>) src(%dma_wait3A_203 : memref<128xi32, #tpu.memory_space<hbm>>) dst(%arg8 : memref<128xi32, #tpu.memory_space<vmem>>)
        tpu.yield
      }) : () -> ()
      "tpu.region"() ({
        %run_scoped3A_199 = tpu.sem_alloc : memref<!tpu.dma_semaphore, #tpu.memory_space<semaphore_mem>>
        %dma_start3A_200 = tpu.memref_slice %arg4[%mul3A_79] : memref<323584xi32, #tpu.memory_space<hbm>> -> memref<128xi32, #tpu.memory_space<hbm>>
        %dma_start3A_201 = tpu.memref_slice %arg4[%mul3A_79] : memref<323584xi32, #tpu.memory_space<hbm>> -> memref<128xi32, #tpu.memory_space<hbm>>
        tpu.enqueue_dma source(%dma_start3A_201 : memref<128xi32, #tpu.memory_space<hbm>>) target(%arg9 : memref<128xi32, #tpu.memory_space<vmem>>) target_semaphore(%run_scoped3A_199 : memref<!tpu.dma_semaphore, #tpu.memory_space<semaphore_mem>>)
        %dma_wait3A_202 = tpu.memref_slice %arg4[%mul3A_79] : memref<323584xi32, #tpu.memory_space<hbm>> -> memref<128xi32, #tpu.memory_space<hbm>>
        %dma_wait3A_203 = tpu.memref_slice %arg4[%mul3A_79] : memref<323584xi32, #tpu.memory_space<hbm>> -> memref<128xi32, #tpu.memory_space<hbm>>
        tpu.wait_dma2 semaphore(%run_scoped3A_199 : memref<!tpu.dma_semaphore, #tpu.memory_space<semaphore_mem>>) src(%dma_wait3A_203 : memref<128xi32, #tpu.memory_space<hbm>>) dst(%arg9 : memref<128xi32, #tpu.memory_space<vmem>>)
        tpu.yield
      }) : () -> ()
      %get3A = arith.constant 0 : index
      %get3A_80 = tpu.vector_load %arg8[%get3A] {strides = array<i32>} : memref<128xi32, #tpu.memory_space<vmem>>, vector<16xi32>,
      %get3A_81 = arith.constant 0 : index
      %get3A_82 = tpu.vector_load %arg9[%get3A_81] {strides = array<i32>} : memref<128xi32, #tpu.memory_space<vmem>>, vector<16xi32>,
      %gather3A = tpu.vector_load_idx %arg12[%get3A_80] : memref<10240xf32, #tpu.memory_space<vmem>>[vector<16xi32>], vector<16xf32>,
      %gather3A_83 = tpu.vector_load_idx %arg12[%get3A_82] : memref<10240xf32, #tpu.memory_space<vmem>>[vector<16xi32>], vector<16xf32>,
      %mul3A_84 = arith.mulf %gather3A, %gather3A_83 : vector<16xf32>
      %gt3A = arith.constant 5.000000e-01 : f32
      %gt3A_85 = vector.broadcast %gt3A : f32 to vector<16xf32>
      %gt3A_86 = arith.cmpf ogt, %mul3A_84, %gt3A_85 : vector<16xf32>
      %jit3A = arith.constant 10000 : i32
      %broadcast_in_dim3A_87 = vector.broadcast %jit3A : i32 to vector<16xi32>
      %select_n3A = arith.select %gt3A_86, %get3A_82, %broadcast_in_dim3A_87 : vector<16xi1>, vector<16xi32>
      %swap3A = arith.constant 0 : index
      %swap3A_88 = tpu.vector_load %arg10[%swap3A] {strides = array<i32>} : memref<128xi32, #tpu.memory_space<vmem>>, vector<16xi32>,
      tpu.vector_store %arg10[%swap3A], %select_n3A {strides = array<i32>} : memref<128xi32, #tpu.memory_space<vmem>>, vector<16xi32>,
      tpu.vector_store_idx %arg13[%select_n3A], %broadcast_in_dim3A_1 {add = true} : memref<10240xf32, #tpu.memory_space<vmem>>[vector<16xi32>], vector<16xf32>,
      %get3A_89 = arith.constant 16 : index
      %get3A_90 = tpu.vector_load %arg8[%get3A_89] {strides = array<i32>} : memref<128xi32, #tpu.memory_space<vmem>>, vector<16xi32>,
      %get3A_91 = arith.constant 16 : index
      %get3A_92 = tpu.vector_load %arg9[%get3A_91] {strides = array<i32>} : memref<128xi32, #tpu.memory_space<vmem>>, vector<16xi32>,
      %gather3A_93 = tpu.vector_load_idx %arg12[%get3A_90] : memref<10240xf32, #tpu.memory_space<vmem>>[vector<16xi32>], vector<16xf32>,
      %gather3A_94 = tpu.vector_load_idx %arg12[%get3A_92] : memref<10240xf32, #tpu.memory_space<vmem>>[vector<16xi32>], vector<16xf32>,
      %mul3A_95 = arith.mulf %gather3A_93, %gather3A_94 : vector<16xf32>
      %gt3A_96 = arith.constant 5.000000e-01 : f32
      %gt3A_97 = vector.broadcast %gt3A_96 : f32 to vector<16xf32>
      %gt3A_98 = arith.cmpf ogt, %mul3A_95, %gt3A_97 : vector<16xf32>
      %jit3A_99 = arith.constant 10000 : i32
      %broadcast_in_dim3A_100 = vector.broadcast %jit3A_99 : i32 to vector<16xi32>
      %select_n3A_101 = arith.select %gt3A_98, %get3A_92, %broadcast_in_dim3A_100 : vector<16xi1>, vector<16xi32>
      %swap3A_102 = arith.constant 16 : index
      %swap3A_103 = tpu.vector_load %arg10[%swap3A_102] {strides = array<i32>} : memref<128xi32, #tpu.memory_space<vmem>>, vector<16xi32>,
      tpu.vector_store %arg10[%swap3A_102], %select_n3A_101 {strides = array<i32>} : memref<128xi32, #tpu.memory_space<vmem>>, vector<16xi32>,
      tpu.vector_store_idx %arg13[%select_n3A_101], %broadcast_in_dim3A_1 {add = true} : memref<10240xf32, #tpu.memory_space<vmem>>[vector<16xi32>], vector<16xf32>,
      %get3A_104 = arith.constant 32 : index
      %get3A_105 = tpu.vector_load %arg8[%get3A_104] {strides = array<i32>} : memref<128xi32, #tpu.memory_space<vmem>>, vector<16xi32>,
      %get3A_106 = arith.constant 32 : index
      %get3A_107 = tpu.vector_load %arg9[%get3A_106] {strides = array<i32>} : memref<128xi32, #tpu.memory_space<vmem>>, vector<16xi32>,
      %gather3A_108 = tpu.vector_load_idx %arg12[%get3A_105] : memref<10240xf32, #tpu.memory_space<vmem>>[vector<16xi32>], vector<16xf32>,
      %gather3A_109 = tpu.vector_load_idx %arg12[%get3A_107] : memref<10240xf32, #tpu.memory_space<vmem>>[vector<16xi32>], vector<16xf32>,
      %mul3A_110 = arith.mulf %gather3A_108, %gather3A_109 : vector<16xf32>
      %gt3A_111 = arith.constant 5.000000e-01 : f32
      %gt3A_112 = vector.broadcast %gt3A_111 : f32 to vector<16xf32>
      %gt3A_113 = arith.cmpf ogt, %mul3A_110, %gt3A_112 : vector<16xf32>
      %jit3A_114 = arith.constant 10000 : i32
      %broadcast_in_dim3A_115 = vector.broadcast %jit3A_114 : i32 to vector<16xi32>
      %select_n3A_116 = arith.select %gt3A_113, %get3A_107, %broadcast_in_dim3A_115 : vector<16xi1>, vector<16xi32>
      %swap3A_117 = arith.constant 32 : index
      %swap3A_118 = tpu.vector_load %arg10[%swap3A_117] {strides = array<i32>} : memref<128xi32, #tpu.memory_space<vmem>>, vector<16xi32>,
      tpu.vector_store %arg10[%swap3A_117], %select_n3A_116 {strides = array<i32>} : memref<128xi32, #tpu.memory_space<vmem>>, vector<16xi32>,
      tpu.vector_store_idx %arg13[%select_n3A_116], %broadcast_in_dim3A_1 {add = true} : memref<10240xf32, #tpu.memory_space<vmem>>[vector<16xi32>], vector<16xf32>,
      %get3A_119 = arith.constant 48 : index
      %get3A_120 = tpu.vector_load %arg8[%get3A_119] {strides = array<i32>} : memref<128xi32, #tpu.memory_space<vmem>>, vector<16xi32>,
      %get3A_121 = arith.constant 48 : index
      %get3A_122 = tpu.vector_load %arg9[%get3A_121] {strides = array<i32>} : memref<128xi32, #tpu.memory_space<vmem>>, vector<16xi32>,
      %gather3A_123 = tpu.vector_load_idx %arg12[%get3A_120] : memref<10240xf32, #tpu.memory_space<vmem>>[vector<16xi32>], vector<16xf32>,
      %gather3A_124 = tpu.vector_load_idx %arg12[%get3A_122] : memref<10240xf32, #tpu.memory_space<vmem>>[vector<16xi32>], vector<16xf32>,
      %mul3A_125 = arith.mulf %gather3A_123, %gather3A_124 : vector<16xf32>
      %gt3A_126 = arith.constant 5.000000e-01 : f32
      %gt3A_127 = vector.broadcast %gt3A_126 : f32 to vector<16xf32>
      %gt3A_128 = arith.cmpf ogt, %mul3A_125, %gt3A_127 : vector<16xf32>
      %jit3A_129 = arith.constant 10000 : i32
      %broadcast_in_dim3A_130 = vector.broadcast %jit3A_129 : i32 to vector<16xi32>
      %select_n3A_131 = arith.select %gt3A_128, %get3A_122, %broadcast_in_dim3A_130 : vector<16xi1>, vector<16xi32>
      %swap3A_132 = arith.constant 48 : index
      %swap3A_133 = tpu.vector_load %arg10[%swap3A_132] {strides = array<i32>} : memref<128xi32, #tpu.memory_space<vmem>>, vector<16xi32>,
      tpu.vector_store %arg10[%swap3A_132], %select_n3A_131 {strides = array<i32>} : memref<128xi32, #tpu.memory_space<vmem>>, vector<16xi32>,
      tpu.vector_store_idx %arg13[%select_n3A_131], %broadcast_in_dim3A_1 {add = true} : memref<10240xf32, #tpu.memory_space<vmem>>[vector<16xi32>], vector<16xf32>,
      %get3A_134 = arith.constant 64 : index
      %get3A_135 = tpu.vector_load %arg8[%get3A_134] {strides = array<i32>} : memref<128xi32, #tpu.memory_space<vmem>>, vector<16xi32>,
      %get3A_136 = arith.constant 64 : index
      %get3A_137 = tpu.vector_load %arg9[%get3A_136] {strides = array<i32>} : memref<128xi32, #tpu.memory_space<vmem>>, vector<16xi32>,
      %gather3A_138 = tpu.vector_load_idx %arg12[%get3A_135] : memref<10240xf32, #tpu.memory_space<vmem>>[vector<16xi32>], vector<16xf32>,
      %gather3A_139 = tpu.vector_load_idx %arg12[%get3A_137] : memref<10240xf32, #tpu.memory_space<vmem>>[vector<16xi32>], vector<16xf32>,
      %mul3A_140 = arith.mulf %gather3A_138, %gather3A_139 : vector<16xf32>
      %gt3A_141 = arith.constant 5.000000e-01 : f32
      %gt3A_142 = vector.broadcast %gt3A_141 : f32 to vector<16xf32>
      %gt3A_143 = arith.cmpf ogt, %mul3A_140, %gt3A_142 : vector<16xf32>
      %jit3A_144 = arith.constant 10000 : i32
      %broadcast_in_dim3A_145 = vector.broadcast %jit3A_144 : i32 to vector<16xi32>
      %select_n3A_146 = arith.select %gt3A_143, %get3A_137, %broadcast_in_dim3A_145 : vector<16xi1>, vector<16xi32>
      %swap3A_147 = arith.constant 64 : index
      %swap3A_148 = tpu.vector_load %arg10[%swap3A_147] {strides = array<i32>} : memref<128xi32, #tpu.memory_space<vmem>>, vector<16xi32>,
      tpu.vector_store %arg10[%swap3A_147], %select_n3A_146 {strides = array<i32>} : memref<128xi32, #tpu.memory_space<vmem>>, vector<16xi32>,
      tpu.vector_store_idx %arg13[%select_n3A_146], %broadcast_in_dim3A_1 {add = true} : memref<10240xf32, #tpu.memory_space<vmem>>[vector<16xi32>], vector<16xf32>,
      %get3A_149 = arith.constant 80 : index
      %get3A_150 = tpu.vector_load %arg8[%get3A_149] {strides = array<i32>} : memref<128xi32, #tpu.memory_space<vmem>>, vector<16xi32>,
      %get3A_151 = arith.constant 80 : index
      %get3A_152 = tpu.vector_load %arg9[%get3A_151] {strides = array<i32>} : memref<128xi32, #tpu.memory_space<vmem>>, vector<16xi32>,
      %gather3A_153 = tpu.vector_load_idx %arg12[%get3A_150] : memref<10240xf32, #tpu.memory_space<vmem>>[vector<16xi32>], vector<16xf32>,
      %gather3A_154 = tpu.vector_load_idx %arg12[%get3A_152] : memref<10240xf32, #tpu.memory_space<vmem>>[vector<16xi32>], vector<16xf32>,
      %mul3A_155 = arith.mulf %gather3A_153, %gather3A_154 : vector<16xf32>
      %gt3A_156 = arith.constant 5.000000e-01 : f32
      %gt3A_157 = vector.broadcast %gt3A_156 : f32 to vector<16xf32>
      %gt3A_158 = arith.cmpf ogt, %mul3A_155, %gt3A_157 : vector<16xf32>
      %jit3A_159 = arith.constant 10000 : i32
      %broadcast_in_dim3A_160 = vector.broadcast %jit3A_159 : i32 to vector<16xi32>
      %select_n3A_161 = arith.select %gt3A_158, %get3A_152, %broadcast_in_dim3A_160 : vector<16xi1>, vector<16xi32>
      %swap3A_162 = arith.constant 80 : index
      %swap3A_163 = tpu.vector_load %arg10[%swap3A_162] {strides = array<i32>} : memref<128xi32, #tpu.memory_space<vmem>>, vector<16xi32>,
      tpu.vector_store %arg10[%swap3A_162], %select_n3A_161 {strides = array<i32>} : memref<128xi32, #tpu.memory_space<vmem>>, vector<16xi32>,
      tpu.vector_store_idx %arg13[%select_n3A_161], %broadcast_in_dim3A_1 {add = true} : memref<10240xf32, #tpu.memory_space<vmem>>[vector<16xi32>], vector<16xf32>,
      %get3A_164 = arith.constant 96 : index
      %get3A_165 = tpu.vector_load %arg8[%get3A_164] {strides = array<i32>} : memref<128xi32, #tpu.memory_space<vmem>>, vector<16xi32>,
      %get3A_166 = arith.constant 96 : index
      %get3A_167 = tpu.vector_load %arg9[%get3A_166] {strides = array<i32>} : memref<128xi32, #tpu.memory_space<vmem>>, vector<16xi32>,
      %gather3A_168 = tpu.vector_load_idx %arg12[%get3A_165] : memref<10240xf32, #tpu.memory_space<vmem>>[vector<16xi32>], vector<16xf32>,
      %gather3A_169 = tpu.vector_load_idx %arg12[%get3A_167] : memref<10240xf32, #tpu.memory_space<vmem>>[vector<16xi32>], vector<16xf32>,
      %mul3A_170 = arith.mulf %gather3A_168, %gather3A_169 : vector<16xf32>
      %gt3A_171 = arith.constant 5.000000e-01 : f32
      %gt3A_172 = vector.broadcast %gt3A_171 : f32 to vector<16xf32>
      %gt3A_173 = arith.cmpf ogt, %mul3A_170, %gt3A_172 : vector<16xf32>
      %jit3A_174 = arith.constant 10000 : i32
      %broadcast_in_dim3A_175 = vector.broadcast %jit3A_174 : i32 to vector<16xi32>
      %select_n3A_176 = arith.select %gt3A_173, %get3A_167, %broadcast_in_dim3A_175 : vector<16xi1>, vector<16xi32>
      %swap3A_177 = arith.constant 96 : index
      %swap3A_178 = tpu.vector_load %arg10[%swap3A_177] {strides = array<i32>} : memref<128xi32, #tpu.memory_space<vmem>>, vector<16xi32>,
      tpu.vector_store %arg10[%swap3A_177], %select_n3A_176 {strides = array<i32>} : memref<128xi32, #tpu.memory_space<vmem>>, vector<16xi32>,
      tpu.vector_store_idx %arg13[%select_n3A_176], %broadcast_in_dim3A_1 {add = true} : memref<10240xf32, #tpu.memory_space<vmem>>[vector<16xi32>], vector<16xf32>,
      %get3A_179 = arith.constant 112 : index
      %get3A_180 = tpu.vector_load %arg8[%get3A_179] {strides = array<i32>} : memref<128xi32, #tpu.memory_space<vmem>>, vector<16xi32>,
      %get3A_181 = arith.constant 112 : index
      %get3A_182 = tpu.vector_load %arg9[%get3A_181] {strides = array<i32>} : memref<128xi32, #tpu.memory_space<vmem>>, vector<16xi32>,
      %gather3A_183 = tpu.vector_load_idx %arg12[%get3A_180] : memref<10240xf32, #tpu.memory_space<vmem>>[vector<16xi32>], vector<16xf32>,
      %gather3A_184 = tpu.vector_load_idx %arg12[%get3A_182] : memref<10240xf32, #tpu.memory_space<vmem>>[vector<16xi32>], vector<16xf32>,
      %mul3A_185 = arith.mulf %gather3A_183, %gather3A_184 : vector<16xf32>
      %gt3A_186 = arith.constant 5.000000e-01 : f32
      %gt3A_187 = vector.broadcast %gt3A_186 : f32 to vector<16xf32>
      %gt3A_188 = arith.cmpf ogt, %mul3A_185, %gt3A_187 : vector<16xf32>
      %jit3A_189 = arith.constant 10000 : i32
      %broadcast_in_dim3A_190 = vector.broadcast %jit3A_189 : i32 to vector<16xi32>
      %select_n3A_191 = arith.select %gt3A_188, %get3A_182, %broadcast_in_dim3A_190 : vector<16xi1>, vector<16xi32>
      %swap3A_192 = arith.constant 112 : index
      %swap3A_193 = tpu.vector_load %arg10[%swap3A_192] {strides = array<i32>} : memref<128xi32, #tpu.memory_space<vmem>>, vector<16xi32>,
      tpu.vector_store %arg10[%swap3A_192], %select_n3A_191 {strides = array<i32>} : memref<128xi32, #tpu.memory_space<vmem>>, vector<16xi32>,
      tpu.vector_store_idx %arg13[%select_n3A_191], %broadcast_in_dim3A_1 {add = true} : memref<10240xf32, #tpu.memory_space<vmem>>[vector<16xi32>], vector<16xf32>,
      %dma_start3A = arith.constant 0 : i32
      %dma_start3A_194 = arith.constant 0 : i32
      %dma_start3A_195 = tpu.memref_slice %arg2[%dma_start3A, %dma_start3A_194] : memref<10240x128xf32, #tpu.memory_space<hbm>> -> memref<10240x128xf32, #tpu.memory_space<hbm>>
      tpu.enqueue_indirect_dma source(%dma_start3A_195 : memref<10240x128xf32, #tpu.memory_space<hbm>>) target(%arg11 : memref<128x128xf32, #tpu.memory_space<vmem>>) offsets(%arg8 : memref<128xi32, #tpu.memory_space<vmem>>) semaphore(%arg18 : memref<!tpu.dma_semaphore, #tpu.memory_space<semaphore_mem>>)
      %dma_wait3A = arith.constant 0 : i32
      %dma_wait3A_196 = arith.constant 0 : i32
      %dma_wait3A_197 = tpu.memref_slice %arg2[%dma_wait3A, %dma_wait3A_196] : memref<10240x128xf32, #tpu.memory_space<hbm>> -> memref<10240x128xf32, #tpu.memory_space<hbm>>
      tpu.wait_indirect_dma semaphore(%arg18 : memref<!tpu.dma_semaphore, #tpu.memory_space<semaphore_mem>>) src(%dma_wait3A_197 : memref<10240x128xf32, #tpu.memory_space<hbm>>) dst(%arg11 : memref<128x128xf32, #tpu.memory_space<vmem>>)
      "tpu.region"() ({
        %run_scoped3A_199 = tpu.sem_alloc : memref<!tpu.dma_semaphore, #tpu.memory_space<semaphore_mem>>
        %dma_start3A_200 = arith.constant 0 : i32
        %dma_start3A_201 = arith.constant 0 : i32
        %dma_start3A_202 = tpu.memref_slice %arg16[%dma_start3A_200, %dma_start3A_201] : memref<10240x128xf32, #tpu.memory_space<vmem_shared>> -> memref<10240x128xf32, #tpu.memory_space<vmem_shared>>
        tpu.enqueue_indirect_dma source(%arg11 : memref<128x128xf32, #tpu.memory_space<vmem>>) target(%dma_start3A_202 : memref<10240x128xf32, #tpu.memory_space<vmem_shared>>) offsets(%arg10 : memref<128xi32, #tpu.memory_space<vmem>>) semaphore(%run_scoped3A_199 : memref<!tpu.dma_semaphore, #tpu.memory_space<semaphore_mem>>) {add = true}
        %dma_wait3A_203 = arith.constant 0 : i32
        %dma_wait3A_204 = arith.constant 0 : i32
        %dma_wait3A_205 = tpu.memref_slice %arg16[%dma_wait3A_203, %dma_wait3A_204] : memref<10240x128xf32, #tpu.memory_space<vmem_shared>> -> memref<10240x128xf32, #tpu.memory_space<vmem_shared>>
        tpu.wait_indirect_dma semaphore(%run_scoped3A_199 : memref<!tpu.dma_semaphore, #tpu.memory_space<semaphore_mem>>) src(%arg11 : memref<128x128xf32, #tpu.memory_space<vmem>>) dst(%dma_wait3A_205 : memref<10240x128xf32, #tpu.memory_space<vmem_shared>>)
        tpu.yield
      }) : () -> ()
      %scan3A_198 = arith.constant 0 : i32
      scf.yield %scan3A_198 : i32
    }
    %scan3A_41 = arith.constant 79 : i32
    %barrier3A_42 = arith.constant 0 : index
    tpu.barrier barrier_id(%barrier3A_42)
    "tpu.region"() ({
      %run_scoped3A_73 = tpu.sem_alloc : memref<!tpu.dma_semaphore, #tpu.memory_space<semaphore_mem>>
      %dma_start3A = arith.constant 0 : i32
      %dma_start3A_74 = tpu.memref_slice %arg17[%arg1, %dma_start3A] : memref<16x10240xf32, #tpu.memory_space<vmem_shared>> -> memref<1x10240xf32, #tpu.memory_space<vmem_shared>>
      %dma_start3A_75 = tpu.memref_squeeze %dma_start3A_74 : memref<1x10240xf32, #tpu.memory_space<vmem_shared>> -> memref<10240xf32, #tpu.memory_space<vmem_shared>>
      %dma_start3A_76 = arith.constant 0 : i32
      %dma_start3A_77 = tpu.memref_slice %arg17[%arg1, %dma_start3A_76] : memref<16x10240xf32, #tpu.memory_space<vmem_shared>> -> memref<1x10240xf32, #tpu.memory_space<vmem_shared>>
      %dma_start3A_78 = tpu.memref_squeeze %dma_start3A_77 : memref<1x10240xf32, #tpu.memory_space<vmem_shared>> -> memref<10240xf32, #tpu.memory_space<vmem_shared>>
      tpu.enqueue_dma source(%arg13 : memref<10240xf32, #tpu.memory_space<vmem>>) target(%dma_start3A_78 : memref<10240xf32, #tpu.memory_space<vmem_shared>>) target_semaphore(%run_scoped3A_73 : memref<!tpu.dma_semaphore, #tpu.memory_space<semaphore_mem>>)
      %dma_wait3A = arith.constant 0 : i32
      %dma_wait3A_79 = tpu.memref_slice %arg17[%arg1, %dma_wait3A] : memref<16x10240xf32, #tpu.memory_space<vmem_shared>> -> memref<1x10240xf32, #tpu.memory_space<vmem_shared>>
      %dma_wait3A_80 = tpu.memref_squeeze %dma_wait3A_79 : memref<1x10240xf32, #tpu.memory_space<vmem_shared>> -> memref<10240xf32, #tpu.memory_space<vmem_shared>>
      %dma_wait3A_81 = arith.constant 0 : i32
      %dma_wait3A_82 = tpu.memref_slice %arg17[%arg1, %dma_wait3A_81] : memref<16x10240xf32, #tpu.memory_space<vmem_shared>> -> memref<1x10240xf32, #tpu.memory_space<vmem_shared>>
      %dma_wait3A_83 = tpu.memref_squeeze %dma_wait3A_82 : memref<1x10240xf32, #tpu.memory_space<vmem_shared>> -> memref<10240xf32, #tpu.memory_space<vmem_shared>>
      tpu.wait_dma2 semaphore(%run_scoped3A_73 : memref<!tpu.dma_semaphore, #tpu.memory_space<semaphore_mem>>) src(%arg13 : memref<10240xf32, #tpu.memory_space<vmem>>) dst(%dma_wait3A_83 : memref<10240xf32, #tpu.memory_space<vmem_shared>>)
      tpu.yield
    }) : () -> ()
    %barrier3A_43 = arith.constant 0 : index
    tpu.barrier barrier_id(%barrier3A_43)
    %mul3A_44 = arith.constant 640 : i32
    %mul3A_45 = arith.muli %arg1, %mul3A_44 : i32
    %run_scoped3A = arith.constant 0 : i32
    "tpu.region"() ({
      %run_scoped3A_73 = tpu.sem_alloc : memref<!tpu.dma_semaphore, #tpu.memory_space<semaphore_mem>>
      %dma_start3A = tpu.memref_slice %arg17[%run_scoped3A, %mul3A_45] : memref<16x10240xf32, #tpu.memory_space<vmem_shared>> -> memref<1x640xf32, #tpu.memory_space<vmem_shared>>
      %dma_start3A_74 = tpu.memref_squeeze %dma_start3A : memref<1x640xf32, #tpu.memory_space<vmem_shared>> -> memref<640xf32, #tpu.memory_space<vmem_shared>>
      %dma_start3A_75 = tpu.memref_slice %arg17[%run_scoped3A, %mul3A_45] : memref<16x10240xf32, #tpu.memory_space<vmem_shared>> -> memref<1x640xf32, #tpu.memory_space<vmem_shared>>
      %dma_start3A_76 = tpu.memref_squeeze %dma_start3A_75 : memref<1x640xf32, #tpu.memory_space<vmem_shared>> -> memref<640xf32, #tpu.memory_space<vmem_shared>>
      tpu.enqueue_dma source(%dma_start3A_76 : memref<640xf32, #tpu.memory_space<vmem_shared>>) target(%arg14 : memref<640xf32, #tpu.memory_space<vmem>>) target_semaphore(%run_scoped3A_73 : memref<!tpu.dma_semaphore, #tpu.memory_space<semaphore_mem>>)
      %dma_wait3A = tpu.memref_slice %arg17[%run_scoped3A, %mul3A_45] : memref<16x10240xf32, #tpu.memory_space<vmem_shared>> -> memref<1x640xf32, #tpu.memory_space<vmem_shared>>
      %dma_wait3A_77 = tpu.memref_squeeze %dma_wait3A : memref<1x640xf32, #tpu.memory_space<vmem_shared>> -> memref<640xf32, #tpu.memory_space<vmem_shared>>
      %dma_wait3A_78 = tpu.memref_slice %arg17[%run_scoped3A, %mul3A_45] : memref<16x10240xf32, #tpu.memory_space<vmem_shared>> -> memref<1x640xf32, #tpu.memory_space<vmem_shared>>
      %dma_wait3A_79 = tpu.memref_squeeze %dma_wait3A_78 : memref<1x640xf32, #tpu.memory_space<vmem_shared>> -> memref<640xf32, #tpu.memory_space<vmem_shared>>
      tpu.wait_dma2 semaphore(%run_scoped3A_73 : memref<!tpu.dma_semaphore, #tpu.memory_space<semaphore_mem>>) src(%dma_wait3A_79 : memref<640xf32, #tpu.memory_space<vmem_shared>>) dst(%arg14 : memref<640xf32, #tpu.memory_space<vmem>>)
      tpu.yield
    }) : () -> ()
    %scan3A_46 = arith.constant 0 : i32
    %scan3A_47 = arith.constant 1 : i32
    %scan3A_48 = arith.constant 15 : i32
    %scan3A_49 = arith.addi %scan3A_47, %scan3A_48 : i32
    %scan3A_50 = arith.constant 1 : i32
    %scan3A_51 = scf.for %scan3A_73 = %scan3A_47 to %scan3A_49 step %scan3A_50 iter_args(%scan3A_74 = %scan3A_46) -> (i32)  : i32 {
      "tpu.region"() ({
        %run_scoped3A_83 = tpu.sem_alloc : memref<!tpu.dma_semaphore, #tpu.memory_space<semaphore_mem>>
        %dma_start3A = tpu.memref_slice %arg17[%scan3A_73, %mul3A_45] : memref<16x10240xf32, #tpu.memory_space<vmem_shared>> -> memref<1x640xf32, #tpu.memory_space<vmem_shared>>
        %dma_start3A_84 = tpu.memref_squeeze %dma_start3A : memref<1x640xf32, #tpu.memory_space<vmem_shared>> -> memref<640xf32, #tpu.memory_space<vmem_shared>>
        %dma_start3A_85 = tpu.memref_slice %arg17[%scan3A_73, %mul3A_45] : memref<16x10240xf32, #tpu.memory_space<vmem_shared>> -> memref<1x640xf32, #tpu.memory_space<vmem_shared>>
        %dma_start3A_86 = tpu.memref_squeeze %dma_start3A_85 : memref<1x640xf32, #tpu.memory_space<vmem_shared>> -> memref<640xf32, #tpu.memory_space<vmem_shared>>
        tpu.enqueue_dma source(%dma_start3A_86 : memref<640xf32, #tpu.memory_space<vmem_shared>>) target(%arg15 : memref<640xf32, #tpu.memory_space<vmem>>) target_semaphore(%run_scoped3A_83 : memref<!tpu.dma_semaphore, #tpu.memory_space<semaphore_mem>>)
        %dma_wait3A = tpu.memref_slice %arg17[%scan3A_73, %mul3A_45] : memref<16x10240xf32, #tpu.memory_space<vmem_shared>> -> memref<1x640xf32, #tpu.memory_space<vmem_shared>>
        %dma_wait3A_87 = tpu.memref_squeeze %dma_wait3A : memref<1x640xf32, #tpu.memory_space<vmem_shared>> -> memref<640xf32, #tpu.memory_space<vmem_shared>>
        %dma_wait3A_88 = tpu.memref_slice %arg17[%scan3A_73, %mul3A_45] : memref<16x10240xf32, #tpu.memory_space<vmem_shared>> -> memref<1x640xf32, #tpu.memory_space<vmem_shared>>
        %dma_wait3A_89 = tpu.memref_squeeze %dma_wait3A_88 : memref<1x640xf32, #tpu.memory_space<vmem_shared>> -> memref<640xf32, #tpu.memory_space<vmem_shared>>
        tpu.wait_dma2 semaphore(%run_scoped3A_83 : memref<!tpu.dma_semaphore, #tpu.memory_space<semaphore_mem>>) src(%dma_wait3A_89 : memref<640xf32, #tpu.memory_space<vmem_shared>>) dst(%arg15 : memref<640xf32, #tpu.memory_space<vmem>>)
        tpu.yield
      }) : () -> ()
      %scan3A_75 = arith.constant 0 : i32
      %scan3A_76 = arith.constant 0 : i32
      %scan3A_77 = arith.constant 40 : i32
      %scan3A_78 = arith.addi %scan3A_76, %scan3A_77 : i32
      %scan3A_79 = arith.constant 1 : i32
      %scan3A_80 = scf.for %scan3A_83 = %scan3A_76 to %scan3A_78 step %scan3A_79 iter_args(%scan3A_84 = %scan3A_75) -> (i32)  : i32 {
        %mul3A_85 = arith.constant 16 : i32
        %mul3A_86 = arith.muli %scan3A_83, %mul3A_85 : i32
        %get3A = arith.index_cast %mul3A_86 : i32 to index
        %get3A_87 = tpu.vector_load %arg14[%get3A] {strides = array<i32>} : memref<640xf32, #tpu.memory_space<vmem>>, vector<16xf32>,
        %get3A_88 = arith.index_cast %mul3A_86 : i32 to index
        %get3A_89 = tpu.vector_load %arg15[%get3A_88] {strides = array<i32>} : memref<640xf32, #tpu.memory_space<vmem>>, vector<16xf32>,
        %add3A_90 = arith.addf %get3A_87, %get3A_89 : vector<16xf32>
        %swap3A = arith.index_cast %mul3A_86 : i32 to index
        %swap3A_91 = tpu.vector_load %arg14[%swap3A] {strides = array<i32>} : memref<640xf32, #tpu.memory_space<vmem>>, vector<16xf32>,
        tpu.vector_store %arg14[%swap3A], %add3A_90 {strides = array<i32>} : memref<640xf32, #tpu.memory_space<vmem>>, vector<16xf32>,
        %scan3A_92 = arith.constant 0 : i32
        scf.yield %scan3A_92 : i32
      }
      %scan3A_81 = arith.constant 40 : i32
      %scan3A_82 = arith.constant 0 : i32
      scf.yield %scan3A_82 : i32
    }
    %scan3A_52 = arith.constant 15 : i32
    "tpu.region"() ({
      %run_scoped3A_73 = tpu.sem_alloc : memref<!tpu.dma_semaphore, #tpu.memory_space<semaphore_mem>>
      %dma_start3A = tpu.memref_slice %arg7[%arg0, %mul3A_45] : memref<2x10240xf32, #tpu.memory_space<hbm>> -> memref<1x640xf32, #tpu.memory_space<hbm>>
      %dma_start3A_74 = tpu.memref_squeeze %dma_start3A : memref<1x640xf32, #tpu.memory_space<hbm>> -> memref<640xf32, #tpu.memory_space<hbm>>
      %dma_start3A_75 = tpu.memref_slice %arg7[%arg0, %mul3A_45] : memref<2x10240xf32, #tpu.memory_space<hbm>> -> memref<1x640xf32, #tpu.memory_space<hbm>>
      %dma_start3A_76 = tpu.memref_squeeze %dma_start3A_75 : memref<1x640xf32, #tpu.memory_space<hbm>> -> memref<640xf32, #tpu.memory_space<hbm>>
      tpu.enqueue_dma source(%arg14 : memref<640xf32, #tpu.memory_space<vmem>>) target(%dma_start3A_76 : memref<640xf32, #tpu.memory_space<hbm>>) target_semaphore(%run_scoped3A_73 : memref<!tpu.dma_semaphore, #tpu.memory_space<semaphore_mem>>)
      %dma_wait3A = tpu.memref_slice %arg7[%arg0, %mul3A_45] : memref<2x10240xf32, #tpu.memory_space<hbm>> -> memref<1x640xf32, #tpu.memory_space<hbm>>
      %dma_wait3A_77 = tpu.memref_squeeze %dma_wait3A : memref<1x640xf32, #tpu.memory_space<hbm>> -> memref<640xf32, #tpu.memory_space<hbm>>
      %dma_wait3A_78 = tpu.memref_slice %arg7[%arg0, %mul3A_45] : memref<2x10240xf32, #tpu.memory_space<hbm>> -> memref<1x640xf32, #tpu.memory_space<hbm>>
      %dma_wait3A_79 = tpu.memref_squeeze %dma_wait3A_78 : memref<1x640xf32, #tpu.memory_space<hbm>> -> memref<640xf32, #tpu.memory_space<hbm>>
      tpu.wait_dma2 semaphore(%run_scoped3A_73 : memref<!tpu.dma_semaphore, #tpu.memory_space<semaphore_mem>>) src(%arg14 : memref<640xf32, #tpu.memory_space<vmem>>) dst(%dma_wait3A_79 : memref<640xf32, #tpu.memory_space<hbm>>)
      tpu.yield
    }) : () -> ()
    %mul3A_53 = arith.constant 640 : i32
    %mul3A_54 = arith.muli %arg1, %mul3A_53 : i32
    %add3A_55 = arith.constant 0 : i32
    %add3A_56 = arith.addi %mul3A_54, %add3A_55 : i32
    "tpu.region"() ({
      %run_scoped3A_73 = tpu.sem_alloc : memref<!tpu.dma_semaphore, #tpu.memory_space<semaphore_mem>>
      %dma_start3A = arith.constant 0 : i32
      %dma_start3A_74 = tpu.memref_slice %arg6[%arg0, %add3A_56, %dma_start3A] : memref<2x10240x128xf32, #tpu.memory_space<hbm>> -> memref<1x128x128xf32, #tpu.memory_space<hbm>>
      %dma_start3A_75 = tpu.memref_squeeze %dma_start3A_74 : memref<1x128x128xf32, #tpu.memory_space<hbm>> -> memref<128x128xf32, #tpu.memory_space<hbm>>
      %dma_start3A_76 = arith.constant 0 : i32
      %dma_start3A_77 = tpu.memref_slice %arg16[%add3A_56, %dma_start3A_76] : memref<10240x128xf32, #tpu.memory_space<vmem_shared>> -> memref<128x128xf32, #tpu.memory_space<vmem_shared>>
      tpu.enqueue_dma source(%dma_start3A_77 : memref<128x128xf32, #tpu.memory_space<vmem_shared>>) target(%dma_start3A_75 : memref<128x128xf32, #tpu.memory_space<hbm>>) target_semaphore(%run_scoped3A_73 : memref<!tpu.dma_semaphore, #tpu.memory_space<semaphore_mem>>)
      %dma_wait3A = arith.constant 0 : i32
      %dma_wait3A_78 = tpu.memref_slice %arg6[%arg0, %add3A_56, %dma_wait3A] : memref<2x10240x128xf32, #tpu.memory_space<hbm>> -> memref<1x128x128xf32, #tpu.memory_space<hbm>>
      %dma_wait3A_79 = tpu.memref_squeeze %dma_wait3A_78 : memref<1x128x128xf32, #tpu.memory_space<hbm>> -> memref<128x128xf32, #tpu.memory_space<hbm>>
      %dma_wait3A_80 = arith.constant 0 : i32
      %dma_wait3A_81 = tpu.memref_slice %arg16[%add3A_56, %dma_wait3A_80] : memref<10240x128xf32, #tpu.memory_space<vmem_shared>> -> memref<128x128xf32, #tpu.memory_space<vmem_shared>>
      tpu.wait_dma2 semaphore(%run_scoped3A_73 : memref<!tpu.dma_semaphore, #tpu.memory_space<semaphore_mem>>) src(%dma_wait3A_81 : memref<128x128xf32, #tpu.memory_space<vmem_shared>>) dst(%dma_wait3A_79 : memref<128x128xf32, #tpu.memory_space<hbm>>)
      tpu.yield
    }) : () -> ()
    %mul3A_57 = arith.constant 640 : i32
    %mul3A_58 = arith.muli %arg1, %mul3A_57 : i32
    %add3A_59 = arith.constant 128 : i32
    %add3A_60 = arith.addi %mul3A_58, %add3A_59 : i32
    "tpu.region"() ({
      %run_scoped3A_73 = tpu.sem_alloc : memref<!tpu.dma_semaphore, #tpu.memory_space<semaphore_mem>>
      %dma_start3A = arith.constant 0 : i32
      %dma_start3A_74 = tpu.memref_slice %arg6[%arg0, %add3A_60, %dma_start3A] : memref<2x10240x128xf32, #tpu.memory_space<hbm>> -> memref<1x128x128xf32, #tpu.memory_space<hbm>>
      %dma_start3A_75 = tpu.memref_squeeze %dma_start3A_74 : memref<1x128x128xf32, #tpu.memory_space<hbm>> -> memref<128x128xf32, #tpu.memory_space<hbm>>
      %dma_start3A_76 = arith.constant 0 : i32
      %dma_start3A_77 = tpu.memref_slice %arg16[%add3A_60, %dma_start3A_76] : memref<10240x128xf32, #tpu.memory_space<vmem_shared>> -> memref<128x128xf32, #tpu.memory_space<vmem_shared>>
      tpu.enqueue_dma source(%dma_start3A_77 : memref<128x128xf32, #tpu.memory_space<vmem_shared>>) target(%dma_start3A_75 : memref<128x128xf32, #tpu.memory_space<hbm>>) target_semaphore(%run_scoped3A_73 : memref<!tpu.dma_semaphore, #tpu.memory_space<semaphore_mem>>)
      %dma_wait3A = arith.constant 0 : i32
      %dma_wait3A_78 = tpu.memref_slice %arg6[%arg0, %add3A_60, %dma_wait3A] : memref<2x10240x128xf32, #tpu.memory_space<hbm>> -> memref<1x128x128xf32, #tpu.memory_space<hbm>>
      %dma_wait3A_79 = tpu.memref_squeeze %dma_wait3A_78 : memref<1x128x128xf32, #tpu.memory_space<hbm>> -> memref<128x128xf32, #tpu.memory_space<hbm>>
      %dma_wait3A_80 = arith.constant 0 : i32
      %dma_wait3A_81 = tpu.memref_slice %arg16[%add3A_60, %dma_wait3A_80] : memref<10240x128xf32, #tpu.memory_space<vmem_shared>> -> memref<128x128xf32, #tpu.memory_space<vmem_shared>>
      tpu.wait_dma2 semaphore(%run_scoped3A_73 : memref<!tpu.dma_semaphore, #tpu.memory_space<semaphore_mem>>) src(%dma_wait3A_81 : memref<128x128xf32, #tpu.memory_space<vmem_shared>>) dst(%dma_wait3A_79 : memref<128x128xf32, #tpu.memory_space<hbm>>)
      tpu.yield
    }) : () -> ()
    %mul3A_61 = arith.constant 640 : i32
    %mul3A_62 = arith.muli %arg1, %mul3A_61 : i32
    %add3A_63 = arith.constant 256 : i32
    %add3A_64 = arith.addi %mul3A_62, %add3A_63 : i32
    "tpu.region"() ({
      %run_scoped3A_73 = tpu.sem_alloc : memref<!tpu.dma_semaphore, #tpu.memory_space<semaphore_mem>>
      %dma_start3A = arith.constant 0 : i32
      %dma_start3A_74 = tpu.memref_slice %arg6[%arg0, %add3A_64, %dma_start3A] : memref<2x10240x128xf32, #tpu.memory_space<hbm>> -> memref<1x128x128xf32, #tpu.memory_space<hbm>>
      %dma_start3A_75 = tpu.memref_squeeze %dma_start3A_74 : memref<1x128x128xf32, #tpu.memory_space<hbm>> -> memref<128x128xf32, #tpu.memory_space<hbm>>
      %dma_start3A_76 = arith.constant 0 : i32
      %dma_start3A_77 = tpu.memref_slice %arg16[%add3A_64, %dma_start3A_76] : memref<10240x128xf32, #tpu.memory_space<vmem_shared>> -> memref<128x128xf32, #tpu.memory_space<vmem_shared>>
      tpu.enqueue_dma source(%dma_start3A_77 : memref<128x128xf32, #tpu.memory_space<vmem_shared>>) target(%dma_start3A_75 : memref<128x128xf32, #tpu.memory_space<hbm>>) target_semaphore(%run_scoped3A_73 : memref<!tpu.dma_semaphore, #tpu.memory_space<semaphore_mem>>)
      %dma_wait3A = arith.constant 0 : i32
      %dma_wait3A_78 = tpu.memref_slice %arg6[%arg0, %add3A_64, %dma_wait3A] : memref<2x10240x128xf32, #tpu.memory_space<hbm>> -> memref<1x128x128xf32, #tpu.memory_space<hbm>>
      %dma_wait3A_79 = tpu.memref_squeeze %dma_wait3A_78 : memref<1x128x128xf32, #tpu.memory_space<hbm>> -> memref<128x128xf32, #tpu.memory_space<hbm>>
      %dma_wait3A_80 = arith.constant 0 : i32
      %dma_wait3A_81 = tpu.memref_slice %arg16[%add3A_64, %dma_wait3A_80] : memref<10240x128xf32, #tpu.memory_space<vmem_shared>> -> memref<128x128xf32, #tpu.memory_space<vmem_shared>>
      tpu.wait_dma2 semaphore(%run_scoped3A_73 : memref<!tpu.dma_semaphore, #tpu.memory_space<semaphore_mem>>) src(%dma_wait3A_81 : memref<128x128xf32, #tpu.memory_space<vmem_shared>>) dst(%dma_wait3A_79 : memref<128x128xf32, #tpu.memory_space<hbm>>)
      tpu.yield
    }) : () -> ()
    %mul3A_65 = arith.constant 640 : i32
    %mul3A_66 = arith.muli %arg1, %mul3A_65 : i32
    %add3A_67 = arith.constant 384 : i32
    %add3A_68 = arith.addi %mul3A_66, %add3A_67 : i32
    "tpu.region"() ({
      %run_scoped3A_73 = tpu.sem_alloc : memref<!tpu.dma_semaphore, #tpu.memory_space<semaphore_mem>>
      %dma_start3A = arith.constant 0 : i32
      %dma_start3A_74 = tpu.memref_slice %arg6[%arg0, %add3A_68, %dma_start3A] : memref<2x10240x128xf32, #tpu.memory_space<hbm>> -> memref<1x128x128xf32, #tpu.memory_space<hbm>>
      %dma_start3A_75 = tpu.memref_squeeze %dma_start3A_74 : memref<1x128x128xf32, #tpu.memory_space<hbm>> -> memref<128x128xf32, #tpu.memory_space<hbm>>
      %dma_start3A_76 = arith.constant 0 : i32
      %dma_start3A_77 = tpu.memref_slice %arg16[%add3A_68, %dma_start3A_76] : memref<10240x128xf32, #tpu.memory_space<vmem_shared>> -> memref<128x128xf32, #tpu.memory_space<vmem_shared>>
      tpu.enqueue_dma source(%dma_start3A_77 : memref<128x128xf32, #tpu.memory_space<vmem_shared>>) target(%dma_start3A_75 : memref<128x128xf32, #tpu.memory_space<hbm>>) target_semaphore(%run_scoped3A_73 : memref<!tpu.dma_semaphore, #tpu.memory_space<semaphore_mem>>)
      %dma_wait3A = arith.constant 0 : i32
      %dma_wait3A_78 = tpu.memref_slice %arg6[%arg0, %add3A_68, %dma_wait3A] : memref<2x10240x128xf32, #tpu.memory_space<hbm>> -> memref<1x128x128xf32, #tpu.memory_space<hbm>>
      %dma_wait3A_79 = tpu.memref_squeeze %dma_wait3A_78 : memref<1x128x128xf32, #tpu.memory_space<hbm>> -> memref<128x128xf32, #tpu.memory_space<hbm>>
      %dma_wait3A_80 = arith.constant 0 : i32
      %dma_wait3A_81 = tpu.memref_slice %arg16[%add3A_68, %dma_wait3A_80] : memref<10240x128xf32, #tpu.memory_space<vmem_shared>> -> memref<128x128xf32, #tpu.memory_space<vmem_shared>>
      tpu.wait_dma2 semaphore(%run_scoped3A_73 : memref<!tpu.dma_semaphore, #tpu.memory_space<semaphore_mem>>) src(%dma_wait3A_81 : memref<128x128xf32, #tpu.memory_space<vmem_shared>>) dst(%dma_wait3A_79 : memref<128x128xf32, #tpu.memory_space<hbm>>)
      tpu.yield
    }) : () -> ()
    %mul3A_69 = arith.constant 640 : i32
    %mul3A_70 = arith.muli %arg1, %mul3A_69 : i32
    %add3A_71 = arith.constant 512 : i32
    %add3A_72 = arith.addi %mul3A_70, %add3A_71 : i32
    "tpu.region"() ({
      %run_scoped3A_73 = tpu.sem_alloc : memref<!tpu.dma_semaphore, #tpu.memory_space<semaphore_mem>>
      %dma_start3A = arith.constant 0 : i32
      %dma_start3A_74 = tpu.memref_slice %arg6[%arg0, %add3A_72, %dma_start3A] : memref<2x10240x128xf32, #tpu.memory_space<hbm>> -> memref<1x128x128xf32, #tpu.memory_space<hbm>>
      %dma_start3A_75 = tpu.memref_squeeze %dma_start3A_74 : memref<1x128x128xf32, #tpu.memory_space<hbm>> -> memref<128x128xf32, #tpu.memory_space<hbm>>
      %dma_start3A_76 = arith.constant 0 : i32
      %dma_start3A_77 = tpu.memref_slice %arg16[%add3A_72, %dma_start3A_76] : memref<10240x128xf32, #tpu.memory_space<vmem_shared>> -> memref<128x128xf32, #tpu.memory_space<vmem_shared>>
      tpu.enqueue_dma source(%dma_start3A_77 : memref<128x128xf32, #tpu.memory_space<vmem_shared>>) target(%dma_start3A_75 : memref<128x128xf32, #tpu.memory_space<hbm>>) target_semaphore(%run_scoped3A_73 : memref<!tpu.dma_semaphore, #tpu.memory_space<semaphore_mem>>)
      %dma_wait3A = arith.constant 0 : i32
      %dma_wait3A_78 = tpu.memref_slice %arg6[%arg0, %add3A_72, %dma_wait3A] : memref<2x10240x128xf32, #tpu.memory_space<hbm>> -> memref<1x128x128xf32, #tpu.memory_space<hbm>>
      %dma_wait3A_79 = tpu.memref_squeeze %dma_wait3A_78 : memref<1x128x128xf32, #tpu.memory_space<hbm>> -> memref<128x128xf32, #tpu.memory_space<hbm>>
      %dma_wait3A_80 = arith.constant 0 : i32
      %dma_wait3A_81 = tpu.memref_slice %arg16[%add3A_72, %dma_wait3A_80] : memref<10240x128xf32, #tpu.memory_space<vmem_shared>> -> memref<128x128xf32, #tpu.memory_space<vmem_shared>>
      tpu.wait_dma2 semaphore(%run_scoped3A_73 : memref<!tpu.dma_semaphore, #tpu.memory_space<semaphore_mem>>) src(%dma_wait3A_81 : memref<128x128xf32, #tpu.memory_space<vmem_shared>>) dst(%dma_wait3A_79 : memref<128x128xf32, #tpu.memory_space<hbm>>)
      tpu.yield
    }) : () -> ()
    return
  }
}

#map = affine_map<(d0, d1) -> (0, 0)>
#map1 = affine_map<(d0, d1) -> (0)>
#map2 = affine_map<(d0, d1) -> (0, 0, 0)>
module attributes {stable_mosaic.version = 14 : i64} {
  func.func @_mp_kernel(%arg0: i32, %arg1: i32, %arg2: memref<10240x128xf32, #tpu.memory_space<hbm>>, %arg3: memref<323584xi32, #tpu.memory_space<hbm>>, %arg4: memref<323584xi32, #tpu.memory_space<hbm>>, %arg5: memref<10240xf32, #tpu.memory_space<hbm>>, %arg6: memref<2x10240x128xf32, #tpu.memory_space<hbm>>, %arg7: memref<2x10240xf32, #tpu.memory_space<hbm>>, %arg8: memref<128xi32, #tpu.memory_space<vmem>>, %arg9: memref<128xi32, #tpu.memory_space<vmem>>, %arg10: memref<128xi32, #tpu.memory_space<vmem>>, %arg11: memref<128x128xf32, #tpu.memory_space<vmem>>, %arg12: memref<10240xf32, #tpu.memory_space<vmem>>, %arg13: memref<10240xf32, #tpu.memory_space<vmem>>, %arg14: memref<640xf32, #tpu.memory_space<vmem>>, %arg15: memref<640xf32, #tpu.memory_space<vmem>>, %arg16: memref<10240x128xf32, #tpu.memory_space<vmem_shared>>, %arg17: memref<16x10240xf32, #tpu.memory_space<vmem_shared>>, %arg18: memref<!tpu.dma_semaphore, #tpu.memory_space<semaphore_mem>>) attributes {dimension_semantics = [#tpu.dimension_semantics<core_parallel>, #tpu.dimension_semantics<subcore_parallel>], iteration_bounds = array<i64: 2, 16>, scalar_prefetch = 0 : i64, scratch_operands = 11 : i64, tpu.core_type = #tpu.core_type<sc_vector_subcore>, window_params = [{transform_indices = #map}, {transform_indices = #map1}, {transform_indices = #map1}, {transform_indices = #map1}, {transform_indices = #map2}, {transform_indices = #map}]} {
    %mul3A = arith.constant 16 : i32
    %mul3A_0 = arith.muli %arg0, %mul3A : i32
    %add3A = arith.addi %mul3A_0, %arg1 : i32
    %broadcast_in_dim3A = arith.constant 1.000000e+00 : f32
    %broadcast_in_dim3A_1 = vector.broadcast %broadcast_in_dim3A : f32 to vector<16xf32>
    "tpu.region"() ({
      %run_scoped3A_73 = tpu.sem_alloc : memref<!tpu.dma_semaphore, #tpu.memory_space<semaphore_mem>>
      tpu.enqueue_dma source(%arg5 : memref<10240xf32, #tpu.memory_space<hbm>>) target(%arg12 : memref<10240xf32, #tpu.memory_space<vmem>>) target_semaphore(%run_scoped3A_73 : memref<!tpu.dma_semaphore, #tpu.memory_space<semaphore_mem>>)
      tpu.wait_dma2 semaphore(%run_scoped3A_73 : memref<!tpu.dma_semaphore, #tpu.memory_space<semaphore_mem>>) src(%arg5 : memref<10240xf32, #tpu.memory_space<hbm>>) dst(%arg12 : memref<10240xf32, #tpu.memory_space<vmem>>)
      tpu.yield
    }) : () -> ()
    %scan3A = arith.constant 0 : i32
    %scan3A_2 = arith.constant 0 : i32
    %scan3A_3 = arith.constant 128 : i32
    %scan3A_4 = arith.addi %scan3A_2, %scan3A_3 : i32
    %scan3A_5 = arith.constant 1 : i32
    %scan3A_6 = scf.for %scan3A_73 = %scan3A_2 to %scan3A_4 step %scan3A_5 iter_args(%scan3A_74 = %scan3A) -> (i32)  : i32 {
      %broadcast_in_dim3A_75 = arith.constant 0.000000e+00 : f32
      %broadcast_in_dim3A_76 = vector.broadcast %broadcast_in_dim3A_75 : f32 to vector<16xf32>
      %swap3A = arith.index_cast %scan3A_73 : i32 to index
      %swap3A_77 = arith.constant 0 : index
      %swap3A_78 = tpu.vector_load %arg11[%swap3A, %swap3A_77] {strides = array<i32>} : memref<128x128xf32, #tpu.memory_space<vmem>>, vector<16xf32>,
      tpu.vector_store %arg11[%swap3A, %swap3A_77], %broadcast_in_dim3A_76 {strides = array<i32>} : memref<128x128xf32, #tpu.memory_space<vmem>>, vector<16xf32>,
      %broadcast_in_dim3A_79 = arith.constant 0.000000e+00 : f32
      %broadcast_in_dim3A_80 = vector.broadcast %broadcast_in_dim3A_79 : f32 to vector<16xf32>
      %swap3A_81 = arith.index_cast %scan3A_73 : i32 to index
      %swap3A_82 = arith.constant 16 : index
      %swap3A_83 = tpu.vector_load %arg11[%swap3A_81, %swap3A_82] {strides = array<i32>} : memref<128x128xf32, #tpu.memory_space<vmem>>, vector<16xf32>,
      tpu.vector_store %arg11[%swap3A_81, %swap3A_82], %broadcast_in_dim3A_80 {strides = array<i32>} : memref<128x128xf32, #tpu.memory_space<vmem>>, vector<16xf32>,
      %broadcast_in_dim3A_84 = arith.constant 0.000000e+00 : f32
      %broadcast_in_dim3A_85 = vector.broadcast %broadcast_in_dim3A_84 : f32 to vector<16xf32>
      %swap3A_86 = arith.index_cast %scan3A_73 : i32 to index
      %swap3A_87 = arith.constant 32 : index
      %swap3A_88 = tpu.vector_load %arg11[%swap3A_86, %swap3A_87] {strides = array<i32>} : memref<128x128xf32, #tpu.memory_space<vmem>>, vector<16xf32>,
      tpu.vector_store %arg11[%swap3A_86, %swap3A_87], %broadcast_in_dim3A_85 {strides = array<i32>} : memref<128x128xf32, #tpu.memory_space<vmem>>, vector<16xf32>,
      %broadcast_in_dim3A_89 = arith.constant 0.000000e+00 : f32
      %broadcast_in_dim3A_90 = vector.broadcast %broadcast_in_dim3A_89 : f32 to vector<16xf32>
      %swap3A_91 = arith.index_cast %scan3A_73 : i32 to index
      %swap3A_92 = arith.constant 48 : index
      %swap3A_93 = tpu.vector_load %arg11[%swap3A_91, %swap3A_92] {strides = array<i32>} : memref<128x128xf32, #tpu.memory_space<vmem>>, vector<16xf32>,
      tpu.vector_store %arg11[%swap3A_91, %swap3A_92], %broadcast_in_dim3A_90 {strides = array<i32>} : memref<128x128xf32, #tpu.memory_space<vmem>>, vector<16xf32>,
      %broadcast_in_dim3A_94 = arith.constant 0.000000e+00 : f32
      %broadcast_in_dim3A_95 = vector.broadcast %broadcast_in_dim3A_94 : f32 to vector<16xf32>
      %swap3A_96 = arith.index_cast %scan3A_73 : i32 to index
      %swap3A_97 = arith.constant 64 : index
      %swap3A_98 = tpu.vector_load %arg11[%swap3A_96, %swap3A_97] {strides = array<i32>} : memref<128x128xf32, #tpu.memory_space<vmem>>, vector<16xf32>,
      tpu.vector_store %arg11[%swap3A_96, %swap3A_97], %broadcast_in_dim3A_95 {strides = array<i32>} : memref<128x128xf32, #tpu.memory_space<vmem>>, vector<16xf32>,
      %broadcast_in_dim3A_99 = arith.constant 0.000000e+00 : f32
      %broadcast_in_dim3A_100 = vector.broadcast %broadcast_in_dim3A_99 : f32 to vector<16xf32>
      %swap3A_101 = arith.index_cast %scan3A_73 : i32 to index
      %swap3A_102 = arith.constant 80 : index
      %swap3A_103 = tpu.vector_load %arg11[%swap3A_101, %swap3A_102] {strides = array<i32>} : memref<128x128xf32, #tpu.memory_space<vmem>>, vector<16xf32>,
      tpu.vector_store %arg11[%swap3A_101, %swap3A_102], %broadcast_in_dim3A_100 {strides = array<i32>} : memref<128x128xf32, #tpu.memory_space<vmem>>, vector<16xf32>,
      %broadcast_in_dim3A_104 = arith.constant 0.000000e+00 : f32
      %broadcast_in_dim3A_105 = vector.broadcast %broadcast_in_dim3A_104 : f32 to vector<16xf32>
      %swap3A_106 = arith.index_cast %scan3A_73 : i32 to index
      %swap3A_107 = arith.constant 96 : index
      %swap3A_108 = tpu.vector_load %arg11[%swap3A_106, %swap3A_107] {strides = array<i32>} : memref<128x128xf32, #tpu.memory_space<vmem>>, vector<16xf32>,
      tpu.vector_store %arg11[%swap3A_106, %swap3A_107], %broadcast_in_dim3A_105 {strides = array<i32>} : memref<128x128xf32, #tpu.memory_space<vmem>>, vector<16xf32>,
      %broadcast_in_dim3A_109 = arith.constant 0.000000e+00 : f32
      %broadcast_in_dim3A_110 = vector.broadcast %broadcast_in_dim3A_109 : f32 to vector<16xf32>
      %swap3A_111 = arith.index_cast %scan3A_73 : i32 to index
      %swap3A_112 = arith.constant 112 : index
      %swap3A_113 = tpu.vector_load %arg11[%swap3A_111, %swap3A_112] {strides = array<i32>} : memref<128x128xf32, #tpu.memory_space<vmem>>, vector<16xf32>,
      tpu.vector_store %arg11[%swap3A_111, %swap3A_112], %broadcast_in_dim3A_110 {strides = array<i32>} : memref<128x128xf32, #tpu.memory_space<vmem>>, vector<16xf32>,
      %scan3A_114 = arith.constant 0 : i32
      scf.yield %scan3A_114 : i32
    }
    %scan3A_7 = arith.constant 128 : i32
    %mul3A_8 = arith.constant 640 : i32
    %mul3A_9 = arith.muli %arg1, %mul3A_8 : i32
    %add3A_10 = arith.constant 0 : i32
    %add3A_11 = arith.addi %mul3A_9, %add3A_10 : i32
    "tpu.region"() ({
      %run_scoped3A_73 = tpu.sem_alloc : memref<!tpu.dma_semaphore, #tpu.memory_space<semaphore_mem>>
      %dma_start3A = arith.constant 0 : i32
      %dma_start3A_74 = tpu.memref_slice %arg16[%add3A_11, %dma_start3A] : memref<10240x128xf32, #tpu.memory_space<vmem_shared>> -> memref<128x128xf32, #tpu.memory_space<vmem_shared>>
      %dma_start3A_75 = arith.constant 0 : i32
      %dma_start3A_76 = tpu.memref_slice %arg16[%add3A_11, %dma_start3A_75] : memref<10240x128xf32, #tpu.memory_space<vmem_shared>> -> memref<128x128xf32, #tpu.memory_space<vmem_shared>>
      tpu.enqueue_dma source(%arg11 : memref<128x128xf32, #tpu.memory_space<vmem>>) target(%dma_start3A_76 : memref<128x128xf32, #tpu.memory_space<vmem_shared>>) target_semaphore(%run_scoped3A_73 : memref<!tpu.dma_semaphore, #tpu.memory_space<semaphore_mem>>)
      %dma_wait3A = arith.constant 0 : i32
      %dma_wait3A_77 = tpu.memref_slice %arg16[%add3A_11, %dma_wait3A] : memref<10240x128xf32, #tpu.memory_space<vmem_shared>> -> memref<128x128xf32, #tpu.memory_space<vmem_shared>>
      %dma_wait3A_78 = arith.constant 0 : i32
      %dma_wait3A_79 = tpu.memref_slice %arg16[%add3A_11, %dma_wait3A_78] : memref<10240x128xf32, #tpu.memory_space<vmem_shared>> -> memref<128x128xf32, #tpu.memory_space<vmem_shared>>
      tpu.wait_dma2 semaphore(%run_scoped3A_73 : memref<!tpu.dma_semaphore, #tpu.memory_space<semaphore_mem>>) src(%arg11 : memref<128x128xf32, #tpu.memory_space<vmem>>) dst(%dma_wait3A_79 : memref<128x128xf32, #tpu.memory_space<vmem_shared>>)
      tpu.yield
    }) : () -> ()
    %mul3A_12 = arith.constant 640 : i32
    %mul3A_13 = arith.muli %arg1, %mul3A_12 : i32
    %add3A_14 = arith.constant 128 : i32
    %add3A_15 = arith.addi %mul3A_13, %add3A_14 : i32
    "tpu.region"() ({
      %run_scoped3A_73 = tpu.sem_alloc : memref<!tpu.dma_semaphore, #tpu.memory_space<semaphore_mem>>
      %dma_start3A = arith.constant 0 : i32
      %dma_start3A_74 = tpu.memref_slice %arg16[%add3A_15, %dma_start3A] : memref<10240x128xf32, #tpu.memory_space<vmem_shared>> -> memref<128x128xf32, #tpu.memory_space<vmem_shared>>
      %dma_start3A_75 = arith.constant 0 : i32
      %dma_start3A_76 = tpu.memref_slice %arg16[%add3A_15, %dma_start3A_75] : memref<10240x128xf32, #tpu.memory_space<vmem_shared>> -> memref<128x128xf32, #tpu.memory_space<vmem_shared>>
      tpu.enqueue_dma source(%arg11 : memref<128x128xf32, #tpu.memory_space<vmem>>) target(%dma_start3A_76 : memref<128x128xf32, #tpu.memory_space<vmem_shared>>) target_semaphore(%run_scoped3A_73 : memref<!tpu.dma_semaphore, #tpu.memory_space<semaphore_mem>>)
      %dma_wait3A = arith.constant 0 : i32
      %dma_wait3A_77 = tpu.memref_slice %arg16[%add3A_15, %dma_wait3A] : memref<10240x128xf32, #tpu.memory_space<vmem_shared>> -> memref<128x128xf32, #tpu.memory_space<vmem_shared>>
      %dma_wait3A_78 = arith.constant 0 : i32
      %dma_wait3A_79 = tpu.memref_slice %arg16[%add3A_15, %dma_wait3A_78] : memref<10240x128xf32, #tpu.memory_space<vmem_shared>> -> memref<128x128xf32, #tpu.memory_space<vmem_shared>>
      tpu.wait_dma2 semaphore(%run_scoped3A_73 : memref<!tpu.dma_semaphore, #tpu.memory_space<semaphore_mem>>) src(%arg11 : memref<128x128xf32, #tpu.memory_space<vmem>>) dst(%dma_wait3A_79 : memref<128x128xf32, #tpu.memory_space<vmem_shared>>)
      tpu.yield
    }) : () -> ()
    %mul3A_16 = arith.constant 640 : i32
    %mul3A_17 = arith.muli %arg1, %mul3A_16 : i32
    %add3A_18 = arith.constant 256 : i32
    %add3A_19 = arith.addi %mul3A_17, %add3A_18 : i32
    "tpu.region"() ({
      %run_scoped3A_73 = tpu.sem_alloc : memref<!tpu.dma_semaphore, #tpu.memory_space<semaphore_mem>>
      %dma_start3A = arith.constant 0 : i32
      %dma_start3A_74 = tpu.memref_slice %arg16[%add3A_19, %dma_start3A] : memref<10240x128xf32, #tpu.memory_space<vmem_shared>> -> memref<128x128xf32, #tpu.memory_space<vmem_shared>>
      %dma_start3A_75 = arith.constant 0 : i32
      %dma_start3A_76 = tpu.memref_slice %arg16[%add3A_19, %dma_start3A_75] : memref<10240x128xf32, #tpu.memory_space<vmem_shared>> -> memref<128x128xf32, #tpu.memory_space<vmem_shared>>
      tpu.enqueue_dma source(%arg11 : memref<128x128xf32, #tpu.memory_space<vmem>>) target(%dma_start3A_76 : memref<128x128xf32, #tpu.memory_space<vmem_shared>>) target_semaphore(%run_scoped3A_73 : memref<!tpu.dma_semaphore, #tpu.memory_space<semaphore_mem>>)
      %dma_wait3A = arith.constant 0 : i32
      %dma_wait3A_77 = tpu.memref_slice %arg16[%add3A_19, %dma_wait3A] : memref<10240x128xf32, #tpu.memory_space<vmem_shared>> -> memref<128x128xf32, #tpu.memory_space<vmem_shared>>
      %dma_wait3A_78 = arith.constant 0 : i32
      %dma_wait3A_79 = tpu.memref_slice %arg16[%add3A_19, %dma_wait3A_78] : memref<10240x128xf32, #tpu.memory_space<vmem_shared>> -> memref<128x128xf32, #tpu.memory_space<vmem_shared>>
      tpu.wait_dma2 semaphore(%run_scoped3A_73 : memref<!tpu.dma_semaphore, #tpu.memory_space<semaphore_mem>>) src(%arg11 : memref<128x128xf32, #tpu.memory_space<vmem>>) dst(%dma_wait3A_79 : memref<128x128xf32, #tpu.memory_space<vmem_shared>>)
      tpu.yield
    }) : () -> ()
    %mul3A_20 = arith.constant 640 : i32
    %mul3A_21 = arith.muli %arg1, %mul3A_20 : i32
    %add3A_22 = arith.constant 384 : i32
    %add3A_23 = arith.addi %mul3A_21, %add3A_22 : i32
    "tpu.region"() ({
      %run_scoped3A_73 = tpu.sem_alloc : memref<!tpu.dma_semaphore, #tpu.memory_space<semaphore_mem>>
      %dma_start3A = arith.constant 0 : i32
      %dma_start3A_74 = tpu.memref_slice %arg16[%add3A_23, %dma_start3A] : memref<10240x128xf32, #tpu.memory_space<vmem_shared>> -> memref<128x128xf32, #tpu.memory_space<vmem_shared>>
      %dma_start3A_75 = arith.constant 0 : i32
      %dma_start3A_76 = tpu.memref_slice %arg16[%add3A_23, %dma_start3A_75] : memref<10240x128xf32, #tpu.memory_space<vmem_shared>> -> memref<128x128xf32, #tpu.memory_space<vmem_shared>>
      tpu.enqueue_dma source(%arg11 : memref<128x128xf32, #tpu.memory_space<vmem>>) target(%dma_start3A_76 : memref<128x128xf32, #tpu.memory_space<vmem_shared>>) target_semaphore(%run_scoped3A_73 : memref<!tpu.dma_semaphore, #tpu.memory_space<semaphore_mem>>)
      %dma_wait3A = arith.constant 0 : i32
      %dma_wait3A_77 = tpu.memref_slice %arg16[%add3A_23, %dma_wait3A] : memref<10240x128xf32, #tpu.memory_space<vmem_shared>> -> memref<128x128xf32, #tpu.memory_space<vmem_shared>>
      %dma_wait3A_78 = arith.constant 0 : i32
      %dma_wait3A_79 = tpu.memref_slice %arg16[%add3A_23, %dma_wait3A_78] : memref<10240x128xf32, #tpu.memory_space<vmem_shared>> -> memref<128x128xf32, #tpu.memory_space<vmem_shared>>
      tpu.wait_dma2 semaphore(%run_scoped3A_73 : memref<!tpu.dma_semaphore, #tpu.memory_space<semaphore_mem>>) src(%arg11 : memref<128x128xf32, #tpu.memory_space<vmem>>) dst(%dma_wait3A_79 : memref<128x128xf32, #tpu.memory_space<vmem_shared>>)
      tpu.yield
    }) : () -> ()
    %mul3A_24 = arith.constant 640 : i32
    %mul3A_25 = arith.muli %arg1, %mul3A_24 : i32
    %add3A_26 = arith.constant 512 : i32
    %add3A_27 = arith.addi %mul3A_25, %add3A_26 : i32
    "tpu.region"() ({
      %run_scoped3A_73 = tpu.sem_alloc : memref<!tpu.dma_semaphore, #tpu.memory_space<semaphore_mem>>
      %dma_start3A = arith.constant 0 : i32
      %dma_start3A_74 = tpu.memref_slice %arg16[%add3A_27, %dma_start3A] : memref<10240x128xf32, #tpu.memory_space<vmem_shared>> -> memref<128x128xf32, #tpu.memory_space<vmem_shared>>
      %dma_start3A_75 = arith.constant 0 : i32
      %dma_start3A_76 = tpu.memref_slice %arg16[%add3A_27, %dma_start3A_75] : memref<10240x128xf32, #tpu.memory_space<vmem_shared>> -> memref<128x128xf32, #tpu.memory_space<vmem_shared>>
      tpu.enqueue_dma source(%arg11 : memref<128x128xf32, #tpu.memory_space<vmem>>) target(%dma_start3A_76 : memref<128x128xf32, #tpu.memory_space<vmem_shared>>) target_semaphore(%run_scoped3A_73 : memref<!tpu.dma_semaphore, #tpu.memory_space<semaphore_mem>>)
      %dma_wait3A = arith.constant 0 : i32
      %dma_wait3A_77 = tpu.memref_slice %arg16[%add3A_27, %dma_wait3A] : memref<10240x128xf32, #tpu.memory_space<vmem_shared>> -> memref<128x128xf32, #tpu.memory_space<vmem_shared>>
      %dma_wait3A_78 = arith.constant 0 : i32
      %dma_wait3A_79 = tpu.memref_slice %arg16[%add3A_27, %dma_wait3A_78] : memref<10240x128xf32, #tpu.memory_space<vmem_shared>> -> memref<128x128xf32, #tpu.memory_space<vmem_shared>>
      tpu.wait_dma2 semaphore(%run_scoped3A_73 : memref<!tpu.dma_semaphore, #tpu.memory_space<semaphore_mem>>) src(%arg11 : memref<128x128xf32, #tpu.memory_space<vmem>>) dst(%dma_wait3A_79 : memref<128x128xf32, #tpu.memory_space<vmem_shared>>)
      tpu.yield
    }) : () -> ()
    %scan3A_28 = arith.constant 0 : i32
    %scan3A_29 = arith.constant 0 : i32
    %scan3A_30 = arith.constant 640 : i32
    %scan3A_31 = arith.addi %scan3A_29, %scan3A_30 : i32
    %scan3A_32 = arith.constant 1 : i32
    %scan3A_33 = scf.for %scan3A_73 = %scan3A_29 to %scan3A_31 step %scan3A_32 iter_args(%scan3A_74 = %scan3A_28) -> (i32)  : i32 {
      %broadcast_in_dim3A_75 = arith.constant 0.000000e+00 : f32
      %broadcast_in_dim3A_76 = vector.broadcast %broadcast_in_dim3A_75 : f32 to vector<16xf32>
      %mul3A_77 = arith.constant 16 : i32
      %mul3A_78 = arith.muli %scan3A_73, %mul3A_77 : i32
      %swap3A = arith.index_cast %mul3A_78 : i32 to index
      %swap3A_79 = tpu.vector_load %arg13[%swap3A] {strides = array<i32>} : memref<10240xf32, #tpu.memory_space<vmem>>, vector<16xf32>,
      tpu.vector_store %arg13[%swap3A], %broadcast_in_dim3A_76 {strides = array<i32>} : memref<10240xf32, #tpu.memory_space<vmem>>, vector<16xf32>,
      %scan3A_80 = arith.constant 0 : i32
      scf.yield %scan3A_80 : i32
    }
    %scan3A_34 = arith.constant 640 : i32
    %barrier3A = arith.constant 0 : index
    tpu.barrier barrier_id(%barrier3A)
    %scan3A_35 = arith.constant 0 : i32
    %scan3A_36 = arith.constant 0 : i32
    %scan3A_37 = arith.constant 79 : i32
    %scan3A_38 = arith.addi %scan3A_36, %scan3A_37 : i32
    %scan3A_39 = arith.constant 1 : i32
    %scan3A_40 = scf.for %scan3A_73 = %scan3A_36 to %scan3A_38 step %scan3A_39 iter_args(%scan3A_74 = %scan3A_35) -> (i32)  : i32 {
      %mul3A_75 = arith.constant 79 : i32
      %mul3A_76 = arith.muli %add3A, %mul3A_75 : i32
      %add3A_77 = arith.addi %mul3A_76, %scan3A_73 : i32
      %mul3A_78 = arith.constant 128 : i32
      %mul3A_79 = arith.muli %add3A_77, %mul3A_78 : i32
      "tpu.region"() ({
        %run_scoped3A_199 = tpu.sem_alloc : memref<!tpu.dma_semaphore, #tpu.memory_space<semaphore_mem>>
        %dma_start3A_200 = tpu.memref_slice %arg3[%mul3A_79] : memref<323584xi32, #tpu.memory_space<hbm>> -> memref<128xi32, #tpu.memory_space<hbm>>
        %dma_start3A_201 = tpu.memref_slice %arg3[%mul3A_79] : memref<323584xi32, #tpu.memory_space<hbm>> -> memref<128xi32, #tpu.memory_space<hbm>>
        tpu.enqueue_dma source(%dma_start3A_201 : memref<128xi32, #tpu.memory_space<hbm>>) target(%arg8 : memref<128xi32, #tpu.memory_space<vmem>>) target_semaphore(%run_scoped3A_199 : memref<!tpu.dma_semaphore, #tpu.memory_space<semaphore_mem>>)
        %dma_wait3A_202 = tpu.memref_slice %arg3[%mul3A_79] : memref<323584xi32, #tpu.memory_space<hbm>> -> memref<128xi32, #tpu.memory_space<hbm>>
        %dma_wait3A_203 = tpu.memref_slice %arg3[%mul3A_79] : memref<323584xi32, #tpu.memory_space<hbm>> -> memref<128xi32, #tpu.memory_space<hbm>>
        tpu.wait_dma2 semaphore(%run_scoped3A_199 : memref<!tpu.dma_semaphore, #tpu.memory_space<semaphore_mem>>) src(%dma_wait3A_203 : memref<128xi32, #tpu.memory_space<hbm>>) dst(%arg8 : memref<128xi32, #tpu.memory_space<vmem>>)
        tpu.yield
      }) : () -> ()
      "tpu.region"() ({
        %run_scoped3A_199 = tpu.sem_alloc : memref<!tpu.dma_semaphore, #tpu.memory_space<semaphore_mem>>
        %dma_start3A_200 = tpu.memref_slice %arg4[%mul3A_79] : memref<323584xi32, #tpu.memory_space<hbm>> -> memref<128xi32, #tpu.memory_space<hbm>>
        %dma_start3A_201 = tpu.memref_slice %arg4[%mul3A_79] : memref<323584xi32, #tpu.memory_space<hbm>> -> memref<128xi32, #tpu.memory_space<hbm>>
        tpu.enqueue_dma source(%dma_start3A_201 : memref<128xi32, #tpu.memory_space<hbm>>) target(%arg9 : memref<128xi32, #tpu.memory_space<vmem>>) target_semaphore(%run_scoped3A_199 : memref<!tpu.dma_semaphore, #tpu.memory_space<semaphore_mem>>)
        %dma_wait3A_202 = tpu.memref_slice %arg4[%mul3A_79] : memref<323584xi32, #tpu.memory_space<hbm>> -> memref<128xi32, #tpu.memory_space<hbm>>
        %dma_wait3A_203 = tpu.memref_slice %arg4[%mul3A_79] : memref<323584xi32, #tpu.memory_space<hbm>> -> memref<128xi32, #tpu.memory_space<hbm>>
        tpu.wait_dma2 semaphore(%run_scoped3A_199 : memref<!tpu.dma_semaphore, #tpu.memory_space<semaphore_mem>>) src(%dma_wait3A_203 : memref<128xi32, #tpu.memory_space<hbm>>) dst(%arg9 : memref<128xi32, #tpu.memory_space<vmem>>)
        tpu.yield
      }) : () -> ()
      %get3A = arith.constant 0 : index
      %get3A_80 = tpu.vector_load %arg8[%get3A] {strides = array<i32>} : memref<128xi32, #tpu.memory_space<vmem>>, vector<16xi32>,
      %get3A_81 = arith.constant 0 : index
      %get3A_82 = tpu.vector_load %arg9[%get3A_81] {strides = array<i32>} : memref<128xi32, #tpu.memory_space<vmem>>, vector<16xi32>,
      %gather3A = tpu.vector_load_idx %arg12[%get3A_80] : memref<10240xf32, #tpu.memory_space<vmem>>[vector<16xi32>], vector<16xf32>,
      %gather3A_83 = tpu.vector_load_idx %arg12[%get3A_82] : memref<10240xf32, #tpu.memory_space<vmem>>[vector<16xi32>], vector<16xf32>,
      %mul3A_84 = arith.mulf %gather3A, %gather3A_83 : vector<16xf32>
      %gt3A = arith.constant 5.000000e-01 : f32
      %gt3A_85 = vector.broadcast %gt3A : f32 to vector<16xf32>
      %gt3A_86 = arith.cmpf ogt, %mul3A_84, %gt3A_85 : vector<16xf32>
      %jit3A = arith.constant 10000 : i32
      %broadcast_in_dim3A_87 = vector.broadcast %jit3A : i32 to vector<16xi32>
      %select_n3A = arith.select %gt3A_86, %get3A_82, %broadcast_in_dim3A_87 : vector<16xi1>, vector<16xi32>
      %swap3A = arith.constant 0 : index
      %swap3A_88 = tpu.vector_load %arg10[%swap3A] {strides = array<i32>} : memref<128xi32, #tpu.memory_space<vmem>>, vector<16xi32>,
      tpu.vector_store %arg10[%swap3A], %select_n3A {strides = array<i32>} : memref<128xi32, #tpu.memory_space<vmem>>, vector<16xi32>,
      tpu.vector_store_idx %arg13[%select_n3A], %broadcast_in_dim3A_1 {add = true} : memref<10240xf32, #tpu.memory_space<vmem>>[vector<16xi32>], vector<16xf32>,
      %get3A_89 = arith.constant 16 : index
      %get3A_90 = tpu.vector_load %arg8[%get3A_89] {strides = array<i32>} : memref<128xi32, #tpu.memory_space<vmem>>, vector<16xi32>,
      %get3A_91 = arith.constant 16 : index
      %get3A_92 = tpu.vector_load %arg9[%get3A_91] {strides = array<i32>} : memref<128xi32, #tpu.memory_space<vmem>>, vector<16xi32>,
      %gather3A_93 = tpu.vector_load_idx %arg12[%get3A_90] : memref<10240xf32, #tpu.memory_space<vmem>>[vector<16xi32>], vector<16xf32>,
      %gather3A_94 = tpu.vector_load_idx %arg12[%get3A_92] : memref<10240xf32, #tpu.memory_space<vmem>>[vector<16xi32>], vector<16xf32>,
      %mul3A_95 = arith.mulf %gather3A_93, %gather3A_94 : vector<16xf32>
      %gt3A_96 = arith.constant 5.000000e-01 : f32
      %gt3A_97 = vector.broadcast %gt3A_96 : f32 to vector<16xf32>
      %gt3A_98 = arith.cmpf ogt, %mul3A_95, %gt3A_97 : vector<16xf32>
      %jit3A_99 = arith.constant 10000 : i32
      %broadcast_in_dim3A_100 = vector.broadcast %jit3A_99 : i32 to vector<16xi32>
      %select_n3A_101 = arith.select %gt3A_98, %get3A_92, %broadcast_in_dim3A_100 : vector<16xi1>, vector<16xi32>
      %swap3A_102 = arith.constant 16 : index
      %swap3A_103 = tpu.vector_load %arg10[%swap3A_102] {strides = array<i32>} : memref<128xi32, #tpu.memory_space<vmem>>, vector<16xi32>,
      tpu.vector_store %arg10[%swap3A_102], %select_n3A_101 {strides = array<i32>} : memref<128xi32, #tpu.memory_space<vmem>>, vector<16xi32>,
      tpu.vector_store_idx %arg13[%select_n3A_101], %broadcast_in_dim3A_1 {add = true} : memref<10240xf32, #tpu.memory_space<vmem>>[vector<16xi32>], vector<16xf32>,
      %get3A_104 = arith.constant 32 : index
      %get3A_105 = tpu.vector_load %arg8[%get3A_104] {strides = array<i32>} : memref<128xi32, #tpu.memory_space<vmem>>, vector<16xi32>,
      %get3A_106 = arith.constant 32 : index
      %get3A_107 = tpu.vector_load %arg9[%get3A_106] {strides = array<i32>} : memref<128xi32, #tpu.memory_space<vmem>>, vector<16xi32>,
      %gather3A_108 = tpu.vector_load_idx %arg12[%get3A_105] : memref<10240xf32, #tpu.memory_space<vmem>>[vector<16xi32>], vector<16xf32>,
      %gather3A_109 = tpu.vector_load_idx %arg12[%get3A_107] : memref<10240xf32, #tpu.memory_space<vmem>>[vector<16xi32>], vector<16xf32>,
      %mul3A_110 = arith.mulf %gather3A_108, %gather3A_109 : vector<16xf32>
      %gt3A_111 = arith.constant 5.000000e-01 : f32
      %gt3A_112 = vector.broadcast %gt3A_111 : f32 to vector<16xf32>
      %gt3A_113 = arith.cmpf ogt, %mul3A_110, %gt3A_112 : vector<16xf32>
      %jit3A_114 = arith.constant 10000 : i32
      %broadcast_in_dim3A_115 = vector.broadcast %jit3A_114 : i32 to vector<16xi32>
      %select_n3A_116 = arith.select %gt3A_113, %get3A_107, %broadcast_in_dim3A_115 : vector<16xi1>, vector<16xi32>
      %swap3A_117 = arith.constant 32 : index
      %swap3A_118 = tpu.vector_load %arg10[%swap3A_117] {strides = array<i32>} : memref<128xi32, #tpu.memory_space<vmem>>, vector<16xi32>,
      tpu.vector_store %arg10[%swap3A_117], %select_n3A_116 {strides = array<i32>} : memref<128xi32, #tpu.memory_space<vmem>>, vector<16xi32>,
      tpu.vector_store_idx %arg13[%select_n3A_116], %broadcast_in_dim3A_1 {add = true} : memref<10240xf32, #tpu.memory_space<vmem>>[vector<16xi32>], vector<16xf32>,
      %get3A_119 = arith.constant 48 : index
      %get3A_120 = tpu.vector_load %arg8[%get3A_119] {strides = array<i32>} : memref<128xi32, #tpu.memory_space<vmem>>, vector<16xi32>,
      %get3A_121 = arith.constant 48 : index
      %get3A_122 = tpu.vector_load %arg9[%get3A_121] {strides = array<i32>} : memref<128xi32, #tpu.memory_space<vmem>>, vector<16xi32>,
      %gather3A_123 = tpu.vector_load_idx %arg12[%get3A_120] : memref<10240xf32, #tpu.memory_space<vmem>>[vector<16xi32>], vector<16xf32>,
      %gather3A_124 = tpu.vector_load_idx %arg12[%get3A_122] : memref<10240xf32, #tpu.memory_space<vmem>>[vector<16xi32>], vector<16xf32>,
      %mul3A_125 = arith.mulf %gather3A_123, %gather3A_124 : vector<16xf32>
      %gt3A_126 = arith.constant 5.000000e-01 : f32
      %gt3A_127 = vector.broadcast %gt3A_126 : f32 to vector<16xf32>
      %gt3A_128 = arith.cmpf ogt, %mul3A_125, %gt3A_127 : vector<16xf32>
      %jit3A_129 = arith.constant 10000 : i32
      %broadcast_in_dim3A_130 = vector.broadcast %jit3A_129 : i32 to vector<16xi32>
      %select_n3A_131 = arith.select %gt3A_128, %get3A_122, %broadcast_in_dim3A_130 : vector<16xi1>, vector<16xi32>
      %swap3A_132 = arith.constant 48 : index
      %swap3A_133 = tpu.vector_load %arg10[%swap3A_132] {strides = array<i32>} : memref<128xi32, #tpu.memory_space<vmem>>, vector<16xi32>,
      tpu.vector_store %arg10[%swap3A_132], %select_n3A_131 {strides = array<i32>} : memref<128xi32, #tpu.memory_space<vmem>>, vector<16xi32>,
      tpu.vector_store_idx %arg13[%select_n3A_131], %broadcast_in_dim3A_1 {add = true} : memref<10240xf32, #tpu.memory_space<vmem>>[vector<16xi32>], vector<16xf32>,
      %get3A_134 = arith.constant 64 : index
      %get3A_135 = tpu.vector_load %arg8[%get3A_134] {strides = array<i32>} : memref<128xi32, #tpu.memory_space<vmem>>, vector<16xi32>,
      %get3A_136 = arith.constant 64 : index
      %get3A_137 = tpu.vector_load %arg9[%get3A_136] {strides = array<i32>} : memref<128xi32, #tpu.memory_space<vmem>>, vector<16xi32>,
      %gather3A_138 = tpu.vector_load_idx %arg12[%get3A_135] : memref<10240xf32, #tpu.memory_space<vmem>>[vector<16xi32>], vector<16xf32>,
      %gather3A_139 = tpu.vector_load_idx %arg12[%get3A_137] : memref<10240xf32, #tpu.memory_space<vmem>>[vector<16xi32>], vector<16xf32>,
      %mul3A_140 = arith.mulf %gather3A_138, %gather3A_139 : vector<16xf32>
      %gt3A_141 = arith.constant 5.000000e-01 : f32
      %gt3A_142 = vector.broadcast %gt3A_141 : f32 to vector<16xf32>
      %gt3A_143 = arith.cmpf ogt, %mul3A_140, %gt3A_142 : vector<16xf32>
      %jit3A_144 = arith.constant 10000 : i32
      %broadcast_in_dim3A_145 = vector.broadcast %jit3A_144 : i32 to vector<16xi32>
      %select_n3A_146 = arith.select %gt3A_143, %get3A_137, %broadcast_in_dim3A_145 : vector<16xi1>, vector<16xi32>
      %swap3A_147 = arith.constant 64 : index
      %swap3A_148 = tpu.vector_load %arg10[%swap3A_147] {strides = array<i32>} : memref<128xi32, #tpu.memory_space<vmem>>, vector<16xi32>,
      tpu.vector_store %arg10[%swap3A_147], %select_n3A_146 {strides = array<i32>} : memref<128xi32, #tpu.memory_space<vmem>>, vector<16xi32>,
      tpu.vector_store_idx %arg13[%select_n3A_146], %broadcast_in_dim3A_1 {add = true} : memref<10240xf32, #tpu.memory_space<vmem>>[vector<16xi32>], vector<16xf32>,
      %get3A_149 = arith.constant 80 : index
      %get3A_150 = tpu.vector_load %arg8[%get3A_149] {strides = array<i32>} : memref<128xi32, #tpu.memory_space<vmem>>, vector<16xi32>,
      %get3A_151 = arith.constant 80 : index
      %get3A_152 = tpu.vector_load %arg9[%get3A_151] {strides = array<i32>} : memref<128xi32, #tpu.memory_space<vmem>>, vector<16xi32>,
      %gather3A_153 = tpu.vector_load_idx %arg12[%get3A_150] : memref<10240xf32, #tpu.memory_space<vmem>>[vector<16xi32>], vector<16xf32>,
      %gather3A_154 = tpu.vector_load_idx %arg12[%get3A_152] : memref<10240xf32, #tpu.memory_space<vmem>>[vector<16xi32>], vector<16xf32>,
      %mul3A_155 = arith.mulf %gather3A_153, %gather3A_154 : vector<16xf32>
      %gt3A_156 = arith.constant 5.000000e-01 : f32
      %gt3A_157 = vector.broadcast %gt3A_156 : f32 to vector<16xf32>
      %gt3A_158 = arith.cmpf ogt, %mul3A_155, %gt3A_157 : vector<16xf32>
      %jit3A_159 = arith.constant 10000 : i32
      %broadcast_in_dim3A_160 = vector.broadcast %jit3A_159 : i32 to vector<16xi32>
      %select_n3A_161 = arith.select %gt3A_158, %get3A_152, %broadcast_in_dim3A_160 : vector<16xi1>, vector<16xi32>
      %swap3A_162 = arith.constant 80 : index
      %swap3A_163 = tpu.vector_load %arg10[%swap3A_162] {strides = array<i32>} : memref<128xi32, #tpu.memory_space<vmem>>, vector<16xi32>,
      tpu.vector_store %arg10[%swap3A_162], %select_n3A_161 {strides = array<i32>} : memref<128xi32, #tpu.memory_space<vmem>>, vector<16xi32>,
      tpu.vector_store_idx %arg13[%select_n3A_161], %broadcast_in_dim3A_1 {add = true} : memref<10240xf32, #tpu.memory_space<vmem>>[vector<16xi32>], vector<16xf32>,
      %get3A_164 = arith.constant 96 : index
      %get3A_165 = tpu.vector_load %arg8[%get3A_164] {strides = array<i32>} : memref<128xi32, #tpu.memory_space<vmem>>, vector<16xi32>,
      %get3A_166 = arith.constant 96 : index
      %get3A_167 = tpu.vector_load %arg9[%get3A_166] {strides = array<i32>} : memref<128xi32, #tpu.memory_space<vmem>>, vector<16xi32>,
      %gather3A_168 = tpu.vector_load_idx %arg12[%get3A_165] : memref<10240xf32, #tpu.memory_space<vmem>>[vector<16xi32>], vector<16xf32>,
      %gather3A_169 = tpu.vector_load_idx %arg12[%get3A_167] : memref<10240xf32, #tpu.memory_space<vmem>>[vector<16xi32>], vector<16xf32>,
      %mul3A_170 = arith.mulf %gather3A_168, %gather3A_169 : vector<16xf32>
      %gt3A_171 = arith.constant 5.000000e-01 : f32
      %gt3A_172 = vector.broadcast %gt3A_171 : f32 to vector<16xf32>
      %gt3A_173 = arith.cmpf ogt, %mul3A_170, %gt3A_172 : vector<16xf32>
      %jit3A_174 = arith.constant 10000 : i32
      %broadcast_in_dim3A_175 = vector.broadcast %jit3A_174 : i32 to vector<16xi32>
      %select_n3A_176 = arith.select %gt3A_173, %get3A_167, %broadcast_in_dim3A_175 : vector<16xi1>, vector<16xi32>
      %swap3A_177 = arith.constant 96 : index
      %swap3A_178 = tpu.vector_load %arg10[%swap3A_177] {strides = array<i32>} : memref<128xi32, #tpu.memory_space<vmem>>, vector<16xi32>,
      tpu.vector_store %arg10[%swap3A_177], %select_n3A_176 {strides = array<i32>} : memref<128xi32, #tpu.memory_space<vmem>>, vector<16xi32>,
      tpu.vector_store_idx %arg13[%select_n3A_176], %broadcast_in_dim3A_1 {add = true} : memref<10240xf32, #tpu.memory_space<vmem>>[vector<16xi32>], vector<16xf32>,
      %get3A_179 = arith.constant 112 : index
      %get3A_180 = tpu.vector_load %arg8[%get3A_179] {strides = array<i32>} : memref<128xi32, #tpu.memory_space<vmem>>, vector<16xi32>,
      %get3A_181 = arith.constant 112 : index
      %get3A_182 = tpu.vector_load %arg9[%get3A_181] {strides = array<i32>} : memref<128xi32, #tpu.memory_space<vmem>>, vector<16xi32>,
      %gather3A_183 = tpu.vector_load_idx %arg12[%get3A_180] : memref<10240xf32, #tpu.memory_space<vmem>>[vector<16xi32>], vector<16xf32>,
      %gather3A_184 = tpu.vector_load_idx %arg12[%get3A_182] : memref<10240xf32, #tpu.memory_space<vmem>>[vector<16xi32>], vector<16xf32>,
      %mul3A_185 = arith.mulf %gather3A_183, %gather3A_184 : vector<16xf32>
      %gt3A_186 = arith.constant 5.000000e-01 : f32
      %gt3A_187 = vector.broadcast %gt3A_186 : f32 to vector<16xf32>
      %gt3A_188 = arith.cmpf ogt, %mul3A_185, %gt3A_187 : vector<16xf32>
      %jit3A_189 = arith.constant 10000 : i32
      %broadcast_in_dim3A_190 = vector.broadcast %jit3A_189 : i32 to vector<16xi32>
      %select_n3A_191 = arith.select %gt3A_188, %get3A_182, %broadcast_in_dim3A_190 : vector<16xi1>, vector<16xi32>
      %swap3A_192 = arith.constant 112 : index
      %swap3A_193 = tpu.vector_load %arg10[%swap3A_192] {strides = array<i32>} : memref<128xi32, #tpu.memory_space<vmem>>, vector<16xi32>,
      tpu.vector_store %arg10[%swap3A_192], %select_n3A_191 {strides = array<i32>} : memref<128xi32, #tpu.memory_space<vmem>>, vector<16xi32>,
      tpu.vector_store_idx %arg13[%select_n3A_191], %broadcast_in_dim3A_1 {add = true} : memref<10240xf32, #tpu.memory_space<vmem>>[vector<16xi32>], vector<16xf32>,
      %dma_start3A = arith.constant 0 : i32
      %dma_start3A_194 = arith.constant 0 : i32
      %dma_start3A_195 = tpu.memref_slice %arg2[%dma_start3A, %dma_start3A_194] : memref<10240x128xf32, #tpu.memory_space<hbm>> -> memref<10240x128xf32, #tpu.memory_space<hbm>>
      tpu.enqueue_indirect_dma source(%dma_start3A_195 : memref<10240x128xf32, #tpu.memory_space<hbm>>) target(%arg11 : memref<128x128xf32, #tpu.memory_space<vmem>>) offsets(%arg8 : memref<128xi32, #tpu.memory_space<vmem>>) semaphore(%arg18 : memref<!tpu.dma_semaphore, #tpu.memory_space<semaphore_mem>>)
      %dma_wait3A = arith.constant 0 : i32
      %dma_wait3A_196 = arith.constant 0 : i32
      %dma_wait3A_197 = tpu.memref_slice %arg2[%dma_wait3A, %dma_wait3A_196] : memref<10240x128xf32, #tpu.memory_space<hbm>> -> memref<10240x128xf32, #tpu.memory_space<hbm>>
      tpu.wait_indirect_dma semaphore(%arg18 : memref<!tpu.dma_semaphore, #tpu.memory_space<semaphore_mem>>) src(%dma_wait3A_197 : memref<10240x128xf32, #tpu.memory_space<hbm>>) dst(%arg11 : memref<128x128xf32, #tpu.memory_space<vmem>>)
      "tpu.region"() ({
        %run_scoped3A_199 = tpu.sem_alloc : memref<!tpu.dma_semaphore, #tpu.memory_space<semaphore_mem>>
        %dma_start3A_200 = arith.constant 0 : i32
        %dma_start3A_201 = arith.constant 0 : i32
        %dma_start3A_202 = tpu.memref_slice %arg16[%dma_start3A_200, %dma_start3A_201] : memref<10240x128xf32, #tpu.memory_space<vmem_shared>> -> memref<10240x128xf32, #tpu.memory_space<vmem_shared>>
        tpu.enqueue_indirect_dma source(%arg11 : memref<128x128xf32, #tpu.memory_space<vmem>>) target(%dma_start3A_202 : memref<10240x128xf32, #tpu.memory_space<vmem_shared>>) offsets(%arg10 : memref<128xi32, #tpu.memory_space<vmem>>) semaphore(%run_scoped3A_199 : memref<!tpu.dma_semaphore, #tpu.memory_space<semaphore_mem>>) {add = true}
        %dma_wait3A_203 = arith.constant 0 : i32
        %dma_wait3A_204 = arith.constant 0 : i32
        %dma_wait3A_205 = tpu.memref_slice %arg16[%dma_wait3A_203, %dma_wait3A_204] : memref<10240x128xf32, #tpu.memory_space<vmem_shared>> -> memref<10240x128xf32, #tpu.memory_space<vmem_shared>>
        tpu.wait_indirect_dma semaphore(%run_scoped3A_199 : memref<!tpu.dma_semaphore, #tpu.memory_space<semaphore_mem>>) src(%arg11 : memref<128x128xf32, #tpu.memory_space<vmem>>) dst(%dma_wait3A_205 : memref<10240x128xf32, #tpu.memory_space<vmem_shared>>)
        tpu.yield
      }) : () -> ()
      %scan3A_198 = arith.constant 0 : i32
      scf.yield %scan3A_198 : i32
    }
    %scan3A_41 = arith.constant 79 : i32
    %barrier3A_42 = arith.constant 0 : index
    tpu.barrier barrier_id(%barrier3A_42)
    "tpu.region"() ({
      %run_scoped3A_73 = tpu.sem_alloc : memref<!tpu.dma_semaphore, #tpu.memory_space<semaphore_mem>>
      %dma_start3A = arith.constant 0 : i32
      %dma_start3A_74 = tpu.memref_slice %arg17[%arg1, %dma_start3A] : memref<16x10240xf32, #tpu.memory_space<vmem_shared>> -> memref<1x10240xf32, #tpu.memory_space<vmem_shared>>
      %dma_start3A_75 = tpu.memref_squeeze %dma_start3A_74 : memref<1x10240xf32, #tpu.memory_space<vmem_shared>> -> memref<10240xf32, #tpu.memory_space<vmem_shared>>
      %dma_start3A_76 = arith.constant 0 : i32
      %dma_start3A_77 = tpu.memref_slice %arg17[%arg1, %dma_start3A_76] : memref<16x10240xf32, #tpu.memory_space<vmem_shared>> -> memref<1x10240xf32, #tpu.memory_space<vmem_shared>>
      %dma_start3A_78 = tpu.memref_squeeze %dma_start3A_77 : memref<1x10240xf32, #tpu.memory_space<vmem_shared>> -> memref<10240xf32, #tpu.memory_space<vmem_shared>>
      tpu.enqueue_dma source(%arg13 : memref<10240xf32, #tpu.memory_space<vmem>>) target(%dma_start3A_78 : memref<10240xf32, #tpu.memory_space<vmem_shared>>) target_semaphore(%run_scoped3A_73 : memref<!tpu.dma_semaphore, #tpu.memory_space<semaphore_mem>>)
      %dma_wait3A = arith.constant 0 : i32
      %dma_wait3A_79 = tpu.memref_slice %arg17[%arg1, %dma_wait3A] : memref<16x10240xf32, #tpu.memory_space<vmem_shared>> -> memref<1x10240xf32, #tpu.memory_space<vmem_shared>>
      %dma_wait3A_80 = tpu.memref_squeeze %dma_wait3A_79 : memref<1x10240xf32, #tpu.memory_space<vmem_shared>> -> memref<10240xf32, #tpu.memory_space<vmem_shared>>
      %dma_wait3A_81 = arith.constant 0 : i32
      %dma_wait3A_82 = tpu.memref_slice %arg17[%arg1, %dma_wait3A_81] : memref<16x10240xf32, #tpu.memory_space<vmem_shared>> -> memref<1x10240xf32, #tpu.memory_space<vmem_shared>>
      %dma_wait3A_83 = tpu.memref_squeeze %dma_wait3A_82 : memref<1x10240xf32, #tpu.memory_space<vmem_shared>> -> memref<10240xf32, #tpu.memory_space<vmem_shared>>
      tpu.wait_dma2 semaphore(%run_scoped3A_73 : memref<!tpu.dma_semaphore, #tpu.memory_space<semaphore_mem>>) src(%arg13 : memref<10240xf32, #tpu.memory_space<vmem>>) dst(%dma_wait3A_83 : memref<10240xf32, #tpu.memory_space<vmem_shared>>)
      tpu.yield
    }) : () -> ()
    %barrier3A_43 = arith.constant 0 : index
    tpu.barrier barrier_id(%barrier3A_43)
    %mul3A_44 = arith.constant 640 : i32
    %mul3A_45 = arith.muli %arg1, %mul3A_44 : i32
    %run_scoped3A = arith.constant 0 : i32
    "tpu.region"() ({
      %run_scoped3A_73 = tpu.sem_alloc : memref<!tpu.dma_semaphore, #tpu.memory_space<semaphore_mem>>
      %dma_start3A = tpu.memref_slice %arg17[%run_scoped3A, %mul3A_45] : memref<16x10240xf32, #tpu.memory_space<vmem_shared>> -> memref<1x640xf32, #tpu.memory_space<vmem_shared>>
      %dma_start3A_74 = tpu.memref_squeeze %dma_start3A : memref<1x640xf32, #tpu.memory_space<vmem_shared>> -> memref<640xf32, #tpu.memory_space<vmem_shared>>
      %dma_start3A_75 = tpu.memref_slice %arg17[%run_scoped3A, %mul3A_45] : memref<16x10240xf32, #tpu.memory_space<vmem_shared>> -> memref<1x640xf32, #tpu.memory_space<vmem_shared>>
      %dma_start3A_76 = tpu.memref_squeeze %dma_start3A_75 : memref<1x640xf32, #tpu.memory_space<vmem_shared>> -> memref<640xf32, #tpu.memory_space<vmem_shared>>
      tpu.enqueue_dma source(%dma_start3A_76 : memref<640xf32, #tpu.memory_space<vmem_shared>>) target(%arg14 : memref<640xf32, #tpu.memory_space<vmem>>) target_semaphore(%run_scoped3A_73 : memref<!tpu.dma_semaphore, #tpu.memory_space<semaphore_mem>>)
      %dma_wait3A = tpu.memref_slice %arg17[%run_scoped3A, %mul3A_45] : memref<16x10240xf32, #tpu.memory_space<vmem_shared>> -> memref<1x640xf32, #tpu.memory_space<vmem_shared>>
      %dma_wait3A_77 = tpu.memref_squeeze %dma_wait3A : memref<1x640xf32, #tpu.memory_space<vmem_shared>> -> memref<640xf32, #tpu.memory_space<vmem_shared>>
      %dma_wait3A_78 = tpu.memref_slice %arg17[%run_scoped3A, %mul3A_45] : memref<16x10240xf32, #tpu.memory_space<vmem_shared>> -> memref<1x640xf32, #tpu.memory_space<vmem_shared>>
      %dma_wait3A_79 = tpu.memref_squeeze %dma_wait3A_78 : memref<1x640xf32, #tpu.memory_space<vmem_shared>> -> memref<640xf32, #tpu.memory_space<vmem_shared>>
      tpu.wait_dma2 semaphore(%run_scoped3A_73 : memref<!tpu.dma_semaphore, #tpu.memory_space<semaphore_mem>>) src(%dma_wait3A_79 : memref<640xf32, #tpu.memory_space<vmem_shared>>) dst(%arg14 : memref<640xf32, #tpu.memory_space<vmem>>)
      tpu.yield
    }) : () -> ()
    %scan3A_46 = arith.constant 0 : i32
    %scan3A_47 = arith.constant 1 : i32
    %scan3A_48 = arith.constant 15 : i32
    %scan3A_49 = arith.addi %scan3A_47, %scan3A_48 : i32
    %scan3A_50 = arith.constant 1 : i32
    %scan3A_51 = scf.for %scan3A_73 = %scan3A_47 to %scan3A_49 step %scan3A_50 iter_args(%scan3A_74 = %scan3A_46) -> (i32)  : i32 {
      "tpu.region"() ({
        %run_scoped3A_83 = tpu.sem_alloc : memref<!tpu.dma_semaphore, #tpu.memory_space<semaphore_mem>>
        %dma_start3A = tpu.memref_slice %arg17[%scan3A_73, %mul3A_45] : memref<16x10240xf32, #tpu.memory_space<vmem_shared>> -> memref<1x640xf32, #tpu.memory_space<vmem_shared>>
        %dma_start3A_84 = tpu.memref_squeeze %dma_start3A : memref<1x640xf32, #tpu.memory_space<vmem_shared>> -> memref<640xf32, #tpu.memory_space<vmem_shared>>
        %dma_start3A_85 = tpu.memref_slice %arg17[%scan3A_73, %mul3A_45] : memref<16x10240xf32, #tpu.memory_space<vmem_shared>> -> memref<1x640xf32, #tpu.memory_space<vmem_shared>>
        %dma_start3A_86 = tpu.memref_squeeze %dma_start3A_85 : memref<1x640xf32, #tpu.memory_space<vmem_shared>> -> memref<640xf32, #tpu.memory_space<vmem_shared>>
        tpu.enqueue_dma source(%dma_start3A_86 : memref<640xf32, #tpu.memory_space<vmem_shared>>) target(%arg15 : memref<640xf32, #tpu.memory_space<vmem>>) target_semaphore(%run_scoped3A_83 : memref<!tpu.dma_semaphore, #tpu.memory_space<semaphore_mem>>)
        %dma_wait3A = tpu.memref_slice %arg17[%scan3A_73, %mul3A_45] : memref<16x10240xf32, #tpu.memory_space<vmem_shared>> -> memref<1x640xf32, #tpu.memory_space<vmem_shared>>
        %dma_wait3A_87 = tpu.memref_squeeze %dma_wait3A : memref<1x640xf32, #tpu.memory_space<vmem_shared>> -> memref<640xf32, #tpu.memory_space<vmem_shared>>
        %dma_wait3A_88 = tpu.memref_slice %arg17[%scan3A_73, %mul3A_45] : memref<16x10240xf32, #tpu.memory_space<vmem_shared>> -> memref<1x640xf32, #tpu.memory_space<vmem_shared>>
        %dma_wait3A_89 = tpu.memref_squeeze %dma_wait3A_88 : memref<1x640xf32, #tpu.memory_space<vmem_shared>> -> memref<640xf32, #tpu.memory_space<vmem_shared>>
        tpu.wait_dma2 semaphore(%run_scoped3A_83 : memref<!tpu.dma_semaphore, #tpu.memory_space<semaphore_mem>>) src(%dma_wait3A_89 : memref<640xf32, #tpu.memory_space<vmem_shared>>) dst(%arg15 : memref<640xf32, #tpu.memory_space<vmem>>)
        tpu.yield
      }) : () -> ()
      %scan3A_75 = arith.constant 0 : i32
      %scan3A_76 = arith.constant 0 : i32
      %scan3A_77 = arith.constant 40 : i32
      %scan3A_78 = arith.addi %scan3A_76, %scan3A_77 : i32
      %scan3A_79 = arith.constant 1 : i32
      %scan3A_80 = scf.for %scan3A_83 = %scan3A_76 to %scan3A_78 step %scan3A_79 iter_args(%scan3A_84 = %scan3A_75) -> (i32)  : i32 {
        %mul3A_85 = arith.constant 16 : i32
        %mul3A_86 = arith.muli %scan3A_83, %mul3A_85 : i32
        %get3A = arith.index_cast %mul3A_86 : i32 to index
        %get3A_87 = tpu.vector_load %arg14[%get3A] {strides = array<i32>} : memref<640xf32, #tpu.memory_space<vmem>>, vector<16xf32>,
        %get3A_88 = arith.index_cast %mul3A_86 : i32 to index
        %get3A_89 = tpu.vector_load %arg15[%get3A_88] {strides = array<i32>} : memref<640xf32, #tpu.memory_space<vmem>>, vector<16xf32>,
        %add3A_90 = arith.addf %get3A_87, %get3A_89 : vector<16xf32>
        %swap3A = arith.index_cast %mul3A_86 : i32 to index
        %swap3A_91 = tpu.vector_load %arg14[%swap3A] {strides = array<i32>} : memref<640xf32, #tpu.memory_space<vmem>>, vector<16xf32>,
        tpu.vector_store %arg14[%swap3A], %add3A_90 {strides = array<i32>} : memref<640xf32, #tpu.memory_space<vmem>>, vector<16xf32>,
        %scan3A_92 = arith.constant 0 : i32
        scf.yield %scan3A_92 : i32
      }
      %scan3A_81 = arith.constant 40 : i32
      %scan3A_82 = arith.constant 0 : i32
      scf.yield %scan3A_82 : i32
    }
    %scan3A_52 = arith.constant 15 : i32
    "tpu.region"() ({
      %run_scoped3A_73 = tpu.sem_alloc : memref<!tpu.dma_semaphore, #tpu.memory_space<semaphore_mem>>
      %dma_start3A = tpu.memref_slice %arg7[%arg0, %mul3A_45] : memref<2x10240xf32, #tpu.memory_space<hbm>> -> memref<1x640xf32, #tpu.memory_space<hbm>>
      %dma_start3A_74 = tpu.memref_squeeze %dma_start3A : memref<1x640xf32, #tpu.memory_space<hbm>> -> memref<640xf32, #tpu.memory_space<hbm>>
      %dma_start3A_75 = tpu.memref_slice %arg7[%arg0, %mul3A_45] : memref<2x10240xf32, #tpu.memory_space<hbm>> -> memref<1x640xf32, #tpu.memory_space<hbm>>
      %dma_start3A_76 = tpu.memref_squeeze %dma_start3A_75 : memref<1x640xf32, #tpu.memory_space<hbm>> -> memref<640xf32, #tpu.memory_space<hbm>>
      tpu.enqueue_dma source(%arg14 : memref<640xf32, #tpu.memory_space<vmem>>) target(%dma_start3A_76 : memref<640xf32, #tpu.memory_space<hbm>>) target_semaphore(%run_scoped3A_73 : memref<!tpu.dma_semaphore, #tpu.memory_space<semaphore_mem>>)
      %dma_wait3A = tpu.memref_slice %arg7[%arg0, %mul3A_45] : memref<2x10240xf32, #tpu.memory_space<hbm>> -> memref<1x640xf32, #tpu.memory_space<hbm>>
      %dma_wait3A_77 = tpu.memref_squeeze %dma_wait3A : memref<1x640xf32, #tpu.memory_space<hbm>> -> memref<640xf32, #tpu.memory_space<hbm>>
      %dma_wait3A_78 = tpu.memref_slice %arg7[%arg0, %mul3A_45] : memref<2x10240xf32, #tpu.memory_space<hbm>> -> memref<1x640xf32, #tpu.memory_space<hbm>>
      %dma_wait3A_79 = tpu.memref_squeeze %dma_wait3A_78 : memref<1x640xf32, #tpu.memory_space<hbm>> -> memref<640xf32, #tpu.memory_space<hbm>>
      tpu.wait_dma2 semaphore(%run_scoped3A_73 : memref<!tpu.dma_semaphore, #tpu.memory_space<semaphore_mem>>) src(%arg14 : memref<640xf32, #tpu.memory_space<vmem>>) dst(%dma_wait3A_79 : memref<640xf32, #tpu.memory_space<hbm>>)
      tpu.yield
    }) : () -> ()
    %mul3A_53 = arith.constant 640 : i32
    %mul3A_54 = arith.muli %arg1, %mul3A_53 : i32
    %add3A_55 = arith.constant 0 : i32
    %add3A_56 = arith.addi %mul3A_54, %add3A_55 : i32
    "tpu.region"() ({
      %run_scoped3A_73 = tpu.sem_alloc : memref<!tpu.dma_semaphore, #tpu.memory_space<semaphore_mem>>
      %dma_start3A = arith.constant 0 : i32
      %dma_start3A_74 = tpu.memref_slice %arg6[%arg0, %add3A_56, %dma_start3A] : memref<2x10240x128xf32, #tpu.memory_space<hbm>> -> memref<1x128x128xf32, #tpu.memory_space<hbm>>
      %dma_start3A_75 = tpu.memref_squeeze %dma_start3A_74 : memref<1x128x128xf32, #tpu.memory_space<hbm>> -> memref<128x128xf32, #tpu.memory_space<hbm>>
      %dma_start3A_76 = arith.constant 0 : i32
      %dma_start3A_77 = tpu.memref_slice %arg16[%add3A_56, %dma_start3A_76] : memref<10240x128xf32, #tpu.memory_space<vmem_shared>> -> memref<128x128xf32, #tpu.memory_space<vmem_shared>>
      tpu.enqueue_dma source(%dma_start3A_77 : memref<128x128xf32, #tpu.memory_space<vmem_shared>>) target(%dma_start3A_75 : memref<128x128xf32, #tpu.memory_space<hbm>>) target_semaphore(%run_scoped3A_73 : memref<!tpu.dma_semaphore, #tpu.memory_space<semaphore_mem>>)
      %dma_wait3A = arith.constant 0 : i32
      %dma_wait3A_78 = tpu.memref_slice %arg6[%arg0, %add3A_56, %dma_wait3A] : memref<2x10240x128xf32, #tpu.memory_space<hbm>> -> memref<1x128x128xf32, #tpu.memory_space<hbm>>
      %dma_wait3A_79 = tpu.memref_squeeze %dma_wait3A_78 : memref<1x128x128xf32, #tpu.memory_space<hbm>> -> memref<128x128xf32, #tpu.memory_space<hbm>>
      %dma_wait3A_80 = arith.constant 0 : i32
      %dma_wait3A_81 = tpu.memref_slice %arg16[%add3A_56, %dma_wait3A_80] : memref<10240x128xf32, #tpu.memory_space<vmem_shared>> -> memref<128x128xf32, #tpu.memory_space<vmem_shared>>
      tpu.wait_dma2 semaphore(%run_scoped3A_73 : memref<!tpu.dma_semaphore, #tpu.memory_space<semaphore_mem>>) src(%dma_wait3A_81 : memref<128x128xf32, #tpu.memory_space<vmem_shared>>) dst(%dma_wait3A_79 : memref<128x128xf32, #tpu.memory_space<hbm>>)
      tpu.yield
    }) : () -> ()
    %mul3A_57 = arith.constant 640 : i32
    %mul3A_58 = arith.muli %arg1, %mul3A_57 : i32
    %add3A_59 = arith.constant 128 : i32
    %add3A_60 = arith.addi %mul3A_58, %add3A_59 : i32
    "tpu.region"() ({
      %run_scoped3A_73 = tpu.sem_alloc : memref<!tpu.dma_semaphore, #tpu.memory_space<semaphore_mem>>
      %dma_start3A = arith.constant 0 : i32
      %dma_start3A_74 = tpu.memref_slice %arg6[%arg0, %add3A_60, %dma_start3A] : memref<2x10240x128xf32, #tpu.memory_space<hbm>> -> memref<1x128x128xf32, #tpu.memory_space<hbm>>
      %dma_start3A_75 = tpu.memref_squeeze %dma_start3A_74 : memref<1x128x128xf32, #tpu.memory_space<hbm>> -> memref<128x128xf32, #tpu.memory_space<hbm>>
      %dma_start3A_76 = arith.constant 0 : i32
      %dma_start3A_77 = tpu.memref_slice %arg16[%add3A_60, %dma_start3A_76] : memref<10240x128xf32, #tpu.memory_space<vmem_shared>> -> memref<128x128xf32, #tpu.memory_space<vmem_shared>>
      tpu.enqueue_dma source(%dma_start3A_77 : memref<128x128xf32, #tpu.memory_space<vmem_shared>>) target(%dma_start3A_75 : memref<128x128xf32, #tpu.memory_space<hbm>>) target_semaphore(%run_scoped3A_73 : memref<!tpu.dma_semaphore, #tpu.memory_space<semaphore_mem>>)
      %dma_wait3A = arith.constant 0 : i32
      %dma_wait3A_78 = tpu.memref_slice %arg6[%arg0, %add3A_60, %dma_wait3A] : memref<2x10240x128xf32, #tpu.memory_space<hbm>> -> memref<1x128x128xf32, #tpu.memory_space<hbm>>
      %dma_wait3A_79 = tpu.memref_squeeze %dma_wait3A_78 : memref<1x128x128xf32, #tpu.memory_space<hbm>> -> memref<128x128xf32, #tpu.memory_space<hbm>>
      %dma_wait3A_80 = arith.constant 0 : i32
      %dma_wait3A_81 = tpu.memref_slice %arg16[%add3A_60, %dma_wait3A_80] : memref<10240x128xf32, #tpu.memory_space<vmem_shared>> -> memref<128x128xf32, #tpu.memory_space<vmem_shared>>
      tpu.wait_dma2 semaphore(%run_scoped3A_73 : memref<!tpu.dma_semaphore, #tpu.memory_space<semaphore_mem>>) src(%dma_wait3A_81 : memref<128x128xf32, #tpu.memory_space<vmem_shared>>) dst(%dma_wait3A_79 : memref<128x128xf32, #tpu.memory_space<hbm>>)
      tpu.yield
    }) : () -> ()
    %mul3A_61 = arith.constant 640 : i32
    %mul3A_62 = arith.muli %arg1, %mul3A_61 : i32
    %add3A_63 = arith.constant 256 : i32
    %add3A_64 = arith.addi %mul3A_62, %add3A_63 : i32
    "tpu.region"() ({
      %run_scoped3A_73 = tpu.sem_alloc : memref<!tpu.dma_semaphore, #tpu.memory_space<semaphore_mem>>
      %dma_start3A = arith.constant 0 : i32
      %dma_start3A_74 = tpu.memref_slice %arg6[%arg0, %add3A_64, %dma_start3A] : memref<2x10240x128xf32, #tpu.memory_space<hbm>> -> memref<1x128x128xf32, #tpu.memory_space<hbm>>
      %dma_start3A_75 = tpu.memref_squeeze %dma_start3A_74 : memref<1x128x128xf32, #tpu.memory_space<hbm>> -> memref<128x128xf32, #tpu.memory_space<hbm>>
      %dma_start3A_76 = arith.constant 0 : i32
      %dma_start3A_77 = tpu.memref_slice %arg16[%add3A_64, %dma_start3A_76] : memref<10240x128xf32, #tpu.memory_space<vmem_shared>> -> memref<128x128xf32, #tpu.memory_space<vmem_shared>>
      tpu.enqueue_dma source(%dma_start3A_77 : memref<128x128xf32, #tpu.memory_space<vmem_shared>>) target(%dma_start3A_75 : memref<128x128xf32, #tpu.memory_space<hbm>>) target_semaphore(%run_scoped3A_73 : memref<!tpu.dma_semaphore, #tpu.memory_space<semaphore_mem>>)
      %dma_wait3A = arith.constant 0 : i32
      %dma_wait3A_78 = tpu.memref_slice %arg6[%arg0, %add3A_64, %dma_wait3A] : memref<2x10240x128xf32, #tpu.memory_space<hbm>> -> memref<1x128x128xf32, #tpu.memory_space<hbm>>
      %dma_wait3A_79 = tpu.memref_squeeze %dma_wait3A_78 : memref<1x128x128xf32, #tpu.memory_space<hbm>> -> memref<128x128xf32, #tpu.memory_space<hbm>>
      %dma_wait3A_80 = arith.constant 0 : i32
      %dma_wait3A_81 = tpu.memref_slice %arg16[%add3A_64, %dma_wait3A_80] : memref<10240x128xf32, #tpu.memory_space<vmem_shared>> -> memref<128x128xf32, #tpu.memory_space<vmem_shared>>
      tpu.wait_dma2 semaphore(%run_scoped3A_73 : memref<!tpu.dma_semaphore, #tpu.memory_space<semaphore_mem>>) src(%dma_wait3A_81 : memref<128x128xf32, #tpu.memory_space<vmem_shared>>) dst(%dma_wait3A_79 : memref<128x128xf32, #tpu.memory_space<hbm>>)
      tpu.yield
    }) : () -> ()
    %mul3A_65 = arith.constant 640 : i32
    %mul3A_66 = arith.muli %arg1, %mul3A_65 : i32
    %add3A_67 = arith.constant 384 : i32
    %add3A_68 = arith.addi %mul3A_66, %add3A_67 : i32
    "tpu.region"() ({
      %run_scoped3A_73 = tpu.sem_alloc : memref<!tpu.dma_semaphore, #tpu.memory_space<semaphore_mem>>
      %dma_start3A = arith.constant 0 : i32
      %dma_start3A_74 = tpu.memref_slice %arg6[%arg0, %add3A_68, %dma_start3A] : memref<2x10240x128xf32, #tpu.memory_space<hbm>> -> memref<1x128x128xf32, #tpu.memory_space<hbm>>
      %dma_start3A_75 = tpu.memref_squeeze %dma_start3A_74 : memref<1x128x128xf32, #tpu.memory_space<hbm>> -> memref<128x128xf32, #tpu.memory_space<hbm>>
      %dma_start3A_76 = arith.constant 0 : i32
      %dma_start3A_77 = tpu.memref_slice %arg16[%add3A_68, %dma_start3A_76] : memref<10240x128xf32, #tpu.memory_space<vmem_shared>> -> memref<128x128xf32, #tpu.memory_space<vmem_shared>>
      tpu.enqueue_dma source(%dma_start3A_77 : memref<128x128xf32, #tpu.memory_space<vmem_shared>>) target(%dma_start3A_75 : memref<128x128xf32, #tpu.memory_space<hbm>>) target_semaphore(%run_scoped3A_73 : memref<!tpu.dma_semaphore, #tpu.memory_space<semaphore_mem>>)
      %dma_wait3A = arith.constant 0 : i32
      %dma_wait3A_78 = tpu.memref_slice %arg6[%arg0, %add3A_68, %dma_wait3A] : memref<2x10240x128xf32, #tpu.memory_space<hbm>> -> memref<1x128x128xf32, #tpu.memory_space<hbm>>
      %dma_wait3A_79 = tpu.memref_squeeze %dma_wait3A_78 : memref<1x128x128xf32, #tpu.memory_space<hbm>> -> memref<128x128xf32, #tpu.memory_space<hbm>>
      %dma_wait3A_80 = arith.constant 0 : i32
      %dma_wait3A_81 = tpu.memref_slice %arg16[%add3A_68, %dma_wait3A_80] : memref<10240x128xf32, #tpu.memory_space<vmem_shared>> -> memref<128x128xf32, #tpu.memory_space<vmem_shared>>
      tpu.wait_dma2 semaphore(%run_scoped3A_73 : memref<!tpu.dma_semaphore, #tpu.memory_space<semaphore_mem>>) src(%dma_wait3A_81 : memref<128x128xf32, #tpu.memory_space<vmem_shared>>) dst(%dma_wait3A_79 : memref<128x128xf32, #tpu.memory_space<hbm>>)
      tpu.yield
    }) : () -> ()
    %mul3A_69 = arith.constant 640 : i32
    %mul3A_70 = arith.muli %arg1, %mul3A_69 : i32
    %add3A_71 = arith.constant 512 : i32
    %add3A_72 = arith.addi %mul3A_70, %add3A_71 : i32
    "tpu.region"() ({
      %run_scoped3A_73 = tpu.sem_alloc : memref<!tpu.dma_semaphore, #tpu.memory_space<semaphore_mem>>
      %dma_start3A = arith.constant 0 : i32
      %dma_start3A_74 = tpu.memref_slice %arg6[%arg0, %add3A_72, %dma_start3A] : memref<2x10240x128xf32, #tpu.memory_space<hbm>> -> memref<1x128x128xf32, #tpu.memory_space<hbm>>
      %dma_start3A_75 = tpu.memref_squeeze %dma_start3A_74 : memref<1x128x128xf32, #tpu.memory_space<hbm>> -> memref<128x128xf32, #tpu.memory_space<hbm>>
      %dma_start3A_76 = arith.constant 0 : i32
      %dma_start3A_77 = tpu.memref_slice %arg16[%add3A_72, %dma_start3A_76] : memref<10240x128xf32, #tpu.memory_space<vmem_shared>> -> memref<128x128xf32, #tpu.memory_space<vmem_shared>>
      tpu.enqueue_dma source(%dma_start3A_77 : memref<128x128xf32, #tpu.memory_space<vmem_shared>>) target(%dma_start3A_75 : memref<128x128xf32, #tpu.memory_space<hbm>>) target_semaphore(%run_scoped3A_73 : memref<!tpu.dma_semaphore, #tpu.memory_space<semaphore_mem>>)
      %dma_wait3A = arith.constant 0 : i32
      %dma_wait3A_78 = tpu.memref_slice %arg6[%arg0, %add3A_72, %dma_wait3A] : memref<2x10240x128xf32, #tpu.memory_space<hbm>> -> memref<1x128x128xf32, #tpu.memory_space<hbm>>
      %dma_wait3A_79 = tpu.memref_squeeze %dma_wait3A_78 : memref<1x128x128xf32, #tpu.memory_space<hbm>> -> memref<128x128xf32, #tpu.memory_space<hbm>>
      %dma_wait3A_80 = arith.constant 0 : i32
      %dma_wait3A_81 = tpu.memref_slice %arg16[%add3A_72, %dma_wait3A_80] : memref<10240x128xf32, #tpu.memory_space<vmem_shared>> -> memref<128x128xf32, #tpu.memory_space<vmem_shared>>
      tpu.wait_dma2 semaphore(%run_scoped3A_73 : memref<!tpu.dma_semaphore, #tpu.memory_space<semaphore_mem>>) src(%dma_wait3A_81 : memref<128x128xf32, #tpu.memory_space<vmem_shared>>) dst(%dma_wait3A_79 : memref<128x128xf32, #tpu.memory_space<hbm>>)
      tpu.yield
    }) : () -> ()
    return
  }
}

#map = affine_map<(d0, d1) -> (0, 0)>
#map1 = affine_map<(d0, d1) -> (0)>
#map2 = affine_map<(d0, d1) -> (0, 0, 0)>
module attributes {stable_mosaic.version = 14 : i64} {
  func.func @_mp_kernel(%arg0: i32, %arg1: i32, %arg2: memref<10240x128xf32, #tpu.memory_space<hbm>>, %arg3: memref<323584xi32, #tpu.memory_space<hbm>>, %arg4: memref<323584xi32, #tpu.memory_space<hbm>>, %arg5: memref<10240xf32, #tpu.memory_space<hbm>>, %arg6: memref<2x10240x128xf32, #tpu.memory_space<hbm>>, %arg7: memref<2x10240xf32, #tpu.memory_space<hbm>>, %arg8: memref<128xi32, #tpu.memory_space<vmem>>, %arg9: memref<128xi32, #tpu.memory_space<vmem>>, %arg10: memref<128xi32, #tpu.memory_space<vmem>>, %arg11: memref<128x128xf32, #tpu.memory_space<vmem>>, %arg12: memref<10240xf32, #tpu.memory_space<vmem>>, %arg13: memref<10240xf32, #tpu.memory_space<vmem>>, %arg14: memref<640xf32, #tpu.memory_space<vmem>>, %arg15: memref<640xf32, #tpu.memory_space<vmem>>, %arg16: memref<10240x128xf32, #tpu.memory_space<vmem_shared>>, %arg17: memref<16x10240xf32, #tpu.memory_space<vmem_shared>>, %arg18: memref<!tpu.dma_semaphore, #tpu.memory_space<semaphore_mem>>) attributes {dimension_semantics = [#tpu.dimension_semantics<core_parallel>, #tpu.dimension_semantics<subcore_parallel>], iteration_bounds = array<i64: 2, 16>, scalar_prefetch = 0 : i64, scratch_operands = 11 : i64, tpu.core_type = #tpu.core_type<sc_vector_subcore>, window_params = [{transform_indices = #map}, {transform_indices = #map1}, {transform_indices = #map1}, {transform_indices = #map1}, {transform_indices = #map2}, {transform_indices = #map}]} {
    %mul3A = arith.constant 16 : i32
    %mul3A_0 = arith.muli %arg0, %mul3A : i32
    %add3A = arith.addi %mul3A_0, %arg1 : i32
    %broadcast_in_dim3A = arith.constant 1.000000e+00 : f32
    %broadcast_in_dim3A_1 = vector.broadcast %broadcast_in_dim3A : f32 to vector<16xf32>
    "tpu.region"() ({
      %run_scoped3A_73 = tpu.sem_alloc : memref<!tpu.dma_semaphore, #tpu.memory_space<semaphore_mem>>
      tpu.enqueue_dma source(%arg5 : memref<10240xf32, #tpu.memory_space<hbm>>) target(%arg12 : memref<10240xf32, #tpu.memory_space<vmem>>) target_semaphore(%run_scoped3A_73 : memref<!tpu.dma_semaphore, #tpu.memory_space<semaphore_mem>>)
      tpu.wait_dma2 semaphore(%run_scoped3A_73 : memref<!tpu.dma_semaphore, #tpu.memory_space<semaphore_mem>>) src(%arg5 : memref<10240xf32, #tpu.memory_space<hbm>>) dst(%arg12 : memref<10240xf32, #tpu.memory_space<vmem>>)
      tpu.yield
    }) : () -> ()
    %scan3A = arith.constant 0 : i32
    %scan3A_2 = arith.constant 0 : i32
    %scan3A_3 = arith.constant 128 : i32
    %scan3A_4 = arith.addi %scan3A_2, %scan3A_3 : i32
    %scan3A_5 = arith.constant 1 : i32
    %scan3A_6 = scf.for %scan3A_73 = %scan3A_2 to %scan3A_4 step %scan3A_5 iter_args(%scan3A_74 = %scan3A) -> (i32)  : i32 {
      %broadcast_in_dim3A_75 = arith.constant 0.000000e+00 : f32
      %broadcast_in_dim3A_76 = vector.broadcast %broadcast_in_dim3A_75 : f32 to vector<16xf32>
      %swap3A = arith.index_cast %scan3A_73 : i32 to index
      %swap3A_77 = arith.constant 0 : index
      %swap3A_78 = tpu.vector_load %arg11[%swap3A, %swap3A_77] {strides = array<i32>} : memref<128x128xf32, #tpu.memory_space<vmem>>, vector<16xf32>,
      tpu.vector_store %arg11[%swap3A, %swap3A_77], %broadcast_in_dim3A_76 {strides = array<i32>} : memref<128x128xf32, #tpu.memory_space<vmem>>, vector<16xf32>,
      %broadcast_in_dim3A_79 = arith.constant 0.000000e+00 : f32
      %broadcast_in_dim3A_80 = vector.broadcast %broadcast_in_dim3A_79 : f32 to vector<16xf32>
      %swap3A_81 = arith.index_cast %scan3A_73 : i32 to index
      %swap3A_82 = arith.constant 16 : index
      %swap3A_83 = tpu.vector_load %arg11[%swap3A_81, %swap3A_82] {strides = array<i32>} : memref<128x128xf32, #tpu.memory_space<vmem>>, vector<16xf32>,
      tpu.vector_store %arg11[%swap3A_81, %swap3A_82], %broadcast_in_dim3A_80 {strides = array<i32>} : memref<128x128xf32, #tpu.memory_space<vmem>>, vector<16xf32>,
      %broadcast_in_dim3A_84 = arith.constant 0.000000e+00 : f32
      %broadcast_in_dim3A_85 = vector.broadcast %broadcast_in_dim3A_84 : f32 to vector<16xf32>
      %swap3A_86 = arith.index_cast %scan3A_73 : i32 to index
      %swap3A_87 = arith.constant 32 : index
      %swap3A_88 = tpu.vector_load %arg11[%swap3A_86, %swap3A_87] {strides = array<i32>} : memref<128x128xf32, #tpu.memory_space<vmem>>, vector<16xf32>,
      tpu.vector_store %arg11[%swap3A_86, %swap3A_87], %broadcast_in_dim3A_85 {strides = array<i32>} : memref<128x128xf32, #tpu.memory_space<vmem>>, vector<16xf32>,
      %broadcast_in_dim3A_89 = arith.constant 0.000000e+00 : f32
      %broadcast_in_dim3A_90 = vector.broadcast %broadcast_in_dim3A_89 : f32 to vector<16xf32>
      %swap3A_91 = arith.index_cast %scan3A_73 : i32 to index
      %swap3A_92 = arith.constant 48 : index
      %swap3A_93 = tpu.vector_load %arg11[%swap3A_91, %swap3A_92] {strides = array<i32>} : memref<128x128xf32, #tpu.memory_space<vmem>>, vector<16xf32>,
      tpu.vector_store %arg11[%swap3A_91, %swap3A_92], %broadcast_in_dim3A_90 {strides = array<i32>} : memref<128x128xf32, #tpu.memory_space<vmem>>, vector<16xf32>,
      %broadcast_in_dim3A_94 = arith.constant 0.000000e+00 : f32
      %broadcast_in_dim3A_95 = vector.broadcast %broadcast_in_dim3A_94 : f32 to vector<16xf32>
      %swap3A_96 = arith.index_cast %scan3A_73 : i32 to index
      %swap3A_97 = arith.constant 64 : index
      %swap3A_98 = tpu.vector_load %arg11[%swap3A_96, %swap3A_97] {strides = array<i32>} : memref<128x128xf32, #tpu.memory_space<vmem>>, vector<16xf32>,
      tpu.vector_store %arg11[%swap3A_96, %swap3A_97], %broadcast_in_dim3A_95 {strides = array<i32>} : memref<128x128xf32, #tpu.memory_space<vmem>>, vector<16xf32>,
      %broadcast_in_dim3A_99 = arith.constant 0.000000e+00 : f32
      %broadcast_in_dim3A_100 = vector.broadcast %broadcast_in_dim3A_99 : f32 to vector<16xf32>
      %swap3A_101 = arith.index_cast %scan3A_73 : i32 to index
      %swap3A_102 = arith.constant 80 : index
      %swap3A_103 = tpu.vector_load %arg11[%swap3A_101, %swap3A_102] {strides = array<i32>} : memref<128x128xf32, #tpu.memory_space<vmem>>, vector<16xf32>,
      tpu.vector_store %arg11[%swap3A_101, %swap3A_102], %broadcast_in_dim3A_100 {strides = array<i32>} : memref<128x128xf32, #tpu.memory_space<vmem>>, vector<16xf32>,
      %broadcast_in_dim3A_104 = arith.constant 0.000000e+00 : f32
      %broadcast_in_dim3A_105 = vector.broadcast %broadcast_in_dim3A_104 : f32 to vector<16xf32>
      %swap3A_106 = arith.index_cast %scan3A_73 : i32 to index
      %swap3A_107 = arith.constant 96 : index
      %swap3A_108 = tpu.vector_load %arg11[%swap3A_106, %swap3A_107] {strides = array<i32>} : memref<128x128xf32, #tpu.memory_space<vmem>>, vector<16xf32>,
      tpu.vector_store %arg11[%swap3A_106, %swap3A_107], %broadcast_in_dim3A_105 {strides = array<i32>} : memref<128x128xf32, #tpu.memory_space<vmem>>, vector<16xf32>,
      %broadcast_in_dim3A_109 = arith.constant 0.000000e+00 : f32
      %broadcast_in_dim3A_110 = vector.broadcast %broadcast_in_dim3A_109 : f32 to vector<16xf32>
      %swap3A_111 = arith.index_cast %scan3A_73 : i32 to index
      %swap3A_112 = arith.constant 112 : index
      %swap3A_113 = tpu.vector_load %arg11[%swap3A_111, %swap3A_112] {strides = array<i32>} : memref<128x128xf32, #tpu.memory_space<vmem>>, vector<16xf32>,
      tpu.vector_store %arg11[%swap3A_111, %swap3A_112], %broadcast_in_dim3A_110 {strides = array<i32>} : memref<128x128xf32, #tpu.memory_space<vmem>>, vector<16xf32>,
      %scan3A_114 = arith.constant 0 : i32
      scf.yield %scan3A_114 : i32
    }
    %scan3A_7 = arith.constant 128 : i32
    %mul3A_8 = arith.constant 640 : i32
    %mul3A_9 = arith.muli %arg1, %mul3A_8 : i32
    %add3A_10 = arith.constant 0 : i32
    %add3A_11 = arith.addi %mul3A_9, %add3A_10 : i32
    "tpu.region"() ({
      %run_scoped3A_73 = tpu.sem_alloc : memref<!tpu.dma_semaphore, #tpu.memory_space<semaphore_mem>>
      %dma_start3A = arith.constant 0 : i32
      %dma_start3A_74 = tpu.memref_slice %arg16[%add3A_11, %dma_start3A] : memref<10240x128xf32, #tpu.memory_space<vmem_shared>> -> memref<128x128xf32, #tpu.memory_space<vmem_shared>>
      %dma_start3A_75 = arith.constant 0 : i32
      %dma_start3A_76 = tpu.memref_slice %arg16[%add3A_11, %dma_start3A_75] : memref<10240x128xf32, #tpu.memory_space<vmem_shared>> -> memref<128x128xf32, #tpu.memory_space<vmem_shared>>
      tpu.enqueue_dma source(%arg11 : memref<128x128xf32, #tpu.memory_space<vmem>>) target(%dma_start3A_76 : memref<128x128xf32, #tpu.memory_space<vmem_shared>>) target_semaphore(%run_scoped3A_73 : memref<!tpu.dma_semaphore, #tpu.memory_space<semaphore_mem>>)
      %dma_wait3A = arith.constant 0 : i32
      %dma_wait3A_77 = tpu.memref_slice %arg16[%add3A_11, %dma_wait3A] : memref<10240x128xf32, #tpu.memory_space<vmem_shared>> -> memref<128x128xf32, #tpu.memory_space<vmem_shared>>
      %dma_wait3A_78 = arith.constant 0 : i32
      %dma_wait3A_79 = tpu.memref_slice %arg16[%add3A_11, %dma_wait3A_78] : memref<10240x128xf32, #tpu.memory_space<vmem_shared>> -> memref<128x128xf32, #tpu.memory_space<vmem_shared>>
      tpu.wait_dma2 semaphore(%run_scoped3A_73 : memref<!tpu.dma_semaphore, #tpu.memory_space<semaphore_mem>>) src(%arg11 : memref<128x128xf32, #tpu.memory_space<vmem>>) dst(%dma_wait3A_79 : memref<128x128xf32, #tpu.memory_space<vmem_shared>>)
      tpu.yield
    }) : () -> ()
    %mul3A_12 = arith.constant 640 : i32
    %mul3A_13 = arith.muli %arg1, %mul3A_12 : i32
    %add3A_14 = arith.constant 128 : i32
    %add3A_15 = arith.addi %mul3A_13, %add3A_14 : i32
    "tpu.region"() ({
      %run_scoped3A_73 = tpu.sem_alloc : memref<!tpu.dma_semaphore, #tpu.memory_space<semaphore_mem>>
      %dma_start3A = arith.constant 0 : i32
      %dma_start3A_74 = tpu.memref_slice %arg16[%add3A_15, %dma_start3A] : memref<10240x128xf32, #tpu.memory_space<vmem_shared>> -> memref<128x128xf32, #tpu.memory_space<vmem_shared>>
      %dma_start3A_75 = arith.constant 0 : i32
      %dma_start3A_76 = tpu.memref_slice %arg16[%add3A_15, %dma_start3A_75] : memref<10240x128xf32, #tpu.memory_space<vmem_shared>> -> memref<128x128xf32, #tpu.memory_space<vmem_shared>>
      tpu.enqueue_dma source(%arg11 : memref<128x128xf32, #tpu.memory_space<vmem>>) target(%dma_start3A_76 : memref<128x128xf32, #tpu.memory_space<vmem_shared>>) target_semaphore(%run_scoped3A_73 : memref<!tpu.dma_semaphore, #tpu.memory_space<semaphore_mem>>)
      %dma_wait3A = arith.constant 0 : i32
      %dma_wait3A_77 = tpu.memref_slice %arg16[%add3A_15, %dma_wait3A] : memref<10240x128xf32, #tpu.memory_space<vmem_shared>> -> memref<128x128xf32, #tpu.memory_space<vmem_shared>>
      %dma_wait3A_78 = arith.constant 0 : i32
      %dma_wait3A_79 = tpu.memref_slice %arg16[%add3A_15, %dma_wait3A_78] : memref<10240x128xf32, #tpu.memory_space<vmem_shared>> -> memref<128x128xf32, #tpu.memory_space<vmem_shared>>
      tpu.wait_dma2 semaphore(%run_scoped3A_73 : memref<!tpu.dma_semaphore, #tpu.memory_space<semaphore_mem>>) src(%arg11 : memref<128x128xf32, #tpu.memory_space<vmem>>) dst(%dma_wait3A_79 : memref<128x128xf32, #tpu.memory_space<vmem_shared>>)
      tpu.yield
    }) : () -> ()
    %mul3A_16 = arith.constant 640 : i32
    %mul3A_17 = arith.muli %arg1, %mul3A_16 : i32
    %add3A_18 = arith.constant 256 : i32
    %add3A_19 = arith.addi %mul3A_17, %add3A_18 : i32
    "tpu.region"() ({
      %run_scoped3A_73 = tpu.sem_alloc : memref<!tpu.dma_semaphore, #tpu.memory_space<semaphore_mem>>
      %dma_start3A = arith.constant 0 : i32
      %dma_start3A_74 = tpu.memref_slice %arg16[%add3A_19, %dma_start3A] : memref<10240x128xf32, #tpu.memory_space<vmem_shared>> -> memref<128x128xf32, #tpu.memory_space<vmem_shared>>
      %dma_start3A_75 = arith.constant 0 : i32
      %dma_start3A_76 = tpu.memref_slice %arg16[%add3A_19, %dma_start3A_75] : memref<10240x128xf32, #tpu.memory_space<vmem_shared>> -> memref<128x128xf32, #tpu.memory_space<vmem_shared>>
      tpu.enqueue_dma source(%arg11 : memref<128x128xf32, #tpu.memory_space<vmem>>) target(%dma_start3A_76 : memref<128x128xf32, #tpu.memory_space<vmem_shared>>) target_semaphore(%run_scoped3A_73 : memref<!tpu.dma_semaphore, #tpu.memory_space<semaphore_mem>>)
      %dma_wait3A = arith.constant 0 : i32
      %dma_wait3A_77 = tpu.memref_slice %arg16[%add3A_19, %dma_wait3A] : memref<10240x128xf32, #tpu.memory_space<vmem_shared>> -> memref<128x128xf32, #tpu.memory_space<vmem_shared>>
      %dma_wait3A_78 = arith.constant 0 : i32
      %dma_wait3A_79 = tpu.memref_slice %arg16[%add3A_19, %dma_wait3A_78] : memref<10240x128xf32, #tpu.memory_space<vmem_shared>> -> memref<128x128xf32, #tpu.memory_space<vmem_shared>>
      tpu.wait_dma2 semaphore(%run_scoped3A_73 : memref<!tpu.dma_semaphore, #tpu.memory_space<semaphore_mem>>) src(%arg11 : memref<128x128xf32, #tpu.memory_space<vmem>>) dst(%dma_wait3A_79 : memref<128x128xf32, #tpu.memory_space<vmem_shared>>)
      tpu.yield
    }) : () -> ()
    %mul3A_20 = arith.constant 640 : i32
    %mul3A_21 = arith.muli %arg1, %mul3A_20 : i32
    %add3A_22 = arith.constant 384 : i32
    %add3A_23 = arith.addi %mul3A_21, %add3A_22 : i32
    "tpu.region"() ({
      %run_scoped3A_73 = tpu.sem_alloc : memref<!tpu.dma_semaphore, #tpu.memory_space<semaphore_mem>>
      %dma_start3A = arith.constant 0 : i32
      %dma_start3A_74 = tpu.memref_slice %arg16[%add3A_23, %dma_start3A] : memref<10240x128xf32, #tpu.memory_space<vmem_shared>> -> memref<128x128xf32, #tpu.memory_space<vmem_shared>>
      %dma_start3A_75 = arith.constant 0 : i32
      %dma_start3A_76 = tpu.memref_slice %arg16[%add3A_23, %dma_start3A_75] : memref<10240x128xf32, #tpu.memory_space<vmem_shared>> -> memref<128x128xf32, #tpu.memory_space<vmem_shared>>
      tpu.enqueue_dma source(%arg11 : memref<128x128xf32, #tpu.memory_space<vmem>>) target(%dma_start3A_76 : memref<128x128xf32, #tpu.memory_space<vmem_shared>>) target_semaphore(%run_scoped3A_73 : memref<!tpu.dma_semaphore, #tpu.memory_space<semaphore_mem>>)
      %dma_wait3A = arith.constant 0 : i32
      %dma_wait3A_77 = tpu.memref_slice %arg16[%add3A_23, %dma_wait3A] : memref<10240x128xf32, #tpu.memory_space<vmem_shared>> -> memref<128x128xf32, #tpu.memory_space<vmem_shared>>
      %dma_wait3A_78 = arith.constant 0 : i32
      %dma_wait3A_79 = tpu.memref_slice %arg16[%add3A_23, %dma_wait3A_78] : memref<10240x128xf32, #tpu.memory_space<vmem_shared>> -> memref<128x128xf32, #tpu.memory_space<vmem_shared>>
      tpu.wait_dma2 semaphore(%run_scoped3A_73 : memref<!tpu.dma_semaphore, #tpu.memory_space<semaphore_mem>>) src(%arg11 : memref<128x128xf32, #tpu.memory_space<vmem>>) dst(%dma_wait3A_79 : memref<128x128xf32, #tpu.memory_space<vmem_shared>>)
      tpu.yield
    }) : () -> ()
    %mul3A_24 = arith.constant 640 : i32
    %mul3A_25 = arith.muli %arg1, %mul3A_24 : i32
    %add3A_26 = arith.constant 512 : i32
    %add3A_27 = arith.addi %mul3A_25, %add3A_26 : i32
    "tpu.region"() ({
      %run_scoped3A_73 = tpu.sem_alloc : memref<!tpu.dma_semaphore, #tpu.memory_space<semaphore_mem>>
      %dma_start3A = arith.constant 0 : i32
      %dma_start3A_74 = tpu.memref_slice %arg16[%add3A_27, %dma_start3A] : memref<10240x128xf32, #tpu.memory_space<vmem_shared>> -> memref<128x128xf32, #tpu.memory_space<vmem_shared>>
      %dma_start3A_75 = arith.constant 0 : i32
      %dma_start3A_76 = tpu.memref_slice %arg16[%add3A_27, %dma_start3A_75] : memref<10240x128xf32, #tpu.memory_space<vmem_shared>> -> memref<128x128xf32, #tpu.memory_space<vmem_shared>>
      tpu.enqueue_dma source(%arg11 : memref<128x128xf32, #tpu.memory_space<vmem>>) target(%dma_start3A_76 : memref<128x128xf32, #tpu.memory_space<vmem_shared>>) target_semaphore(%run_scoped3A_73 : memref<!tpu.dma_semaphore, #tpu.memory_space<semaphore_mem>>)
      %dma_wait3A = arith.constant 0 : i32
      %dma_wait3A_77 = tpu.memref_slice %arg16[%add3A_27, %dma_wait3A] : memref<10240x128xf32, #tpu.memory_space<vmem_shared>> -> memref<128x128xf32, #tpu.memory_space<vmem_shared>>
      %dma_wait3A_78 = arith.constant 0 : i32
      %dma_wait3A_79 = tpu.memref_slice %arg16[%add3A_27, %dma_wait3A_78] : memref<10240x128xf32, #tpu.memory_space<vmem_shared>> -> memref<128x128xf32, #tpu.memory_space<vmem_shared>>
      tpu.wait_dma2 semaphore(%run_scoped3A_73 : memref<!tpu.dma_semaphore, #tpu.memory_space<semaphore_mem>>) src(%arg11 : memref<128x128xf32, #tpu.memory_space<vmem>>) dst(%dma_wait3A_79 : memref<128x128xf32, #tpu.memory_space<vmem_shared>>)
      tpu.yield
    }) : () -> ()
    %scan3A_28 = arith.constant 0 : i32
    %scan3A_29 = arith.constant 0 : i32
    %scan3A_30 = arith.constant 640 : i32
    %scan3A_31 = arith.addi %scan3A_29, %scan3A_30 : i32
    %scan3A_32 = arith.constant 1 : i32
    %scan3A_33 = scf.for %scan3A_73 = %scan3A_29 to %scan3A_31 step %scan3A_32 iter_args(%scan3A_74 = %scan3A_28) -> (i32)  : i32 {
      %broadcast_in_dim3A_75 = arith.constant 0.000000e+00 : f32
      %broadcast_in_dim3A_76 = vector.broadcast %broadcast_in_dim3A_75 : f32 to vector<16xf32>
      %mul3A_77 = arith.constant 16 : i32
      %mul3A_78 = arith.muli %scan3A_73, %mul3A_77 : i32
      %swap3A = arith.index_cast %mul3A_78 : i32 to index
      %swap3A_79 = tpu.vector_load %arg13[%swap3A] {strides = array<i32>} : memref<10240xf32, #tpu.memory_space<vmem>>, vector<16xf32>,
      tpu.vector_store %arg13[%swap3A], %broadcast_in_dim3A_76 {strides = array<i32>} : memref<10240xf32, #tpu.memory_space<vmem>>, vector<16xf32>,
      %scan3A_80 = arith.constant 0 : i32
      scf.yield %scan3A_80 : i32
    }
    %scan3A_34 = arith.constant 640 : i32
    %barrier3A = arith.constant 0 : index
    tpu.barrier barrier_id(%barrier3A)
    %scan3A_35 = arith.constant 0 : i32
    %scan3A_36 = arith.constant 0 : i32
    %scan3A_37 = arith.constant 79 : i32
    %scan3A_38 = arith.addi %scan3A_36, %scan3A_37 : i32
    %scan3A_39 = arith.constant 1 : i32
    %scan3A_40 = scf.for %scan3A_73 = %scan3A_36 to %scan3A_38 step %scan3A_39 iter_args(%scan3A_74 = %scan3A_35) -> (i32)  : i32 {
      %mul3A_75 = arith.constant 79 : i32
      %mul3A_76 = arith.muli %add3A, %mul3A_75 : i32
      %add3A_77 = arith.addi %mul3A_76, %scan3A_73 : i32
      %mul3A_78 = arith.constant 128 : i32
      %mul3A_79 = arith.muli %add3A_77, %mul3A_78 : i32
      "tpu.region"() ({
        %run_scoped3A_199 = tpu.sem_alloc : memref<!tpu.dma_semaphore, #tpu.memory_space<semaphore_mem>>
        %dma_start3A_200 = tpu.memref_slice %arg3[%mul3A_79] : memref<323584xi32, #tpu.memory_space<hbm>> -> memref<128xi32, #tpu.memory_space<hbm>>
        %dma_start3A_201 = tpu.memref_slice %arg3[%mul3A_79] : memref<323584xi32, #tpu.memory_space<hbm>> -> memref<128xi32, #tpu.memory_space<hbm>>
        tpu.enqueue_dma source(%dma_start3A_201 : memref<128xi32, #tpu.memory_space<hbm>>) target(%arg8 : memref<128xi32, #tpu.memory_space<vmem>>) target_semaphore(%run_scoped3A_199 : memref<!tpu.dma_semaphore, #tpu.memory_space<semaphore_mem>>)
        %dma_wait3A_202 = tpu.memref_slice %arg3[%mul3A_79] : memref<323584xi32, #tpu.memory_space<hbm>> -> memref<128xi32, #tpu.memory_space<hbm>>
        %dma_wait3A_203 = tpu.memref_slice %arg3[%mul3A_79] : memref<323584xi32, #tpu.memory_space<hbm>> -> memref<128xi32, #tpu.memory_space<hbm>>
        tpu.wait_dma2 semaphore(%run_scoped3A_199 : memref<!tpu.dma_semaphore, #tpu.memory_space<semaphore_mem>>) src(%dma_wait3A_203 : memref<128xi32, #tpu.memory_space<hbm>>) dst(%arg8 : memref<128xi32, #tpu.memory_space<vmem>>)
        tpu.yield
      }) : () -> ()
      "tpu.region"() ({
        %run_scoped3A_199 = tpu.sem_alloc : memref<!tpu.dma_semaphore, #tpu.memory_space<semaphore_mem>>
        %dma_start3A_200 = tpu.memref_slice %arg4[%mul3A_79] : memref<323584xi32, #tpu.memory_space<hbm>> -> memref<128xi32, #tpu.memory_space<hbm>>
        %dma_start3A_201 = tpu.memref_slice %arg4[%mul3A_79] : memref<323584xi32, #tpu.memory_space<hbm>> -> memref<128xi32, #tpu.memory_space<hbm>>
        tpu.enqueue_dma source(%dma_start3A_201 : memref<128xi32, #tpu.memory_space<hbm>>) target(%arg9 : memref<128xi32, #tpu.memory_space<vmem>>) target_semaphore(%run_scoped3A_199 : memref<!tpu.dma_semaphore, #tpu.memory_space<semaphore_mem>>)
        %dma_wait3A_202 = tpu.memref_slice %arg4[%mul3A_79] : memref<323584xi32, #tpu.memory_space<hbm>> -> memref<128xi32, #tpu.memory_space<hbm>>
        %dma_wait3A_203 = tpu.memref_slice %arg4[%mul3A_79] : memref<323584xi32, #tpu.memory_space<hbm>> -> memref<128xi32, #tpu.memory_space<hbm>>
        tpu.wait_dma2 semaphore(%run_scoped3A_199 : memref<!tpu.dma_semaphore, #tpu.memory_space<semaphore_mem>>) src(%dma_wait3A_203 : memref<128xi32, #tpu.memory_space<hbm>>) dst(%arg9 : memref<128xi32, #tpu.memory_space<vmem>>)
        tpu.yield
      }) : () -> ()
      %get3A = arith.constant 0 : index
      %get3A_80 = tpu.vector_load %arg8[%get3A] {strides = array<i32>} : memref<128xi32, #tpu.memory_space<vmem>>, vector<16xi32>,
      %get3A_81 = arith.constant 0 : index
      %get3A_82 = tpu.vector_load %arg9[%get3A_81] {strides = array<i32>} : memref<128xi32, #tpu.memory_space<vmem>>, vector<16xi32>,
      %gather3A = tpu.vector_load_idx %arg12[%get3A_80] : memref<10240xf32, #tpu.memory_space<vmem>>[vector<16xi32>], vector<16xf32>,
      %gather3A_83 = tpu.vector_load_idx %arg12[%get3A_82] : memref<10240xf32, #tpu.memory_space<vmem>>[vector<16xi32>], vector<16xf32>,
      %mul3A_84 = arith.mulf %gather3A, %gather3A_83 : vector<16xf32>
      %gt3A = arith.constant 5.000000e-01 : f32
      %gt3A_85 = vector.broadcast %gt3A : f32 to vector<16xf32>
      %gt3A_86 = arith.cmpf ogt, %mul3A_84, %gt3A_85 : vector<16xf32>
      %jit3A = arith.constant 10000 : i32
      %broadcast_in_dim3A_87 = vector.broadcast %jit3A : i32 to vector<16xi32>
      %select_n3A = arith.select %gt3A_86, %get3A_82, %broadcast_in_dim3A_87 : vector<16xi1>, vector<16xi32>
      %swap3A = arith.constant 0 : index
      %swap3A_88 = tpu.vector_load %arg10[%swap3A] {strides = array<i32>} : memref<128xi32, #tpu.memory_space<vmem>>, vector<16xi32>,
      tpu.vector_store %arg10[%swap3A], %select_n3A {strides = array<i32>} : memref<128xi32, #tpu.memory_space<vmem>>, vector<16xi32>,
      tpu.vector_store_idx %arg13[%select_n3A], %broadcast_in_dim3A_1 {add = true} : memref<10240xf32, #tpu.memory_space<vmem>>[vector<16xi32>], vector<16xf32>,
      %get3A_89 = arith.constant 16 : index
      %get3A_90 = tpu.vector_load %arg8[%get3A_89] {strides = array<i32>} : memref<128xi32, #tpu.memory_space<vmem>>, vector<16xi32>,
      %get3A_91 = arith.constant 16 : index
      %get3A_92 = tpu.vector_load %arg9[%get3A_91] {strides = array<i32>} : memref<128xi32, #tpu.memory_space<vmem>>, vector<16xi32>,
      %gather3A_93 = tpu.vector_load_idx %arg12[%get3A_90] : memref<10240xf32, #tpu.memory_space<vmem>>[vector<16xi32>], vector<16xf32>,
      %gather3A_94 = tpu.vector_load_idx %arg12[%get3A_92] : memref<10240xf32, #tpu.memory_space<vmem>>[vector<16xi32>], vector<16xf32>,
      %mul3A_95 = arith.mulf %gather3A_93, %gather3A_94 : vector<16xf32>
      %gt3A_96 = arith.constant 5.000000e-01 : f32
      %gt3A_97 = vector.broadcast %gt3A_96 : f32 to vector<16xf32>
      %gt3A_98 = arith.cmpf ogt, %mul3A_95, %gt3A_97 : vector<16xf32>
      %jit3A_99 = arith.constant 10000 : i32
      %broadcast_in_dim3A_100 = vector.broadcast %jit3A_99 : i32 to vector<16xi32>
      %select_n3A_101 = arith.select %gt3A_98, %get3A_92, %broadcast_in_dim3A_100 : vector<16xi1>, vector<16xi32>
      %swap3A_102 = arith.constant 16 : index
      %swap3A_103 = tpu.vector_load %arg10[%swap3A_102] {strides = array<i32>} : memref<128xi32, #tpu.memory_space<vmem>>, vector<16xi32>,
      tpu.vector_store %arg10[%swap3A_102], %select_n3A_101 {strides = array<i32>} : memref<128xi32, #tpu.memory_space<vmem>>, vector<16xi32>,
      tpu.vector_store_idx %arg13[%select_n3A_101], %broadcast_in_dim3A_1 {add = true} : memref<10240xf32, #tpu.memory_space<vmem>>[vector<16xi32>], vector<16xf32>,
      %get3A_104 = arith.constant 32 : index
      %get3A_105 = tpu.vector_load %arg8[%get3A_104] {strides = array<i32>} : memref<128xi32, #tpu.memory_space<vmem>>, vector<16xi32>,
      %get3A_106 = arith.constant 32 : index
      %get3A_107 = tpu.vector_load %arg9[%get3A_106] {strides = array<i32>} : memref<128xi32, #tpu.memory_space<vmem>>, vector<16xi32>,
      %gather3A_108 = tpu.vector_load_idx %arg12[%get3A_105] : memref<10240xf32, #tpu.memory_space<vmem>>[vector<16xi32>], vector<16xf32>,
      %gather3A_109 = tpu.vector_load_idx %arg12[%get3A_107] : memref<10240xf32, #tpu.memory_space<vmem>>[vector<16xi32>], vector<16xf32>,
      %mul3A_110 = arith.mulf %gather3A_108, %gather3A_109 : vector<16xf32>
      %gt3A_111 = arith.constant 5.000000e-01 : f32
      %gt3A_112 = vector.broadcast %gt3A_111 : f32 to vector<16xf32>
      %gt3A_113 = arith.cmpf ogt, %mul3A_110, %gt3A_112 : vector<16xf32>
      %jit3A_114 = arith.constant 10000 : i32
      %broadcast_in_dim3A_115 = vector.broadcast %jit3A_114 : i32 to vector<16xi32>
      %select_n3A_116 = arith.select %gt3A_113, %get3A_107, %broadcast_in_dim3A_115 : vector<16xi1>, vector<16xi32>
      %swap3A_117 = arith.constant 32 : index
      %swap3A_118 = tpu.vector_load %arg10[%swap3A_117] {strides = array<i32>} : memref<128xi32, #tpu.memory_space<vmem>>, vector<16xi32>,
      tpu.vector_store %arg10[%swap3A_117], %select_n3A_116 {strides = array<i32>} : memref<128xi32, #tpu.memory_space<vmem>>, vector<16xi32>,
      tpu.vector_store_idx %arg13[%select_n3A_116], %broadcast_in_dim3A_1 {add = true} : memref<10240xf32, #tpu.memory_space<vmem>>[vector<16xi32>], vector<16xf32>,
      %get3A_119 = arith.constant 48 : index
      %get3A_120 = tpu.vector_load %arg8[%get3A_119] {strides = array<i32>} : memref<128xi32, #tpu.memory_space<vmem>>, vector<16xi32>,
      %get3A_121 = arith.constant 48 : index
      %get3A_122 = tpu.vector_load %arg9[%get3A_121] {strides = array<i32>} : memref<128xi32, #tpu.memory_space<vmem>>, vector<16xi32>,
      %gather3A_123 = tpu.vector_load_idx %arg12[%get3A_120] : memref<10240xf32, #tpu.memory_space<vmem>>[vector<16xi32>], vector<16xf32>,
      %gather3A_124 = tpu.vector_load_idx %arg12[%get3A_122] : memref<10240xf32, #tpu.memory_space<vmem>>[vector<16xi32>], vector<16xf32>,
      %mul3A_125 = arith.mulf %gather3A_123, %gather3A_124 : vector<16xf32>
      %gt3A_126 = arith.constant 5.000000e-01 : f32
      %gt3A_127 = vector.broadcast %gt3A_126 : f32 to vector<16xf32>
      %gt3A_128 = arith.cmpf ogt, %mul3A_125, %gt3A_127 : vector<16xf32>
      %jit3A_129 = arith.constant 10000 : i32
      %broadcast_in_dim3A_130 = vector.broadcast %jit3A_129 : i32 to vector<16xi32>
      %select_n3A_131 = arith.select %gt3A_128, %get3A_122, %broadcast_in_dim3A_130 : vector<16xi1>, vector<16xi32>
      %swap3A_132 = arith.constant 48 : index
      %swap3A_133 = tpu.vector_load %arg10[%swap3A_132] {strides = array<i32>} : memref<128xi32, #tpu.memory_space<vmem>>, vector<16xi32>,
      tpu.vector_store %arg10[%swap3A_132], %select_n3A_131 {strides = array<i32>} : memref<128xi32, #tpu.memory_space<vmem>>, vector<16xi32>,
      tpu.vector_store_idx %arg13[%select_n3A_131], %broadcast_in_dim3A_1 {add = true} : memref<10240xf32, #tpu.memory_space<vmem>>[vector<16xi32>], vector<16xf32>,
      %get3A_134 = arith.constant 64 : index
      %get3A_135 = tpu.vector_load %arg8[%get3A_134] {strides = array<i32>} : memref<128xi32, #tpu.memory_space<vmem>>, vector<16xi32>,
      %get3A_136 = arith.constant 64 : index
      %get3A_137 = tpu.vector_load %arg9[%get3A_136] {strides = array<i32>} : memref<128xi32, #tpu.memory_space<vmem>>, vector<16xi32>,
      %gather3A_138 = tpu.vector_load_idx %arg12[%get3A_135] : memref<10240xf32, #tpu.memory_space<vmem>>[vector<16xi32>], vector<16xf32>,
      %gather3A_139 = tpu.vector_load_idx %arg12[%get3A_137] : memref<10240xf32, #tpu.memory_space<vmem>>[vector<16xi32>], vector<16xf32>,
      %mul3A_140 = arith.mulf %gather3A_138, %gather3A_139 : vector<16xf32>
      %gt3A_141 = arith.constant 5.000000e-01 : f32
      %gt3A_142 = vector.broadcast %gt3A_141 : f32 to vector<16xf32>
      %gt3A_143 = arith.cmpf ogt, %mul3A_140, %gt3A_142 : vector<16xf32>
      %jit3A_144 = arith.constant 10000 : i32
      %broadcast_in_dim3A_145 = vector.broadcast %jit3A_144 : i32 to vector<16xi32>
      %select_n3A_146 = arith.select %gt3A_143, %get3A_137, %broadcast_in_dim3A_145 : vector<16xi1>, vector<16xi32>
      %swap3A_147 = arith.constant 64 : index
      %swap3A_148 = tpu.vector_load %arg10[%swap3A_147] {strides = array<i32>} : memref<128xi32, #tpu.memory_space<vmem>>, vector<16xi32>,
      tpu.vector_store %arg10[%swap3A_147], %select_n3A_146 {strides = array<i32>} : memref<128xi32, #tpu.memory_space<vmem>>, vector<16xi32>,
      tpu.vector_store_idx %arg13[%select_n3A_146], %broadcast_in_dim3A_1 {add = true} : memref<10240xf32, #tpu.memory_space<vmem>>[vector<16xi32>], vector<16xf32>,
      %get3A_149 = arith.constant 80 : index
      %get3A_150 = tpu.vector_load %arg8[%get3A_149] {strides = array<i32>} : memref<128xi32, #tpu.memory_space<vmem>>, vector<16xi32>,
      %get3A_151 = arith.constant 80 : index
      %get3A_152 = tpu.vector_load %arg9[%get3A_151] {strides = array<i32>} : memref<128xi32, #tpu.memory_space<vmem>>, vector<16xi32>,
      %gather3A_153 = tpu.vector_load_idx %arg12[%get3A_150] : memref<10240xf32, #tpu.memory_space<vmem>>[vector<16xi32>], vector<16xf32>,
      %gather3A_154 = tpu.vector_load_idx %arg12[%get3A_152] : memref<10240xf32, #tpu.memory_space<vmem>>[vector<16xi32>], vector<16xf32>,
      %mul3A_155 = arith.mulf %gather3A_153, %gather3A_154 : vector<16xf32>
      %gt3A_156 = arith.constant 5.000000e-01 : f32
      %gt3A_157 = vector.broadcast %gt3A_156 : f32 to vector<16xf32>
      %gt3A_158 = arith.cmpf ogt, %mul3A_155, %gt3A_157 : vector<16xf32>
      %jit3A_159 = arith.constant 10000 : i32
      %broadcast_in_dim3A_160 = vector.broadcast %jit3A_159 : i32 to vector<16xi32>
      %select_n3A_161 = arith.select %gt3A_158, %get3A_152, %broadcast_in_dim3A_160 : vector<16xi1>, vector<16xi32>
      %swap3A_162 = arith.constant 80 : index
      %swap3A_163 = tpu.vector_load %arg10[%swap3A_162] {strides = array<i32>} : memref<128xi32, #tpu.memory_space<vmem>>, vector<16xi32>,
      tpu.vector_store %arg10[%swap3A_162], %select_n3A_161 {strides = array<i32>} : memref<128xi32, #tpu.memory_space<vmem>>, vector<16xi32>,
      tpu.vector_store_idx %arg13[%select_n3A_161], %broadcast_in_dim3A_1 {add = true} : memref<10240xf32, #tpu.memory_space<vmem>>[vector<16xi32>], vector<16xf32>,
      %get3A_164 = arith.constant 96 : index
      %get3A_165 = tpu.vector_load %arg8[%get3A_164] {strides = array<i32>} : memref<128xi32, #tpu.memory_space<vmem>>, vector<16xi32>,
      %get3A_166 = arith.constant 96 : index
      %get3A_167 = tpu.vector_load %arg9[%get3A_166] {strides = array<i32>} : memref<128xi32, #tpu.memory_space<vmem>>, vector<16xi32>,
      %gather3A_168 = tpu.vector_load_idx %arg12[%get3A_165] : memref<10240xf32, #tpu.memory_space<vmem>>[vector<16xi32>], vector<16xf32>,
      %gather3A_169 = tpu.vector_load_idx %arg12[%get3A_167] : memref<10240xf32, #tpu.memory_space<vmem>>[vector<16xi32>], vector<16xf32>,
      %mul3A_170 = arith.mulf %gather3A_168, %gather3A_169 : vector<16xf32>
      %gt3A_171 = arith.constant 5.000000e-01 : f32
      %gt3A_172 = vector.broadcast %gt3A_171 : f32 to vector<16xf32>
      %gt3A_173 = arith.cmpf ogt, %mul3A_170, %gt3A_172 : vector<16xf32>
      %jit3A_174 = arith.constant 10000 : i32
      %broadcast_in_dim3A_175 = vector.broadcast %jit3A_174 : i32 to vector<16xi32>
      %select_n3A_176 = arith.select %gt3A_173, %get3A_167, %broadcast_in_dim3A_175 : vector<16xi1>, vector<16xi32>
      %swap3A_177 = arith.constant 96 : index
      %swap3A_178 = tpu.vector_load %arg10[%swap3A_177] {strides = array<i32>} : memref<128xi32, #tpu.memory_space<vmem>>, vector<16xi32>,
      tpu.vector_store %arg10[%swap3A_177], %select_n3A_176 {strides = array<i32>} : memref<128xi32, #tpu.memory_space<vmem>>, vector<16xi32>,
      tpu.vector_store_idx %arg13[%select_n3A_176], %broadcast_in_dim3A_1 {add = true} : memref<10240xf32, #tpu.memory_space<vmem>>[vector<16xi32>], vector<16xf32>,
      %get3A_179 = arith.constant 112 : index
      %get3A_180 = tpu.vector_load %arg8[%get3A_179] {strides = array<i32>} : memref<128xi32, #tpu.memory_space<vmem>>, vector<16xi32>,
      %get3A_181 = arith.constant 112 : index
      %get3A_182 = tpu.vector_load %arg9[%get3A_181] {strides = array<i32>} : memref<128xi32, #tpu.memory_space<vmem>>, vector<16xi32>,
      %gather3A_183 = tpu.vector_load_idx %arg12[%get3A_180] : memref<10240xf32, #tpu.memory_space<vmem>>[vector<16xi32>], vector<16xf32>,
      %gather3A_184 = tpu.vector_load_idx %arg12[%get3A_182] : memref<10240xf32, #tpu.memory_space<vmem>>[vector<16xi32>], vector<16xf32>,
      %mul3A_185 = arith.mulf %gather3A_183, %gather3A_184 : vector<16xf32>
      %gt3A_186 = arith.constant 5.000000e-01 : f32
      %gt3A_187 = vector.broadcast %gt3A_186 : f32 to vector<16xf32>
      %gt3A_188 = arith.cmpf ogt, %mul3A_185, %gt3A_187 : vector<16xf32>
      %jit3A_189 = arith.constant 10000 : i32
      %broadcast_in_dim3A_190 = vector.broadcast %jit3A_189 : i32 to vector<16xi32>
      %select_n3A_191 = arith.select %gt3A_188, %get3A_182, %broadcast_in_dim3A_190 : vector<16xi1>, vector<16xi32>
      %swap3A_192 = arith.constant 112 : index
      %swap3A_193 = tpu.vector_load %arg10[%swap3A_192] {strides = array<i32>} : memref<128xi32, #tpu.memory_space<vmem>>, vector<16xi32>,
      tpu.vector_store %arg10[%swap3A_192], %select_n3A_191 {strides = array<i32>} : memref<128xi32, #tpu.memory_space<vmem>>, vector<16xi32>,
      tpu.vector_store_idx %arg13[%select_n3A_191], %broadcast_in_dim3A_1 {add = true} : memref<10240xf32, #tpu.memory_space<vmem>>[vector<16xi32>], vector<16xf32>,
      %dma_start3A = arith.constant 0 : i32
      %dma_start3A_194 = arith.constant 0 : i32
      %dma_start3A_195 = tpu.memref_slice %arg2[%dma_start3A, %dma_start3A_194] : memref<10240x128xf32, #tpu.memory_space<hbm>> -> memref<10240x128xf32, #tpu.memory_space<hbm>>
      tpu.enqueue_indirect_dma source(%dma_start3A_195 : memref<10240x128xf32, #tpu.memory_space<hbm>>) target(%arg11 : memref<128x128xf32, #tpu.memory_space<vmem>>) offsets(%arg8 : memref<128xi32, #tpu.memory_space<vmem>>) semaphore(%arg18 : memref<!tpu.dma_semaphore, #tpu.memory_space<semaphore_mem>>)
      %dma_wait3A = arith.constant 0 : i32
      %dma_wait3A_196 = arith.constant 0 : i32
      %dma_wait3A_197 = tpu.memref_slice %arg2[%dma_wait3A, %dma_wait3A_196] : memref<10240x128xf32, #tpu.memory_space<hbm>> -> memref<10240x128xf32, #tpu.memory_space<hbm>>
      tpu.wait_indirect_dma semaphore(%arg18 : memref<!tpu.dma_semaphore, #tpu.memory_space<semaphore_mem>>) src(%dma_wait3A_197 : memref<10240x128xf32, #tpu.memory_space<hbm>>) dst(%arg11 : memref<128x128xf32, #tpu.memory_space<vmem>>)
      "tpu.region"() ({
        %run_scoped3A_199 = tpu.sem_alloc : memref<!tpu.dma_semaphore, #tpu.memory_space<semaphore_mem>>
        %dma_start3A_200 = arith.constant 0 : i32
        %dma_start3A_201 = arith.constant 0 : i32
        %dma_start3A_202 = tpu.memref_slice %arg16[%dma_start3A_200, %dma_start3A_201] : memref<10240x128xf32, #tpu.memory_space<vmem_shared>> -> memref<10240x128xf32, #tpu.memory_space<vmem_shared>>
        tpu.enqueue_indirect_dma source(%arg11 : memref<128x128xf32, #tpu.memory_space<vmem>>) target(%dma_start3A_202 : memref<10240x128xf32, #tpu.memory_space<vmem_shared>>) offsets(%arg10 : memref<128xi32, #tpu.memory_space<vmem>>) semaphore(%run_scoped3A_199 : memref<!tpu.dma_semaphore, #tpu.memory_space<semaphore_mem>>) {add = true}
        %dma_wait3A_203 = arith.constant 0 : i32
        %dma_wait3A_204 = arith.constant 0 : i32
        %dma_wait3A_205 = tpu.memref_slice %arg16[%dma_wait3A_203, %dma_wait3A_204] : memref<10240x128xf32, #tpu.memory_space<vmem_shared>> -> memref<10240x128xf32, #tpu.memory_space<vmem_shared>>
        tpu.wait_indirect_dma semaphore(%run_scoped3A_199 : memref<!tpu.dma_semaphore, #tpu.memory_space<semaphore_mem>>) src(%arg11 : memref<128x128xf32, #tpu.memory_space<vmem>>) dst(%dma_wait3A_205 : memref<10240x128xf32, #tpu.memory_space<vmem_shared>>)
        tpu.yield
      }) : () -> ()
      %scan3A_198 = arith.constant 0 : i32
      scf.yield %scan3A_198 : i32
    }
    %scan3A_41 = arith.constant 79 : i32
    %barrier3A_42 = arith.constant 0 : index
    tpu.barrier barrier_id(%barrier3A_42)
    "tpu.region"() ({
      %run_scoped3A_73 = tpu.sem_alloc : memref<!tpu.dma_semaphore, #tpu.memory_space<semaphore_mem>>
      %dma_start3A = arith.constant 0 : i32
      %dma_start3A_74 = tpu.memref_slice %arg17[%arg1, %dma_start3A] : memref<16x10240xf32, #tpu.memory_space<vmem_shared>> -> memref<1x10240xf32, #tpu.memory_space<vmem_shared>>
      %dma_start3A_75 = tpu.memref_squeeze %dma_start3A_74 : memref<1x10240xf32, #tpu.memory_space<vmem_shared>> -> memref<10240xf32, #tpu.memory_space<vmem_shared>>
      %dma_start3A_76 = arith.constant 0 : i32
      %dma_start3A_77 = tpu.memref_slice %arg17[%arg1, %dma_start3A_76] : memref<16x10240xf32, #tpu.memory_space<vmem_shared>> -> memref<1x10240xf32, #tpu.memory_space<vmem_shared>>
      %dma_start3A_78 = tpu.memref_squeeze %dma_start3A_77 : memref<1x10240xf32, #tpu.memory_space<vmem_shared>> -> memref<10240xf32, #tpu.memory_space<vmem_shared>>
      tpu.enqueue_dma source(%arg13 : memref<10240xf32, #tpu.memory_space<vmem>>) target(%dma_start3A_78 : memref<10240xf32, #tpu.memory_space<vmem_shared>>) target_semaphore(%run_scoped3A_73 : memref<!tpu.dma_semaphore, #tpu.memory_space<semaphore_mem>>)
      %dma_wait3A = arith.constant 0 : i32
      %dma_wait3A_79 = tpu.memref_slice %arg17[%arg1, %dma_wait3A] : memref<16x10240xf32, #tpu.memory_space<vmem_shared>> -> memref<1x10240xf32, #tpu.memory_space<vmem_shared>>
      %dma_wait3A_80 = tpu.memref_squeeze %dma_wait3A_79 : memref<1x10240xf32, #tpu.memory_space<vmem_shared>> -> memref<10240xf32, #tpu.memory_space<vmem_shared>>
      %dma_wait3A_81 = arith.constant 0 : i32
      %dma_wait3A_82 = tpu.memref_slice %arg17[%arg1, %dma_wait3A_81] : memref<16x10240xf32, #tpu.memory_space<vmem_shared>> -> memref<1x10240xf32, #tpu.memory_space<vmem_shared>>
      %dma_wait3A_83 = tpu.memref_squeeze %dma_wait3A_82 : memref<1x10240xf32, #tpu.memory_space<vmem_shared>> -> memref<10240xf32, #tpu.memory_space<vmem_shared>>
      tpu.wait_dma2 semaphore(%run_scoped3A_73 : memref<!tpu.dma_semaphore, #tpu.memory_space<semaphore_mem>>) src(%arg13 : memref<10240xf32, #tpu.memory_space<vmem>>) dst(%dma_wait3A_83 : memref<10240xf32, #tpu.memory_space<vmem_shared>>)
      tpu.yield
    }) : () -> ()
    %barrier3A_43 = arith.constant 0 : index
    tpu.barrier barrier_id(%barrier3A_43)
    %mul3A_44 = arith.constant 640 : i32
    %mul3A_45 = arith.muli %arg1, %mul3A_44 : i32
    %run_scoped3A = arith.constant 0 : i32
    "tpu.region"() ({
      %run_scoped3A_73 = tpu.sem_alloc : memref<!tpu.dma_semaphore, #tpu.memory_space<semaphore_mem>>
      %dma_start3A = tpu.memref_slice %arg17[%run_scoped3A, %mul3A_45] : memref<16x10240xf32, #tpu.memory_space<vmem_shared>> -> memref<1x640xf32, #tpu.memory_space<vmem_shared>>
      %dma_start3A_74 = tpu.memref_squeeze %dma_start3A : memref<1x640xf32, #tpu.memory_space<vmem_shared>> -> memref<640xf32, #tpu.memory_space<vmem_shared>>
      %dma_start3A_75 = tpu.memref_slice %arg17[%run_scoped3A, %mul3A_45] : memref<16x10240xf32, #tpu.memory_space<vmem_shared>> -> memref<1x640xf32, #tpu.memory_space<vmem_shared>>
      %dma_start3A_76 = tpu.memref_squeeze %dma_start3A_75 : memref<1x640xf32, #tpu.memory_space<vmem_shared>> -> memref<640xf32, #tpu.memory_space<vmem_shared>>
      tpu.enqueue_dma source(%dma_start3A_76 : memref<640xf32, #tpu.memory_space<vmem_shared>>) target(%arg14 : memref<640xf32, #tpu.memory_space<vmem>>) target_semaphore(%run_scoped3A_73 : memref<!tpu.dma_semaphore, #tpu.memory_space<semaphore_mem>>)
      %dma_wait3A = tpu.memref_slice %arg17[%run_scoped3A, %mul3A_45] : memref<16x10240xf32, #tpu.memory_space<vmem_shared>> -> memref<1x640xf32, #tpu.memory_space<vmem_shared>>
      %dma_wait3A_77 = tpu.memref_squeeze %dma_wait3A : memref<1x640xf32, #tpu.memory_space<vmem_shared>> -> memref<640xf32, #tpu.memory_space<vmem_shared>>
      %dma_wait3A_78 = tpu.memref_slice %arg17[%run_scoped3A, %mul3A_45] : memref<16x10240xf32, #tpu.memory_space<vmem_shared>> -> memref<1x640xf32, #tpu.memory_space<vmem_shared>>
      %dma_wait3A_79 = tpu.memref_squeeze %dma_wait3A_78 : memref<1x640xf32, #tpu.memory_space<vmem_shared>> -> memref<640xf32, #tpu.memory_space<vmem_shared>>
      tpu.wait_dma2 semaphore(%run_scoped3A_73 : memref<!tpu.dma_semaphore, #tpu.memory_space<semaphore_mem>>) src(%dma_wait3A_79 : memref<640xf32, #tpu.memory_space<vmem_shared>>) dst(%arg14 : memref<640xf32, #tpu.memory_space<vmem>>)
      tpu.yield
    }) : () -> ()
    %scan3A_46 = arith.constant 0 : i32
    %scan3A_47 = arith.constant 1 : i32
    %scan3A_48 = arith.constant 15 : i32
    %scan3A_49 = arith.addi %scan3A_47, %scan3A_48 : i32
    %scan3A_50 = arith.constant 1 : i32
    %scan3A_51 = scf.for %scan3A_73 = %scan3A_47 to %scan3A_49 step %scan3A_50 iter_args(%scan3A_74 = %scan3A_46) -> (i32)  : i32 {
      "tpu.region"() ({
        %run_scoped3A_83 = tpu.sem_alloc : memref<!tpu.dma_semaphore, #tpu.memory_space<semaphore_mem>>
        %dma_start3A = tpu.memref_slice %arg17[%scan3A_73, %mul3A_45] : memref<16x10240xf32, #tpu.memory_space<vmem_shared>> -> memref<1x640xf32, #tpu.memory_space<vmem_shared>>
        %dma_start3A_84 = tpu.memref_squeeze %dma_start3A : memref<1x640xf32, #tpu.memory_space<vmem_shared>> -> memref<640xf32, #tpu.memory_space<vmem_shared>>
        %dma_start3A_85 = tpu.memref_slice %arg17[%scan3A_73, %mul3A_45] : memref<16x10240xf32, #tpu.memory_space<vmem_shared>> -> memref<1x640xf32, #tpu.memory_space<vmem_shared>>
        %dma_start3A_86 = tpu.memref_squeeze %dma_start3A_85 : memref<1x640xf32, #tpu.memory_space<vmem_shared>> -> memref<640xf32, #tpu.memory_space<vmem_shared>>
        tpu.enqueue_dma source(%dma_start3A_86 : memref<640xf32, #tpu.memory_space<vmem_shared>>) target(%arg15 : memref<640xf32, #tpu.memory_space<vmem>>) target_semaphore(%run_scoped3A_83 : memref<!tpu.dma_semaphore, #tpu.memory_space<semaphore_mem>>)
        %dma_wait3A = tpu.memref_slice %arg17[%scan3A_73, %mul3A_45] : memref<16x10240xf32, #tpu.memory_space<vmem_shared>> -> memref<1x640xf32, #tpu.memory_space<vmem_shared>>
        %dma_wait3A_87 = tpu.memref_squeeze %dma_wait3A : memref<1x640xf32, #tpu.memory_space<vmem_shared>> -> memref<640xf32, #tpu.memory_space<vmem_shared>>
        %dma_wait3A_88 = tpu.memref_slice %arg17[%scan3A_73, %mul3A_45] : memref<16x10240xf32, #tpu.memory_space<vmem_shared>> -> memref<1x640xf32, #tpu.memory_space<vmem_shared>>
        %dma_wait3A_89 = tpu.memref_squeeze %dma_wait3A_88 : memref<1x640xf32, #tpu.memory_space<vmem_shared>> -> memref<640xf32, #tpu.memory_space<vmem_shared>>
        tpu.wait_dma2 semaphore(%run_scoped3A_83 : memref<!tpu.dma_semaphore, #tpu.memory_space<semaphore_mem>>) src(%dma_wait3A_89 : memref<640xf32, #tpu.memory_space<vmem_shared>>) dst(%arg15 : memref<640xf32, #tpu.memory_space<vmem>>)
        tpu.yield
      }) : () -> ()
      %scan3A_75 = arith.constant 0 : i32
      %scan3A_76 = arith.constant 0 : i32
      %scan3A_77 = arith.constant 40 : i32
      %scan3A_78 = arith.addi %scan3A_76, %scan3A_77 : i32
      %scan3A_79 = arith.constant 1 : i32
      %scan3A_80 = scf.for %scan3A_83 = %scan3A_76 to %scan3A_78 step %scan3A_79 iter_args(%scan3A_84 = %scan3A_75) -> (i32)  : i32 {
        %mul3A_85 = arith.constant 16 : i32
        %mul3A_86 = arith.muli %scan3A_83, %mul3A_85 : i32
        %get3A = arith.index_cast %mul3A_86 : i32 to index
        %get3A_87 = tpu.vector_load %arg14[%get3A] {strides = array<i32>} : memref<640xf32, #tpu.memory_space<vmem>>, vector<16xf32>,
        %get3A_88 = arith.index_cast %mul3A_86 : i32 to index
        %get3A_89 = tpu.vector_load %arg15[%get3A_88] {strides = array<i32>} : memref<640xf32, #tpu.memory_space<vmem>>, vector<16xf32>,
        %add3A_90 = arith.addf %get3A_87, %get3A_89 : vector<16xf32>
        %swap3A = arith.index_cast %mul3A_86 : i32 to index
        %swap3A_91 = tpu.vector_load %arg14[%swap3A] {strides = array<i32>} : memref<640xf32, #tpu.memory_space<vmem>>, vector<16xf32>,
        tpu.vector_store %arg14[%swap3A], %add3A_90 {strides = array<i32>} : memref<640xf32, #tpu.memory_space<vmem>>, vector<16xf32>,
        %scan3A_92 = arith.constant 0 : i32
        scf.yield %scan3A_92 : i32
      }
      %scan3A_81 = arith.constant 40 : i32
      %scan3A_82 = arith.constant 0 : i32
      scf.yield %scan3A_82 : i32
    }
    %scan3A_52 = arith.constant 15 : i32
    "tpu.region"() ({
      %run_scoped3A_73 = tpu.sem_alloc : memref<!tpu.dma_semaphore, #tpu.memory_space<semaphore_mem>>
      %dma_start3A = tpu.memref_slice %arg7[%arg0, %mul3A_45] : memref<2x10240xf32, #tpu.memory_space<hbm>> -> memref<1x640xf32, #tpu.memory_space<hbm>>
      %dma_start3A_74 = tpu.memref_squeeze %dma_start3A : memref<1x640xf32, #tpu.memory_space<hbm>> -> memref<640xf32, #tpu.memory_space<hbm>>
      %dma_start3A_75 = tpu.memref_slice %arg7[%arg0, %mul3A_45] : memref<2x10240xf32, #tpu.memory_space<hbm>> -> memref<1x640xf32, #tpu.memory_space<hbm>>
      %dma_start3A_76 = tpu.memref_squeeze %dma_start3A_75 : memref<1x640xf32, #tpu.memory_space<hbm>> -> memref<640xf32, #tpu.memory_space<hbm>>
      tpu.enqueue_dma source(%arg14 : memref<640xf32, #tpu.memory_space<vmem>>) target(%dma_start3A_76 : memref<640xf32, #tpu.memory_space<hbm>>) target_semaphore(%run_scoped3A_73 : memref<!tpu.dma_semaphore, #tpu.memory_space<semaphore_mem>>)
      %dma_wait3A = tpu.memref_slice %arg7[%arg0, %mul3A_45] : memref<2x10240xf32, #tpu.memory_space<hbm>> -> memref<1x640xf32, #tpu.memory_space<hbm>>
      %dma_wait3A_77 = tpu.memref_squeeze %dma_wait3A : memref<1x640xf32, #tpu.memory_space<hbm>> -> memref<640xf32, #tpu.memory_space<hbm>>
      %dma_wait3A_78 = tpu.memref_slice %arg7[%arg0, %mul3A_45] : memref<2x10240xf32, #tpu.memory_space<hbm>> -> memref<1x640xf32, #tpu.memory_space<hbm>>
      %dma_wait3A_79 = tpu.memref_squeeze %dma_wait3A_78 : memref<1x640xf32, #tpu.memory_space<hbm>> -> memref<640xf32, #tpu.memory_space<hbm>>
      tpu.wait_dma2 semaphore(%run_scoped3A_73 : memref<!tpu.dma_semaphore, #tpu.memory_space<semaphore_mem>>) src(%arg14 : memref<640xf32, #tpu.memory_space<vmem>>) dst(%dma_wait3A_79 : memref<640xf32, #tpu.memory_space<hbm>>)
      tpu.yield
    }) : () -> ()
    %mul3A_53 = arith.constant 640 : i32
    %mul3A_54 = arith.muli %arg1, %mul3A_53 : i32
    %add3A_55 = arith.constant 0 : i32
    %add3A_56 = arith.addi %mul3A_54, %add3A_55 : i32
    "tpu.region"() ({
      %run_scoped3A_73 = tpu.sem_alloc : memref<!tpu.dma_semaphore, #tpu.memory_space<semaphore_mem>>
      %dma_start3A = arith.constant 0 : i32
      %dma_start3A_74 = tpu.memref_slice %arg6[%arg0, %add3A_56, %dma_start3A] : memref<2x10240x128xf32, #tpu.memory_space<hbm>> -> memref<1x128x128xf32, #tpu.memory_space<hbm>>
      %dma_start3A_75 = tpu.memref_squeeze %dma_start3A_74 : memref<1x128x128xf32, #tpu.memory_space<hbm>> -> memref<128x128xf32, #tpu.memory_space<hbm>>
      %dma_start3A_76 = arith.constant 0 : i32
      %dma_start3A_77 = tpu.memref_slice %arg16[%add3A_56, %dma_start3A_76] : memref<10240x128xf32, #tpu.memory_space<vmem_shared>> -> memref<128x128xf32, #tpu.memory_space<vmem_shared>>
      tpu.enqueue_dma source(%dma_start3A_77 : memref<128x128xf32, #tpu.memory_space<vmem_shared>>) target(%dma_start3A_75 : memref<128x128xf32, #tpu.memory_space<hbm>>) target_semaphore(%run_scoped3A_73 : memref<!tpu.dma_semaphore, #tpu.memory_space<semaphore_mem>>)
      %dma_wait3A = arith.constant 0 : i32
      %dma_wait3A_78 = tpu.memref_slice %arg6[%arg0, %add3A_56, %dma_wait3A] : memref<2x10240x128xf32, #tpu.memory_space<hbm>> -> memref<1x128x128xf32, #tpu.memory_space<hbm>>
      %dma_wait3A_79 = tpu.memref_squeeze %dma_wait3A_78 : memref<1x128x128xf32, #tpu.memory_space<hbm>> -> memref<128x128xf32, #tpu.memory_space<hbm>>
      %dma_wait3A_80 = arith.constant 0 : i32
      %dma_wait3A_81 = tpu.memref_slice %arg16[%add3A_56, %dma_wait3A_80] : memref<10240x128xf32, #tpu.memory_space<vmem_shared>> -> memref<128x128xf32, #tpu.memory_space<vmem_shared>>
      tpu.wait_dma2 semaphore(%run_scoped3A_73 : memref<!tpu.dma_semaphore, #tpu.memory_space<semaphore_mem>>) src(%dma_wait3A_81 : memref<128x128xf32, #tpu.memory_space<vmem_shared>>) dst(%dma_wait3A_79 : memref<128x128xf32, #tpu.memory_space<hbm>>)
      tpu.yield
    }) : () -> ()
    %mul3A_57 = arith.constant 640 : i32
    %mul3A_58 = arith.muli %arg1, %mul3A_57 : i32
    %add3A_59 = arith.constant 128 : i32
    %add3A_60 = arith.addi %mul3A_58, %add3A_59 : i32
    "tpu.region"() ({
      %run_scoped3A_73 = tpu.sem_alloc : memref<!tpu.dma_semaphore, #tpu.memory_space<semaphore_mem>>
      %dma_start3A = arith.constant 0 : i32
      %dma_start3A_74 = tpu.memref_slice %arg6[%arg0, %add3A_60, %dma_start3A] : memref<2x10240x128xf32, #tpu.memory_space<hbm>> -> memref<1x128x128xf32, #tpu.memory_space<hbm>>
      %dma_start3A_75 = tpu.memref_squeeze %dma_start3A_74 : memref<1x128x128xf32, #tpu.memory_space<hbm>> -> memref<128x128xf32, #tpu.memory_space<hbm>>
      %dma_start3A_76 = arith.constant 0 : i32
      %dma_start3A_77 = tpu.memref_slice %arg16[%add3A_60, %dma_start3A_76] : memref<10240x128xf32, #tpu.memory_space<vmem_shared>> -> memref<128x128xf32, #tpu.memory_space<vmem_shared>>
      tpu.enqueue_dma source(%dma_start3A_77 : memref<128x128xf32, #tpu.memory_space<vmem_shared>>) target(%dma_start3A_75 : memref<128x128xf32, #tpu.memory_space<hbm>>) target_semaphore(%run_scoped3A_73 : memref<!tpu.dma_semaphore, #tpu.memory_space<semaphore_mem>>)
      %dma_wait3A = arith.constant 0 : i32
      %dma_wait3A_78 = tpu.memref_slice %arg6[%arg0, %add3A_60, %dma_wait3A] : memref<2x10240x128xf32, #tpu.memory_space<hbm>> -> memref<1x128x128xf32, #tpu.memory_space<hbm>>
      %dma_wait3A_79 = tpu.memref_squeeze %dma_wait3A_78 : memref<1x128x128xf32, #tpu.memory_space<hbm>> -> memref<128x128xf32, #tpu.memory_space<hbm>>
      %dma_wait3A_80 = arith.constant 0 : i32
      %dma_wait3A_81 = tpu.memref_slice %arg16[%add3A_60, %dma_wait3A_80] : memref<10240x128xf32, #tpu.memory_space<vmem_shared>> -> memref<128x128xf32, #tpu.memory_space<vmem_shared>>
      tpu.wait_dma2 semaphore(%run_scoped3A_73 : memref<!tpu.dma_semaphore, #tpu.memory_space<semaphore_mem>>) src(%dma_wait3A_81 : memref<128x128xf32, #tpu.memory_space<vmem_shared>>) dst(%dma_wait3A_79 : memref<128x128xf32, #tpu.memory_space<hbm>>)
      tpu.yield
    }) : () -> ()
    %mul3A_61 = arith.constant 640 : i32
    %mul3A_62 = arith.muli %arg1, %mul3A_61 : i32
    %add3A_63 = arith.constant 256 : i32
    %add3A_64 = arith.addi %mul3A_62, %add3A_63 : i32
    "tpu.region"() ({
      %run_scoped3A_73 = tpu.sem_alloc : memref<!tpu.dma_semaphore, #tpu.memory_space<semaphore_mem>>
      %dma_start3A = arith.constant 0 : i32
      %dma_start3A_74 = tpu.memref_slice %arg6[%arg0, %add3A_64, %dma_start3A] : memref<2x10240x128xf32, #tpu.memory_space<hbm>> -> memref<1x128x128xf32, #tpu.memory_space<hbm>>
      %dma_start3A_75 = tpu.memref_squeeze %dma_start3A_74 : memref<1x128x128xf32, #tpu.memory_space<hbm>> -> memref<128x128xf32, #tpu.memory_space<hbm>>
      %dma_start3A_76 = arith.constant 0 : i32
      %dma_start3A_77 = tpu.memref_slice %arg16[%add3A_64, %dma_start3A_76] : memref<10240x128xf32, #tpu.memory_space<vmem_shared>> -> memref<128x128xf32, #tpu.memory_space<vmem_shared>>
      tpu.enqueue_dma source(%dma_start3A_77 : memref<128x128xf32, #tpu.memory_space<vmem_shared>>) target(%dma_start3A_75 : memref<128x128xf32, #tpu.memory_space<hbm>>) target_semaphore(%run_scoped3A_73 : memref<!tpu.dma_semaphore, #tpu.memory_space<semaphore_mem>>)
      %dma_wait3A = arith.constant 0 : i32
      %dma_wait3A_78 = tpu.memref_slice %arg6[%arg0, %add3A_64, %dma_wait3A] : memref<2x10240x128xf32, #tpu.memory_space<hbm>> -> memref<1x128x128xf32, #tpu.memory_space<hbm>>
      %dma_wait3A_79 = tpu.memref_squeeze %dma_wait3A_78 : memref<1x128x128xf32, #tpu.memory_space<hbm>> -> memref<128x128xf32, #tpu.memory_space<hbm>>
      %dma_wait3A_80 = arith.constant 0 : i32
      %dma_wait3A_81 = tpu.memref_slice %arg16[%add3A_64, %dma_wait3A_80] : memref<10240x128xf32, #tpu.memory_space<vmem_shared>> -> memref<128x128xf32, #tpu.memory_space<vmem_shared>>
      tpu.wait_dma2 semaphore(%run_scoped3A_73 : memref<!tpu.dma_semaphore, #tpu.memory_space<semaphore_mem>>) src(%dma_wait3A_81 : memref<128x128xf32, #tpu.memory_space<vmem_shared>>) dst(%dma_wait3A_79 : memref<128x128xf32, #tpu.memory_space<hbm>>)
      tpu.yield
    }) : () -> ()
    %mul3A_65 = arith.constant 640 : i32
    %mul3A_66 = arith.muli %arg1, %mul3A_65 : i32
    %add3A_67 = arith.constant 384 : i32
    %add3A_68 = arith.addi %mul3A_66, %add3A_67 : i32
    "tpu.region"() ({
      %run_scoped3A_73 = tpu.sem_alloc : memref<!tpu.dma_semaphore, #tpu.memory_space<semaphore_mem>>
      %dma_start3A = arith.constant 0 : i32
      %dma_start3A_74 = tpu.memref_slice %arg6[%arg0, %add3A_68, %dma_start3A] : memref<2x10240x128xf32, #tpu.memory_space<hbm>> -> memref<1x128x128xf32, #tpu.memory_space<hbm>>
      %dma_start3A_75 = tpu.memref_squeeze %dma_start3A_74 : memref<1x128x128xf32, #tpu.memory_space<hbm>> -> memref<128x128xf32, #tpu.memory_space<hbm>>
      %dma_start3A_76 = arith.constant 0 : i32
      %dma_start3A_77 = tpu.memref_slice %arg16[%add3A_68, %dma_start3A_76] : memref<10240x128xf32, #tpu.memory_space<vmem_shared>> -> memref<128x128xf32, #tpu.memory_space<vmem_shared>>
      tpu.enqueue_dma source(%dma_start3A_77 : memref<128x128xf32, #tpu.memory_space<vmem_shared>>) target(%dma_start3A_75 : memref<128x128xf32, #tpu.memory_space<hbm>>) target_semaphore(%run_scoped3A_73 : memref<!tpu.dma_semaphore, #tpu.memory_space<semaphore_mem>>)
      %dma_wait3A = arith.constant 0 : i32
      %dma_wait3A_78 = tpu.memref_slice %arg6[%arg0, %add3A_68, %dma_wait3A] : memref<2x10240x128xf32, #tpu.memory_space<hbm>> -> memref<1x128x128xf32, #tpu.memory_space<hbm>>
      %dma_wait3A_79 = tpu.memref_squeeze %dma_wait3A_78 : memref<1x128x128xf32, #tpu.memory_space<hbm>> -> memref<128x128xf32, #tpu.memory_space<hbm>>
      %dma_wait3A_80 = arith.constant 0 : i32
      %dma_wait3A_81 = tpu.memref_slice %arg16[%add3A_68, %dma_wait3A_80] : memref<10240x128xf32, #tpu.memory_space<vmem_shared>> -> memref<128x128xf32, #tpu.memory_space<vmem_shared>>
      tpu.wait_dma2 semaphore(%run_scoped3A_73 : memref<!tpu.dma_semaphore, #tpu.memory_space<semaphore_mem>>) src(%dma_wait3A_81 : memref<128x128xf32, #tpu.memory_space<vmem_shared>>) dst(%dma_wait3A_79 : memref<128x128xf32, #tpu.memory_space<hbm>>)
      tpu.yield
    }) : () -> ()
    %mul3A_69 = arith.constant 640 : i32
    %mul3A_70 = arith.muli %arg1, %mul3A_69 : i32
    %add3A_71 = arith.constant 512 : i32
    %add3A_72 = arith.addi %mul3A_70, %add3A_71 : i32
    "tpu.region"() ({
      %run_scoped3A_73 = tpu.sem_alloc : memref<!tpu.dma_semaphore, #tpu.memory_space<semaphore_mem>>
      %dma_start3A = arith.constant 0 : i32
      %dma_start3A_74 = tpu.memref_slice %arg6[%arg0, %add3A_72, %dma_start3A] : memref<2x10240x128xf32, #tpu.memory_space<hbm>> -> memref<1x128x128xf32, #tpu.memory_space<hbm>>
      %dma_start3A_75 = tpu.memref_squeeze %dma_start3A_74 : memref<1x128x128xf32, #tpu.memory_space<hbm>> -> memref<128x128xf32, #tpu.memory_space<hbm>>
      %dma_start3A_76 = arith.constant 0 : i32
      %dma_start3A_77 = tpu.memref_slice %arg16[%add3A_72, %dma_start3A_76] : memref<10240x128xf32, #tpu.memory_space<vmem_shared>> -> memref<128x128xf32, #tpu.memory_space<vmem_shared>>
      tpu.enqueue_dma source(%dma_start3A_77 : memref<128x128xf32, #tpu.memory_space<vmem_shared>>) target(%dma_start3A_75 : memref<128x128xf32, #tpu.memory_space<hbm>>) target_semaphore(%run_scoped3A_73 : memref<!tpu.dma_semaphore, #tpu.memory_space<semaphore_mem>>)
      %dma_wait3A = arith.constant 0 : i32
      %dma_wait3A_78 = tpu.memref_slice %arg6[%arg0, %add3A_72, %dma_wait3A] : memref<2x10240x128xf32, #tpu.memory_space<hbm>> -> memref<1x128x128xf32, #tpu.memory_space<hbm>>
      %dma_wait3A_79 = tpu.memref_squeeze %dma_wait3A_78 : memref<1x128x128xf32, #tpu.memory_space<hbm>> -> memref<128x128xf32, #tpu.memory_space<hbm>>
      %dma_wait3A_80 = arith.constant 0 : i32
      %dma_wait3A_81 = tpu.memref_slice %arg16[%add3A_72, %dma_wait3A_80] : memref<10240x128xf32, #tpu.memory_space<vmem_shared>> -> memref<128x128xf32, #tpu.memory_space<vmem_shared>>
      tpu.wait_dma2 semaphore(%run_scoped3A_73 : memref<!tpu.dma_semaphore, #tpu.memory_space<semaphore_mem>>) src(%dma_wait3A_81 : memref<128x128xf32, #tpu.memory_space<vmem_shared>>) dst(%dma_wait3A_79 : memref<128x128xf32, #tpu.memory_space<hbm>>)
      tpu.yield
    }) : () -> ()
    return
  }
}

module attributes {stable_mosaic.version = 14 : i64} {
  func.func @_dense_body(%arg0: i32, %arg1: memref<2x1280x128xf32, #tpu.memory_space<vmem>>, %arg2: memref<1x1x1280xf32, #tpu.memory_space<vmem>>, %arg3: memref<1x1x1280xf32, #tpu.memory_space<vmem>>, %arg4: memref<1280x128xf32, #tpu.memory_space<vmem>>, %arg5: memref<128x128xf32, #tpu.memory_space<vmem>>, %arg6: memref<1x128xf32, #tpu.memory_space<vmem>>, %arg7: memref<128x128xf32, #tpu.memory_space<vmem>>, %arg8: memref<128x8xf32, #tpu.memory_space<vmem>>, %arg9: memref<1280x128xf32, #tpu.memory_space<vmem>>, %arg10: memref<1280x8xf32, #tpu.memory_space<vmem>>) attributes {dimension_semantics = [#tpu.dimension_semantics<arbitrary>], iteration_bounds = array<i64: 8>, scalar_prefetch = 0 : i64, scratch_operands = 0 : i64, tpu.core_type = #tpu.core_type<tc>, window_params = [{transform_indices = @transform_0, window_bounds = array<i64: 2, 1280, 128>}, {transform_indices = @transform_1, window_bounds = array<i64: 1, 1, 1280>}, {transform_indices = @transform_2, window_bounds = array<i64: 1, 1, 1280>}, {transform_indices = @transform_3, window_bounds = array<i64: 1280, 128>}, {pipeline_mode = #tpu.pipeline_mode<synchronous>, transform_indices = @transform_4, window_bounds = array<i64: 128, 128>}, {pipeline_mode = #tpu.pipeline_mode<synchronous>, transform_indices = @transform_5, window_bounds = array<i64: 1, 128>}, {pipeline_mode = #tpu.pipeline_mode<synchronous>, transform_indices = @transform_6, window_bounds = array<i64: 128, 128>}, {pipeline_mode = #tpu.pipeline_mode<synchronous>, transform_indices = @transform_7, window_bounds = array<i64: 128, 8>}, {transform_indices = @transform_8, window_bounds = array<i64: 1280, 128>}, {transform_indices = @transform_9, window_bounds = array<i64: 1280, 8>}]} {
    %get3A = arith.constant 0 : index
    %get3A_0 = arith.constant 0 : index
    %get3A_1 = arith.constant 0 : index
    %get3A_2 = vector.load %arg1[%get3A, %get3A_0, %get3A_1] : memref<2x1280x128xf32, #tpu.memory_space<vmem>>, vector<1x1280x128xf32>
    %get3A_3 = vector.shape_cast %get3A_2 : vector<1x1280x128xf32> to vector<1280x128xf32>
    %get3A_4 = arith.constant 1 : index
    %get3A_5 = arith.constant 0 : index
    %get3A_6 = arith.constant 0 : index
    %get3A_7 = vector.load %arg1[%get3A_4, %get3A_5, %get3A_6] : memref<2x1280x128xf32, #tpu.memory_space<vmem>>, vector<1x1280x128xf32>
    %get3A_8 = vector.shape_cast %get3A_7 : vector<1x1280x128xf32> to vector<1280x128xf32>
    %add3A = arith.addf %get3A_3, %get3A_8 : vector<1280x128xf32>
    %get3A_9 = arith.constant 0 : index
    %get3A_10 = arith.constant 0 : index
    %get3A_11 = arith.constant 0 : index
    %get3A_12 = vector.load %arg2[%get3A_9, %get3A_10, %get3A_11] : memref<1x1x1280xf32, #tpu.memory_space<vmem>>, vector<1x1x1280xf32>
    %get3A_13 = vector.shape_cast %get3A_12 : vector<1x1x1280xf32> to vector<1280xf32>
    %get3A_14 = arith.constant 0 : index
    %get3A_15 = arith.constant 0 : index
    %get3A_16 = arith.constant 0 : index
    %get3A_17 = vector.load %arg3[%get3A_14, %get3A_15, %get3A_16] : memref<1x1x1280xf32, #tpu.memory_space<vmem>>, vector<1x1x1280xf32>
    %get3A_18 = vector.shape_cast %get3A_17 : vector<1x1x1280xf32> to vector<1280xf32>
    %add3A_19 = arith.addf %get3A_13, %get3A_18 : vector<1280xf32>
    %max3A = arith.constant 1.000000e+00 : f32
    %max3A_20 = vector.broadcast %max3A : f32 to vector<1280xf32>
    %max3A_21 = arith.maximumf %add3A_19, %max3A_20 : vector<1280xf32>
    %broadcast_in_dim3A = vector.shape_cast %max3A_21 : vector<1280xf32> to vector<1280x1xf32>
    %div3A = vector.broadcast %broadcast_in_dim3A : vector<1280x1xf32> to vector<1280x128xf32>
    %div3A_22 = arith.divf %add3A, %div3A : vector<1280x128xf32>
    %get3A_23 = arith.constant 0 : index
    %get3A_24 = arith.constant 0 : index
    %get3A_25 = vector.load %arg5[%get3A_23, %get3A_24] : memref<128x128xf32, #tpu.memory_space<vmem>>, vector<128x128xf32>
    %dot_general3A = arith.constant dense<0.000000e+00> : vector<1280x128xf32>
    %dot_general3A_26 = tpu.matmul %div3A_22, %get3A_25, %dot_general3A {dimension_numbers = #tpu.dot_dimension_numbers<[1], [0], [0], [1], [0, 0, 1, 1], [], []>, transpose_lhs_hint = false} : vector<1280x128xf32>, vector<128x128xf32>, vector<1280x128xf32> -> vector<1280x128xf32>
    %get3A_27 = arith.constant 0 : index
    %get3A_28 = arith.constant 0 : index
    %get3A_29 = vector.load %arg6[%get3A_27, %get3A_28] : memref<1x128xf32, #tpu.memory_space<vmem>>, vector<1x128xf32>
    %add3A_30 = vector.broadcast %get3A_29 : vector<1x128xf32> to vector<1280x128xf32>
    %add3A_31 = arith.addf %dot_general3A_26, %add3A_30 : vector<1280x128xf32>
    %get3A_32 = arith.constant 0 : index
    %get3A_33 = arith.constant 0 : index
    %get3A_34 = vector.load %arg4[%get3A_32, %get3A_33] : memref<1280x128xf32, #tpu.memory_space<vmem>>, vector<1280x128xf32>
    %get3A_35 = arith.constant 0 : index
    %get3A_36 = arith.constant 0 : index
    %get3A_37 = vector.load %arg7[%get3A_35, %get3A_36] : memref<128x128xf32, #tpu.memory_space<vmem>>, vector<128x128xf32>
    %dot_general3A_38 = arith.constant dense<0.000000e+00> : vector<1280x128xf32>
    %dot_general3A_39 = tpu.matmul %get3A_34, %get3A_37, %dot_general3A_38 {dimension_numbers = #tpu.dot_dimension_numbers<[1], [0], [0], [1], [0, 0, 1, 1], [], []>, transpose_lhs_hint = false} : vector<1280x128xf32>, vector<128x128xf32>, vector<1280x128xf32> -> vector<1280x128xf32>
    %add3A_40 = arith.addf %add3A_31, %dot_general3A_39 : vector<1280x128xf32>
    %max3A_41 = arith.constant 0.000000e+00 : f32
    %max3A_42 = vector.broadcast %max3A_41 : f32 to vector<1280x128xf32>
    %max3A_43 = arith.maximumf %add3A_40, %max3A_42 : vector<1280x128xf32>
    %swap3A = arith.constant 0 : index
    %swap3A_44 = arith.constant 0 : index
    %swap3A_45 = vector.load %arg9[%swap3A, %swap3A_44] : memref<1280x128xf32, #tpu.memory_space<vmem>>, vector<1280x128xf32>
    tpu.vector_store %arg9[%swap3A, %swap3A_44], %max3A_43 {strides = array<i32>} : memref<1280x128xf32, #tpu.memory_space<vmem>>, vector<1280x128xf32>,
    %get3A_46 = arith.constant 0 : index
    %get3A_47 = arith.constant 0 : index
    %get3A_48 = vector.load %arg8[%get3A_46, %get3A_47] : memref<128x8xf32, #tpu.memory_space<vmem>>, vector<128x8xf32>
    %dot_general3A_49 = arith.constant dense<0.000000e+00> : vector<1280x8xf32>
    %dot_general3A_50 = tpu.matmul %max3A_43, %get3A_48, %dot_general3A_49 {dimension_numbers = #tpu.dot_dimension_numbers<[1], [0], [0], [1], [0, 0, 1, 1], [], []>, transpose_lhs_hint = false} : vector<1280x128xf32>, vector<128x8xf32>, vector<1280x8xf32> -> vector<1280x8xf32>
    %swap3A_51 = arith.constant 0 : index
    %swap3A_52 = arith.constant 0 : index
    %swap3A_53 = vector.load %arg10[%swap3A_51, %swap3A_52] : memref<1280x8xf32, #tpu.memory_space<vmem>>, vector<1280x8xf32>
    tpu.vector_store %arg10[%swap3A_51, %swap3A_52], %dot_general3A_50 {strides = array<i32>} : memref<1280x8xf32, #tpu.memory_space<vmem>>, vector<1280x8xf32>,
    return
  }
  func.func @transform_0(%arg0: i32) -> (i32, i32, i32) {
    %c0_i32 = arith.constant 0 : i32
    %c0_i32_0 = arith.constant 0 : i32
    %c0_i32_1 = arith.constant 0 : i32
    return %c0_i32, %arg0, %c0_i32_0 : i32, i32, i32
  }
  func.func @transform_1(%arg0: i32) -> (i32, i32, i32) {
    %c0_i32 = arith.constant 0 : i32
    %c0_i32_0 = arith.constant 0 : i32
    %c0_i32_1 = arith.constant 0 : i32
    return %arg0, %c0_i32, %c0_i32_0 : i32, i32, i32
  }
  func.func @transform_2(%arg0: i32) -> (i32, i32, i32) {
    %add3A = arith.constant 8 : i32
    %add3A_0 = arith.addi %arg0, %add3A : i32
    %c0_i32 = arith.constant 0 : i32
    %c0_i32_1 = arith.constant 0 : i32
    %c0_i32_2 = arith.constant 0 : i32
    return %add3A_0, %c0_i32, %c0_i32_1 : i32, i32, i32
  }
  func.func @transform_3(%arg0: i32) -> (i32, i32) {
    %c0_i32 = arith.constant 0 : i32
    %c0_i32_0 = arith.constant 0 : i32
    return %arg0, %c0_i32 : i32, i32
  }
  func.func @transform_4(%arg0: i32) -> (i32, i32) {
    %c0_i32 = arith.constant 0 : i32
    %c0_i32_0 = arith.constant 0 : i32
    %c0_i32_1 = arith.constant 0 : i32
    return %c0_i32, %c0_i32_0 : i32, i32
  }
  func.func @transform_5(%arg0: i32) -> (i32, i32) {
    %c0_i32 = arith.constant 0 : i32
    %c0_i32_0 = arith.constant 0 : i32
    %c0_i32_1 = arith.constant 0 : i32
    return %c0_i32, %c0_i32_0 : i32, i32
  }
  func.func @transform_6(%arg0: i32) -> (i32, i32) {
    %c0_i32 = arith.constant 0 : i32
    %c0_i32_0 = arith.constant 0 : i32
    %c0_i32_1 = arith.constant 0 : i32
    return %c0_i32, %c0_i32_0 : i32, i32
  }
  func.func @transform_7(%arg0: i32) -> (i32, i32) {
    %c0_i32 = arith.constant 0 : i32
    %c0_i32_0 = arith.constant 0 : i32
    %c0_i32_1 = arith.constant 0 : i32
    return %c0_i32, %c0_i32_0 : i32, i32
  }
  func.func @transform_8(%arg0: i32) -> (i32, i32) {
    %c0_i32 = arith.constant 0 : i32
    %c0_i32_0 = arith.constant 0 : i32
    return %arg0, %c0_i32 : i32, i32
  }
  func.func @transform_9(%arg0: i32) -> (i32, i32) {
    %c0_i32 = arith.constant 0 : i32
    %c0_i32_0 = arith.constant 0 : i32
    return %arg0, %c0_i32 : i32, i32
  }
}

</mosaic_0001>

<sc_bundles>
// kernel: kernel.11.cloned.1.call-start
scs
__scs_entry_jumppad:
0x0: {  	(pc) =	sbr.rel $0x88, $3  }
0x1: {  	(tag) =	ssettag $0x0;
	lr =	simm.s32 $0x1  }
0x2: {  	[smem:$0x3F84] =	sst lr;
	_ =	strace $0xD0000000  }
0x3: {  	_ = 	snop  }
0x4: {  	_ = 	snop  }
0x5: {  	_ = 	snop  }
0x6: {  	_ = 	snop  }
0x7: {  	_ = 	snop  }
__scs_overlays_trampoline_lowered:
0x8: {  	[smem:$0x3F93] =	sst s0  }
0x9: {  	[smem:$0x3F94] =	sst s1  }
0xa: {  	[smem:$0x3F95] =	sst s2  }
0xb: {  	[smem:$0x3F96] =	sst s3  }
0xc: {  	[smem:$0x3F97] =	sst s4  }
0xd: {  	[smem:$0x3F98] =	sst s5  }
0xe: {  	[smem:$0x3F99] =	sst s6  }
0xf: {  	[smem:$0x3F9A] =	sst s7  }
0x10: {  	[smem:$0x3F9B] =	sst s8  }
0x11: {  	[smem:$0x3F9C] =	sst s9;
	s0 =	simm.s32 @!p0 $0x0  }
0x12: {  	s1 =	sld [smem:$0x3F82];
	s0 =	simm.s32 @p0 $0x1  }
0x13: {  	[smem:$0x3F9D] =	sst s0;
	s0 =	simm.s32 @!p1 $0x0  }
0x14: {  	s2 =	sld [smem:$0x3F81];
	s0 =	simm.s32 @p1 $0x1  }
0x15: {  	[smem:$0x3F9E] =	sst s0;
	s0 =	simm.s32 @!p2 $0x0  }
0x16: {  	s3 =	sld [smem:$0x3FDB];
	s0 =	simm.s32 @p2 $0x1  }
0x17: {  	s4 =	simm.s32 $0x1BF5;
	[smem:$0x3FA0] =	sst s0  }
0x18: {  	s0 =	sld [smem:$0x3F83];
	_ =	swait.ge [sflag:s4], $0x0  }
0x19: {  	s7 =	sld [smem:$0x3F84]  }
0x1a: {  	s8 =	sadd.s32 $0xFFFFE003, lr  }
0x1b: {  	s9 =	sadd.s32 $0xFFFFFEF7, lr;
	s5 =	simm.s32 $0xFFFFFFFF;
	p2 =	slt.u32 s8, $0xFFFFF086  }
0x1c: {  	p1 =	slt.u32 s9, $0xF7A;
	s5 =	simm.s32 @!p2 $0x0  }
0x1d: {  	s5 =	simm.s32 @p1 $0x1;
	p0 =	seq.s32 s7, s2  }
0x1e: {  	s7 =	smul.u32 @!p0 $0xF7A, s2;
	p2 =	seq.s32 @!p0 s5, $0x0  }
0x1f: {  	s9 =	smul.u32 $0xF7A, s1;
	s8 =	simm.s32 @!p0 $0x1BF5;
	p2 =	por !p2, p0  }
0x20: {  	[sflag:s8] =	ssyncset.s32 @!p0 $0xFFFFF086;
	s6 =	sadd.s32 @!p0 s3, s7;
	s7 =	simm.s32 @!p0 $0x108  }
0x21: {  	s3 =	sadd.s32 s3, s9;
	s6 =	sadd.s32 @!p0 $0x88, s6;
	s7 =	simm.s32 @p2 $0x1082  }
0x22: {  	[simem:s7], [sflag:s8] =	dma.local @!p0 [hbm:s6], $0xF7A  }
0x23: {  	s9 =	sor.u32 $0xD0000000, s2;
	s6 =	simm.s32 $0x108;
	_ =	swait.ge @!p0 [sflag:s8], $0x0  }
0x24: {  	s3 =	sadd.s32 $0x88, s3;
	s6 =	simm.s32 @!p1 $0x1082;
	[sflag:s4] =	ssyncset.s32 $0xFFFFF086  }
0x25: {  	[simem:s6], [sflag:s4] =	dma.local [hbm:s3], $0xF7A  }
0x26: {  	[smem:$0x3F84] =	sst s1;
	(tag) =	ssettag s2;
	_ =	strace s9  }
0x27: {  	s1 =	sld [smem:$0x3F94]  }
0x28: {  	s2 =	sld [smem:$0x3F95]  }
0x29: {  	s4 =	sld [smem:$0x3F97]  }
0x2a: {  	p0 =	seq.s32 s5, $0x0;
	s5 =	sld [smem:$0x3F98]  }
0x2b: {  	s6 =	sld [smem:$0x3F99]  }
0x2c: {  	s7 =	sld [smem:$0x3F9A]  }
0x2d: {  	s3 =	simm.s32 $0x108;
	s8 =	sld [smem:$0x3F9B]  }
0x2e: {  	s3 =	simm.s32 @!p0 $0x1082;
	s9 =	sld [smem:$0x3F9C]  }
0x2f: {  	lr =	sadd.s32 s0, s3;
	s0 =	sld [smem:$0x3F93]  }
0x30: {  	s3 =	sld [smem:$0x3F96]  }
0x31: {  	[smem:$0x3F9F] =	sst s10  }
0x32: {  	s10 =	sld [smem:$0x3F9D];
	_ =	sdelay $0x3  }
0x33: {  	p0 =	seq.s32 s10, $0x1;
	s10 =	sld [smem:$0x3F9F];
	_ =	sdelay $0x3  }
0x34: {  	[smem:$0x3F9F] =	sst s10  }
0x35: {  	s10 =	sld [smem:$0x3F9E];
	_ =	sdelay $0x3  }
0x36: {  	p1 =	seq.s32 s10, $0x1;
	s10 =	sld [smem:$0x3F9F];
	_ =	sdelay $0x3  }
0x37: {  	[smem:$0x3F9F] =	sst s10  }
0x38: {  	s10 =	sld [smem:$0x3FA0]  }
0x39: {  	_ = 	snop;
	(pc) =	sbr.ind lr, $3  }
0x3a: {  	_ = 	snop  }
0x3b: {  	_ = 	snop  }
0x3c: {  	p2 =	seq.s32 s10, $0x1;
	s10 =	sld [smem:$0x3F9F]  }
0x3d: {  	_ =	shalt  }
0x3e: {  	_ =	shalt  }
0x3f: {  	_ =	shalt  }
0x40: {  	_ =	shalt  }
0x41: {  	_ =	shalt  }
0x42: {  	_ =	shalt  }
0x43: {  	_ =	shalt  }
0x44: {  	_ =	shalt  }
0x45: {  	_ =	shalt  }
0x46: {  	_ =	shalt  }
0x47: {  	_ =	shalt  }
0x48: {  	_ =	shalt  }
0x49: {  	_ =	shalt  }
0x4a: {  	_ =	shalt  }
0x4b: {  	_ =	shalt  }
0x4c: {  	_ =	shalt  }
0x4d: {  	_ =	shalt  }
0x4e: {  	_ =	shalt  }
0x4f: {  	_ =	shalt  }
0x50: {  	_ =	shalt  }
0x51: {  	_ =	shalt  }
0x52: {  	_ =	shalt  }
0x53: {  	_ =	shalt  }
0x54: {  	_ =	shalt  }
0x55: {  	_ =	shalt  }
0x56: {  	_ =	shalt  }
0x57: {  	_ =	shalt  }
0x58: {  	_ =	shalt  }
0x59: {  	_ =	shalt  }
0x5a: {  	_ =	shalt  }
0x5b: {  	_ =	shalt  }
0x5c: {  	_ =	shalt  }
0x5d: {  	_ =	shalt  }
0x5e: {  	_ =	shalt  }
0x5f: {  	_ =	shalt  }
0x60: {  	_ =	shalt  }
0x61: {  	_ =	shalt  }
0x62: {  	_ =	shalt  }
0x63: {  	_ =	shalt  }
0x64: {  	_ =	shalt  }
0x65: {  	_ =	shalt  }
0x66: {  	_ =	shalt  }
0x67: {  	_ =	shalt  }
0x68: {  	_ =	shalt  }
0x69: {  	_ =	shalt  }
0x6a: {  	_ =	shalt  }
0x6b: {  	_ =	shalt  }
0x6c: {  	_ =	shalt  }
0x6d: {  	_ =	shalt  }
0x6e: {  	_ =	shalt  }
0x6f: {  	_ =	shalt  }
0x70: {  	_ =	shalt  }
0x71: {  	_ =	shalt  }
0x72: {  	_ =	shalt  }
0x73: {  	_ =	shalt  }
0x74: {  	_ =	shalt  }
0x75: {  	_ =	shalt  }
0x76: {  	_ =	shalt  }
0x77: {  	_ =	shalt  }
0x78: {  	_ =	shalt  }
0x79: {  	_ =	shalt  }
0x7a: {  	_ =	shalt  }
0x7b: {  	_ =	shalt  }
0x7c: {  	_ =	shalt  }
0x7d: {  	_ =	shalt  }
0x7e: {  	_ =	shalt  }
0x7f: {  	_ =	shalt  }
0x80: {  	_ =	shalt  }
0x81: {  	_ =	shalt  }
0x82: {  	_ =	shalt  }
0x83: {  	_ =	shalt  }
0x84: {  	_ =	shalt  }
0x85: {  	_ =	shalt  }
0x86: {  	_ =	shalt  }
0x87: {  	_ =	shalt  }
.Lfunc_end0:
.L_simem_size_0:
called_computation_lowered:
.L_overlay_start_0:
0x88: {  	s2 =	sld [smem:$0x3FD9]  }
0x89: {  	s3 =	sld [smem:$0x3FFE];
	_ =	sdelay $0x1  }
0x8a: {  	s1 =	srdreg.scid  }
0x8b: {  	s0 =	sand.u32 $0x1, s1  }
0x8c: {  	s16 =	sshll.u32 s0, $0xA;
	s2 =	sadd.s32 s3, s2  }
0x8d: {  	s2 =	sadd.s32 s2, s16  }
0x8e: {  	[smem:$0x3FAB] =	sst s2  }
0x8f: {  	_ = 	snop  }
0x90: {  	(tm) =	ssettm $0x1  }
0x91: {  	s17 =	sld [smem:$0x3FFB];
	_ =	sdelay $0x3  }
0x92: {  	_ =	strace s17  }
0x93: {  	s2 =	sld [smem:$0x3FFC];
	_ =	sdelay $0x3  }
0x94: {  	_ =	strace s2  }
0x95: {  	s2 =	sld [smem:$0x3FFD];
	_ =	sdelay $0x3  }
0x96: {  	_ =	strace s2  }
0x97: {  	_ =	strace $0x8FFFFFFF  }
0x98: {  	s18 =	sld [smem:$0x3FDB];
	_ =	sdelay $0x1  }
0x99: {  	s19 =	simm.s32 $_scs_section_size  }
0x9a: {  	s4 =	simm.s32 $_size__tile_overlayer_lowered;
	s5 =	simm.s32 $_tile_overlayer_lowered  }
0x9b: {  	s22 =	simm.s32 $0x1BFF;
	s21 =	sshll.u32 s5, $0x1;
	s2 =	sadd.s32 s19, s18  }
0x9c: {  	s6 =	simm.s32 $0x0;
	s20 =	sshll.u32 s4, $0x1;
	s4 =	sadd.s32 s21, s2  }
0x9d: {  	[timem:s6], [sflag:s22] =	dma.local [hbm:s4], s20  }
0x9e: {  	_ =	swait.ge [sflag:s22], s20  }
0x9f: {  	s3 =	ssub.s32 $0x0, s20;
	[sflag:s22] =	ssyncset.done $0x0  }
0xa0: {  	[sflag:s22] =	ssyncadd.s32 s3;
	_ =	sdelay $0x1  }
0xa1: {  	s23 =	simm.s32 $0x1B8B  }
0xa2: {  	_ =	swait.ge [sflag:s23], $0x1  }
0xa3: {  	[sflag:s23] =	ssyncset.done $0x0  }
0xa4: {  	s25 =	simm.s32 $0x1B8E;
	s24 =	sld [smem:$0x3FFE];
	[sflag:s23] =	ssyncadd.s32 $0xFFFFFFFF  }
0xa5: {  	s26 =	simm.s32 $execute0_lowered;
	[smem:$0x3FD2] =	sst s25  }
0xa6: {  	s4 =	sshll.u32 s26, $0x1;
	_ =	strace $0x80000046;
	[dreg:$0x1] =	wrdreg $0xFFFFFFFF  }
0xa7: {  	s28 =	simm.s32 $_size_execute0_lowered;
	s2 =	sadd.s32 s2, s4;
	[dreg:$0x0] =	wrdreg $0x0  }
0xa8: {  	s4 =	sshll.u32 s28, $0x1;
	[dreg:$0x2] =	wrdreg s2  }
0xa9: {  	[dreg:$0x3] =	wrdreg s4  }
0xaa: {  	[dreg:$0x4] =	wrdreg $0xC0  }
0xab: {  	_ =	task [dreg:s6], $0x5FFFF  }
0xac: {  	[dreg:$0x1] =	wrdreg $0xFFFFFFFF  }
0xad: {  	[dreg:$0x0] =	wrdreg $0x60  }
0xae: {  	[dreg:$0x2] =	wrdreg s24  }
0xaf: {  	[dreg:$0x3] =	wrdreg $0x96800  }
0xb0: {  	[dreg:$0x4] =	wrdreg $0x1D6800  }
0xb1: {  	[dreg:$0x5] =	wrdreg $0x9  }
0xb2: {  	_ =	task.clear_ibuf [dreg:s6], $0x6FFFF;
	_ =	strace $0x90000046  }
0xb3: {  	s29 =	simm.s32 $0x9;
	_ =	strace $0x80000048  }
0xb4: {  	_ =	swait.ge [sflag:s29], $0x1  }
0xb5: {  	[sflag:s29] =	ssyncadd.s32 $0xFFFFFFFF  }
0xb6: {  	_ =	strace $0x90000048  }
0xb7: {  	_ =	sfence  }
0xb8: {  	s30 =	sld [smem:$0x0];
	_ =	sdelay $0x2  }
0xb9: {  	s31 =	sshll.u32 s1, $0xD;
	s1 =	sshrl.u32 s1, $0x2  }
0xba: {  	s3 =	sand.u32 $0x4000, s31;
	s1 =	sadd.s32 s1, s30  }
0xbb: {  	s0 =	sor.u32 s3, s0;
	s1 =	sshll.u32 s1, $0x11  }
0xbc: {  	s0 =	sor.u32 s1, s0  }
0xbd: {  	s0 =	sadd.s32 $0x8F2B, s0  }
0xbe: {  	[sflag:s0] =	ssyncadd.remote.s32 $0x1  }
0xbf: {  	_ =	sfence.sel $0xFFFF  }
0xc0: {  	[dreg:$0x0] =	wrdreg $0xFFFFFFFF;
	(pc) =	sbr.abs _section_cstart, $3  }
0xc1: {  	[dreg:$0x1] =	wrdreg $0xFFFFFFFF  }
0xc2: {  	_ =	task.clear_ibuf [dreg:s6], $0x2FFFF;
	_ =	strace $0x9FFFFFFF  }
0xc3: {  	(tm) =	ssettm $0x7FFFFFFF  }
tec
execute0_lowered:
.L_overlay_start_1:
0x0: {  	(tag) =	ssettag $0x1  }
0x1: {  	s0 =	rddreg [dreg:$0x0]  }
0x2: {  	s1 =	rddreg [dreg:$0x1]  }
0x3: {  	s2 =	rddreg [dreg:$0x2];
	s3 =	simm.s32 $0x0;
	s4 =	srdreg.scid  }
0x4: {  	s23 =	stileid.u32;
	s28 =	simm.s32 $0x1;
	s29 =	simm.s32 $0x100  }
0x5: {  	s30 =	simm.s32 $0x400;
	s31 =	simm.s32 $0x9180;
	[smem:$0x7FF] =	sst s3  }
0x6: {  	s5 =	sand.u32 $0x1, s4;
	s6 =	smul.u32 $0x500, s23;
	s4 =	sadd.s32 $0x9E00, s0  }
0x7: {  	s7 =	sadd.s32 $0x3BC00, s0;
	s11 =	sadd.s32 $0x3D200, s0;
	s24 =	smul.u32 $0x50000, s23  }
0x8: {  	s13 =	smul.u32 $0x14000, s23;
	s9 =	sshrl.u32 s23, $0x3;
	s12 =	sshll.u32 s23, $0x7  }
0x9: {  	s18 =	smul.u32 $0x5000, s23;
	_ =	strace $0x80000047;
	[dreg:$0x4] =	wrdreg s7  }
0xa: {  	s22 =	sshll.u32 s5, $0x7;
	s8 =	ssub.s32 $0x2, s5;
	s10 =	smul.u32 $0x50000, s9  }
0xb: {  	s12 =	sand.u32 $0x380, s12;
	s6 =	sor.u32 s22, s6;
	s25 =	sshrl.u32 s8, $0x1  }
0xc: {  	s7 =	sshrl.u32 s24, $0x2;
	s15 =	sadd.s32 $0x4000, s13;
	s16 =	sadd.s32 $0x8000, s13  }
0xd: {  	s17 =	sadd.s32 $0xC000, s13;
	s20 =	sadd.s32 $0x10000, s13;
	s22 =	smul.u32 $0x140000, s5  }
0xe: {  	s18 =	sshrl.u32 s18, $0x2;
	s5 =	smul.u32 $0x4F00, s5;
	s6 =	sshrl.u32 s6, $0x3  }
0xf: {  	s19 =	ssub.s32 s8, s25;
	s8 =	sadd.s32 s16, s1;
	s9 =	sadd.s32 s17, s1  }
0x10: {  	s10 =	sshrl.u32 s10, $0x2;
	s25 =	smul.u32 $0x4F0, s23;
	s23 =	simm.s32 $0x2  }
0x11: {  	s14 =	sadd.s32 s6, s0;
	s6 =	sadd.s32 s7, s1;
	s7 =	sadd.s32 s15, s1  }
0x12: {  	s21 =	sadd.s32 s10, s2;
	s10 =	sadd.s32 s20, s1;
	s15 =	sadd.s32 s22, s15  }
0x13: {  	s16 =	sadd.s32 s22, s16;
	s24 =	sadd.s32 s22, s20;
	s0 =	sadd.s32 s5, s0  }
0x14: {  	s19 =	smax.u32 s19, $0x1;
	s12 =	sadd.s32 s12, s21;
	s26 =	sadd.s32 $0x3C800, s14  }
0x15: {  	s14 =	sadd.s32 s13, s22;
	s13 =	sshrl.u32 s15, $0x3;
	s21 =	sadd.s32 s22, s17  }
0x16: {  	s20 =	sadd.s32 s25, s0;
	s22 =	simm.s32 $0x4180;
	s25 =	simm.s32 $0x80  }
0x17: {  	s0 =	simm.s32 $0x9400;
	[dreg:$0x5] =	wrdreg s12;
	s12 =	sadd.s32 s18, s2  }
0x18: {  	[dreg:$0x6] =	wrdreg s26;
	s2 =	sshrl.u32 s14, $0x3;
	s15 =	sadd.s32 s11, s13  }
0x19: {  	s18 =	sshrl.u32 s16, $0x3;
	s26 =	sshrl.u32 s24, $0x3;
	s24 =	simm.s32 $0x180  }
0x1a: {  	s2 =	sadd.s32 s11, s2;
	s16 =	sadd.s32 s11, s18;
	s18 =	sadd.s32 s11, s26  }
0x1b: {  	s26 =	simm.s32 $0x6980;
	[dreg:$0x7] =	wrdreg s2;
	s2 =	sshrl.u32 s21, $0x3  }
0x1c: {  	v0 =	vimm.f32 $0.0e+00;
	v1 =	vimm.f32 $1.000000000e+00;
	s21 =	sadd.s32 $0x31E00, s20;
	s17 =	sadd.s32 s11, s2;
	s2 =	simm.s32 $0x0  }
.LBB2_1:
0x1d: {  	s5 =	rddreg [dreg:$0x4]  }
0x1e: {  	[tilespmem:s22], [sflag:$0x2] =	stream.linear.gather [hbm4b:s5+s3], $0x2800, $0x38;
	[tilespmem:$0x1FE80] =	vst v63  }
0x1f: {  	_ =	swait.ge [sflag:s23], $0x2800  }
0x20: {  	[sflag:s23] =	ssyncset.done $0x0  }
0x21: {  	s11 =	simm.s32 $0x200;
	s5 =	simm.s32 $0x0;
	[sflag:s23] =	ssyncadd.s32 $0xFFFFD800  }
.LBB2_2:
0x22: {  	p0 =	sne.s32 s11, $0xFE00;
	[tilespmem:s5+$0x1F0] =	vst v0  }
0x23: {  	[tilespmem:s5+$0x180] =	vst v0  }
0x24: {  	[tilespmem:s5+$0x190] =	vst v0  }
.Ltmp0:
0x25: {  	[tilespmem:s5+$0x1A0] =	vst v0;
	(pc) =	sbr.rel @p0 .LBB2_2-.Ltmp0, $4  }
0x26: {  	[tilespmem:s5+$0x1B0] =	vst v0  }
0x27: {  	[tilespmem:s5+$0x1C0] =	vst v0  }
0x28: {  	[tilespmem:s5+$0x1D0] =	vst v0  }
0x29: {  	[tilespmem:s5+$0x1E0] =	vst v0;
	s5 =	sshra.s32 s11, $0x2;
	s11 =	sadd.s32 $0x200, s11  }
0x2a: {  	[tilespmem:s5+$0x1F0] =	vst v0  }
0x2b: {  	[tilespmem:s5+$0x180] =	vst v0  }
0x2c: {  	[tilespmem:s5+$0x190] =	vst v0  }
0x2d: {  	[tilespmem:s5+$0x1A0] =	vst v0  }
0x2e: {  	[tilespmem:s5+$0x1B0] =	vst v0  }
0x2f: {  	[tilespmem:s5+$0x1C0] =	vst v0  }
0x30: {  	[tilespmem:s5+$0x1D0] =	vst v0  }
0x31: {  	[tilespmem:s5+$0x1E0] =	vst v0  }
0x32: {  	[spmem:s6] =	stream.linear.scatter [tilespmem:s24], [sflag:$0x2], $0x4000, $0x38;
	[tilespmem:$0x1FE80] =	vst v63  }
0x33: {  	_ =	swait.ge [sflag:s23], $0x4000  }
0x34: {  	[sflag:s23] =	ssyncset.done $0x0  }
0x35: {  	[sflag:s23] =	ssyncadd.s32 $0xFFFFC000  }
0x36: {  	[spmem:s7] =	stream.linear.scatter [tilespmem:s24], [sflag:$0x2], $0x4000, $0x38;
	[tilespmem:$0x1FE80] =	vst v63  }
0x37: {  	_ =	swait.ge [sflag:s23], $0x4000  }
0x38: {  	[sflag:s23] =	ssyncset.done $0x0  }
0x39: {  	[sflag:s23] =	ssyncadd.s32 $0xFFFFC000  }
0x3a: {  	[spmem:s8] =	stream.linear.scatter [tilespmem:s24], [sflag:$0x2], $0x4000, $0x38;
	[tilespmem:$0x1FE80] =	vst v63  }
0x3b: {  	_ =	swait.ge [sflag:s23], $0x4000  }
0x3c: {  	[sflag:s23] =	ssyncset.done $0x0  }
0x3d: {  	[sflag:s23] =	ssyncadd.s32 $0xFFFFC000  }
0x3e: {  	[spmem:s9] =	stream.linear.scatter [tilespmem:s24], [sflag:$0x2], $0x4000, $0x38;
	[tilespmem:$0x1FE80] =	vst v63  }
0x3f: {  	_ =	swait.ge [sflag:s23], $0x4000  }
0x40: {  	[sflag:s23] =	ssyncset.done $0x0  }
0x41: {  	[sflag:s23] =	ssyncadd.s32 $0xFFFFC000  }
0x42: {  	[spmem:s10] =	stream.linear.scatter [tilespmem:s24], [sflag:$0x2], $0x4000, $0x38;
	[tilespmem:$0x1FE80] =	vst v63  }
0x43: {  	_ =	swait.ge [sflag:s23], $0x4000  }
0x44: {  	[sflag:s23] =	ssyncset.done $0x0  }
0x45: {  	s5 =	simm.s32 $0x40;
	s11 =	simm.s32 $0x0;
	[sflag:s23] =	ssyncadd.s32 $0xFFFFC000  }
.LBB2_4:
0x46: {  	p0 =	sne.s32 s5, $0x9FC0;
	[tilespmem:s11+$0x6980] =	vst v0;
	s11 =	smov.u32 s5;
	s5 =	sadd.s32 $0x40, s5  }
.Ltmp1:
0x47: {  	(pc) =	sbr.rel @p0 .LBB2_4-.Ltmp1, $2  }
0x48: {  	_ =	sdelay $0x2  }
0x49: {  	s11 =	sshra.s32 s11, $0x2  }
0x4a: {  	[tilespmem:s11+$0x6980] =	vst v0  }
0x4b: {  	s5 =	simm.s32 $0x0;
	[bflag:$0x0] =	sbarrier.arrive $0xFFFF  }
.LBB2_6:
0x4c: {  	s11 =	sadd.s32 s5, s20  }
0x4d: {  	[tilespmem:s3], [sflag:$0x2] =	stream.linear.gather [hbm4b:s11+s3], $0x80, $0x38;
	[tilespmem:$0x1FE80] =	vst v63  }
0x4e: {  	_ =	swait.ge [sflag:s23], $0x80  }
0x4f: {  	[sflag:s23] =	ssyncset.done $0x0  }
0x50: {  	s14 =	sadd.s32 s5, s21;
	[sflag:s23] =	ssyncadd.s32 $0xFFFFFF80  }
0x51: {  	[tilespmem:s25], [sflag:$0x2] =	stream.linear.gather [hbm4b:s14+s3], $0x80, $0x38;
	[tilespmem:$0x1FE80] =	vst v63  }
0x52: {  	_ =	swait.ge [sflag:s23], $0x80  }
0x53: {  	[sflag:s23] =	ssyncset.done $0x0  }
0x54: {  	[sflag:s23] =	ssyncadd.s32 $0xFFFFFF80  }
0x55: {  	v2 =	vld [tilespmem:$0x0]  }
0x56: {  	v3 =	vld [tilespmem:$0x80];
	_ =	sdelay $0x6  }
0x57: {  	v2 =	vld.idx.msk [tilespmem:v2+s22+$0x0], $0xffff  }
0x58: {  	v4 =	vld.idx.msk [tilespmem:v3+s22+$0x0], $0xffff;
	_ =	sdelay $0x4  }
0x59: {  	v2 =	vmul.f32 v4, v2;
	_ =	sdelay $0x1  }
0x5a: {  	vm0 =	vgt.f32 v2, $5.000000000e-01  }
0x5b: {  	v2 =	vnsel vm0, $0x2710, v3;
	_ =	sdelay $0x3  }
0x5c: {  	[tilespmem:$0x100] =	vst v2  }
0x5d: {  	[tilespmem:v2+s26+$0x0] =	vst.idx.add.f32.msk $0xffff, v1  }
0x5e: {  	v2 =	vld [tilespmem:$0x10]  }
0x5f: {  	v3 =	vld [tilespmem:$0x90];
	_ =	sdelay $0x6  }
0x60: {  	v2 =	vld.idx.msk [tilespmem:v2+s22+$0x0], $0xffff  }
0x61: {  	v57 =	vld.idx.msk [tilespmem:v3+s22+$0x0], $0xffff;
	_ =	sdelay $0x4  }
0x62: {  	v2 =	vmul.f32 v57, v2;
	_ =	sdelay $0x1  }
0x63: {  	vm9 =	vgt.f32 v2, $5.000000000e-01  }
0x64: {  	v2 =	vnsel vm9, $0x2710, v3;
	_ =	sdelay $0x3  }
0x65: {  	[tilespmem:$0x110] =	vst v2  }
0x66: {  	[tilespmem:v2+s26+$0x0] =	vst.idx.add.f32.msk $0xffff, v1  }
0x67: {  	v2 =	vld [tilespmem:$0x20]  }
0x68: {  	v3 =	vld [tilespmem:$0xA0];
	_ =	sdelay $0x6  }
0x69: {  	v2 =	vld.idx.msk [tilespmem:v2+s22+$0x0], $0xffff  }
0x6a: {  	v58 =	vld.idx.msk [tilespmem:v3+s22+$0x0], $0xffff;
	_ =	sdelay $0x4  }
0x6b: {  	v2 =	vmul.f32 v58, v2;
	_ =	sdelay $0x1  }
0x6c: {  	vm10 =	vgt.f32 v2, $5.000000000e-01  }
0x6d: {  	v2 =	vnsel vm10, $0x2710, v3;
	_ =	sdelay $0x3  }
0x6e: {  	[tilespmem:$0x120] =	vst v2  }
0x6f: {  	[tilespmem:v2+s26+$0x0] =	vst.idx.add.f32.msk $0xffff, v1  }
0x70: {  	v2 =	vld [tilespmem:$0x30]  }
0x71: {  	v3 =	vld [tilespmem:$0xB0];
	_ =	sdelay $0x6  }
0x72: {  	v2 =	vld.idx.msk [tilespmem:v2+s22+$0x0], $0xffff  }
0x73: {  	v59 =	vld.idx.msk [tilespmem:v3+s22+$0x0], $0xffff;
	_ =	sdelay $0x4  }
0x74: {  	v2 =	vmul.f32 v59, v2;
	_ =	sdelay $0x1  }
0x75: {  	vm11 =	vgt.f32 v2, $5.000000000e-01  }
0x76: {  	v2 =	vnsel vm11, $0x2710, v3;
	_ =	sdelay $0x3  }
0x77: {  	[tilespmem:$0x130] =	vst v2  }
0x78: {  	[tilespmem:v2+s26+$0x0] =	vst.idx.add.f32.msk $0xffff, v1  }
0x79: {  	v2 =	vld [tilespmem:$0x40]  }
0x7a: {  	v3 =	vld [tilespmem:$0xC0];
	_ =	sdelay $0x6  }
0x7b: {  	v2 =	vld.idx.msk [tilespmem:v2+s22+$0x0], $0xffff  }
0x7c: {  	v60 =	vld.idx.msk [tilespmem:v3+s22+$0x0], $0xffff;
	_ =	sdelay $0x4  }
0x7d: {  	v2 =	vmul.f32 v60, v2;
	_ =	sdelay $0x1  }
0x7e: {  	vm12 =	vgt.f32 v2, $5.000000000e-01  }
0x7f: {  	v2 =	vnsel vm12, $0x2710, v3;
	_ =	sdelay $0x3  }
0x80: {  	[tilespmem:$0x140] =	vst v2  }
0x81: {  	[tilespmem:v2+s26+$0x0] =	vst.idx.add.f32.msk $0xffff, v1  }
0x82: {  	v2 =	vld [tilespmem:$0x50]  }
0x83: {  	v3 =	vld [tilespmem:$0xD0];
	_ =	sdelay $0x6  }
0x84: {  	v2 =	vld.idx.msk [tilespmem:v2+s22+$0x0], $0xffff  }
0x85: {  	v61 =	vld.idx.msk [tilespmem:v3+s22+$0x0], $0xffff;
	_ =	sdelay $0x4  }
0x86: {  	v2 =	vmul.f32 v61, v2;
	_ =	sdelay $0x1  }
0x87: {  	vm13 =	vgt.f32 v2, $5.000000000e-01  }
0x88: {  	v2 =	vnsel vm13, $0x2710, v3;
	_ =	sdelay $0x3  }
0x89: {  	[tilespmem:$0x150] =	vst v2  }
0x8a: {  	[tilespmem:v2+s26+$0x0] =	vst.idx.add.f32.msk $0xffff, v1  }
0x8b: {  	v2 =	vld [tilespmem:$0x60]  }
0x8c: {  	v3 =	vld [tilespmem:$0xE0];
	_ =	sdelay $0x6  }
0x8d: {  	v2 =	vld.idx.msk [tilespmem:v2+s22+$0x0], $0xffff  }
0x8e: {  	v62 =	vld.idx.msk [tilespmem:v3+s22+$0x0], $0xffff;
	_ =	sdelay $0x4  }
0x8f: {  	v2 =	vmul.f32 v62, v2;
	_ =	sdelay $0x1  }
0x90: {  	vm14 =	vgt.f32 v2, $5.000000000e-01  }
0x91: {  	v2 =	vnsel vm14, $0x2710, v3;
	_ =	sdelay $0x3  }
0x92: {  	[tilespmem:$0x160] =	vst v2  }
0x93: {  	[tilespmem:v2+s26+$0x0] =	vst.idx.add.f32.msk $0xffff, v1  }
0x94: {  	v2 =	vld [tilespmem:$0x70]  }
0x95: {  	v3 =	vld [tilespmem:$0xF0];
	_ =	sdelay $0x6  }
0x96: {  	v2 =	vld.idx.msk [tilespmem:v2+s22+$0x0], $0xffff  }
0x97: {  	v63 =	vld.idx.msk [tilespmem:v3+s22+$0x0], $0xffff;
	_ =	sdelay $0x4  }
0x98: {  	v2 =	vmul.f32 v63, v2;
	_ =	sdelay $0x1  }
0x99: {  	vm15 =	vgt.f32 v2, $5.000000000e-01  }
0x9a: {  	v2 =	vnsel vm15, $0x2710, v3;
	_ =	sdelay $0x3  }
0x9b: {  	[tilespmem:$0x170] =	vst v2  }
0x9c: {  	[tilespmem:v2+s26+$0x0] =	vst.idx.add.f32.msk $0xffff, v1  }
0x9d: {  	[tilespmem:s24], [sflag:$0x1] =	stream.indirect.gather [hbm4b:s4+s25], $0x80, s3, s25, $0xb8;
	[tilespmem:$0x1FE80] =	vst v63  }
0x9e: {  	_ =	swait.ge [sflag:s28], $0x4000  }
0x9f: {  	p0 =	sne.s32 s5, $0x4E0;
	[sflag:s28] =	ssyncset.done $0x0  }
.Ltmp2:
0xa0: {  	[sflag:s28] =	ssyncadd.s32 $0xFFFFC000;
	(pc) =	sbr.rel @p0 .LBB2_6-.Ltmp2, $4  }
0xa1: {  	[spmem:s1] =	stream.indirect.scatter.add.f32 [tilespmem:s24], [sflag:$0x2], $0x80, s29, s25, $0xb8;
	[tilespmem:$0x1FE80] =	vst v63  }
0xa2: {  	_ =	swait.ge [sflag:s23], $0x4000  }
0xa3: {  	[sflag:s23] =	ssyncset.done $0x0  }
0xa4: {  	s5 =	sadd.s32 $0x10, s5;
	[sflag:s23] =	ssyncadd.s32 $0xFFFFC000  }
0xa5: {  	[bflag:$0x0] =	sbarrier.arrive $0xFFFF  }
0xa6: {  	s5 =	rddreg [dreg:$0x5]  }
0xa7: {  	[spmem:s5] =	stream.strided.scatter [tilespmem:s26], [sflag:$0x2], $0x2800, s30, s25, $0x38;
	[tilespmem:$0x1FE80] =	vst v63  }
0xa8: {  	_ =	swait.ge [sflag:s23], $0x2800  }
0xa9: {  	[sflag:s23] =	ssyncset.done $0x0  }
0xaa: {  	[sflag:s23] =	ssyncadd.s32 $0xFFFFD800  }
0xab: {  	[bflag:$0x0] =	sbarrier.arrive $0xFFFF  }
0xac: {  	[tilespmem:s31], [sflag:$0x2] =	stream.strided.gather [spmem:s12], $0x280, s30, s25, $0x38;
	[tilespmem:$0x1FE80] =	vst v63  }
0xad: {  	_ =	swait.ge [sflag:s23], $0x280  }
0xae: {  	[sflag:s23] =	ssyncset.done $0x0  }
0xaf: {  	s5 =	simm.s32 $0x1;
	[sflag:s23] =	ssyncadd.s32 $0xFFFFFD80  }
.LBB2_8:
0xb0: {  	s11 =	sshrl.u32 s5, $0x3  }
0xb1: {  	s11 =	smul.u32 $0x50000, s11;
	_ =	sdelay $0x1  }
0xb2: {  	s13 =	sshll.u32 s5, $0x7;
	s11 =	sshra.s32 s11, $0x2  }
0xb3: {  	s13 =	sand.u32 $0x380, s13;
	s11 =	sadd.s32 s11, s12  }
0xb4: {  	s11 =	sadd.s32 s13, s11  }
0xb5: {  	[tilespmem:s0], [sflag:$0x2] =	stream.strided.gather [spmem:s11], $0x280, s30, s25, $0x38;
	[tilespmem:$0x1FE80] =	vst v63  }
0xb6: {  	_ =	swait.ge [sflag:s23], $0x280  }
0xb7: {  	[sflag:s23] =	ssyncset.done $0x0  }
0xb8: {  	s11 =	simm.s32 $0x0;
	[sflag:s23] =	ssyncadd.s32 $0xFFFFFD80  }
0xb9: {  	s13 =	simm.s32 $0x40;
	v2 =	vld [tilespmem:s11+$0x9400]  }
.LBB2_9:
0xba: {  	p0 =	sne.s32 s13, $0x9C0;
	v3 =	vld [tilespmem:s11+$0x9180];
	_ =	sdelay $0x2  }
.Ltmp3:
0xbb: {  	(pc) =	sbr.rel @p0 .LBB2_9-.Ltmp3, $4  }
0xbc: {  	_ = 	snop  }
0xbd: {  	v3 =	vadd.f32 v2, v3  }
0xbe: {  	s14 =	sshra.s32 s13, $0x2  }
0xbf: {  	s13 =	sadd.s32 $0x40, s13;
	v2 =	vld [tilespmem:s14+$0x9400];
	[tilespmem:s11+$0x9180] =	vst v3;
	s11 =	smov.u32 s14  }
0xc0: {  	v3 =	vld [tilespmem:s11+$0x9180]  }
0xc1: {  	s5 =	sadd.s32 $0x1, s5  }
0xc2: {  	p0 =	sne.s32 s5, $0x10  }
.Ltmp4:
0xc3: {  	_ = 	snop;
	(pc) =	sbr.rel @p0 .LBB2_8-.Ltmp4, $3  }
0xc4: {  	_ = 	snop  }
0xc5: {  	v2 =	vadd.f32 v2, v3;
	_ =	sdelay $0x1  }
0xc6: {  	[tilespmem:s11+$0x9180] =	vst v2  }
0xc7: {  	s5 =	rddreg [dreg:$0x6]  }
0xc8: {  	[hbm4b:s5+s25] =	stream.strided.scatter [tilespmem:s31], [sflag:$0x2], $0x280, s29, s25, $0x38;
	[tilespmem:$0x1FE80] =	vst v63  }
0xc9: {  	s11 =	stileid.u32;
	_ =	swait.ge [sflag:s23], $0x280  }
0xca: {  	s5 =	sshll.u32 s11, $0x6;
	s11 =	sshrl.u32 s6, $0x3;
	[sflag:s23] =	ssyncset.done $0x0  }
0xcb: {  	s5 =	sor.u32 $0x1C02, s5;
	s13 =	rddreg [dreg:$0x7];
	[sflag:s23] =	ssyncadd.s32 $0xFFFFFD80  }
0xcc: {  	[hbm:s13], [sflag:s5] =	dma.local [spmem:s11], $0x800  }
0xcd: {  	_ =	swait.ge [sflag:s23], $0x800  }
0xce: {  	[sflag:s23] =	ssyncset.done $0x0  }
0xcf: {  	s13 =	sshrl.u32 s7, $0x3;
	[sflag:s23] =	ssyncadd.s32 $0xFFFFF800  }
0xd0: {  	[hbm:s15], [sflag:s5] =	dma.local [spmem:s13], $0x800  }
0xd1: {  	_ =	swait.ge [sflag:s23], $0x800  }
0xd2: {  	[sflag:s23] =	ssyncset.done $0x0  }
0xd3: {  	s14 =	sshrl.u32 s8, $0x3;
	[sflag:s23] =	ssyncadd.s32 $0xFFFFF800  }
0xd4: {  	[hbm:s16], [sflag:s5] =	dma.local [spmem:s14], $0x800  }
0xd5: {  	_ =	swait.ge [sflag:s23], $0x800  }
0xd6: {  	[sflag:s23] =	ssyncset.done $0x0  }
0xd7: {  	s13 =	sshrl.u32 s9, $0x3;
	[sflag:s23] =	ssyncadd.s32 $0xFFFFF800  }
0xd8: {  	[hbm:s17], [sflag:s5] =	dma.local [spmem:s13], $0x800  }
0xd9: {  	s2 =	sadd.s32 $0x1, s2;
	_ =	swait.ge [sflag:s23], $0x800  }
0xda: {  	p0 =	sne.s32 s2, s19;
	[sflag:s23] =	ssyncset.done $0x0  }
.Ltmp5:
0xdb: {  	s14 =	sshrl.u32 s10, $0x3;
	[sflag:s23] =	ssyncadd.s32 $0xFFFFF800;
	(pc) =	sbr.rel @p0 .LBB2_1-.Ltmp5, $4  }
0xdc: {  	[hbm:s18], [sflag:s5] =	dma.local [spmem:s14], $0x800  }
0xdd: {  	_ =	swait.ge [sflag:s23], $0x800  }
0xde: {  	[sflag:s23] =	ssyncset.done $0x0  }
0xdf: {  	[sflag:s23] =	ssyncadd.s32 $0xFFFFF800  }
0xe0: {  	_ =	sfence.sel $0x180000  }
0xe1: {  	[bflag:$0x0] =	sbarrier.arrive $0xFFFF  }
0xe2: {  	_ =	strace $0x90000047  }
0xe3: {  	s0 =	stileid.u32;
	[bflag:$0x2] =	sbarrier.arrive $0xFFFF  }
0xe4: {  	p0 =	sne.s32 s0, $0x0;
	s0 =	rddreg [dreg:$0x3]  }
0xe5: {  	s0 =	sadd.s32 @!p0 $0x100000, s0  }
0xe6: {  	[sflag:s0] =	ssyncadd.tile.s32 @!p0 $0x1;
	_ =	shalt  }
.Lfunc_end2:
_tile_overlayer_lowered:
.L_overlay_start_2:
0xe7: {  	(tag) =	ssettag $0x2  }
0xe8: {  	s0 =	rddreg [dreg:$0x0];
	s2 =	stileid.u32  }
0xe9: {  	s1 =	rddreg [dreg:$0x1];
	p0 =	sne.s32 s2, $0x0  }
0xea: {  	s3 =	rddreg [dreg:$0x2];
	[bflag:$0x3] =	sbarrier.arrive $0xFFFF;
	s2 =	simm.s32 @!p0 $0x1C02  }
0xeb: {  	[timem:s3], [sflag:s2] =	dma.local @!p0 [hbm:s0], s1  }
0xec: {  	s0 =	simm.s32 @!p0 $0x2  }
0xed: {  	_ =	swait.ge @!p0 [sflag:s0], s1  }
0xee: {  	s1 =	ssub.s32 @!p0 $0x0, s1;
	[sflag:s0] =	ssyncset.done @!p0 $0x0  }
0xef: {  	[sflag:s0] =	ssyncadd.s32 @!p0 s1  }
0xf0: {  	[bflag:$0x3] =	sbarrier.arrive $0xFFFF  }
0xf1: {  	_ =	shalt  }

// kernel: kernel.14.cloned.1.call-start
scs
__scs_entry_jumppad:
0x0: {  	(pc) =	sbr.rel $0x88, $3  }
0x1: {  	(tag) =	ssettag $0x0;
	lr =	simm.s32 $0x1  }
0x2: {  	[smem:$0x3F84] =	sst lr;
	_ =	strace $0xD0000000  }
0x3: {  	_ = 	snop  }
0x4: {  	_ = 	snop  }
0x5: {  	_ = 	snop  }
0x6: {  	_ = 	snop  }
0x7: {  	_ = 	snop  }
__scs_overlays_trampoline_lowered:
0x8: {  	[smem:$0x3F93] =	sst s0  }
0x9: {  	[smem:$0x3F94] =	sst s1  }
0xa: {  	[smem:$0x3F95] =	sst s2  }
0xb: {  	[smem:$0x3F96] =	sst s3  }
0xc: {  	[smem:$0x3F97] =	sst s4  }
0xd: {  	[smem:$0x3F98] =	sst s5  }
0xe: {  	[smem:$0x3F99] =	sst s6  }
0xf: {  	[smem:$0x3F9A] =	sst s7  }
0x10: {  	[smem:$0x3F9B] =	sst s8  }
0x11: {  	[smem:$0x3F9C] =	sst s9;
	s0 =	simm.s32 @!p0 $0x0  }
0x12: {  	s1 =	sld [smem:$0x3F82];
	s0 =	simm.s32 @p0 $0x1  }
0x13: {  	[smem:$0x3F9D] =	sst s0;
	s0 =	simm.s32 @!p1 $0x0  }
0x14: {  	s2 =	sld [smem:$0x3F81];
	s0 =	simm.s32 @p1 $0x1  }
0x15: {  	[smem:$0x3F9E] =	sst s0;
	s0 =	simm.s32 @!p2 $0x0  }
0x16: {  	s3 =	sld [smem:$0x3FDB];
	s0 =	simm.s32 @p2 $0x1  }
0x17: {  	s4 =	simm.s32 $0x1BF5;
	[smem:$0x3FA0] =	sst s0  }
0x18: {  	s0 =	sld [smem:$0x3F83];
	_ =	swait.ge [sflag:s4], $0x0  }
0x19: {  	s7 =	sld [smem:$0x3F84]  }
0x1a: {  	s8 =	sadd.s32 $0xFFFFE003, lr  }
0x1b: {  	s9 =	sadd.s32 $0xFFFFFEF7, lr;
	s5 =	simm.s32 $0xFFFFFFFF;
	p2 =	slt.u32 s8, $0xFFFFF086  }
0x1c: {  	p1 =	slt.u32 s9, $0xF7A;
	s5 =	simm.s32 @!p2 $0x0  }
0x1d: {  	s5 =	simm.s32 @p1 $0x1;
	p0 =	seq.s32 s7, s2  }
0x1e: {  	s7 =	smul.u32 @!p0 $0xF7A, s2;
	p2 =	seq.s32 @!p0 s5, $0x0  }
0x1f: {  	s9 =	smul.u32 $0xF7A, s1;
	s8 =	simm.s32 @!p0 $0x1BF5;
	p2 =	por !p2, p0  }
0x20: {  	[sflag:s8] =	ssyncset.s32 @!p0 $0xFFFFF086;
	s6 =	sadd.s32 @!p0 s3, s7;
	s7 =	simm.s32 @!p0 $0x108  }
0x21: {  	s3 =	sadd.s32 s3, s9;
	s6 =	sadd.s32 @!p0 $0x88, s6;
	s7 =	simm.s32 @p2 $0x1082  }
0x22: {  	[simem:s7], [sflag:s8] =	dma.local @!p0 [hbm:s6], $0xF7A  }
0x23: {  	s9 =	sor.u32 $0xD0000000, s2;
	s6 =	simm.s32 $0x108;
	_ =	swait.ge @!p0 [sflag:s8], $0x0  }
0x24: {  	s3 =	sadd.s32 $0x88, s3;
	s6 =	simm.s32 @!p1 $0x1082;
	[sflag:s4] =	ssyncset.s32 $0xFFFFF086  }
0x25: {  	[simem:s6], [sflag:s4] =	dma.local [hbm:s3], $0xF7A  }
0x26: {  	[smem:$0x3F84] =	sst s1;
	(tag) =	ssettag s2;
	_ =	strace s9  }
0x27: {  	s1 =	sld [smem:$0x3F94]  }
0x28: {  	s2 =	sld [smem:$0x3F95]  }
0x29: {  	s4 =	sld [smem:$0x3F97]  }
0x2a: {  	p0 =	seq.s32 s5, $0x0;
	s5 =	sld [smem:$0x3F98]  }
0x2b: {  	s6 =	sld [smem:$0x3F99]  }
0x2c: {  	s7 =	sld [smem:$0x3F9A]  }
0x2d: {  	s3 =	simm.s32 $0x108;
	s8 =	sld [smem:$0x3F9B]  }
0x2e: {  	s3 =	simm.s32 @!p0 $0x1082;
	s9 =	sld [smem:$0x3F9C]  }
0x2f: {  	lr =	sadd.s32 s0, s3;
	s0 =	sld [smem:$0x3F93]  }
0x30: {  	s3 =	sld [smem:$0x3F96]  }
0x31: {  	[smem:$0x3F9F] =	sst s10  }
0x32: {  	s10 =	sld [smem:$0x3F9D];
	_ =	sdelay $0x3  }
0x33: {  	p0 =	seq.s32 s10, $0x1;
	s10 =	sld [smem:$0x3F9F];
	_ =	sdelay $0x3  }
0x34: {  	[smem:$0x3F9F] =	sst s10  }
0x35: {  	s10 =	sld [smem:$0x3F9E];
	_ =	sdelay $0x3  }
0x36: {  	p1 =	seq.s32 s10, $0x1;
	s10 =	sld [smem:$0x3F9F];
	_ =	sdelay $0x3  }
0x37: {  	[smem:$0x3F9F] =	sst s10  }
0x38: {  	s10 =	sld [smem:$0x3FA0]  }
0x39: {  	_ = 	snop;
	(pc) =	sbr.ind lr, $3  }
0x3a: {  	_ = 	snop  }
0x3b: {  	_ = 	snop  }
0x3c: {  	p2 =	seq.s32 s10, $0x1;
	s10 =	sld [smem:$0x3F9F]  }
0x3d: {  	_ =	shalt  }
0x3e: {  	_ =	shalt  }
0x3f: {  	_ =	shalt  }
0x40: {  	_ =	shalt  }
0x41: {  	_ =	shalt  }
0x42: {  	_ =	shalt  }
0x43: {  	_ =	shalt  }
0x44: {  	_ =	shalt  }
0x45: {  	_ =	shalt  }
0x46: {  	_ =	shalt  }
0x47: {  	_ =	shalt  }
0x48: {  	_ =	shalt  }
0x49: {  	_ =	shalt  }
0x4a: {  	_ =	shalt  }
0x4b: {  	_ =	shalt  }
0x4c: {  	_ =	shalt  }
0x4d: {  	_ =	shalt  }
0x4e: {  	_ =	shalt  }
0x4f: {  	_ =	shalt  }
0x50: {  	_ =	shalt  }
0x51: {  	_ =	shalt  }
0x52: {  	_ =	shalt  }
0x53: {  	_ =	shalt  }
0x54: {  	_ =	shalt  }
0x55: {  	_ =	shalt  }
0x56: {  	_ =	shalt  }
0x57: {  	_ =	shalt  }
0x58: {  	_ =	shalt  }
0x59: {  	_ =	shalt  }
0x5a: {  	_ =	shalt  }
0x5b: {  	_ =	shalt  }
0x5c: {  	_ =	shalt  }
0x5d: {  	_ =	shalt  }
0x5e: {  	_ =	shalt  }
0x5f: {  	_ =	shalt  }
0x60: {  	_ =	shalt  }
0x61: {  	_ =	shalt  }
0x62: {  	_ =	shalt  }
0x63: {  	_ =	shalt  }
0x64: {  	_ =	shalt  }
0x65: {  	_ =	shalt  }
0x66: {  	_ =	shalt  }
0x67: {  	_ =	shalt  }
0x68: {  	_ =	shalt  }
0x69: {  	_ =	shalt  }
0x6a: {  	_ =	shalt  }
0x6b: {  	_ =	shalt  }
0x6c: {  	_ =	shalt  }
0x6d: {  	_ =	shalt  }
0x6e: {  	_ =	shalt  }
0x6f: {  	_ =	shalt  }
0x70: {  	_ =	shalt  }
0x71: {  	_ =	shalt  }
0x72: {  	_ =	shalt  }
0x73: {  	_ =	shalt  }
0x74: {  	_ =	shalt  }
0x75: {  	_ =	shalt  }
0x76: {  	_ =	shalt  }
0x77: {  	_ =	shalt  }
0x78: {  	_ =	shalt  }
0x79: {  	_ =	shalt  }
0x7a: {  	_ =	shalt  }
0x7b: {  	_ =	shalt  }
0x7c: {  	_ =	shalt  }
0x7d: {  	_ =	shalt  }
0x7e: {  	_ =	shalt  }
0x7f: {  	_ =	shalt  }
0x80: {  	_ =	shalt  }
0x81: {  	_ =	shalt  }
0x82: {  	_ =	shalt  }
0x83: {  	_ =	shalt  }
0x84: {  	_ =	shalt  }
0x85: {  	_ =	shalt  }
0x86: {  	_ =	shalt  }
0x87: {  	_ =	shalt  }
.Lfunc_end0:
.L_simem_size_0:
called_computation.1_lowered:
.L_overlay_start_0:
0x88: {  	s2 =	sld [smem:$0x3FD9]  }
0x89: {  	s3 =	sld [smem:$0x3FFE];
	_ =	sdelay $0x1  }
0x8a: {  	s1 =	srdreg.scid  }
0x8b: {  	s0 =	sand.u32 $0x1, s1  }
0x8c: {  	s16 =	sshll.u32 s0, $0xA;
	s2 =	sadd.s32 s3, s2  }
0x8d: {  	s2 =	sadd.s32 s2, s16  }
0x8e: {  	[smem:$0x3FAB] =	sst s2  }
0x8f: {  	_ = 	snop  }
0x90: {  	(tm) =	ssettm $0x1  }
0x91: {  	s17 =	sld [smem:$0x3FFB];
	_ =	sdelay $0x3  }
0x92: {  	_ =	strace s17  }
0x93: {  	s2 =	sld [smem:$0x3FFC];
	_ =	sdelay $0x3  }
0x94: {  	_ =	strace s2  }
0x95: {  	s2 =	sld [smem:$0x3FFD];
	_ =	sdelay $0x3  }
0x96: {  	_ =	strace s2  }
0x97: {  	_ =	strace $0x8FFFFFFF  }
0x98: {  	s18 =	sld [smem:$0x3FDB];
	_ =	sdelay $0x1  }
0x99: {  	s19 =	simm.s32 $_scs_section_size  }
0x9a: {  	s4 =	simm.s32 $_size__tile_overlayer_lowered;
	s5 =	simm.s32 $_tile_overlayer_lowered  }
0x9b: {  	s22 =	simm.s32 $0x1BFF;
	s21 =	sshll.u32 s5, $0x1;
	s2 =	sadd.s32 s19, s18  }
0x9c: {  	s6 =	simm.s32 $0x0;
	s20 =	sshll.u32 s4, $0x1;
	s4 =	sadd.s32 s21, s2  }
0x9d: {  	[timem:s6], [sflag:s22] =	dma.local [hbm:s4], s20  }
0x9e: {  	_ =	swait.ge [sflag:s22], s20  }
0x9f: {  	s3 =	ssub.s32 $0x0, s20;
	[sflag:s22] =	ssyncset.done $0x0  }
0xa0: {  	[sflag:s22] =	ssyncadd.s32 s3;
	_ =	sdelay $0x1  }
0xa1: {  	s23 =	simm.s32 $0x1B8B  }
0xa2: {  	_ =	swait.ge [sflag:s23], $0x1  }
0xa3: {  	[sflag:s23] =	ssyncset.done $0x0  }
0xa4: {  	s25 =	simm.s32 $0x1B8E;
	s24 =	sld [smem:$0x3FFE];
	[sflag:s23] =	ssyncadd.s32 $0xFFFFFFFF  }
0xa5: {  	s26 =	simm.s32 $execute0_lowered;
	[smem:$0x3FD2] =	sst s25  }
0xa6: {  	s4 =	sshll.u32 s26, $0x1;
	_ =	strace $0x80000049;
	[dreg:$0x1] =	wrdreg $0xFFFFFFFF  }
0xa7: {  	s28 =	simm.s32 $_size_execute0_lowered;
	s2 =	sadd.s32 s2, s4;
	[dreg:$0x0] =	wrdreg $0x0  }
0xa8: {  	s4 =	sshll.u32 s28, $0x1;
	[dreg:$0x2] =	wrdreg s2  }
0xa9: {  	[dreg:$0x3] =	wrdreg s4  }
0xaa: {  	[dreg:$0x4] =	wrdreg $0xC0  }
0xab: {  	_ =	task [dreg:s6], $0x5FFFF  }
0xac: {  	[dreg:$0x1] =	wrdreg $0xFFFFFFFF  }
0xad: {  	[dreg:$0x0] =	wrdreg $0x60  }
0xae: {  	[dreg:$0x2] =	wrdreg s24  }
0xaf: {  	[dreg:$0x3] =	wrdreg $0x96800  }
0xb0: {  	[dreg:$0x4] =	wrdreg $0x1D6800  }
0xb1: {  	[dreg:$0x5] =	wrdreg $0x9  }
0xb2: {  	_ =	task.clear_ibuf [dreg:s6], $0x6FFFF;
	_ =	strace $0x90000049  }
0xb3: {  	s29 =	simm.s32 $0x9;
	_ =	strace $0x8000004B  }
0xb4: {  	_ =	swait.ge [sflag:s29], $0x1  }
0xb5: {  	[sflag:s29] =	ssyncadd.s32 $0xFFFFFFFF  }
0xb6: {  	_ =	strace $0x9000004B  }
0xb7: {  	_ =	sfence  }
0xb8: {  	s30 =	sld [smem:$0x0];
	_ =	sdelay $0x2  }
0xb9: {  	s31 =	sshll.u32 s1, $0xD;
	s1 =	sshrl.u32 s1, $0x2  }
0xba: {  	s3 =	sand.u32 $0x4000, s31;
	s1 =	sadd.s32 s1, s30  }
0xbb: {  	s0 =	sor.u32 s3, s0;
	s1 =	sshll.u32 s1, $0x11  }
0xbc: {  	s0 =	sor.u32 s1, s0  }
0xbd: {  	s0 =	sadd.s32 $0x8F2B, s0  }
0xbe: {  	[sflag:s0] =	ssyncadd.remote.s32 $0x1  }
0xbf: {  	_ =	sfence.sel $0xFFFF  }
0xc0: {  	[dreg:$0x0] =	wrdreg $0xFFFFFFFF;
	(pc) =	sbr.abs _section_cstart, $3  }
0xc1: {  	[dreg:$0x1] =	wrdreg $0xFFFFFFFF  }
0xc2: {  	_ =	task.clear_ibuf [dreg:s6], $0x2FFFF;
	_ =	strace $0x9FFFFFFF  }
0xc3: {  	(tm) =	ssettm $0x7FFFFFFF  }
tec
execute0_lowered:
.L_overlay_start_1:
0x0: {  	(tag) =	ssettag $0x1  }
0x1: {  	s0 =	rddreg [dreg:$0x0]  }
0x2: {  	s1 =	rddreg [dreg:$0x1]  }
0x3: {  	s2 =	rddreg [dreg:$0x2];
	s3 =	simm.s32 $0x0;
	s4 =	srdreg.scid  }
0x4: {  	s23 =	stileid.u32;
	s28 =	simm.s32 $0x1;
	s29 =	simm.s32 $0x100  }
0x5: {  	s30 =	simm.s32 $0x400;
	s31 =	simm.s32 $0x9180;
	[smem:$0x7FF] =	sst s3  }
0x6: {  	s5 =	sand.u32 $0x1, s4;
	s6 =	smul.u32 $0x500, s23;
	s4 =	sadd.s32 $0x9E00, s0  }
0x7: {  	s7 =	sadd.s32 $0x3C200, s0;
	s11 =	sadd.s32 $0x3D200, s0;
	s24 =	smul.u32 $0x50000, s23  }
0x8: {  	s13 =	smul.u32 $0x14000, s23;
	s9 =	sshrl.u32 s23, $0x3;
	s12 =	sshll.u32 s23, $0x7  }
0x9: {  	s18 =	smul.u32 $0x5000, s23;
	_ =	strace $0x8000004A;
	[dreg:$0x4] =	wrdreg s7  }
0xa: {  	s22 =	sshll.u32 s5, $0x7;
	s8 =	ssub.s32 $0x2, s5;
	s10 =	smul.u32 $0x50000, s9  }
0xb: {  	s12 =	sand.u32 $0x380, s12;
	s6 =	sor.u32 s22, s6;
	s25 =	sshrl.u32 s8, $0x1  }
0xc: {  	s7 =	sshrl.u32 s24, $0x2;
	s15 =	sadd.s32 $0x4000, s13;
	s16 =	sadd.s32 $0x8000, s13  }
0xd: {  	s17 =	sadd.s32 $0xC000, s13;
	s20 =	sadd.s32 $0x10000, s13;
	s22 =	smul.u32 $0x140000, s5  }
0xe: {  	s18 =	sshrl.u32 s18, $0x2;
	s5 =	smul.u32 $0x4F00, s5;
	s6 =	sshrl.u32 s6, $0x3  }
0xf: {  	s19 =	ssub.s32 s8, s25;
	s8 =	sadd.s32 s16, s1;
	s9 =	sadd.s32 s17, s1  }
0x10: {  	s10 =	sshrl.u32 s10, $0x2;
	s25 =	smul.u32 $0x4F0, s23;
	s23 =	simm.s32 $0x2  }
0x11: {  	s14 =	sadd.s32 s6, s0;
	s6 =	sadd.s32 s7, s1;
	s7 =	sadd.s32 s15, s1  }
0x12: {  	s21 =	sadd.s32 s10, s2;
	s10 =	sadd.s32 s20, s1;
	s15 =	sadd.s32 s22, s15  }
0x13: {  	s16 =	sadd.s32 s22, s16;
	s24 =	sadd.s32 s22, s20;
	s0 =	sadd.s32 s5, s0  }
0x14: {  	s19 =	smax.u32 s19, $0x1;
	s12 =	sadd.s32 s12, s21;
	s26 =	sadd.s32 $0x3C800, s14  }
0x15: {  	s14 =	sadd.s32 s13, s22;
	s13 =	sshrl.u32 s15, $0x3;
	s21 =	sadd.s32 s22, s17  }
0x16: {  	s20 =	sadd.s32 s25, s0;
	s22 =	simm.s32 $0x4180;
	s25 =	simm.s32 $0x80  }
0x17: {  	s0 =	simm.s32 $0x9400;
	[dreg:$0x5] =	wrdreg s12;
	s12 =	sadd.s32 s18, s2  }
0x18: {  	[dreg:$0x6] =	wrdreg s26;
	s2 =	sshrl.u32 s14, $0x3;
	s15 =	sadd.s32 s11, s13  }
0x19: {  	s18 =	sshrl.u32 s16, $0x3;
	s26 =	sshrl.u32 s24, $0x3;
	s24 =	simm.s32 $0x180  }
0x1a: {  	s2 =	sadd.s32 s11, s2;
	s16 =	sadd.s32 s11, s18;
	s18 =	sadd.s32 s11, s26  }
0x1b: {  	s26 =	simm.s32 $0x6980;
	[dreg:$0x7] =	wrdreg s2;
	s2 =	sshrl.u32 s21, $0x3  }
0x1c: {  	v0 =	vimm.f32 $0.0e+00;
	v1 =	vimm.f32 $1.000000000e+00;
	s21 =	sadd.s32 $0x31E00, s20;
	s17 =	sadd.s32 s11, s2;
	s2 =	simm.s32 $0x0  }
.LBB2_1:
0x1d: {  	s5 =	rddreg [dreg:$0x4]  }
0x1e: {  	[tilespmem:s22], [sflag:$0x2] =	stream.linear.gather [hbm4b:s5+s3], $0x2800, $0x38;
	[tilespmem:$0x1FE80] =	vst v63  }
0x1f: {  	_ =	swait.ge [sflag:s23], $0x2800  }
0x20: {  	[sflag:s23] =	ssyncset.done $0x0  }
0x21: {  	s11 =	simm.s32 $0x200;
	s5 =	simm.s32 $0x0;
	[sflag:s23] =	ssyncadd.s32 $0xFFFFD800  }
.LBB2_2:
0x22: {  	p0 =	sne.s32 s11, $0xFE00;
	[tilespmem:s5+$0x1F0] =	vst v0  }
0x23: {  	[tilespmem:s5+$0x180] =	vst v0  }
0x24: {  	[tilespmem:s5+$0x190] =	vst v0  }
.Ltmp0:
0x25: {  	[tilespmem:s5+$0x1A0] =	vst v0;
	(pc) =	sbr.rel @p0 .LBB2_2-.Ltmp0, $4  }
0x26: {  	[tilespmem:s5+$0x1B0] =	vst v0  }
0x27: {  	[tilespmem:s5+$0x1C0] =	vst v0  }
0x28: {  	[tilespmem:s5+$0x1D0] =	vst v0  }
0x29: {  	[tilespmem:s5+$0x1E0] =	vst v0;
	s5 =	sshra.s32 s11, $0x2;
	s11 =	sadd.s32 $0x200, s11  }
0x2a: {  	[tilespmem:s5+$0x1F0] =	vst v0  }
0x2b: {  	[tilespmem:s5+$0x180] =	vst v0  }
0x2c: {  	[tilespmem:s5+$0x190] =	vst v0  }
0x2d: {  	[tilespmem:s5+$0x1A0] =	vst v0  }
0x2e: {  	[tilespmem:s5+$0x1B0] =	vst v0  }
0x2f: {  	[tilespmem:s5+$0x1C0] =	vst v0  }
0x30: {  	[tilespmem:s5+$0x1D0] =	vst v0  }
0x31: {  	[tilespmem:s5+$0x1E0] =	vst v0  }
0x32: {  	[spmem:s6] =	stream.linear.scatter [tilespmem:s24], [sflag:$0x2], $0x4000, $0x38;
	[tilespmem:$0x1FE80] =	vst v63  }
0x33: {  	_ =	swait.ge [sflag:s23], $0x4000  }
0x34: {  	[sflag:s23] =	ssyncset.done $0x0  }
0x35: {  	[sflag:s23] =	ssyncadd.s32 $0xFFFFC000  }
0x36: {  	[spmem:s7] =	stream.linear.scatter [tilespmem:s24], [sflag:$0x2], $0x4000, $0x38;
	[tilespmem:$0x1FE80] =	vst v63  }
0x37: {  	_ =	swait.ge [sflag:s23], $0x4000  }
0x38: {  	[sflag:s23] =	ssyncset.done $0x0  }
0x39: {  	[sflag:s23] =	ssyncadd.s32 $0xFFFFC000  }
0x3a: {  	[spmem:s8] =	stream.linear.scatter [tilespmem:s24], [sflag:$0x2], $0x4000, $0x38;
	[tilespmem:$0x1FE80] =	vst v63  }
0x3b: {  	_ =	swait.ge [sflag:s23], $0x4000  }
0x3c: {  	[sflag:s23] =	ssyncset.done $0x0  }
0x3d: {  	[sflag:s23] =	ssyncadd.s32 $0xFFFFC000  }
0x3e: {  	[spmem:s9] =	stream.linear.scatter [tilespmem:s24], [sflag:$0x2], $0x4000, $0x38;
	[tilespmem:$0x1FE80] =	vst v63  }
0x3f: {  	_ =	swait.ge [sflag:s23], $0x4000  }
0x40: {  	[sflag:s23] =	ssyncset.done $0x0  }
0x41: {  	[sflag:s23] =	ssyncadd.s32 $0xFFFFC000  }
0x42: {  	[spmem:s10] =	stream.linear.scatter [tilespmem:s24], [sflag:$0x2], $0x4000, $0x38;
	[tilespmem:$0x1FE80] =	vst v63  }
0x43: {  	_ =	swait.ge [sflag:s23], $0x4000  }
0x44: {  	[sflag:s23] =	ssyncset.done $0x0  }
0x45: {  	s5 =	simm.s32 $0x40;
	s11 =	simm.s32 $0x0;
	[sflag:s23] =	ssyncadd.s32 $0xFFFFC000  }
.LBB2_4:
0x46: {  	p0 =	sne.s32 s5, $0x9FC0;
	[tilespmem:s11+$0x6980] =	vst v0;
	s11 =	smov.u32 s5;
	s5 =	sadd.s32 $0x40, s5  }
.Ltmp1:
0x47: {  	(pc) =	sbr.rel @p0 .LBB2_4-.Ltmp1, $2  }
0x48: {  	_ =	sdelay $0x2  }
0x49: {  	s11 =	sshra.s32 s11, $0x2  }
0x4a: {  	[tilespmem:s11+$0x6980] =	vst v0  }
0x4b: {  	s5 =	simm.s32 $0x0;
	[bflag:$0x0] =	sbarrier.arrive $0xFFFF  }
.LBB2_6:
0x4c: {  	s11 =	sadd.s32 s5, s20  }
0x4d: {  	[tilespmem:s3], [sflag:$0x2] =	stream.linear.gather [hbm4b:s11+s3], $0x80, $0x38;
	[tilespmem:$0x1FE80] =	vst v63  }
0x4e: {  	_ =	swait.ge [sflag:s23], $0x80  }
0x4f: {  	[sflag:s23] =	ssyncset.done $0x0  }
0x50: {  	s14 =	sadd.s32 s5, s21;
	[sflag:s23] =	ssyncadd.s32 $0xFFFFFF80  }
0x51: {  	[tilespmem:s25], [sflag:$0x2] =	stream.linear.gather [hbm4b:s14+s3], $0x80, $0x38;
	[tilespmem:$0x1FE80] =	vst v63  }
0x52: {  	_ =	swait.ge [sflag:s23], $0x80  }
0x53: {  	[sflag:s23] =	ssyncset.done $0x0  }
0x54: {  	[sflag:s23] =	ssyncadd.s32 $0xFFFFFF80  }
0x55: {  	v2 =	vld [tilespmem:$0x0]  }
0x56: {  	v3 =	vld [tilespmem:$0x80];
	_ =	sdelay $0x6  }
0x57: {  	v2 =	vld.idx.msk [tilespmem:v2+s22+$0x0], $0xffff  }
0x58: {  	v4 =	vld.idx.msk [tilespmem:v3+s22+$0x0], $0xffff;
	_ =	sdelay $0x4  }
0x59: {  	v2 =	vmul.f32 v4, v2;
	_ =	sdelay $0x1  }
0x5a: {  	vm0 =	vgt.f32 v2, $5.000000000e-01  }
0x5b: {  	v2 =	vnsel vm0, $0x2710, v3;
	_ =	sdelay $0x3  }
0x5c: {  	[tilespmem:$0x100] =	vst v2  }
0x5d: {  	[tilespmem:v2+s26+$0x0] =	vst.idx.add.f32.msk $0xffff, v1  }
0x5e: {  	v2 =	vld [tilespmem:$0x10]  }
0x5f: {  	v3 =	vld [tilespmem:$0x90];
	_ =	sdelay $0x6  }
0x60: {  	v2 =	vld.idx.msk [tilespmem:v2+s22+$0x0], $0xffff  }
0x61: {  	v57 =	vld.idx.msk [tilespmem:v3+s22+$0x0], $0xffff;
	_ =	sdelay $0x4  }
0x62: {  	v2 =	vmul.f32 v57, v2;
	_ =	sdelay $0x1  }
0x63: {  	vm9 =	vgt.f32 v2, $5.000000000e-01  }
0x64: {  	v2 =	vnsel vm9, $0x2710, v3;
	_ =	sdelay $0x3  }
0x65: {  	[tilespmem:$0x110] =	vst v2  }
0x66: {  	[tilespmem:v2+s26+$0x0] =	vst.idx.add.f32.msk $0xffff, v1  }
0x67: {  	v2 =	vld [tilespmem:$0x20]  }
0x68: {  	v3 =	vld [tilespmem:$0xA0];
	_ =	sdelay $0x6  }
0x69: {  	v2 =	vld.idx.msk [tilespmem:v2+s22+$0x0], $0xffff  }
0x6a: {  	v58 =	vld.idx.msk [tilespmem:v3+s22+$0x0], $0xffff;
	_ =	sdelay $0x4  }
0x6b: {  	v2 =	vmul.f32 v58, v2;
	_ =	sdelay $0x1  }
0x6c: {  	vm10 =	vgt.f32 v2, $5.000000000e-01  }
0x6d: {  	v2 =	vnsel vm10, $0x2710, v3;
	_ =	sdelay $0x3  }
0x6e: {  	[tilespmem:$0x120] =	vst v2  }
0x6f: {  	[tilespmem:v2+s26+$0x0] =	vst.idx.add.f32.msk $0xffff, v1  }
0x70: {  	v2 =	vld [tilespmem:$0x30]  }
0x71: {  	v3 =	vld [tilespmem:$0xB0];
	_ =	sdelay $0x6  }
0x72: {  	v2 =	vld.idx.msk [tilespmem:v2+s22+$0x0], $0xffff  }
0x73: {  	v59 =	vld.idx.msk [tilespmem:v3+s22+$0x0], $0xffff;
	_ =	sdelay $0x4  }
0x74: {  	v2 =	vmul.f32 v59, v2;
	_ =	sdelay $0x1  }
0x75: {  	vm11 =	vgt.f32 v2, $5.000000000e-01  }
0x76: {  	v2 =	vnsel vm11, $0x2710, v3;
	_ =	sdelay $0x3  }
0x77: {  	[tilespmem:$0x130] =	vst v2  }
0x78: {  	[tilespmem:v2+s26+$0x0] =	vst.idx.add.f32.msk $0xffff, v1  }
0x79: {  	v2 =	vld [tilespmem:$0x40]  }
0x7a: {  	v3 =	vld [tilespmem:$0xC0];
	_ =	sdelay $0x6  }
0x7b: {  	v2 =	vld.idx.msk [tilespmem:v2+s22+$0x0], $0xffff  }
0x7c: {  	v60 =	vld.idx.msk [tilespmem:v3+s22+$0x0], $0xffff;
	_ =	sdelay $0x4  }
0x7d: {  	v2 =	vmul.f32 v60, v2;
	_ =	sdelay $0x1  }
0x7e: {  	vm12 =	vgt.f32 v2, $5.000000000e-01  }
0x7f: {  	v2 =	vnsel vm12, $0x2710, v3;
	_ =	sdelay $0x3  }
0x80: {  	[tilespmem:$0x140] =	vst v2  }
0x81: {  	[tilespmem:v2+s26+$0x0] =	vst.idx.add.f32.msk $0xffff, v1  }
0x82: {  	v2 =	vld [tilespmem:$0x50]  }
0x83: {  	v3 =	vld [tilespmem:$0xD0];
	_ =	sdelay $0x6  }
0x84: {  	v2 =	vld.idx.msk [tilespmem:v2+s22+$0x0], $0xffff  }
0x85: {  	v61 =	vld.idx.msk [tilespmem:v3+s22+$0x0], $0xffff;
	_ =	sdelay $0x4  }
0x86: {  	v2 =	vmul.f32 v61, v2;
	_ =	sdelay $0x1  }
0x87: {  	vm13 =	vgt.f32 v2, $5.000000000e-01  }
0x88: {  	v2 =	vnsel vm13, $0x2710, v3;
	_ =	sdelay $0x3  }
0x89: {  	[tilespmem:$0x150] =	vst v2  }
0x8a: {  	[tilespmem:v2+s26+$0x0] =	vst.idx.add.f32.msk $0xffff, v1  }
0x8b: {  	v2 =	vld [tilespmem:$0x60]  }
0x8c: {  	v3 =	vld [tilespmem:$0xE0];
	_ =	sdelay $0x6  }
0x8d: {  	v2 =	vld.idx.msk [tilespmem:v2+s22+$0x0], $0xffff  }
0x8e: {  	v62 =	vld.idx.msk [tilespmem:v3+s22+$0x0], $0xffff;
	_ =	sdelay $0x4  }
0x8f: {  	v2 =	vmul.f32 v62, v2;
	_ =	sdelay $0x1  }
0x90: {  	vm14 =	vgt.f32 v2, $5.000000000e-01  }
0x91: {  	v2 =	vnsel vm14, $0x2710, v3;
	_ =	sdelay $0x3  }
0x92: {  	[tilespmem:$0x160] =	vst v2  }
0x93: {  	[tilespmem:v2+s26+$0x0] =	vst.idx.add.f32.msk $0xffff, v1  }
0x94: {  	v2 =	vld [tilespmem:$0x70]  }
0x95: {  	v3 =	vld [tilespmem:$0xF0];
	_ =	sdelay $0x6  }
0x96: {  	v2 =	vld.idx.msk [tilespmem:v2+s22+$0x0], $0xffff  }
0x97: {  	v63 =	vld.idx.msk [tilespmem:v3+s22+$0x0], $0xffff;
	_ =	sdelay $0x4  }
0x98: {  	v2 =	vmul.f32 v63, v2;
	_ =	sdelay $0x1  }
0x99: {  	vm15 =	vgt.f32 v2, $5.000000000e-01  }
0x9a: {  	v2 =	vnsel vm15, $0x2710, v3;
	_ =	sdelay $0x3  }
0x9b: {  	[tilespmem:$0x170] =	vst v2  }
0x9c: {  	[tilespmem:v2+s26+$0x0] =	vst.idx.add.f32.msk $0xffff, v1  }
0x9d: {  	[tilespmem:s24], [sflag:$0x1] =	stream.indirect.gather [hbm4b:s4+s25], $0x80, s3, s25, $0xb8;
	[tilespmem:$0x1FE80] =	vst v63  }
0x9e: {  	_ =	swait.ge [sflag:s28], $0x4000  }
0x9f: {  	p0 =	sne.s32 s5, $0x4E0;
	[sflag:s28] =	ssyncset.done $0x0  }
.Ltmp2:
0xa0: {  	[sflag:s28] =	ssyncadd.s32 $0xFFFFC000;
	(pc) =	sbr.rel @p0 .LBB2_6-.Ltmp2, $4  }
0xa1: {  	[spmem:s1] =	stream.indirect.scatter.add.f32 [tilespmem:s24], [sflag:$0x2], $0x80, s29, s25, $0xb8;
	[tilespmem:$0x1FE80] =	vst v63  }
0xa2: {  	_ =	swait.ge [sflag:s23], $0x4000  }
0xa3: {  	[sflag:s23] =	ssyncset.done $0x0  }
0xa4: {  	s5 =	sadd.s32 $0x10, s5;
	[sflag:s23] =	ssyncadd.s32 $0xFFFFC000  }
0xa5: {  	[bflag:$0x0] =	sbarrier.arrive $0xFFFF  }
0xa6: {  	s5 =	rddreg [dreg:$0x5]  }
0xa7: {  	[spmem:s5] =	stream.strided.scatter [tilespmem:s26], [sflag:$0x2], $0x2800, s30, s25, $0x38;
	[tilespmem:$0x1FE80] =	vst v63  }
0xa8: {  	_ =	swait.ge [sflag:s23], $0x2800  }
0xa9: {  	[sflag:s23] =	ssyncset.done $0x0  }
0xaa: {  	[sflag:s23] =	ssyncadd.s32 $0xFFFFD800  }
0xab: {  	[bflag:$0x0] =	sbarrier.arrive $0xFFFF  }
0xac: {  	[tilespmem:s31], [sflag:$0x2] =	stream.strided.gather [spmem:s12], $0x280, s30, s25, $0x38;
	[tilespmem:$0x1FE80] =	vst v63  }
0xad: {  	_ =	swait.ge [sflag:s23], $0x280  }
0xae: {  	[sflag:s23] =	ssyncset.done $0x0  }
0xaf: {  	s5 =	simm.s32 $0x1;
	[sflag:s23] =	ssyncadd.s32 $0xFFFFFD80  }
.LBB2_8:
0xb0: {  	s11 =	sshrl.u32 s5, $0x3  }
0xb1: {  	s11 =	smul.u32 $0x50000, s11;
	_ =	sdelay $0x1  }
0xb2: {  	s13 =	sshll.u32 s5, $0x7;
	s11 =	sshra.s32 s11, $0x2  }
0xb3: {  	s13 =	sand.u32 $0x380, s13;
	s11 =	sadd.s32 s11, s12  }
0xb4: {  	s11 =	sadd.s32 s13, s11  }
0xb5: {  	[tilespmem:s0], [sflag:$0x2] =	stream.strided.gather [spmem:s11], $0x280, s30, s25, $0x38;
	[tilespmem:$0x1FE80] =	vst v63  }
0xb6: {  	_ =	swait.ge [sflag:s23], $0x280  }
0xb7: {  	[sflag:s23] =	ssyncset.done $0x0  }
0xb8: {  	s11 =	simm.s32 $0x0;
	[sflag:s23] =	ssyncadd.s32 $0xFFFFFD80  }
0xb9: {  	s13 =	simm.s32 $0x40;
	v2 =	vld [tilespmem:s11+$0x9400]  }
.LBB2_9:
0xba: {  	p0 =	sne.s32 s13, $0x9C0;
	v3 =	vld [tilespmem:s11+$0x9180];
	_ =	sdelay $0x2  }
.Ltmp3:
0xbb: {  	(pc) =	sbr.rel @p0 .LBB2_9-.Ltmp3, $4  }
0xbc: {  	_ = 	snop  }
0xbd: {  	v3 =	vadd.f32 v2, v3  }
0xbe: {  	s14 =	sshra.s32 s13, $0x2  }
0xbf: {  	s13 =	sadd.s32 $0x40, s13;
	v2 =	vld [tilespmem:s14+$0x9400];
	[tilespmem:s11+$0x9180] =	vst v3;
	s11 =	smov.u32 s14  }
0xc0: {  	v3 =	vld [tilespmem:s11+$0x9180]  }
0xc1: {  	s5 =	sadd.s32 $0x1, s5  }
0xc2: {  	p0 =	sne.s32 s5, $0x10  }
.Ltmp4:
0xc3: {  	_ = 	snop;
	(pc) =	sbr.rel @p0 .LBB2_8-.Ltmp4, $3  }
0xc4: {  	_ = 	snop  }
0xc5: {  	v2 =	vadd.f32 v2, v3;
	_ =	sdelay $0x1  }
0xc6: {  	[tilespmem:s11+$0x9180] =	vst v2  }
0xc7: {  	s5 =	rddreg [dreg:$0x6]  }
0xc8: {  	[hbm4b:s5+s25] =	stream.strided.scatter [tilespmem:s31], [sflag:$0x2], $0x280, s29, s25, $0x38;
	[tilespmem:$0x1FE80] =	vst v63  }
0xc9: {  	s11 =	stileid.u32;
	_ =	swait.ge [sflag:s23], $0x280  }
0xca: {  	s5 =	sshll.u32 s11, $0x6;
	s11 =	sshrl.u32 s6, $0x3;
	[sflag:s23] =	ssyncset.done $0x0  }
0xcb: {  	s5 =	sor.u32 $0x1C02, s5;
	s13 =	rddreg [dreg:$0x7];
	[sflag:s23] =	ssyncadd.s32 $0xFFFFFD80  }
0xcc: {  	[hbm:s13], [sflag:s5] =	dma.local [spmem:s11], $0x800  }
0xcd: {  	_ =	swait.ge [sflag:s23], $0x800  }
0xce: {  	[sflag:s23] =	ssyncset.done $0x0  }
0xcf: {  	s13 =	sshrl.u32 s7, $0x3;
	[sflag:s23] =	ssyncadd.s32 $0xFFFFF800  }
0xd0: {  	[hbm:s15], [sflag:s5] =	dma.local [spmem:s13], $0x800  }
0xd1: {  	_ =	swait.ge [sflag:s23], $0x800  }
0xd2: {  	[sflag:s23] =	ssyncset.done $0x0  }
0xd3: {  	s14 =	sshrl.u32 s8, $0x3;
	[sflag:s23] =	ssyncadd.s32 $0xFFFFF800  }
0xd4: {  	[hbm:s16], [sflag:s5] =	dma.local [spmem:s14], $0x800  }
0xd5: {  	_ =	swait.ge [sflag:s23], $0x800  }
0xd6: {  	[sflag:s23] =	ssyncset.done $0x0  }
0xd7: {  	s13 =	sshrl.u32 s9, $0x3;
	[sflag:s23] =	ssyncadd.s32 $0xFFFFF800  }
0xd8: {  	[hbm:s17], [sflag:s5] =	dma.local [spmem:s13], $0x800  }
0xd9: {  	s2 =	sadd.s32 $0x1, s2;
	_ =	swait.ge [sflag:s23], $0x800  }
0xda: {  	p0 =	sne.s32 s2, s19;
	[sflag:s23] =	ssyncset.done $0x0  }
.Ltmp5:
0xdb: {  	s14 =	sshrl.u32 s10, $0x3;
	[sflag:s23] =	ssyncadd.s32 $0xFFFFF800;
	(pc) =	sbr.rel @p0 .LBB2_1-.Ltmp5, $4  }
0xdc: {  	[hbm:s18], [sflag:s5] =	dma.local [spmem:s14], $0x800  }
0xdd: {  	_ =	swait.ge [sflag:s23], $0x800  }
0xde: {  	[sflag:s23] =	ssyncset.done $0x0  }
0xdf: {  	[sflag:s23] =	ssyncadd.s32 $0xFFFFF800  }
0xe0: {  	_ =	sfence.sel $0x180000  }
0xe1: {  	[bflag:$0x0] =	sbarrier.arrive $0xFFFF  }
0xe2: {  	_ =	strace $0x9000004A  }
0xe3: {  	s0 =	stileid.u32;
	[bflag:$0x2] =	sbarrier.arrive $0xFFFF  }
0xe4: {  	p0 =	sne.s32 s0, $0x0;
	s0 =	rddreg [dreg:$0x3]  }
0xe5: {  	s0 =	sadd.s32 @!p0 $0x100000, s0  }
0xe6: {  	[sflag:s0] =	ssyncadd.tile.s32 @!p0 $0x1;
	_ =	shalt  }
.Lfunc_end2:
_tile_overlayer_lowered:
.L_overlay_start_2:
0xe7: {  	(tag) =	ssettag $0x2  }
0xe8: {  	s0 =	rddreg [dreg:$0x0];
	s2 =	stileid.u32  }
0xe9: {  	s1 =	rddreg [dreg:$0x1];
	p0 =	sne.s32 s2, $0x0  }
0xea: {  	s3 =	rddreg [dreg:$0x2];
	[bflag:$0x3] =	sbarrier.arrive $0xFFFF;
	s2 =	simm.s32 @!p0 $0x1C02  }
0xeb: {  	[timem:s3], [sflag:s2] =	dma.local @!p0 [hbm:s0], s1  }
0xec: {  	s0 =	simm.s32 @!p0 $0x2  }
0xed: {  	_ =	swait.ge @!p0 [sflag:s0], s1  }
0xee: {  	s1 =	ssub.s32 @!p0 $0x0, s1;
	[sflag:s0] =	ssyncset.done @!p0 $0x0  }
0xef: {  	[sflag:s0] =	ssyncadd.s32 @!p0 s1  }
0xf0: {  	[bflag:$0x3] =	sbarrier.arrive $0xFFFF  }
0xf1: {  	_ =	shalt  }

// kernel: kernel.17.cloned.1.call-start
scs
__scs_entry_jumppad:
0x0: {  	(pc) =	sbr.rel $0x88, $3  }
0x1: {  	(tag) =	ssettag $0x0;
	lr =	simm.s32 $0x1  }
0x2: {  	[smem:$0x3F84] =	sst lr;
	_ =	strace $0xD0000000  }
0x3: {  	_ = 	snop  }
0x4: {  	_ = 	snop  }
0x5: {  	_ = 	snop  }
0x6: {  	_ = 	snop  }
0x7: {  	_ = 	snop  }
__scs_overlays_trampoline_lowered:
0x8: {  	[smem:$0x3F93] =	sst s0  }
0x9: {  	[smem:$0x3F94] =	sst s1  }
0xa: {  	[smem:$0x3F95] =	sst s2  }
0xb: {  	[smem:$0x3F96] =	sst s3  }
0xc: {  	[smem:$0x3F97] =	sst s4  }
0xd: {  	[smem:$0x3F98] =	sst s5  }
0xe: {  	[smem:$0x3F99] =	sst s6  }
0xf: {  	[smem:$0x3F9A] =	sst s7  }
0x10: {  	[smem:$0x3F9B] =	sst s8  }
0x11: {  	[smem:$0x3F9C] =	sst s9;
	s0 =	simm.s32 @!p0 $0x0  }
0x12: {  	s1 =	sld [smem:$0x3F82];
	s0 =	simm.s32 @p0 $0x1  }
0x13: {  	[smem:$0x3F9D] =	sst s0;
	s0 =	simm.s32 @!p1 $0x0  }
0x14: {  	s2 =	sld [smem:$0x3F81];
	s0 =	simm.s32 @p1 $0x1  }
0x15: {  	[smem:$0x3F9E] =	sst s0;
	s0 =	simm.s32 @!p2 $0x0  }
0x16: {  	s3 =	sld [smem:$0x3FDB];
	s0 =	simm.s32 @p2 $0x1  }
0x17: {  	s4 =	simm.s32 $0x1BF5;
	[smem:$0x3FA0] =	sst s0  }
0x18: {  	s0 =	sld [smem:$0x3F83];
	_ =	swait.ge [sflag:s4], $0x0  }
0x19: {  	s7 =	sld [smem:$0x3F84]  }
0x1a: {  	s8 =	sadd.s32 $0xFFFFE003, lr  }
0x1b: {  	s9 =	sadd.s32 $0xFFFFFEF7, lr;
	s5 =	simm.s32 $0xFFFFFFFF;
	p2 =	slt.u32 s8, $0xFFFFF086  }
0x1c: {  	p1 =	slt.u32 s9, $0xF7A;
	s5 =	simm.s32 @!p2 $0x0  }
0x1d: {  	s5 =	simm.s32 @p1 $0x1;
	p0 =	seq.s32 s7, s2  }
0x1e: {  	s7 =	smul.u32 @!p0 $0xF7A, s2;
	p2 =	seq.s32 @!p0 s5, $0x0  }
0x1f: {  	s9 =	smul.u32 $0xF7A, s1;
	s8 =	simm.s32 @!p0 $0x1BF5;
	p2 =	por !p2, p0  }
0x20: {  	[sflag:s8] =	ssyncset.s32 @!p0 $0xFFFFF086;
	s6 =	sadd.s32 @!p0 s3, s7;
	s7 =	simm.s32 @!p0 $0x108  }
0x21: {  	s3 =	sadd.s32 s3, s9;
	s6 =	sadd.s32 @!p0 $0x88, s6;
	s7 =	simm.s32 @p2 $0x1082  }
0x22: {  	[simem:s7], [sflag:s8] =	dma.local @!p0 [hbm:s6], $0xF7A  }
0x23: {  	s9 =	sor.u32 $0xD0000000, s2;
	s6 =	simm.s32 $0x108;
	_ =	swait.ge @!p0 [sflag:s8], $0x0  }
0x24: {  	s3 =	sadd.s32 $0x88, s3;
	s6 =	simm.s32 @!p1 $0x1082;
	[sflag:s4] =	ssyncset.s32 $0xFFFFF086  }
0x25: {  	[simem:s6], [sflag:s4] =	dma.local [hbm:s3], $0xF7A  }
0x26: {  	[smem:$0x3F84] =	sst s1;
	(tag) =	ssettag s2;
	_ =	strace s9  }
0x27: {  	s1 =	sld [smem:$0x3F94]  }
0x28: {  	s2 =	sld [smem:$0x3F95]  }
0x29: {  	s4 =	sld [smem:$0x3F97]  }
0x2a: {  	p0 =	seq.s32 s5, $0x0;
	s5 =	sld [smem:$0x3F98]  }
0x2b: {  	s6 =	sld [smem:$0x3F99]  }
0x2c: {  	s7 =	sld [smem:$0x3F9A]  }
0x2d: {  	s3 =	simm.s32 $0x108;
	s8 =	sld [smem:$0x3F9B]  }
0x2e: {  	s3 =	simm.s32 @!p0 $0x1082;
	s9 =	sld [smem:$0x3F9C]  }
0x2f: {  	lr =	sadd.s32 s0, s3;
	s0 =	sld [smem:$0x3F93]  }
0x30: {  	s3 =	sld [smem:$0x3F96]  }
0x31: {  	[smem:$0x3F9F] =	sst s10  }
0x32: {  	s10 =	sld [smem:$0x3F9D];
	_ =	sdelay $0x3  }
0x33: {  	p0 =	seq.s32 s10, $0x1;
	s10 =	sld [smem:$0x3F9F];
	_ =	sdelay $0x3  }
0x34: {  	[smem:$0x3F9F] =	sst s10  }
0x35: {  	s10 =	sld [smem:$0x3F9E];
	_ =	sdelay $0x3  }
0x36: {  	p1 =	seq.s32 s10, $0x1;
	s10 =	sld [smem:$0x3F9F];
	_ =	sdelay $0x3  }
0x37: {  	[smem:$0x3F9F] =	sst s10  }
0x38: {  	s10 =	sld [smem:$0x3FA0]  }
0x39: {  	_ = 	snop;
	(pc) =	sbr.ind lr, $3  }
0x3a: {  	_ = 	snop  }
0x3b: {  	_ = 	snop  }
0x3c: {  	p2 =	seq.s32 s10, $0x1;
	s10 =	sld [smem:$0x3F9F]  }
0x3d: {  	_ =	shalt  }
0x3e: {  	_ =	shalt  }
0x3f: {  	_ =	shalt  }
0x40: {  	_ =	shalt  }
0x41: {  	_ =	shalt  }
0x42: {  	_ =	shalt  }
0x43: {  	_ =	shalt  }
0x44: {  	_ =	shalt  }
0x45: {  	_ =	shalt  }
0x46: {  	_ =	shalt  }
0x47: {  	_ =	shalt  }
0x48: {  	_ =	shalt  }
0x49: {  	_ =	shalt  }
0x4a: {  	_ =	shalt  }
0x4b: {  	_ =	shalt  }
0x4c: {  	_ =	shalt  }
0x4d: {  	_ =	shalt  }
0x4e: {  	_ =	shalt  }
0x4f: {  	_ =	shalt  }
0x50: {  	_ =	shalt  }
0x51: {  	_ =	shalt  }
0x52: {  	_ =	shalt  }
0x53: {  	_ =	shalt  }
0x54: {  	_ =	shalt  }
0x55: {  	_ =	shalt  }
0x56: {  	_ =	shalt  }
0x57: {  	_ =	shalt  }
0x58: {  	_ =	shalt  }
0x59: {  	_ =	shalt  }
0x5a: {  	_ =	shalt  }
0x5b: {  	_ =	shalt  }
0x5c: {  	_ =	shalt  }
0x5d: {  	_ =	shalt  }
0x5e: {  	_ =	shalt  }
0x5f: {  	_ =	shalt  }
0x60: {  	_ =	shalt  }
0x61: {  	_ =	shalt  }
0x62: {  	_ =	shalt  }
0x63: {  	_ =	shalt  }
0x64: {  	_ =	shalt  }
0x65: {  	_ =	shalt  }
0x66: {  	_ =	shalt  }
0x67: {  	_ =	shalt  }
0x68: {  	_ =	shalt  }
0x69: {  	_ =	shalt  }
0x6a: {  	_ =	shalt  }
0x6b: {  	_ =	shalt  }
0x6c: {  	_ =	shalt  }
0x6d: {  	_ =	shalt  }
0x6e: {  	_ =	shalt  }
0x6f: {  	_ =	shalt  }
0x70: {  	_ =	shalt  }
0x71: {  	_ =	shalt  }
0x72: {  	_ =	shalt  }
0x73: {  	_ =	shalt  }
0x74: {  	_ =	shalt  }
0x75: {  	_ =	shalt  }
0x76: {  	_ =	shalt  }
0x77: {  	_ =	shalt  }
0x78: {  	_ =	shalt  }
0x79: {  	_ =	shalt  }
0x7a: {  	_ =	shalt  }
0x7b: {  	_ =	shalt  }
0x7c: {  	_ =	shalt  }
0x7d: {  	_ =	shalt  }
0x7e: {  	_ =	shalt  }
0x7f: {  	_ =	shalt  }
0x80: {  	_ =	shalt  }
0x81: {  	_ =	shalt  }
0x82: {  	_ =	shalt  }
0x83: {  	_ =	shalt  }
0x84: {  	_ =	shalt  }
0x85: {  	_ =	shalt  }
0x86: {  	_ =	shalt  }
0x87: {  	_ =	shalt  }
.Lfunc_end0:
.L_simem_size_0:
called_computation.2_lowered:
.L_overlay_start_0:
0x88: {  	s2 =	sld [smem:$0x3FD9]  }
0x89: {  	s3 =	sld [smem:$0x3FFE];
	_ =	sdelay $0x1  }
0x8a: {  	s1 =	srdreg.scid  }
0x8b: {  	s0 =	sand.u32 $0x1, s1  }
0x8c: {  	s16 =	sshll.u32 s0, $0xA;
	s2 =	sadd.s32 s3, s2  }
0x8d: {  	s2 =	sadd.s32 s2, s16  }
0x8e: {  	[smem:$0x3FAB] =	sst s2  }
0x8f: {  	_ = 	snop  }
0x90: {  	(tm) =	ssettm $0x1  }
0x91: {  	s17 =	sld [smem:$0x3FFB];
	_ =	sdelay $0x3  }
0x92: {  	_ =	strace s17  }
0x93: {  	s2 =	sld [smem:$0x3FFC];
	_ =	sdelay $0x3  }
0x94: {  	_ =	strace s2  }
0x95: {  	s2 =	sld [smem:$0x3FFD];
	_ =	sdelay $0x3  }
0x96: {  	_ =	strace s2  }
0x97: {  	_ =	strace $0x8FFFFFFF  }
0x98: {  	s18 =	sld [smem:$0x3FDB];
	_ =	sdelay $0x1  }
0x99: {  	s19 =	simm.s32 $_scs_section_size  }
0x9a: {  	s4 =	simm.s32 $_size__tile_overlayer_lowered;
	s5 =	simm.s32 $_tile_overlayer_lowered  }
0x9b: {  	s22 =	simm.s32 $0x1BFF;
	s21 =	sshll.u32 s5, $0x1;
	s2 =	sadd.s32 s19, s18  }
0x9c: {  	s6 =	simm.s32 $0x0;
	s20 =	sshll.u32 s4, $0x1;
	s4 =	sadd.s32 s21, s2  }
0x9d: {  	[timem:s6], [sflag:s22] =	dma.local [hbm:s4], s20  }
0x9e: {  	_ =	swait.ge [sflag:s22], s20  }
0x9f: {  	s3 =	ssub.s32 $0x0, s20;
	[sflag:s22] =	ssyncset.done $0x0  }
0xa0: {  	[sflag:s22] =	ssyncadd.s32 s3;
	_ =	sdelay $0x1  }
0xa1: {  	s23 =	simm.s32 $0x1B8B  }
0xa2: {  	_ =	swait.ge [sflag:s23], $0x1  }
0xa3: {  	[sflag:s23] =	ssyncset.done $0x0  }
0xa4: {  	s25 =	simm.s32 $0x1B8E;
	s24 =	sld [smem:$0x3FFE];
	[sflag:s23] =	ssyncadd.s32 $0xFFFFFFFF  }
0xa5: {  	s26 =	simm.s32 $execute0_lowered;
	[smem:$0x3FD2] =	sst s25  }
0xa6: {  	s4 =	sshll.u32 s26, $0x1;
	_ =	strace $0x8000004C;
	[dreg:$0x1] =	wrdreg $0xFFFFFFFF  }
0xa7: {  	s28 =	simm.s32 $_size_execute0_lowered;
	s2 =	sadd.s32 s2, s4;
	[dreg:$0x0] =	wrdreg $0x0  }
0xa8: {  	s4 =	sshll.u32 s28, $0x1;
	[dreg:$0x2] =	wrdreg s2  }
0xa9: {  	[dreg:$0x3] =	wrdreg s4  }
0xaa: {  	[dreg:$0x4] =	wrdreg $0xC0  }
0xab: {  	_ =	task [dreg:s6], $0x5FFFF  }
0xac: {  	[dreg:$0x1] =	wrdreg $0xFFFFFFFF  }
0xad: {  	[dreg:$0x0] =	wrdreg $0x60  }
0xae: {  	[dreg:$0x2] =	wrdreg s24  }
0xaf: {  	[dreg:$0x3] =	wrdreg $0x96800  }
0xb0: {  	[dreg:$0x4] =	wrdreg $0x1D6800  }
0xb1: {  	[dreg:$0x5] =	wrdreg $0x9  }
0xb2: {  	_ =	task.clear_ibuf [dreg:s6], $0x6FFFF;
	_ =	strace $0x9000004C  }
0xb3: {  	s29 =	simm.s32 $0x9;
	_ =	strace $0x8000004E  }
0xb4: {  	_ =	swait.ge [sflag:s29], $0x1  }
0xb5: {  	[sflag:s29] =	ssyncadd.s32 $0xFFFFFFFF  }
0xb6: {  	_ =	strace $0x9000004E  }
0xb7: {  	_ =	sfence  }
0xb8: {  	s30 =	sld [smem:$0x0];
	_ =	sdelay $0x2  }
0xb9: {  	s31 =	sshll.u32 s1, $0xD;
	s1 =	sshrl.u32 s1, $0x2  }
0xba: {  	s3 =	sand.u32 $0x4000, s31;
	s1 =	sadd.s32 s1, s30  }
0xbb: {  	s0 =	sor.u32 s3, s0;
	s1 =	sshll.u32 s1, $0x11  }
0xbc: {  	s0 =	sor.u32 s1, s0  }
0xbd: {  	s0 =	sadd.s32 $0x8F2B, s0  }
0xbe: {  	[sflag:s0] =	ssyncadd.remote.s32 $0x1  }
0xbf: {  	_ =	sfence.sel $0xFFFF  }
0xc0: {  	[dreg:$0x0] =	wrdreg $0xFFFFFFFF;
	(pc) =	sbr.abs _section_cstart, $3  }
0xc1: {  	[dreg:$0x1] =	wrdreg $0xFFFFFFFF  }
0xc2: {  	_ =	task.clear_ibuf [dreg:s6], $0x2FFFF;
	_ =	strace $0x9FFFFFFF  }
0xc3: {  	(tm) =	ssettm $0x7FFFFFFF  }
tec
execute0_lowered:
.L_overlay_start_1:
0x0: {  	(tag) =	ssettag $0x1  }
0x1: {  	s0 =	rddreg [dreg:$0x0]  }
0x2: {  	s1 =	rddreg [dreg:$0x1]  }
0x3: {  	s2 =	rddreg [dreg:$0x2];
	s3 =	simm.s32 $0x0;
	s4 =	srdreg.scid  }
0x4: {  	s23 =	stileid.u32;
	s28 =	simm.s32 $0x1;
	s29 =	simm.s32 $0x100  }
0x5: {  	s30 =	simm.s32 $0x400;
	s31 =	simm.s32 $0x9180;
	[smem:$0x7FF] =	sst s3  }
0x6: {  	s5 =	sand.u32 $0x1, s4;
	s6 =	smul.u32 $0x500, s23;
	s4 =	sadd.s32 $0x9E00, s0  }
0x7: {  	s7 =	sadd.s32 $0x3BC00, s0;
	s11 =	sadd.s32 $0x3CC00, s0;
	s24 =	smul.u32 $0x50000, s23  }
0x8: {  	s13 =	smul.u32 $0x14000, s23;
	s9 =	sshrl.u32 s23, $0x3;
	s12 =	sshll.u32 s23, $0x7  }
0x9: {  	s18 =	smul.u32 $0x5000, s23;
	_ =	strace $0x8000004D;
	[dreg:$0x4] =	wrdreg s7  }
0xa: {  	s22 =	sshll.u32 s5, $0x7;
	s8 =	ssub.s32 $0x2, s5;
	s10 =	smul.u32 $0x50000, s9  }
0xb: {  	s12 =	sand.u32 $0x380, s12;
	s6 =	sor.u32 s22, s6;
	s25 =	sshrl.u32 s8, $0x1  }
0xc: {  	s7 =	sshrl.u32 s24, $0x2;
	s15 =	sadd.s32 $0x4000, s13;
	s16 =	sadd.s32 $0x8000, s13  }
0xd: {  	s17 =	sadd.s32 $0xC000, s13;
	s20 =	sadd.s32 $0x10000, s13;
	s22 =	smul.u32 $0x140000, s5  }
0xe: {  	s18 =	sshrl.u32 s18, $0x2;
	s5 =	smul.u32 $0x4F00, s5;
	s6 =	sshrl.u32 s6, $0x3  }
0xf: {  	s19 =	ssub.s32 s8, s25;
	s8 =	sadd.s32 s16, s1;
	s9 =	sadd.s32 s17, s1  }
0x10: {  	s10 =	sshrl.u32 s10, $0x2;
	s25 =	smul.u32 $0x4F0, s23;
	s23 =	simm.s32 $0x2  }
0x11: {  	s14 =	sadd.s32 s6, s0;
	s6 =	sadd.s32 s7, s1;
	s7 =	sadd.s32 s15, s1  }
0x12: {  	s21 =	sadd.s32 s10, s2;
	s10 =	sadd.s32 s20, s1;
	s15 =	sadd.s32 s22, s15  }
0x13: {  	s16 =	sadd.s32 s22, s16;
	s24 =	sadd.s32 s22, s20;
	s0 =	sadd.s32 s5, s0  }
0x14: {  	s19 =	smax.u32 s19, $0x1;
	s12 =	sadd.s32 s12, s21;
	s26 =	sadd.s32 $0x3C200, s14  }
0x15: {  	s14 =	sadd.s32 s13, s22;
	s13 =	sshrl.u32 s15, $0x3;
	s21 =	sadd.s32 s22, s17  }
0x16: {  	s20 =	sadd.s32 s25, s0;
	s22 =	simm.s32 $0x4180;
	s25 =	simm.s32 $0x80  }
0x17: {  	s0 =	simm.s32 $0x9400;
	[dreg:$0x5] =	wrdreg s12;
	s12 =	sadd.s32 s18, s2  }
0x18: {  	[dreg:$0x6] =	wrdreg s26;
	s2 =	sshrl.u32 s14, $0x3;
	s15 =	sadd.s32 s11, s13  }
0x19: {  	s18 =	sshrl.u32 s16, $0x3;
	s26 =	sshrl.u32 s24, $0x3;
	s24 =	simm.s32 $0x180  }
0x1a: {  	s2 =	sadd.s32 s11, s2;
	s16 =	sadd.s32 s11, s18;
	s18 =	sadd.s32 s11, s26  }
0x1b: {  	s26 =	simm.s32 $0x6980;
	[dreg:$0x7] =	wrdreg s2;
	s2 =	sshrl.u32 s21, $0x3  }
0x1c: {  	v0 =	vimm.f32 $0.0e+00;
	v1 =	vimm.f32 $1.000000000e+00;
	s21 =	sadd.s32 $0x31E00, s20;
	s17 =	sadd.s32 s11, s2;
	s2 =	simm.s32 $0x0  }
.LBB2_1:
0x1d: {  	s5 =	rddreg [dreg:$0x4]  }
0x1e: {  	[tilespmem:s22], [sflag:$0x2] =	stream.linear.gather [hbm4b:s5+s3], $0x2800, $0x38;
	[tilespmem:$0x1FE80] =	vst v63  }
0x1f: {  	_ =	swait.ge [sflag:s23], $0x2800  }
0x20: {  	[sflag:s23] =	ssyncset.done $0x0  }
0x21: {  	s11 =	simm.s32 $0x200;
	s5 =	simm.s32 $0x0;
	[sflag:s23] =	ssyncadd.s32 $0xFFFFD800  }
.LBB2_2:
0x22: {  	p0 =	sne.s32 s11, $0xFE00;
	[tilespmem:s5+$0x1F0] =	vst v0  }
0x23: {  	[tilespmem:s5+$0x180] =	vst v0  }
0x24: {  	[tilespmem:s5+$0x190] =	vst v0  }
.Ltmp0:
0x25: {  	[tilespmem:s5+$0x1A0] =	vst v0;
	(pc) =	sbr.rel @p0 .LBB2_2-.Ltmp0, $4  }
0x26: {  	[tilespmem:s5+$0x1B0] =	vst v0  }
0x27: {  	[tilespmem:s5+$0x1C0] =	vst v0  }
0x28: {  	[tilespmem:s5+$0x1D0] =	vst v0  }
0x29: {  	[tilespmem:s5+$0x1E0] =	vst v0;
	s5 =	sshra.s32 s11, $0x2;
	s11 =	sadd.s32 $0x200, s11  }
0x2a: {  	[tilespmem:s5+$0x1F0] =	vst v0  }
0x2b: {  	[tilespmem:s5+$0x180] =	vst v0  }
0x2c: {  	[tilespmem:s5+$0x190] =	vst v0  }
0x2d: {  	[tilespmem:s5+$0x1A0] =	vst v0  }
0x2e: {  	[tilespmem:s5+$0x1B0] =	vst v0  }
0x2f: {  	[tilespmem:s5+$0x1C0] =	vst v0  }
0x30: {  	[tilespmem:s5+$0x1D0] =	vst v0  }
0x31: {  	[tilespmem:s5+$0x1E0] =	vst v0  }
0x32: {  	[spmem:s6] =	stream.linear.scatter [tilespmem:s24], [sflag:$0x2], $0x4000, $0x38;
	[tilespmem:$0x1FE80] =	vst v63  }
0x33: {  	_ =	swait.ge [sflag:s23], $0x4000  }
0x34: {  	[sflag:s23] =	ssyncset.done $0x0  }
0x35: {  	[sflag:s23] =	ssyncadd.s32 $0xFFFFC000  }
0x36: {  	[spmem:s7] =	stream.linear.scatter [tilespmem:s24], [sflag:$0x2], $0x4000, $0x38;
	[tilespmem:$0x1FE80] =	vst v63  }
0x37: {  	_ =	swait.ge [sflag:s23], $0x4000  }
0x38: {  	[sflag:s23] =	ssyncset.done $0x0  }
0x39: {  	[sflag:s23] =	ssyncadd.s32 $0xFFFFC000  }
0x3a: {  	[spmem:s8] =	stream.linear.scatter [tilespmem:s24], [sflag:$0x2], $0x4000, $0x38;
	[tilespmem:$0x1FE80] =	vst v63  }
0x3b: {  	_ =	swait.ge [sflag:s23], $0x4000  }
0x3c: {  	[sflag:s23] =	ssyncset.done $0x0  }
0x3d: {  	[sflag:s23] =	ssyncadd.s32 $0xFFFFC000  }
0x3e: {  	[spmem:s9] =	stream.linear.scatter [tilespmem:s24], [sflag:$0x2], $0x4000, $0x38;
	[tilespmem:$0x1FE80] =	vst v63  }
0x3f: {  	_ =	swait.ge [sflag:s23], $0x4000  }
0x40: {  	[sflag:s23] =	ssyncset.done $0x0  }
0x41: {  	[sflag:s23] =	ssyncadd.s32 $0xFFFFC000  }
0x42: {  	[spmem:s10] =	stream.linear.scatter [tilespmem:s24], [sflag:$0x2], $0x4000, $0x38;
	[tilespmem:$0x1FE80] =	vst v63  }
0x43: {  	_ =	swait.ge [sflag:s23], $0x4000  }
0x44: {  	[sflag:s23] =	ssyncset.done $0x0  }
0x45: {  	s5 =	simm.s32 $0x40;
	s11 =	simm.s32 $0x0;
	[sflag:s23] =	ssyncadd.s32 $0xFFFFC000  }
.LBB2_4:
0x46: {  	p0 =	sne.s32 s5, $0x9FC0;
	[tilespmem:s11+$0x6980] =	vst v0;
	s11 =	smov.u32 s5;
	s5 =	sadd.s32 $0x40, s5  }
.Ltmp1:
0x47: {  	(pc) =	sbr.rel @p0 .LBB2_4-.Ltmp1, $2  }
0x48: {  	_ =	sdelay $0x2  }
0x49: {  	s11 =	sshra.s32 s11, $0x2  }
0x4a: {  	[tilespmem:s11+$0x6980] =	vst v0  }
0x4b: {  	s5 =	simm.s32 $0x0;
	[bflag:$0x0] =	sbarrier.arrive $0xFFFF  }
.LBB2_6:
0x4c: {  	s11 =	sadd.s32 s5, s20  }
0x4d: {  	[tilespmem:s3], [sflag:$0x2] =	stream.linear.gather [hbm4b:s11+s3], $0x80, $0x38;
	[tilespmem:$0x1FE80] =	vst v63  }
0x4e: {  	_ =	swait.ge [sflag:s23], $0x80  }
0x4f: {  	[sflag:s23] =	ssyncset.done $0x0  }
0x50: {  	s14 =	sadd.s32 s5, s21;
	[sflag:s23] =	ssyncadd.s32 $0xFFFFFF80  }
0x51: {  	[tilespmem:s25], [sflag:$0x2] =	stream.linear.gather [hbm4b:s14+s3], $0x80, $0x38;
	[tilespmem:$0x1FE80] =	vst v63  }
0x52: {  	_ =	swait.ge [sflag:s23], $0x80  }
0x53: {  	[sflag:s23] =	ssyncset.done $0x0  }
0x54: {  	[sflag:s23] =	ssyncadd.s32 $0xFFFFFF80  }
0x55: {  	v2 =	vld [tilespmem:$0x0]  }
0x56: {  	v3 =	vld [tilespmem:$0x80];
	_ =	sdelay $0x6  }
0x57: {  	v2 =	vld.idx.msk [tilespmem:v2+s22+$0x0], $0xffff  }
0x58: {  	v4 =	vld.idx.msk [tilespmem:v3+s22+$0x0], $0xffff;
	_ =	sdelay $0x4  }
0x59: {  	v2 =	vmul.f32 v4, v2;
	_ =	sdelay $0x1  }
0x5a: {  	vm0 =	vgt.f32 v2, $5.000000000e-01  }
0x5b: {  	v2 =	vnsel vm0, $0x2710, v3;
	_ =	sdelay $0x3  }
0x5c: {  	[tilespmem:$0x100] =	vst v2  }
0x5d: {  	[tilespmem:v2+s26+$0x0] =	vst.idx.add.f32.msk $0xffff, v1  }
0x5e: {  	v2 =	vld [tilespmem:$0x10]  }
0x5f: {  	v3 =	vld [tilespmem:$0x90];
	_ =	sdelay $0x6  }
0x60: {  	v2 =	vld.idx.msk [tilespmem:v2+s22+$0x0], $0xffff  }
0x61: {  	v57 =	vld.idx.msk [tilespmem:v3+s22+$0x0], $0xffff;
	_ =	sdelay $0x4  }
0x62: {  	v2 =	vmul.f32 v57, v2;
	_ =	sdelay $0x1  }
0x63: {  	vm9 =	vgt.f32 v2, $5.000000000e-01  }
0x64: {  	v2 =	vnsel vm9, $0x2710, v3;
	_ =	sdelay $0x3  }
0x65: {  	[tilespmem:$0x110] =	vst v2  }
0x66: {  	[tilespmem:v2+s26+$0x0] =	vst.idx.add.f32.msk $0xffff, v1  }
0x67: {  	v2 =	vld [tilespmem:$0x20]  }
0x68: {  	v3 =	vld [tilespmem:$0xA0];
	_ =	sdelay $0x6  }
0x69: {  	v2 =	vld.idx.msk [tilespmem:v2+s22+$0x0], $0xffff  }
0x6a: {  	v58 =	vld.idx.msk [tilespmem:v3+s22+$0x0], $0xffff;
	_ =	sdelay $0x4  }
0x6b: {  	v2 =	vmul.f32 v58, v2;
	_ =	sdelay $0x1  }
0x6c: {  	vm10 =	vgt.f32 v2, $5.000000000e-01  }
0x6d: {  	v2 =	vnsel vm10, $0x2710, v3;
	_ =	sdelay $0x3  }
0x6e: {  	[tilespmem:$0x120] =	vst v2  }
0x6f: {  	[tilespmem:v2+s26+$0x0] =	vst.idx.add.f32.msk $0xffff, v1  }
0x70: {  	v2 =	vld [tilespmem:$0x30]  }
0x71: {  	v3 =	vld [tilespmem:$0xB0];
	_ =	sdelay $0x6  }
0x72: {  	v2 =	vld.idx.msk [tilespmem:v2+s22+$0x0], $0xffff  }
0x73: {  	v59 =	vld.idx.msk [tilespmem:v3+s22+$0x0], $0xffff;
	_ =	sdelay $0x4  }
0x74: {  	v2 =	vmul.f32 v59, v2;
	_ =	sdelay $0x1  }
0x75: {  	vm11 =	vgt.f32 v2, $5.000000000e-01  }
0x76: {  	v2 =	vnsel vm11, $0x2710, v3;
	_ =	sdelay $0x3  }
0x77: {  	[tilespmem:$0x130] =	vst v2  }
0x78: {  	[tilespmem:v2+s26+$0x0] =	vst.idx.add.f32.msk $0xffff, v1  }
0x79: {  	v2 =	vld [tilespmem:$0x40]  }
0x7a: {  	v3 =	vld [tilespmem:$0xC0];
	_ =	sdelay $0x6  }
0x7b: {  	v2 =	vld.idx.msk [tilespmem:v2+s22+$0x0], $0xffff  }
0x7c: {  	v60 =	vld.idx.msk [tilespmem:v3+s22+$0x0], $0xffff;
	_ =	sdelay $0x4  }
0x7d: {  	v2 =	vmul.f32 v60, v2;
	_ =	sdelay $0x1  }
0x7e: {  	vm12 =	vgt.f32 v2, $5.000000000e-01  }
0x7f: {  	v2 =	vnsel vm12, $0x2710, v3;
	_ =	sdelay $0x3  }
0x80: {  	[tilespmem:$0x140] =	vst v2  }
0x81: {  	[tilespmem:v2+s26+$0x0] =	vst.idx.add.f32.msk $0xffff, v1  }
0x82: {  	v2 =	vld [tilespmem:$0x50]  }
0x83: {  	v3 =	vld [tilespmem:$0xD0];
	_ =	sdelay $0x6  }
0x84: {  	v2 =	vld.idx.msk [tilespmem:v2+s22+$0x0], $0xffff  }
0x85: {  	v61 =	vld.idx.msk [tilespmem:v3+s22+$0x0], $0xffff;
	_ =	sdelay $0x4  }
0x86: {  	v2 =	vmul.f32 v61, v2;
	_ =	sdelay $0x1  }
0x87: {  	vm13 =	vgt.f32 v2, $5.000000000e-01  }
0x88: {  	v2 =	vnsel vm13, $0x2710, v3;
	_ =	sdelay $0x3  }
0x89: {  	[tilespmem:$0x150] =	vst v2  }
0x8a: {  	[tilespmem:v2+s26+$0x0] =	vst.idx.add.f32.msk $0xffff, v1  }
0x8b: {  	v2 =	vld [tilespmem:$0x60]  }
0x8c: {  	v3 =	vld [tilespmem:$0xE0];
	_ =	sdelay $0x6  }
0x8d: {  	v2 =	vld.idx.msk [tilespmem:v2+s22+$0x0], $0xffff  }
0x8e: {  	v62 =	vld.idx.msk [tilespmem:v3+s22+$0x0], $0xffff;
	_ =	sdelay $0x4  }
0x8f: {  	v2 =	vmul.f32 v62, v2;
	_ =	sdelay $0x1  }
0x90: {  	vm14 =	vgt.f32 v2, $5.000000000e-01  }
0x91: {  	v2 =	vnsel vm14, $0x2710, v3;
	_ =	sdelay $0x3  }
0x92: {  	[tilespmem:$0x160] =	vst v2  }
0x93: {  	[tilespmem:v2+s26+$0x0] =	vst.idx.add.f32.msk $0xffff, v1  }
0x94: {  	v2 =	vld [tilespmem:$0x70]  }
0x95: {  	v3 =	vld [tilespmem:$0xF0];
	_ =	sdelay $0x6  }
0x96: {  	v2 =	vld.idx.msk [tilespmem:v2+s22+$0x0], $0xffff  }
0x97: {  	v63 =	vld.idx.msk [tilespmem:v3+s22+$0x0], $0xffff;
	_ =	sdelay $0x4  }
0x98: {  	v2 =	vmul.f32 v63, v2;
	_ =	sdelay $0x1  }
0x99: {  	vm15 =	vgt.f32 v2, $5.000000000e-01  }
0x9a: {  	v2 =	vnsel vm15, $0x2710, v3;
	_ =	sdelay $0x3  }
0x9b: {  	[tilespmem:$0x170] =	vst v2  }
0x9c: {  	[tilespmem:v2+s26+$0x0] =	vst.idx.add.f32.msk $0xffff, v1  }
0x9d: {  	[tilespmem:s24], [sflag:$0x1] =	stream.indirect.gather [hbm4b:s4+s25], $0x80, s3, s25, $0xb8;
	[tilespmem:$0x1FE80] =	vst v63  }
0x9e: {  	_ =	swait.ge [sflag:s28], $0x4000  }
0x9f: {  	p0 =	sne.s32 s5, $0x4E0;
	[sflag:s28] =	ssyncset.done $0x0  }
.Ltmp2:
0xa0: {  	[sflag:s28] =	ssyncadd.s32 $0xFFFFC000;
	(pc) =	sbr.rel @p0 .LBB2_6-.Ltmp2, $4  }
0xa1: {  	[spmem:s1] =	stream.indirect.scatter.add.f32 [tilespmem:s24], [sflag:$0x2], $0x80, s29, s25, $0xb8;
	[tilespmem:$0x1FE80] =	vst v63  }
0xa2: {  	_ =	swait.ge [sflag:s23], $0x4000  }
0xa3: {  	[sflag:s23] =	ssyncset.done $0x0  }
0xa4: {  	s5 =	sadd.s32 $0x10, s5;
	[sflag:s23] =	ssyncadd.s32 $0xFFFFC000  }
0xa5: {  	[bflag:$0x0] =	sbarrier.arrive $0xFFFF  }
0xa6: {  	s5 =	rddreg [dreg:$0x5]  }
0xa7: {  	[spmem:s5] =	stream.strided.scatter [tilespmem:s26], [sflag:$0x2], $0x2800, s30, s25, $0x38;
	[tilespmem:$0x1FE80] =	vst v63  }
0xa8: {  	_ =	swait.ge [sflag:s23], $0x2800  }
0xa9: {  	[sflag:s23] =	ssyncset.done $0x0  }
0xaa: {  	[sflag:s23] =	ssyncadd.s32 $0xFFFFD800  }
0xab: {  	[bflag:$0x0] =	sbarrier.arrive $0xFFFF  }
0xac: {  	[tilespmem:s31], [sflag:$0x2] =	stream.strided.gather [spmem:s12], $0x280, s30, s25, $0x38;
	[tilespmem:$0x1FE80] =	vst v63  }
0xad: {  	_ =	swait.ge [sflag:s23], $0x280  }
0xae: {  	[sflag:s23] =	ssyncset.done $0x0  }
0xaf: {  	s5 =	simm.s32 $0x1;
	[sflag:s23] =	ssyncadd.s32 $0xFFFFFD80  }
.LBB2_8:
0xb0: {  	s11 =	sshrl.u32 s5, $0x3  }
0xb1: {  	s11 =	smul.u32 $0x50000, s11;
	_ =	sdelay $0x1  }
0xb2: {  	s13 =	sshll.u32 s5, $0x7;
	s11 =	sshra.s32 s11, $0x2  }
0xb3: {  	s13 =	sand.u32 $0x380, s13;
	s11 =	sadd.s32 s11, s12  }
0xb4: {  	s11 =	sadd.s32 s13, s11  }
0xb5: {  	[tilespmem:s0], [sflag:$0x2] =	stream.strided.gather [spmem:s11], $0x280, s30, s25, $0x38;
	[tilespmem:$0x1FE80] =	vst v63  }
0xb6: {  	_ =	swait.ge [sflag:s23], $0x280  }
0xb7: {  	[sflag:s23] =	ssyncset.done $0x0  }
0xb8: {  	s11 =	simm.s32 $0x0;
	[sflag:s23] =	ssyncadd.s32 $0xFFFFFD80  }
0xb9: {  	s13 =	simm.s32 $0x40;
	v2 =	vld [tilespmem:s11+$0x9400]  }
.LBB2_9:
0xba: {  	p0 =	sne.s32 s13, $0x9C0;
	v3 =	vld [tilespmem:s11+$0x9180];
	_ =	sdelay $0x2  }
.Ltmp3:
0xbb: {  	(pc) =	sbr.rel @p0 .LBB2_9-.Ltmp3, $4  }
0xbc: {  	_ = 	snop  }
0xbd: {  	v3 =	vadd.f32 v2, v3  }
0xbe: {  	s14 =	sshra.s32 s13, $0x2  }
0xbf: {  	s13 =	sadd.s32 $0x40, s13;
	v2 =	vld [tilespmem:s14+$0x9400];
	[tilespmem:s11+$0x9180] =	vst v3;
	s11 =	smov.u32 s14  }
0xc0: {  	v3 =	vld [tilespmem:s11+$0x9180]  }
0xc1: {  	s5 =	sadd.s32 $0x1, s5  }
0xc2: {  	p0 =	sne.s32 s5, $0x10  }
.Ltmp4:
0xc3: {  	_ = 	snop;
	(pc) =	sbr.rel @p0 .LBB2_8-.Ltmp4, $3  }
0xc4: {  	_ = 	snop  }
0xc5: {  	v2 =	vadd.f32 v2, v3;
	_ =	sdelay $0x1  }
0xc6: {  	[tilespmem:s11+$0x9180] =	vst v2  }
0xc7: {  	s5 =	rddreg [dreg:$0x6]  }
0xc8: {  	[hbm4b:s5+s25] =	stream.strided.scatter [tilespmem:s31], [sflag:$0x2], $0x280, s29, s25, $0x38;
	[tilespmem:$0x1FE80] =	vst v63  }
0xc9: {  	s11 =	stileid.u32;
	_ =	swait.ge [sflag:s23], $0x280  }
0xca: {  	s5 =	sshll.u32 s11, $0x6;
	s11 =	sshrl.u32 s6, $0x3;
	[sflag:s23] =	ssyncset.done $0x0  }
0xcb: {  	s5 =	sor.u32 $0x1C02, s5;
	s13 =	rddreg [dreg:$0x7];
	[sflag:s23] =	ssyncadd.s32 $0xFFFFFD80  }
0xcc: {  	[hbm:s13], [sflag:s5] =	dma.local [spmem:s11], $0x800  }
0xcd: {  	_ =	swait.ge [sflag:s23], $0x800  }
0xce: {  	[sflag:s23] =	ssyncset.done $0x0  }
0xcf: {  	s13 =	sshrl.u32 s7, $0x3;
	[sflag:s23] =	ssyncadd.s32 $0xFFFFF800  }
0xd0: {  	[hbm:s15], [sflag:s5] =	dma.local [spmem:s13], $0x800  }
0xd1: {  	_ =	swait.ge [sflag:s23], $0x800  }
0xd2: {  	[sflag:s23] =	ssyncset.done $0x0  }
0xd3: {  	s14 =	sshrl.u32 s8, $0x3;
	[sflag:s23] =	ssyncadd.s32 $0xFFFFF800  }
0xd4: {  	[hbm:s16], [sflag:s5] =	dma.local [spmem:s14], $0x800  }
0xd5: {  	_ =	swait.ge [sflag:s23], $0x800  }
0xd6: {  	[sflag:s23] =	ssyncset.done $0x0  }
0xd7: {  	s13 =	sshrl.u32 s9, $0x3;
	[sflag:s23] =	ssyncadd.s32 $0xFFFFF800  }
0xd8: {  	[hbm:s17], [sflag:s5] =	dma.local [spmem:s13], $0x800  }
0xd9: {  	s2 =	sadd.s32 $0x1, s2;
	_ =	swait.ge [sflag:s23], $0x800  }
0xda: {  	p0 =	sne.s32 s2, s19;
	[sflag:s23] =	ssyncset.done $0x0  }
.Ltmp5:
0xdb: {  	s14 =	sshrl.u32 s10, $0x3;
	[sflag:s23] =	ssyncadd.s32 $0xFFFFF800;
	(pc) =	sbr.rel @p0 .LBB2_1-.Ltmp5, $4  }
0xdc: {  	[hbm:s18], [sflag:s5] =	dma.local [spmem:s14], $0x800  }
0xdd: {  	_ =	swait.ge [sflag:s23], $0x800  }
0xde: {  	[sflag:s23] =	ssyncset.done $0x0  }
0xdf: {  	[sflag:s23] =	ssyncadd.s32 $0xFFFFF800  }
0xe0: {  	_ =	sfence.sel $0x180000  }
0xe1: {  	[bflag:$0x0] =	sbarrier.arrive $0xFFFF  }
0xe2: {  	_ =	strace $0x9000004D  }
0xe3: {  	s0 =	stileid.u32;
	[bflag:$0x2] =	sbarrier.arrive $0xFFFF  }
0xe4: {  	p0 =	sne.s32 s0, $0x0;
	s0 =	rddreg [dreg:$0x3]  }
0xe5: {  	s0 =	sadd.s32 @!p0 $0x100000, s0  }
0xe6: {  	[sflag:s0] =	ssyncadd.tile.s32 @!p0 $0x1;
	_ =	shalt  }
.Lfunc_end2:
_tile_overlayer_lowered:
.L_overlay_start_2:
0xe7: {  	(tag) =	ssettag $0x2  }
0xe8: {  	s0 =	rddreg [dreg:$0x0];
	s2 =	stileid.u32  }
0xe9: {  	s1 =	rddreg [dreg:$0x1];
	p0 =	sne.s32 s2, $0x0  }
0xea: {  	s3 =	rddreg [dreg:$0x2];
	[bflag:$0x3] =	sbarrier.arrive $0xFFFF;
	s2 =	simm.s32 @!p0 $0x1C02  }
0xeb: {  	[timem:s3], [sflag:s2] =	dma.local @!p0 [hbm:s0], s1  }
0xec: {  	s0 =	simm.s32 @!p0 $0x2  }
0xed: {  	_ =	swait.ge @!p0 [sflag:s0], s1  }
0xee: {  	s1 =	ssub.s32 @!p0 $0x0, s1;
	[sflag:s0] =	ssyncset.done @!p0 $0x0  }
0xef: {  	[sflag:s0] =	ssyncadd.s32 @!p0 s1  }
0xf0: {  	[bflag:$0x3] =	sbarrier.arrive $0xFFFF  }
0xf1: {  	_ =	shalt  }

// kernel: kernel.20.cloned.1.call-start
scs
__scs_entry_jumppad:
0x0: {  	(pc) =	sbr.rel $0x88, $3  }
0x1: {  	(tag) =	ssettag $0x0;
	lr =	simm.s32 $0x1  }
0x2: {  	[smem:$0x3F84] =	sst lr;
	_ =	strace $0xD0000000  }
0x3: {  	_ = 	snop  }
0x4: {  	_ = 	snop  }
0x5: {  	_ = 	snop  }
0x6: {  	_ = 	snop  }
0x7: {  	_ = 	snop  }
__scs_overlays_trampoline_lowered:
0x8: {  	[smem:$0x3F93] =	sst s0  }
0x9: {  	[smem:$0x3F94] =	sst s1  }
0xa: {  	[smem:$0x3F95] =	sst s2  }
0xb: {  	[smem:$0x3F96] =	sst s3  }
0xc: {  	[smem:$0x3F97] =	sst s4  }
0xd: {  	[smem:$0x3F98] =	sst s5  }
0xe: {  	[smem:$0x3F99] =	sst s6  }
0xf: {  	[smem:$0x3F9A] =	sst s7  }
0x10: {  	[smem:$0x3F9B] =	sst s8  }
0x11: {  	[smem:$0x3F9C] =	sst s9;
	s0 =	simm.s32 @!p0 $0x0  }
0x12: {  	s1 =	sld [smem:$0x3F82];
	s0 =	simm.s32 @p0 $0x1  }
0x13: {  	[smem:$0x3F9D] =	sst s0;
	s0 =	simm.s32 @!p1 $0x0  }
0x14: {  	s2 =	sld [smem:$0x3F81];
	s0 =	simm.s32 @p1 $0x1  }
0x15: {  	[smem:$0x3F9E] =	sst s0;
	s0 =	simm.s32 @!p2 $0x0  }
0x16: {  	s3 =	sld [smem:$0x3FDB];
	s0 =	simm.s32 @p2 $0x1  }
0x17: {  	s4 =	simm.s32 $0x1BF5;
	[smem:$0x3FA0] =	sst s0  }
0x18: {  	s0 =	sld [smem:$0x3F83];
	_ =	swait.ge [sflag:s4], $0x0  }
0x19: {  	s7 =	sld [smem:$0x3F84]  }
0x1a: {  	s8 =	sadd.s32 $0xFFFFE003, lr  }
0x1b: {  	s9 =	sadd.s32 $0xFFFFFEF7, lr;
	s5 =	simm.s32 $0xFFFFFFFF;
	p2 =	slt.u32 s8, $0xFFFFF086  }
0x1c: {  	p1 =	slt.u32 s9, $0xF7A;
	s5 =	simm.s32 @!p2 $0x0  }
0x1d: {  	s5 =	simm.s32 @p1 $0x1;
	p0 =	seq.s32 s7, s2  }
0x1e: {  	s7 =	smul.u32 @!p0 $0xF7A, s2;
	p2 =	seq.s32 @!p0 s5, $0x0  }
0x1f: {  	s9 =	smul.u32 $0xF7A, s1;
	s8 =	simm.s32 @!p0 $0x1BF5;
	p2 =	por !p2, p0  }
0x20: {  	[sflag:s8] =	ssyncset.s32 @!p0 $0xFFFFF086;
	s6 =	sadd.s32 @!p0 s3, s7;
	s7 =	simm.s32 @!p0 $0x108  }
0x21: {  	s3 =	sadd.s32 s3, s9;
	s6 =	sadd.s32 @!p0 $0x88, s6;
	s7 =	simm.s32 @p2 $0x1082  }
0x22: {  	[simem:s7], [sflag:s8] =	dma.local @!p0 [hbm:s6], $0xF7A  }
0x23: {  	s9 =	sor.u32 $0xD0000000, s2;
	s6 =	simm.s32 $0x108;
	_ =	swait.ge @!p0 [sflag:s8], $0x0  }
0x24: {  	s3 =	sadd.s32 $0x88, s3;
	s6 =	simm.s32 @!p1 $0x1082;
	[sflag:s4] =	ssyncset.s32 $0xFFFFF086  }
0x25: {  	[simem:s6], [sflag:s4] =	dma.local [hbm:s3], $0xF7A  }
0x26: {  	[smem:$0x3F84] =	sst s1;
	(tag) =	ssettag s2;
	_ =	strace s9  }
0x27: {  	s1 =	sld [smem:$0x3F94]  }
0x28: {  	s2 =	sld [smem:$0x3F95]  }
0x29: {  	s4 =	sld [smem:$0x3F97]  }
0x2a: {  	p0 =	seq.s32 s5, $0x0;
	s5 =	sld [smem:$0x3F98]  }
0x2b: {  	s6 =	sld [smem:$0x3F99]  }
0x2c: {  	s7 =	sld [smem:$0x3F9A]  }
0x2d: {  	s3 =	simm.s32 $0x108;
	s8 =	sld [smem:$0x3F9B]  }
0x2e: {  	s3 =	simm.s32 @!p0 $0x1082;
	s9 =	sld [smem:$0x3F9C]  }
0x2f: {  	lr =	sadd.s32 s0, s3;
	s0 =	sld [smem:$0x3F93]  }
0x30: {  	s3 =	sld [smem:$0x3F96]  }
0x31: {  	[smem:$0x3F9F] =	sst s10  }
0x32: {  	s10 =	sld [smem:$0x3F9D];
	_ =	sdelay $0x3  }
0x33: {  	p0 =	seq.s32 s10, $0x1;
	s10 =	sld [smem:$0x3F9F];
	_ =	sdelay $0x3  }
0x34: {  	[smem:$0x3F9F] =	sst s10  }
0x35: {  	s10 =	sld [smem:$0x3F9E];
	_ =	sdelay $0x3  }
0x36: {  	p1 =	seq.s32 s10, $0x1;
	s10 =	sld [smem:$0x3F9F];
	_ =	sdelay $0x3  }
0x37: {  	[smem:$0x3F9F] =	sst s10  }
0x38: {  	s10 =	sld [smem:$0x3FA0]  }
0x39: {  	_ = 	snop;
	(pc) =	sbr.ind lr, $3  }
0x3a: {  	_ = 	snop  }
0x3b: {  	_ = 	snop  }
0x3c: {  	p2 =	seq.s32 s10, $0x1;
	s10 =	sld [smem:$0x3F9F]  }
0x3d: {  	_ =	shalt  }
0x3e: {  	_ =	shalt  }
0x3f: {  	_ =	shalt  }
0x40: {  	_ =	shalt  }
0x41: {  	_ =	shalt  }
0x42: {  	_ =	shalt  }
0x43: {  	_ =	shalt  }
0x44: {  	_ =	shalt  }
0x45: {  	_ =	shalt  }
0x46: {  	_ =	shalt  }
0x47: {  	_ =	shalt  }
0x48: {  	_ =	shalt  }
0x49: {  	_ =	shalt  }
0x4a: {  	_ =	shalt  }
0x4b: {  	_ =	shalt  }
0x4c: {  	_ =	shalt  }
0x4d: {  	_ =	shalt  }
0x4e: {  	_ =	shalt  }
0x4f: {  	_ =	shalt  }
0x50: {  	_ =	shalt  }
0x51: {  	_ =	shalt  }
0x52: {  	_ =	shalt  }
0x53: {  	_ =	shalt  }
0x54: {  	_ =	shalt  }
0x55: {  	_ =	shalt  }
0x56: {  	_ =	shalt  }
0x57: {  	_ =	shalt  }
0x58: {  	_ =	shalt  }
0x59: {  	_ =	shalt  }
0x5a: {  	_ =	shalt  }
0x5b: {  	_ =	shalt  }
0x5c: {  	_ =	shalt  }
0x5d: {  	_ =	shalt  }
0x5e: {  	_ =	shalt  }
0x5f: {  	_ =	shalt  }
0x60: {  	_ =	shalt  }
0x61: {  	_ =	shalt  }
0x62: {  	_ =	shalt  }
0x63: {  	_ =	shalt  }
0x64: {  	_ =	shalt  }
0x65: {  	_ =	shalt  }
0x66: {  	_ =	shalt  }
0x67: {  	_ =	shalt  }
0x68: {  	_ =	shalt  }
0x69: {  	_ =	shalt  }
0x6a: {  	_ =	shalt  }
0x6b: {  	_ =	shalt  }
0x6c: {  	_ =	shalt  }
0x6d: {  	_ =	shalt  }
0x6e: {  	_ =	shalt  }
0x6f: {  	_ =	shalt  }
0x70: {  	_ =	shalt  }
0x71: {  	_ =	shalt  }
0x72: {  	_ =	shalt  }
0x73: {  	_ =	shalt  }
0x74: {  	_ =	shalt  }
0x75: {  	_ =	shalt  }
0x76: {  	_ =	shalt  }
0x77: {  	_ =	shalt  }
0x78: {  	_ =	shalt  }
0x79: {  	_ =	shalt  }
0x7a: {  	_ =	shalt  }
0x7b: {  	_ =	shalt  }
0x7c: {  	_ =	shalt  }
0x7d: {  	_ =	shalt  }
0x7e: {  	_ =	shalt  }
0x7f: {  	_ =	shalt  }
0x80: {  	_ =	shalt  }
0x81: {  	_ =	shalt  }
0x82: {  	_ =	shalt  }
0x83: {  	_ =	shalt  }
0x84: {  	_ =	shalt  }
0x85: {  	_ =	shalt  }
0x86: {  	_ =	shalt  }
0x87: {  	_ =	shalt  }
.Lfunc_end0:
.L_simem_size_0:
called_computation.3_lowered:
.L_overlay_start_0:
0x88: {  	s2 =	sld [smem:$0x3FD9]  }
0x89: {  	s3 =	sld [smem:$0x3FFE];
	_ =	sdelay $0x1  }
0x8a: {  	s1 =	srdreg.scid  }
0x8b: {  	s0 =	sand.u32 $0x1, s1  }
0x8c: {  	s16 =	sshll.u32 s0, $0xA;
	s2 =	sadd.s32 s3, s2  }
0x8d: {  	s2 =	sadd.s32 s2, s16  }
0x8e: {  	[smem:$0x3FAB] =	sst s2  }
0x8f: {  	_ = 	snop  }
0x90: {  	(tm) =	ssettm $0x1  }
0x91: {  	s17 =	sld [smem:$0x3FFB];
	_ =	sdelay $0x3  }
0x92: {  	_ =	strace s17  }
0x93: {  	s2 =	sld [smem:$0x3FFC];
	_ =	sdelay $0x3  }
0x94: {  	_ =	strace s2  }
0x95: {  	s2 =	sld [smem:$0x3FFD];
	_ =	sdelay $0x3  }
0x96: {  	_ =	strace s2  }
0x97: {  	_ =	strace $0x8FFFFFFF  }
0x98: {  	s18 =	sld [smem:$0x3FDB];
	_ =	sdelay $0x1  }
0x99: {  	s19 =	simm.s32 $_scs_section_size  }
0x9a: {  	s4 =	simm.s32 $_size__tile_overlayer_lowered;
	s5 =	simm.s32 $_tile_overlayer_lowered  }
0x9b: {  	s22 =	simm.s32 $0x1BFF;
	s21 =	sshll.u32 s5, $0x1;
	s2 =	sadd.s32 s19, s18  }
0x9c: {  	s6 =	simm.s32 $0x0;
	s20 =	sshll.u32 s4, $0x1;
	s4 =	sadd.s32 s21, s2  }
0x9d: {  	[timem:s6], [sflag:s22] =	dma.local [hbm:s4], s20  }
0x9e: {  	_ =	swait.ge [sflag:s22], s20  }
0x9f: {  	s3 =	ssub.s32 $0x0, s20;
	[sflag:s22] =	ssyncset.done $0x0  }
0xa0: {  	[sflag:s22] =	ssyncadd.s32 s3;
	_ =	sdelay $0x1  }
0xa1: {  	s23 =	simm.s32 $0x1B8B  }
0xa2: {  	_ =	swait.ge [sflag:s23], $0x1  }
0xa3: {  	[sflag:s23] =	ssyncset.done $0x0  }
0xa4: {  	s25 =	simm.s32 $0x1B8E;
	s24 =	sld [smem:$0x3FFE];
	[sflag:s23] =	ssyncadd.s32 $0xFFFFFFFF  }
0xa5: {  	s26 =	simm.s32 $execute0_lowered;
	[smem:$0x3FD2] =	sst s25  }
0xa6: {  	s4 =	sshll.u32 s26, $0x1;
	_ =	strace $0x8000004F;
	[dreg:$0x1] =	wrdreg $0xFFFFFFFF  }
0xa7: {  	s28 =	simm.s32 $_size_execute0_lowered;
	s2 =	sadd.s32 s2, s4;
	[dreg:$0x0] =	wrdreg $0x0  }
0xa8: {  	s4 =	sshll.u32 s28, $0x1;
	[dreg:$0x2] =	wrdreg s2  }
0xa9: {  	[dreg:$0x3] =	wrdreg s4  }
0xaa: {  	[dreg:$0x4] =	wrdreg $0xC0  }
0xab: {  	_ =	task [dreg:s6], $0x5FFFF  }
0xac: {  	[dreg:$0x1] =	wrdreg $0xFFFFFFFF  }
0xad: {  	[dreg:$0x0] =	wrdreg $0x60  }
0xae: {  	[dreg:$0x2] =	wrdreg s24  }
0xaf: {  	[dreg:$0x3] =	wrdreg $0x96800  }
0xb0: {  	[dreg:$0x4] =	wrdreg $0x1D6800  }
0xb1: {  	[dreg:$0x5] =	wrdreg $0x9  }
0xb2: {  	_ =	task.clear_ibuf [dreg:s6], $0x6FFFF;
	_ =	strace $0x9000004F  }
0xb3: {  	s29 =	simm.s32 $0x9;
	_ =	strace $0x80000051  }
0xb4: {  	_ =	swait.ge [sflag:s29], $0x1  }
0xb5: {  	[sflag:s29] =	ssyncadd.s32 $0xFFFFFFFF  }
0xb6: {  	_ =	strace $0x90000051  }
0xb7: {  	_ =	sfence  }
0xb8: {  	s30 =	sld [smem:$0x0];
	_ =	sdelay $0x2  }
0xb9: {  	s31 =	sshll.u32 s1, $0xD;
	s1 =	sshrl.u32 s1, $0x2  }
0xba: {  	s3 =	sand.u32 $0x4000, s31;
	s1 =	sadd.s32 s1, s30  }
0xbb: {  	s0 =	sor.u32 s3, s0;
	s1 =	sshll.u32 s1, $0x11  }
0xbc: {  	s0 =	sor.u32 s1, s0  }
0xbd: {  	s0 =	sadd.s32 $0x8F2B, s0  }
0xbe: {  	[sflag:s0] =	ssyncadd.remote.s32 $0x1  }
0xbf: {  	_ =	sfence.sel $0xFFFF  }
0xc0: {  	[dreg:$0x0] =	wrdreg $0xFFFFFFFF;
	(pc) =	sbr.abs _section_cstart, $3  }
0xc1: {  	[dreg:$0x1] =	wrdreg $0xFFFFFFFF  }
0xc2: {  	_ =	task.clear_ibuf [dreg:s6], $0x2FFFF;
	_ =	strace $0x9FFFFFFF  }
0xc3: {  	(tm) =	ssettm $0x7FFFFFFF  }
tec
execute0_lowered:
.L_overlay_start_1:
0x0: {  	(tag) =	ssettag $0x1  }
0x1: {  	s0 =	rddreg [dreg:$0x0]  }
0x2: {  	s1 =	rddreg [dreg:$0x1]  }
0x3: {  	s2 =	rddreg [dreg:$0x2];
	s3 =	simm.s32 $0x0;
	s4 =	srdreg.scid  }
0x4: {  	s23 =	stileid.u32;
	s28 =	simm.s32 $0x1;
	s29 =	simm.s32 $0x100  }
0x5: {  	s30 =	simm.s32 $0x400;
	s31 =	simm.s32 $0x9180;
	[smem:$0x7FF] =	sst s3  }
0x6: {  	s5 =	sand.u32 $0x1, s4;
	s6 =	smul.u32 $0x500, s23;
	s4 =	sadd.s32 $0x9E00, s0  }
0x7: {  	s7 =	sadd.s32 $0x3BC00, s0;
	s11 =	sadd.s32 $0x3CC00, s0;
	s24 =	smul.u32 $0x50000, s23  }
0x8: {  	s13 =	smul.u32 $0x14000, s23;
	s9 =	sshrl.u32 s23, $0x3;
	s12 =	sshll.u32 s23, $0x7  }
0x9: {  	s18 =	smul.u32 $0x5000, s23;
	_ =	strace $0x80000050;
	[dreg:$0x4] =	wrdreg s7  }
0xa: {  	s22 =	sshll.u32 s5, $0x7;
	s8 =	ssub.s32 $0x2, s5;
	s10 =	smul.u32 $0x50000, s9  }
0xb: {  	s12 =	sand.u32 $0x380, s12;
	s6 =	sor.u32 s22, s6;
	s25 =	sshrl.u32 s8, $0x1  }
0xc: {  	s7 =	sshrl.u32 s24, $0x2;
	s15 =	sadd.s32 $0x4000, s13;
	s16 =	sadd.s32 $0x8000, s13  }
0xd: {  	s17 =	sadd.s32 $0xC000, s13;
	s20 =	sadd.s32 $0x10000, s13;
	s22 =	smul.u32 $0x140000, s5  }
0xe: {  	s18 =	sshrl.u32 s18, $0x2;
	s5 =	smul.u32 $0x4F00, s5;
	s6 =	sshrl.u32 s6, $0x3  }
0xf: {  	s19 =	ssub.s32 s8, s25;
	s8 =	sadd.s32 s16, s1;
	s9 =	sadd.s32 s17, s1  }
0x10: {  	s10 =	sshrl.u32 s10, $0x2;
	s25 =	smul.u32 $0x4F0, s23;
	s23 =	simm.s32 $0x2  }
0x11: {  	s14 =	sadd.s32 s6, s0;
	s6 =	sadd.s32 s7, s1;
	s7 =	sadd.s32 s15, s1  }
0x12: {  	s21 =	sadd.s32 s10, s2;
	s10 =	sadd.s32 s20, s1;
	s15 =	sadd.s32 s22, s15  }
0x13: {  	s16 =	sadd.s32 s22, s16;
	s24 =	sadd.s32 s22, s20;
	s0 =	sadd.s32 s5, s0  }
0x14: {  	s19 =	smax.u32 s19, $0x1;
	s12 =	sadd.s32 s12, s21;
	s26 =	sadd.s32 $0x3C200, s14  }
0x15: {  	s14 =	sadd.s32 s13, s22;
	s13 =	sshrl.u32 s15, $0x3;
	s21 =	sadd.s32 s22, s17  }
0x16: {  	s20 =	sadd.s32 s25, s0;
	s22 =	simm.s32 $0x4180;
	s25 =	simm.s32 $0x80  }
0x17: {  	s0 =	simm.s32 $0x9400;
	[dreg:$0x5] =	wrdreg s12;
	s12 =	sadd.s32 s18, s2  }
0x18: {  	[dreg:$0x6] =	wrdreg s26;
	s2 =	sshrl.u32 s14, $0x3;
	s15 =	sadd.s32 s11, s13  }
0x19: {  	s18 =	sshrl.u32 s16, $0x3;
	s26 =	sshrl.u32 s24, $0x3;
	s24 =	simm.s32 $0x180  }
0x1a: {  	s2 =	sadd.s32 s11, s2;
	s16 =	sadd.s32 s11, s18;
	s18 =	sadd.s32 s11, s26  }
0x1b: {  	s26 =	simm.s32 $0x6980;
	[dreg:$0x7] =	wrdreg s2;
	s2 =	sshrl.u32 s21, $0x3  }
0x1c: {  	v0 =	vimm.f32 $0.0e+00;
	v1 =	vimm.f32 $1.000000000e+00;
	s21 =	sadd.s32 $0x31E00, s20;
	s17 =	sadd.s32 s11, s2;
	s2 =	simm.s32 $0x0  }
.LBB2_1:
0x1d: {  	s5 =	rddreg [dreg:$0x4]  }
0x1e: {  	[tilespmem:s22], [sflag:$0x2] =	stream.linear.gather [hbm4b:s5+s3], $0x2800, $0x38;
	[tilespmem:$0x1FE80] =	vst v63  }
0x1f: {  	_ =	swait.ge [sflag:s23], $0x2800  }
0x20: {  	[sflag:s23] =	ssyncset.done $0x0  }
0x21: {  	s11 =	simm.s32 $0x200;
	s5 =	simm.s32 $0x0;
	[sflag:s23] =	ssyncadd.s32 $0xFFFFD800  }
.LBB2_2:
0x22: {  	p0 =	sne.s32 s11, $0xFE00;
	[tilespmem:s5+$0x1F0] =	vst v0  }
0x23: {  	[tilespmem:s5+$0x180] =	vst v0  }
0x24: {  	[tilespmem:s5+$0x190] =	vst v0  }
.Ltmp0:
0x25: {  	[tilespmem:s5+$0x1A0] =	vst v0;
	(pc) =	sbr.rel @p0 .LBB2_2-.Ltmp0, $4  }
0x26: {  	[tilespmem:s5+$0x1B0] =	vst v0  }
0x27: {  	[tilespmem:s5+$0x1C0] =	vst v0  }
0x28: {  	[tilespmem:s5+$0x1D0] =	vst v0  }
0x29: {  	[tilespmem:s5+$0x1E0] =	vst v0;
	s5 =	sshra.s32 s11, $0x2;
	s11 =	sadd.s32 $0x200, s11  }
0x2a: {  	[tilespmem:s5+$0x1F0] =	vst v0  }
0x2b: {  	[tilespmem:s5+$0x180] =	vst v0  }
0x2c: {  	[tilespmem:s5+$0x190] =	vst v0  }
0x2d: {  	[tilespmem:s5+$0x1A0] =	vst v0  }
0x2e: {  	[tilespmem:s5+$0x1B0] =	vst v0  }
0x2f: {  	[tilespmem:s5+$0x1C0] =	vst v0  }
0x30: {  	[tilespmem:s5+$0x1D0] =	vst v0  }
0x31: {  	[tilespmem:s5+$0x1E0] =	vst v0  }
0x32: {  	[spmem:s6] =	stream.linear.scatter [tilespmem:s24], [sflag:$0x2], $0x4000, $0x38;
	[tilespmem:$0x1FE80] =	vst v63  }
0x33: {  	_ =	swait.ge [sflag:s23], $0x4000  }
0x34: {  	[sflag:s23] =	ssyncset.done $0x0  }
0x35: {  	[sflag:s23] =	ssyncadd.s32 $0xFFFFC000  }
0x36: {  	[spmem:s7] =	stream.linear.scatter [tilespmem:s24], [sflag:$0x2], $0x4000, $0x38;
	[tilespmem:$0x1FE80] =	vst v63  }
0x37: {  	_ =	swait.ge [sflag:s23], $0x4000  }
0x38: {  	[sflag:s23] =	ssyncset.done $0x0  }
0x39: {  	[sflag:s23] =	ssyncadd.s32 $0xFFFFC000  }
0x3a: {  	[spmem:s8] =	stream.linear.scatter [tilespmem:s24], [sflag:$0x2], $0x4000, $0x38;
	[tilespmem:$0x1FE80] =	vst v63  }
0x3b: {  	_ =	swait.ge [sflag:s23], $0x4000  }
0x3c: {  	[sflag:s23] =	ssyncset.done $0x0  }
0x3d: {  	[sflag:s23] =	ssyncadd.s32 $0xFFFFC000  }
0x3e: {  	[spmem:s9] =	stream.linear.scatter [tilespmem:s24], [sflag:$0x2], $0x4000, $0x38;
	[tilespmem:$0x1FE80] =	vst v63  }
0x3f: {  	_ =	swait.ge [sflag:s23], $0x4000  }
0x40: {  	[sflag:s23] =	ssyncset.done $0x0  }
0x41: {  	[sflag:s23] =	ssyncadd.s32 $0xFFFFC000  }
0x42: {  	[spmem:s10] =	stream.linear.scatter [tilespmem:s24], [sflag:$0x2], $0x4000, $0x38;
	[tilespmem:$0x1FE80] =	vst v63  }
0x43: {  	_ =	swait.ge [sflag:s23], $0x4000  }
0x44: {  	[sflag:s23] =	ssyncset.done $0x0  }
0x45: {  	s5 =	simm.s32 $0x40;
	s11 =	simm.s32 $0x0;
	[sflag:s23] =	ssyncadd.s32 $0xFFFFC000  }
.LBB2_4:
0x46: {  	p0 =	sne.s32 s5, $0x9FC0;
	[tilespmem:s11+$0x6980] =	vst v0;
	s11 =	smov.u32 s5;
	s5 =	sadd.s32 $0x40, s5  }
.Ltmp1:
0x47: {  	(pc) =	sbr.rel @p0 .LBB2_4-.Ltmp1, $2  }
0x48: {  	_ =	sdelay $0x2  }
0x49: {  	s11 =	sshra.s32 s11, $0x2  }
0x4a: {  	[tilespmem:s11+$0x6980] =	vst v0  }
0x4b: {  	s5 =	simm.s32 $0x0;
	[bflag:$0x0] =	sbarrier.arrive $0xFFFF  }
.LBB2_6:
0x4c: {  	s11 =	sadd.s32 s5, s20  }
0x4d: {  	[tilespmem:s3], [sflag:$0x2] =	stream.linear.gather [hbm4b:s11+s3], $0x80, $0x38;
	[tilespmem:$0x1FE80] =	vst v63  }
0x4e: {  	_ =	swait.ge [sflag:s23], $0x80  }
0x4f: {  	[sflag:s23] =	ssyncset.done $0x0  }
0x50: {  	s14 =	sadd.s32 s5, s21;
	[sflag:s23] =	ssyncadd.s32 $0xFFFFFF80  }
0x51: {  	[tilespmem:s25], [sflag:$0x2] =	stream.linear.gather [hbm4b:s14+s3], $0x80, $0x38;
	[tilespmem:$0x1FE80] =	vst v63  }
0x52: {  	_ =	swait.ge [sflag:s23], $0x80  }
0x53: {  	[sflag:s23] =	ssyncset.done $0x0  }
0x54: {  	[sflag:s23] =	ssyncadd.s32 $0xFFFFFF80  }
0x55: {  	v2 =	vld [tilespmem:$0x0]  }
0x56: {  	v3 =	vld [tilespmem:$0x80];
	_ =	sdelay $0x6  }
0x57: {  	v2 =	vld.idx.msk [tilespmem:v2+s22+$0x0], $0xffff  }
0x58: {  	v4 =	vld.idx.msk [tilespmem:v3+s22+$0x0], $0xffff;
	_ =	sdelay $0x4  }
0x59: {  	v2 =	vmul.f32 v4, v2;
	_ =	sdelay $0x1  }
0x5a: {  	vm0 =	vgt.f32 v2, $5.000000000e-01  }
0x5b: {  	v2 =	vnsel vm0, $0x2710, v3;
	_ =	sdelay $0x3  }
0x5c: {  	[tilespmem:$0x100] =	vst v2  }
0x5d: {  	[tilespmem:v2+s26+$0x0] =	vst.idx.add.f32.msk $0xffff, v1  }
0x5e: {  	v2 =	vld [tilespmem:$0x10]  }
0x5f: {  	v3 =	vld [tilespmem:$0x90];
	_ =	sdelay $0x6  }
0x60: {  	v2 =	vld.idx.msk [tilespmem:v2+s22+$0x0], $0xffff  }
0x61: {  	v57 =	vld.idx.msk [tilespmem:v3+s22+$0x0], $0xffff;
	_ =	sdelay $0x4  }
0x62: {  	v2 =	vmul.f32 v57, v2;
	_ =	sdelay $0x1  }
0x63: {  	vm9 =	vgt.f32 v2, $5.000000000e-01  }
0x64: {  	v2 =	vnsel vm9, $0x2710, v3;
	_ =	sdelay $0x3  }
0x65: {  	[tilespmem:$0x110] =	vst v2  }
0x66: {  	[tilespmem:v2+s26+$0x0] =	vst.idx.add.f32.msk $0xffff, v1  }
0x67: {  	v2 =	vld [tilespmem:$0x20]  }
0x68: {  	v3 =	vld [tilespmem:$0xA0];
	_ =	sdelay $0x6  }
0x69: {  	v2 =	vld.idx.msk [tilespmem:v2+s22+$0x0], $0xffff  }
0x6a: {  	v58 =	vld.idx.msk [tilespmem:v3+s22+$0x0], $0xffff;
	_ =	sdelay $0x4  }
0x6b: {  	v2 =	vmul.f32 v58, v2;
	_ =	sdelay $0x1  }
0x6c: {  	vm10 =	vgt.f32 v2, $5.000000000e-01  }
0x6d: {  	v2 =	vnsel vm10, $0x2710, v3;
	_ =	sdelay $0x3  }
0x6e: {  	[tilespmem:$0x120] =	vst v2  }
0x6f: {  	[tilespmem:v2+s26+$0x0] =	vst.idx.add.f32.msk $0xffff, v1  }
0x70: {  	v2 =	vld [tilespmem:$0x30]  }
0x71: {  	v3 =	vld [tilespmem:$0xB0];
	_ =	sdelay $0x6  }
0x72: {  	v2 =	vld.idx.msk [tilespmem:v2+s22+$0x0], $0xffff  }
0x73: {  	v59 =	vld.idx.msk [tilespmem:v3+s22+$0x0], $0xffff;
	_ =	sdelay $0x4  }
0x74: {  	v2 =	vmul.f32 v59, v2;
	_ =	sdelay $0x1  }
0x75: {  	vm11 =	vgt.f32 v2, $5.000000000e-01  }
0x76: {  	v2 =	vnsel vm11, $0x2710, v3;
	_ =	sdelay $0x3  }
0x77: {  	[tilespmem:$0x130] =	vst v2  }
0x78: {  	[tilespmem:v2+s26+$0x0] =	vst.idx.add.f32.msk $0xffff, v1  }
0x79: {  	v2 =	vld [tilespmem:$0x40]  }
0x7a: {  	v3 =	vld [tilespmem:$0xC0];
	_ =	sdelay $0x6  }
0x7b: {  	v2 =	vld.idx.msk [tilespmem:v2+s22+$0x0], $0xffff  }
0x7c: {  	v60 =	vld.idx.msk [tilespmem:v3+s22+$0x0], $0xffff;
	_ =	sdelay $0x4  }
0x7d: {  	v2 =	vmul.f32 v60, v2;
	_ =	sdelay $0x1  }
0x7e: {  	vm12 =	vgt.f32 v2, $5.000000000e-01  }
0x7f: {  	v2 =	vnsel vm12, $0x2710, v3;
	_ =	sdelay $0x3  }
0x80: {  	[tilespmem:$0x140] =	vst v2  }
0x81: {  	[tilespmem:v2+s26+$0x0] =	vst.idx.add.f32.msk $0xffff, v1  }
0x82: {  	v2 =	vld [tilespmem:$0x50]  }
0x83: {  	v3 =	vld [tilespmem:$0xD0];
	_ =	sdelay $0x6  }
0x84: {  	v2 =	vld.idx.msk [tilespmem:v2+s22+$0x0], $0xffff  }
0x85: {  	v61 =	vld.idx.msk [tilespmem:v3+s22+$0x0], $0xffff;
	_ =	sdelay $0x4  }
0x86: {  	v2 =	vmul.f32 v61, v2;
	_ =	sdelay $0x1  }
0x87: {  	vm13 =	vgt.f32 v2, $5.000000000e-01  }
0x88: {  	v2 =	vnsel vm13, $0x2710, v3;
	_ =	sdelay $0x3  }
0x89: {  	[tilespmem:$0x150] =	vst v2  }
0x8a: {  	[tilespmem:v2+s26+$0x0] =	vst.idx.add.f32.msk $0xffff, v1  }
0x8b: {  	v2 =	vld [tilespmem:$0x60]  }
0x8c: {  	v3 =	vld [tilespmem:$0xE0];
	_ =	sdelay $0x6  }
0x8d: {  	v2 =	vld.idx.msk [tilespmem:v2+s22+$0x0], $0xffff  }
0x8e: {  	v62 =	vld.idx.msk [tilespmem:v3+s22+$0x0], $0xffff;
	_ =	sdelay $0x4  }
0x8f: {  	v2 =	vmul.f32 v62, v2;
	_ =	sdelay $0x1  }
0x90: {  	vm14 =	vgt.f32 v2, $5.000000000e-01  }
0x91: {  	v2 =	vnsel vm14, $0x2710, v3;
	_ =	sdelay $0x3  }
0x92: {  	[tilespmem:$0x160] =	vst v2  }
0x93: {  	[tilespmem:v2+s26+$0x0] =	vst.idx.add.f32.msk $0xffff, v1  }
0x94: {  	v2 =	vld [tilespmem:$0x70]  }
0x95: {  	v3 =	vld [tilespmem:$0xF0];
	_ =	sdelay $0x6  }
0x96: {  	v2 =	vld.idx.msk [tilespmem:v2+s22+$0x0], $0xffff  }
0x97: {  	v63 =	vld.idx.msk [tilespmem:v3+s22+$0x0], $0xffff;
	_ =	sdelay $0x4  }
0x98: {  	v2 =	vmul.f32 v63, v2;
	_ =	sdelay $0x1  }
0x99: {  	vm15 =	vgt.f32 v2, $5.000000000e-01  }
0x9a: {  	v2 =	vnsel vm15, $0x2710, v3;
	_ =	sdelay $0x3  }
0x9b: {  	[tilespmem:$0x170] =	vst v2  }
0x9c: {  	[tilespmem:v2+s26+$0x0] =	vst.idx.add.f32.msk $0xffff, v1  }
0x9d: {  	[tilespmem:s24], [sflag:$0x1] =	stream.indirect.gather [hbm4b:s4+s25], $0x80, s3, s25, $0xb8;
	[tilespmem:$0x1FE80] =	vst v63  }
0x9e: {  	_ =	swait.ge [sflag:s28], $0x4000  }
0x9f: {  	p0 =	sne.s32 s5, $0x4E0;
	[sflag:s28] =	ssyncset.done $0x0  }
.Ltmp2:
0xa0: {  	[sflag:s28] =	ssyncadd.s32 $0xFFFFC000;
	(pc) =	sbr.rel @p0 .LBB2_6-.Ltmp2, $4  }
0xa1: {  	[spmem:s1] =	stream.indirect.scatter.add.f32 [tilespmem:s24], [sflag:$0x2], $0x80, s29, s25, $0xb8;
	[tilespmem:$0x1FE80] =	vst v63  }
0xa2: {  	_ =	swait.ge [sflag:s23], $0x4000  }
0xa3: {  	[sflag:s23] =	ssyncset.done $0x0  }
0xa4: {  	s5 =	sadd.s32 $0x10, s5;
	[sflag:s23] =	ssyncadd.s32 $0xFFFFC000  }
0xa5: {  	[bflag:$0x0] =	sbarrier.arrive $0xFFFF  }
0xa6: {  	s5 =	rddreg [dreg:$0x5]  }
0xa7: {  	[spmem:s5] =	stream.strided.scatter [tilespmem:s26], [sflag:$0x2], $0x2800, s30, s25, $0x38;
	[tilespmem:$0x1FE80] =	vst v63  }
0xa8: {  	_ =	swait.ge [sflag:s23], $0x2800  }
0xa9: {  	[sflag:s23] =	ssyncset.done $0x0  }
0xaa: {  	[sflag:s23] =	ssyncadd.s32 $0xFFFFD800  }
0xab: {  	[bflag:$0x0] =	sbarrier.arrive $0xFFFF  }
0xac: {  	[tilespmem:s31], [sflag:$0x2] =	stream.strided.gather [spmem:s12], $0x280, s30, s25, $0x38;
	[tilespmem:$0x1FE80] =	vst v63  }
0xad: {  	_ =	swait.ge [sflag:s23], $0x280  }
0xae: {  	[sflag:s23] =	ssyncset.done $0x0  }
0xaf: {  	s5 =	simm.s32 $0x1;
	[sflag:s23] =	ssyncadd.s32 $0xFFFFFD80  }
.LBB2_8:
0xb0: {  	s11 =	sshrl.u32 s5, $0x3  }
0xb1: {  	s11 =	smul.u32 $0x50000, s11;
	_ =	sdelay $0x1  }
0xb2: {  	s13 =	sshll.u32 s5, $0x7;
	s11 =	sshra.s32 s11, $0x2  }
0xb3: {  	s13 =	sand.u32 $0x380, s13;
	s11 =	sadd.s32 s11, s12  }
0xb4: {  	s11 =	sadd.s32 s13, s11  }
0xb5: {  	[tilespmem:s0], [sflag:$0x2] =	stream.strided.gather [spmem:s11], $0x280, s30, s25, $0x38;
	[tilespmem:$0x1FE80] =	vst v63  }
0xb6: {  	_ =	swait.ge [sflag:s23], $0x280  }
0xb7: {  	[sflag:s23] =	ssyncset.done $0x0  }
0xb8: {  	s11 =	simm.s32 $0x0;
	[sflag:s23] =	ssyncadd.s32 $0xFFFFFD80  }
0xb9: {  	s13 =	simm.s32 $0x40;
	v2 =	vld [tilespmem:s11+$0x9400]  }
.LBB2_9:
0xba: {  	p0 =	sne.s32 s13, $0x9C0;
	v3 =	vld [tilespmem:s11+$0x9180];
	_ =	sdelay $0x2  }
.Ltmp3:
0xbb: {  	(pc) =	sbr.rel @p0 .LBB2_9-.Ltmp3, $4  }
0xbc: {  	_ = 	snop  }
0xbd: {  	v3 =	vadd.f32 v2, v3  }
0xbe: {  	s14 =	sshra.s32 s13, $0x2  }
0xbf: {  	s13 =	sadd.s32 $0x40, s13;
	v2 =	vld [tilespmem:s14+$0x9400];
	[tilespmem:s11+$0x9180] =	vst v3;
	s11 =	smov.u32 s14  }
0xc0: {  	v3 =	vld [tilespmem:s11+$0x9180]  }
0xc1: {  	s5 =	sadd.s32 $0x1, s5  }
0xc2: {  	p0 =	sne.s32 s5, $0x10  }
.Ltmp4:
0xc3: {  	_ = 	snop;
	(pc) =	sbr.rel @p0 .LBB2_8-.Ltmp4, $3  }
0xc4: {  	_ = 	snop  }
0xc5: {  	v2 =	vadd.f32 v2, v3;
	_ =	sdelay $0x1  }
0xc6: {  	[tilespmem:s11+$0x9180] =	vst v2  }
0xc7: {  	s5 =	rddreg [dreg:$0x6]  }
0xc8: {  	[hbm4b:s5+s25] =	stream.strided.scatter [tilespmem:s31], [sflag:$0x2], $0x280, s29, s25, $0x38;
	[tilespmem:$0x1FE80] =	vst v63  }
0xc9: {  	s11 =	stileid.u32;
	_ =	swait.ge [sflag:s23], $0x280  }
0xca: {  	s5 =	sshll.u32 s11, $0x6;
	s11 =	sshrl.u32 s6, $0x3;
	[sflag:s23] =	ssyncset.done $0x0  }
0xcb: {  	s5 =	sor.u32 $0x1C02, s5;
	s13 =	rddreg [dreg:$0x7];
	[sflag:s23] =	ssyncadd.s32 $0xFFFFFD80  }
0xcc: {  	[hbm:s13], [sflag:s5] =	dma.local [spmem:s11], $0x800  }
0xcd: {  	_ =	swait.ge [sflag:s23], $0x800  }
0xce: {  	[sflag:s23] =	ssyncset.done $0x0  }
0xcf: {  	s13 =	sshrl.u32 s7, $0x3;
	[sflag:s23] =	ssyncadd.s32 $0xFFFFF800  }
0xd0: {  	[hbm:s15], [sflag:s5] =	dma.local [spmem:s13], $0x800  }
0xd1: {  	_ =	swait.ge [sflag:s23], $0x800  }
0xd2: {  	[sflag:s23] =	ssyncset.done $0x0  }
0xd3: {  	s14 =	sshrl.u32 s8, $0x3;
	[sflag:s23] =	ssyncadd.s32 $0xFFFFF800  }
0xd4: {  	[hbm:s16], [sflag:s5] =	dma.local [spmem:s14], $0x800  }
0xd5: {  	_ =	swait.ge [sflag:s23], $0x800  }
0xd6: {  	[sflag:s23] =	ssyncset.done $0x0  }
0xd7: {  	s13 =	sshrl.u32 s9, $0x3;
	[sflag:s23] =	ssyncadd.s32 $0xFFFFF800  }
0xd8: {  	[hbm:s17], [sflag:s5] =	dma.local [spmem:s13], $0x800  }
0xd9: {  	s2 =	sadd.s32 $0x1, s2;
	_ =	swait.ge [sflag:s23], $0x800  }
0xda: {  	p0 =	sne.s32 s2, s19;
	[sflag:s23] =	ssyncset.done $0x0  }
.Ltmp5:
0xdb: {  	s14 =	sshrl.u32 s10, $0x3;
	[sflag:s23] =	ssyncadd.s32 $0xFFFFF800;
	(pc) =	sbr.rel @p0 .LBB2_1-.Ltmp5, $4  }
0xdc: {  	[hbm:s18], [sflag:s5] =	dma.local [spmem:s14], $0x800  }
0xdd: {  	_ =	swait.ge [sflag:s23], $0x800  }
0xde: {  	[sflag:s23] =	ssyncset.done $0x0  }
0xdf: {  	[sflag:s23] =	ssyncadd.s32 $0xFFFFF800  }
0xe0: {  	_ =	sfence.sel $0x180000  }
0xe1: {  	[bflag:$0x0] =	sbarrier.arrive $0xFFFF  }
0xe2: {  	_ =	strace $0x90000050  }
0xe3: {  	s0 =	stileid.u32;
	[bflag:$0x2] =	sbarrier.arrive $0xFFFF  }
0xe4: {  	p0 =	sne.s32 s0, $0x0;
	s0 =	rddreg [dreg:$0x3]  }
0xe5: {  	s0 =	sadd.s32 @!p0 $0x100000, s0  }
0xe6: {  	[sflag:s0] =	ssyncadd.tile.s32 @!p0 $0x1;
	_ =	shalt  }
.Lfunc_end2:
_tile_overlayer_lowered:
.L_overlay_start_2:
0xe7: {  	(tag) =	ssettag $0x2  }
0xe8: {  	s0 =	rddreg [dreg:$0x0];
	s2 =	stileid.u32  }
0xe9: {  	s1 =	rddreg [dreg:$0x1];
	p0 =	sne.s32 s2, $0x0  }
0xea: {  	s3 =	rddreg [dreg:$0x2];
	[bflag:$0x3] =	sbarrier.arrive $0xFFFF;
	s2 =	simm.s32 @!p0 $0x1C02  }
0xeb: {  	[timem:s3], [sflag:s2] =	dma.local @!p0 [hbm:s0], s1  }
0xec: {  	s0 =	simm.s32 @!p0 $0x2  }
0xed: {  	_ =	swait.ge @!p0 [sflag:s0], s1  }
0xee: {  	s1 =	ssub.s32 @!p0 $0x0, s1;
	[sflag:s0] =	ssyncset.done @!p0 $0x0  }
0xef: {  	[sflag:s0] =	ssyncadd.s32 @!p0 s1  }
0xf0: {  	[bflag:$0x3] =	sbarrier.arrive $0xFFFF  }
0xf1: {  	_ =	shalt  }

// kernel: kernel.23.cloned.1.call-start
scs
__scs_entry_jumppad:
0x0: {  	(pc) =	sbr.rel $0x88, $3  }
0x1: {  	(tag) =	ssettag $0x0;
	lr =	simm.s32 $0x1  }
0x2: {  	[smem:$0x3F84] =	sst lr;
	_ =	strace $0xD0000000  }
0x3: {  	_ = 	snop  }
0x4: {  	_ = 	snop  }
0x5: {  	_ = 	snop  }
0x6: {  	_ = 	snop  }
0x7: {  	_ = 	snop  }
__scs_overlays_trampoline_lowered:
0x8: {  	[smem:$0x3F93] =	sst s0  }
0x9: {  	[smem:$0x3F94] =	sst s1  }
0xa: {  	[smem:$0x3F95] =	sst s2  }
0xb: {  	[smem:$0x3F96] =	sst s3  }
0xc: {  	[smem:$0x3F97] =	sst s4  }
0xd: {  	[smem:$0x3F98] =	sst s5  }
0xe: {  	[smem:$0x3F99] =	sst s6  }
0xf: {  	[smem:$0x3F9A] =	sst s7  }
0x10: {  	[smem:$0x3F9B] =	sst s8  }
0x11: {  	[smem:$0x3F9C] =	sst s9;
	s0 =	simm.s32 @!p0 $0x0  }
0x12: {  	s1 =	sld [smem:$0x3F82];
	s0 =	simm.s32 @p0 $0x1  }
0x13: {  	[smem:$0x3F9D] =	sst s0;
	s0 =	simm.s32 @!p1 $0x0  }
0x14: {  	s2 =	sld [smem:$0x3F81];
	s0 =	simm.s32 @p1 $0x1  }
0x15: {  	[smem:$0x3F9E] =	sst s0;
	s0 =	simm.s32 @!p2 $0x0  }
0x16: {  	s3 =	sld [smem:$0x3FDB];
	s0 =	simm.s32 @p2 $0x1  }
0x17: {  	s4 =	simm.s32 $0x1BF5;
	[smem:$0x3FA0] =	sst s0  }
0x18: {  	s0 =	sld [smem:$0x3F83];
	_ =	swait.ge [sflag:s4], $0x0  }
0x19: {  	s7 =	sld [smem:$0x3F84]  }
0x1a: {  	s8 =	sadd.s32 $0xFFFFE003, lr  }
0x1b: {  	s9 =	sadd.s32 $0xFFFFFEF7, lr;
	s5 =	simm.s32 $0xFFFFFFFF;
	p2 =	slt.u32 s8, $0xFFFFF086  }
0x1c: {  	p1 =	slt.u32 s9, $0xF7A;
	s5 =	simm.s32 @!p2 $0x0  }
0x1d: {  	s5 =	simm.s32 @p1 $0x1;
	p0 =	seq.s32 s7, s2  }
0x1e: {  	s7 =	smul.u32 @!p0 $0xF7A, s2;
	p2 =	seq.s32 @!p0 s5, $0x0  }
0x1f: {  	s9 =	smul.u32 $0xF7A, s1;
	s8 =	simm.s32 @!p0 $0x1BF5;
	p2 =	por !p2, p0  }
0x20: {  	[sflag:s8] =	ssyncset.s32 @!p0 $0xFFFFF086;
	s6 =	sadd.s32 @!p0 s3, s7;
	s7 =	simm.s32 @!p0 $0x108  }
0x21: {  	s3 =	sadd.s32 s3, s9;
	s6 =	sadd.s32 @!p0 $0x88, s6;
	s7 =	simm.s32 @p2 $0x1082  }
0x22: {  	[simem:s7], [sflag:s8] =	dma.local @!p0 [hbm:s6], $0xF7A  }
0x23: {  	s9 =	sor.u32 $0xD0000000, s2;
	s6 =	simm.s32 $0x108;
	_ =	swait.ge @!p0 [sflag:s8], $0x0  }
0x24: {  	s3 =	sadd.s32 $0x88, s3;
	s6 =	simm.s32 @!p1 $0x1082;
	[sflag:s4] =	ssyncset.s32 $0xFFFFF086  }
0x25: {  	[simem:s6], [sflag:s4] =	dma.local [hbm:s3], $0xF7A  }
0x26: {  	[smem:$0x3F84] =	sst s1;
	(tag) =	ssettag s2;
	_ =	strace s9  }
0x27: {  	s1 =	sld [smem:$0x3F94]  }
0x28: {  	s2 =	sld [smem:$0x3F95]  }
0x29: {  	s4 =	sld [smem:$0x3F97]  }
0x2a: {  	p0 =	seq.s32 s5, $0x0;
	s5 =	sld [smem:$0x3F98]  }
0x2b: {  	s6 =	sld [smem:$0x3F99]  }
0x2c: {  	s7 =	sld [smem:$0x3F9A]  }
0x2d: {  	s3 =	simm.s32 $0x108;
	s8 =	sld [smem:$0x3F9B]  }
0x2e: {  	s3 =	simm.s32 @!p0 $0x1082;
	s9 =	sld [smem:$0x3F9C]  }
0x2f: {  	lr =	sadd.s32 s0, s3;
	s0 =	sld [smem:$0x3F93]  }
0x30: {  	s3 =	sld [smem:$0x3F96]  }
0x31: {  	[smem:$0x3F9F] =	sst s10  }
0x32: {  	s10 =	sld [smem:$0x3F9D];
	_ =	sdelay $0x3  }
0x33: {  	p0 =	seq.s32 s10, $0x1;
	s10 =	sld [smem:$0x3F9F];
	_ =	sdelay $0x3  }
0x34: {  	[smem:$0x3F9F] =	sst s10  }
0x35: {  	s10 =	sld [smem:$0x3F9E];
	_ =	sdelay $0x3  }
0x36: {  	p1 =	seq.s32 s10, $0x1;
	s10 =	sld [smem:$0x3F9F];
	_ =	sdelay $0x3  }
0x37: {  	[smem:$0x3F9F] =	sst s10  }
0x38: {  	s10 =	sld [smem:$0x3FA0]  }
0x39: {  	_ = 	snop;
	(pc) =	sbr.ind lr, $3  }
0x3a: {  	_ = 	snop  }
0x3b: {  	_ = 	snop  }
0x3c: {  	p2 =	seq.s32 s10, $0x1;
	s10 =	sld [smem:$0x3F9F]  }
0x3d: {  	_ =	shalt  }
0x3e: {  	_ =	shalt  }
0x3f: {  	_ =	shalt  }
0x40: {  	_ =	shalt  }
0x41: {  	_ =	shalt  }
0x42: {  	_ =	shalt  }
0x43: {  	_ =	shalt  }
0x44: {  	_ =	shalt  }
0x45: {  	_ =	shalt  }
0x46: {  	_ =	shalt  }
0x47: {  	_ =	shalt  }
0x48: {  	_ =	shalt  }
0x49: {  	_ =	shalt  }
0x4a: {  	_ =	shalt  }
0x4b: {  	_ =	shalt  }
0x4c: {  	_ =	shalt  }
0x4d: {  	_ =	shalt  }
0x4e: {  	_ =	shalt  }
0x4f: {  	_ =	shalt  }
0x50: {  	_ =	shalt  }
0x51: {  	_ =	shalt  }
0x52: {  	_ =	shalt  }
0x53: {  	_ =	shalt  }
0x54: {  	_ =	shalt  }
0x55: {  	_ =	shalt  }
0x56: {  	_ =	shalt  }
0x57: {  	_ =	shalt  }
0x58: {  	_ =	shalt  }
0x59: {  	_ =	shalt  }
0x5a: {  	_ =	shalt  }
0x5b: {  	_ =	shalt  }
0x5c: {  	_ =	shalt  }
0x5d: {  	_ =	shalt  }
0x5e: {  	_ =	shalt  }
0x5f: {  	_ =	shalt  }
0x60: {  	_ =	shalt  }
0x61: {  	_ =	shalt  }
0x62: {  	_ =	shalt  }
0x63: {  	_ =	shalt  }
0x64: {  	_ =	shalt  }
0x65: {  	_ =	shalt  }
0x66: {  	_ =	shalt  }
0x67: {  	_ =	shalt  }
0x68: {  	_ =	shalt  }
0x69: {  	_ =	shalt  }
0x6a: {  	_ =	shalt  }
0x6b: {  	_ =	shalt  }
0x6c: {  	_ =	shalt  }
0x6d: {  	_ =	shalt  }
0x6e: {  	_ =	shalt  }
0x6f: {  	_ =	shalt  }
0x70: {  	_ =	shalt  }
0x71: {  	_ =	shalt  }
0x72: {  	_ =	shalt  }
0x73: {  	_ =	shalt  }
0x74: {  	_ =	shalt  }
0x75: {  	_ =	shalt  }
0x76: {  	_ =	shalt  }
0x77: {  	_ =	shalt  }
0x78: {  	_ =	shalt  }
0x79: {  	_ =	shalt  }
0x7a: {  	_ =	shalt  }
0x7b: {  	_ =	shalt  }
0x7c: {  	_ =	shalt  }
0x7d: {  	_ =	shalt  }
0x7e: {  	_ =	shalt  }
0x7f: {  	_ =	shalt  }
0x80: {  	_ =	shalt  }
0x81: {  	_ =	shalt  }
0x82: {  	_ =	shalt  }
0x83: {  	_ =	shalt  }
0x84: {  	_ =	shalt  }
0x85: {  	_ =	shalt  }
0x86: {  	_ =	shalt  }
0x87: {  	_ =	shalt  }
.Lfunc_end0:
.L_simem_size_0:
called_computation.4_lowered:
.L_overlay_start_0:
0x88: {  	s2 =	sld [smem:$0x3FD9]  }
0x89: {  	s3 =	sld [smem:$0x3FFE];
	_ =	sdelay $0x1  }
0x8a: {  	s1 =	srdreg.scid  }
0x8b: {  	s0 =	sand.u32 $0x1, s1  }
0x8c: {  	s16 =	sshll.u32 s0, $0xA;
	s2 =	sadd.s32 s3, s2  }
0x8d: {  	s2 =	sadd.s32 s2, s16  }
0x8e: {  	[smem:$0x3FAB] =	sst s2  }
0x8f: {  	_ = 	snop  }
0x90: {  	(tm) =	ssettm $0x1  }
0x91: {  	s17 =	sld [smem:$0x3FFB];
	_ =	sdelay $0x3  }
0x92: {  	_ =	strace s17  }
0x93: {  	s2 =	sld [smem:$0x3FFC];
	_ =	sdelay $0x3  }
0x94: {  	_ =	strace s2  }
0x95: {  	s2 =	sld [smem:$0x3FFD];
	_ =	sdelay $0x3  }
0x96: {  	_ =	strace s2  }
0x97: {  	_ =	strace $0x8FFFFFFF  }
0x98: {  	s18 =	sld [smem:$0x3FDB];
	_ =	sdelay $0x1  }
0x99: {  	s19 =	simm.s32 $_scs_section_size  }
0x9a: {  	s4 =	simm.s32 $_size__tile_overlayer_lowered;
	s5 =	simm.s32 $_tile_overlayer_lowered  }
0x9b: {  	s22 =	simm.s32 $0x1BFF;
	s21 =	sshll.u32 s5, $0x1;
	s2 =	sadd.s32 s19, s18  }
0x9c: {  	s6 =	simm.s32 $0x0;
	s20 =	sshll.u32 s4, $0x1;
	s4 =	sadd.s32 s21, s2  }
0x9d: {  	[timem:s6], [sflag:s22] =	dma.local [hbm:s4], s20  }
0x9e: {  	_ =	swait.ge [sflag:s22], s20  }
0x9f: {  	s3 =	ssub.s32 $0x0, s20;
	[sflag:s22] =	ssyncset.done $0x0  }
0xa0: {  	[sflag:s22] =	ssyncadd.s32 s3;
	_ =	sdelay $0x1  }
0xa1: {  	s23 =	simm.s32 $0x1B8B  }
0xa2: {  	_ =	swait.ge [sflag:s23], $0x1  }
0xa3: {  	[sflag:s23] =	ssyncset.done $0x0  }
0xa4: {  	s25 =	simm.s32 $0x1B8E;
	s24 =	sld [smem:$0x3FFE];
	[sflag:s23] =	ssyncadd.s32 $0xFFFFFFFF  }
0xa5: {  	s26 =	simm.s32 $execute0_lowered;
	[smem:$0x3FD2] =	sst s25  }
0xa6: {  	s4 =	sshll.u32 s26, $0x1;
	_ =	strace $0x80000052;
	[dreg:$0x1] =	wrdreg $0xFFFFFFFF  }
0xa7: {  	s28 =	simm.s32 $_size_execute0_lowered;
	s2 =	sadd.s32 s2, s4;
	[dreg:$0x0] =	wrdreg $0x0  }
0xa8: {  	s4 =	sshll.u32 s28, $0x1;
	[dreg:$0x2] =	wrdreg s2  }
0xa9: {  	[dreg:$0x3] =	wrdreg s4  }
0xaa: {  	[dreg:$0x4] =	wrdreg $0xC0  }
0xab: {  	_ =	task [dreg:s6], $0x5FFFF  }
0xac: {  	[dreg:$0x1] =	wrdreg $0xFFFFFFFF  }
0xad: {  	[dreg:$0x0] =	wrdreg $0x60  }
0xae: {  	[dreg:$0x2] =	wrdreg s24  }
0xaf: {  	[dreg:$0x3] =	wrdreg $0x96800  }
0xb0: {  	[dreg:$0x4] =	wrdreg $0x1D6800  }
0xb1: {  	[dreg:$0x5] =	wrdreg $0x9  }
0xb2: {  	_ =	task.clear_ibuf [dreg:s6], $0x6FFFF;
	_ =	strace $0x90000052  }
0xb3: {  	s29 =	simm.s32 $0x9;
	_ =	strace $0x80000054  }
0xb4: {  	_ =	swait.ge [sflag:s29], $0x1  }
0xb5: {  	[sflag:s29] =	ssyncadd.s32 $0xFFFFFFFF  }
0xb6: {  	_ =	strace $0x90000054  }
0xb7: {  	_ =	sfence  }
0xb8: {  	s30 =	sld [smem:$0x0];
	_ =	sdelay $0x2  }
0xb9: {  	s31 =	sshll.u32 s1, $0xD;
	s1 =	sshrl.u32 s1, $0x2  }
0xba: {  	s3 =	sand.u32 $0x4000, s31;
	s1 =	sadd.s32 s1, s30  }
0xbb: {  	s0 =	sor.u32 s3, s0;
	s1 =	sshll.u32 s1, $0x11  }
0xbc: {  	s0 =	sor.u32 s1, s0  }
0xbd: {  	s0 =	sadd.s32 $0x8F2B, s0  }
0xbe: {  	[sflag:s0] =	ssyncadd.remote.s32 $0x1  }
0xbf: {  	_ =	sfence.sel $0xFFFF  }
0xc0: {  	[dreg:$0x0] =	wrdreg $0xFFFFFFFF;
	(pc) =	sbr.abs _section_cstart, $3  }
0xc1: {  	[dreg:$0x1] =	wrdreg $0xFFFFFFFF  }
0xc2: {  	_ =	task.clear_ibuf [dreg:s6], $0x2FFFF;
	_ =	strace $0x9FFFFFFF  }
0xc3: {  	(tm) =	ssettm $0x7FFFFFFF  }
tec
execute0_lowered:
.L_overlay_start_1:
0x0: {  	(tag) =	ssettag $0x1  }
0x1: {  	s0 =	rddreg [dreg:$0x0]  }
0x2: {  	s1 =	rddreg [dreg:$0x1]  }
0x3: {  	s2 =	rddreg [dreg:$0x2];
	s3 =	simm.s32 $0x0;
	s4 =	srdreg.scid  }
0x4: {  	s23 =	stileid.u32;
	s28 =	simm.s32 $0x1;
	s29 =	simm.s32 $0x100  }
0x5: {  	s30 =	simm.s32 $0x400;
	s31 =	simm.s32 $0x9180;
	[smem:$0x7FF] =	sst s3  }
0x6: {  	s5 =	sand.u32 $0x1, s4;
	s6 =	smul.u32 $0x500, s23;
	s4 =	sadd.s32 $0x9E00, s0  }
0x7: {  	s7 =	sadd.s32 $0x3BC00, s0;
	s11 =	sadd.s32 $0x3CC00, s0;
	s24 =	smul.u32 $0x50000, s23  }
0x8: {  	s13 =	smul.u32 $0x14000, s23;
	s9 =	sshrl.u32 s23, $0x3;
	s12 =	sshll.u32 s23, $0x7  }
0x9: {  	s18 =	smul.u32 $0x5000, s23;
	_ =	strace $0x80000053;
	[dreg:$0x4] =	wrdreg s7  }
0xa: {  	s22 =	sshll.u32 s5, $0x7;
	s8 =	ssub.s32 $0x2, s5;
	s10 =	smul.u32 $0x50000, s9  }
0xb: {  	s12 =	sand.u32 $0x380, s12;
	s6 =	sor.u32 s22, s6;
	s25 =	sshrl.u32 s8, $0x1  }
0xc: {  	s7 =	sshrl.u32 s24, $0x2;
	s15 =	sadd.s32 $0x4000, s13;
	s16 =	sadd.s32 $0x8000, s13  }
0xd: {  	s17 =	sadd.s32 $0xC000, s13;
	s20 =	sadd.s32 $0x10000, s13;
	s22 =	smul.u32 $0x140000, s5  }
0xe: {  	s18 =	sshrl.u32 s18, $0x2;
	s5 =	smul.u32 $0x4F00, s5;
	s6 =	sshrl.u32 s6, $0x3  }
0xf: {  	s19 =	ssub.s32 s8, s25;
	s8 =	sadd.s32 s16, s1;
	s9 =	sadd.s32 s17, s1  }
0x10: {  	s10 =	sshrl.u32 s10, $0x2;
	s25 =	smul.u32 $0x4F0, s23;
	s23 =	simm.s32 $0x2  }
0x11: {  	s14 =	sadd.s32 s6, s0;
	s6 =	sadd.s32 s7, s1;
	s7 =	sadd.s32 s15, s1  }
0x12: {  	s21 =	sadd.s32 s10, s2;
	s10 =	sadd.s32 s20, s1;
	s15 =	sadd.s32 s22, s15  }
0x13: {  	s16 =	sadd.s32 s22, s16;
	s24 =	sadd.s32 s22, s20;
	s0 =	sadd.s32 s5, s0  }
0x14: {  	s19 =	smax.u32 s19, $0x1;
	s12 =	sadd.s32 s12, s21;
	s26 =	sadd.s32 $0x3C200, s14  }
0x15: {  	s14 =	sadd.s32 s13, s22;
	s13 =	sshrl.u32 s15, $0x3;
	s21 =	sadd.s32 s22, s17  }
0x16: {  	s20 =	sadd.s32 s25, s0;
	s22 =	simm.s32 $0x4180;
	s25 =	simm.s32 $0x80  }
0x17: {  	s0 =	simm.s32 $0x9400;
	[dreg:$0x5] =	wrdreg s12;
	s12 =	sadd.s32 s18, s2  }
0x18: {  	[dreg:$0x6] =	wrdreg s26;
	s2 =	sshrl.u32 s14, $0x3;
	s15 =	sadd.s32 s11, s13  }
0x19: {  	s18 =	sshrl.u32 s16, $0x3;
	s26 =	sshrl.u32 s24, $0x3;
	s24 =	simm.s32 $0x180  }
0x1a: {  	s2 =	sadd.s32 s11, s2;
	s16 =	sadd.s32 s11, s18;
	s18 =	sadd.s32 s11, s26  }
0x1b: {  	s26 =	simm.s32 $0x6980;
	[dreg:$0x7] =	wrdreg s2;
	s2 =	sshrl.u32 s21, $0x3  }
0x1c: {  	v0 =	vimm.f32 $0.0e+00;
	v1 =	vimm.f32 $1.000000000e+00;
	s21 =	sadd.s32 $0x31E00, s20;
	s17 =	sadd.s32 s11, s2;
	s2 =	simm.s32 $0x0  }
.LBB2_1:
0x1d: {  	s5 =	rddreg [dreg:$0x4]  }
0x1e: {  	[tilespmem:s22], [sflag:$0x2] =	stream.linear.gather [hbm4b:s5+s3], $0x2800, $0x38;
	[tilespmem:$0x1FE80] =	vst v63  }
0x1f: {  	_ =	swait.ge [sflag:s23], $0x2800  }
0x20: {  	[sflag:s23] =	ssyncset.done $0x0  }
0x21: {  	s11 =	simm.s32 $0x200;
	s5 =	simm.s32 $0x0;
	[sflag:s23] =	ssyncadd.s32 $0xFFFFD800  }
.LBB2_2:
0x22: {  	p0 =	sne.s32 s11, $0xFE00;
	[tilespmem:s5+$0x1F0] =	vst v0  }
0x23: {  	[tilespmem:s5+$0x180] =	vst v0  }
0x24: {  	[tilespmem:s5+$0x190] =	vst v0  }
.Ltmp0:
0x25: {  	[tilespmem:s5+$0x1A0] =	vst v0;
	(pc) =	sbr.rel @p0 .LBB2_2-.Ltmp0, $4  }
0x26: {  	[tilespmem:s5+$0x1B0] =	vst v0  }
0x27: {  	[tilespmem:s5+$0x1C0] =	vst v0  }
0x28: {  	[tilespmem:s5+$0x1D0] =	vst v0  }
0x29: {  	[tilespmem:s5+$0x1E0] =	vst v0;
	s5 =	sshra.s32 s11, $0x2;
	s11 =	sadd.s32 $0x200, s11  }
0x2a: {  	[tilespmem:s5+$0x1F0] =	vst v0  }
0x2b: {  	[tilespmem:s5+$0x180] =	vst v0  }
0x2c: {  	[tilespmem:s5+$0x190] =	vst v0  }
0x2d: {  	[tilespmem:s5+$0x1A0] =	vst v0  }
0x2e: {  	[tilespmem:s5+$0x1B0] =	vst v0  }
0x2f: {  	[tilespmem:s5+$0x1C0] =	vst v0  }
0x30: {  	[tilespmem:s5+$0x1D0] =	vst v0  }
0x31: {  	[tilespmem:s5+$0x1E0] =	vst v0  }
0x32: {  	[spmem:s6] =	stream.linear.scatter [tilespmem:s24], [sflag:$0x2], $0x4000, $0x38;
	[tilespmem:$0x1FE80] =	vst v63  }
0x33: {  	_ =	swait.ge [sflag:s23], $0x4000  }
0x34: {  	[sflag:s23] =	ssyncset.done $0x0  }
0x35: {  	[sflag:s23] =	ssyncadd.s32 $0xFFFFC000  }
0x36: {  	[spmem:s7] =	stream.linear.scatter [tilespmem:s24], [sflag:$0x2], $0x4000, $0x38;
	[tilespmem:$0x1FE80] =	vst v63  }
0x37: {  	_ =	swait.ge [sflag:s23], $0x4000  }
0x38: {  	[sflag:s23] =	ssyncset.done $0x0  }
0x39: {  	[sflag:s23] =	ssyncadd.s32 $0xFFFFC000  }
0x3a: {  	[spmem:s8] =	stream.linear.scatter [tilespmem:s24], [sflag:$0x2], $0x4000, $0x38;
	[tilespmem:$0x1FE80] =	vst v63  }
0x3b: {  	_ =	swait.ge [sflag:s23], $0x4000  }
0x3c: {  	[sflag:s23] =	ssyncset.done $0x0  }
0x3d: {  	[sflag:s23] =	ssyncadd.s32 $0xFFFFC000  }
0x3e: {  	[spmem:s9] =	stream.linear.scatter [tilespmem:s24], [sflag:$0x2], $0x4000, $0x38;
	[tilespmem:$0x1FE80] =	vst v63  }
0x3f: {  	_ =	swait.ge [sflag:s23], $0x4000  }
0x40: {  	[sflag:s23] =	ssyncset.done $0x0  }
0x41: {  	[sflag:s23] =	ssyncadd.s32 $0xFFFFC000  }
0x42: {  	[spmem:s10] =	stream.linear.scatter [tilespmem:s24], [sflag:$0x2], $0x4000, $0x38;
	[tilespmem:$0x1FE80] =	vst v63  }
0x43: {  	_ =	swait.ge [sflag:s23], $0x4000  }
0x44: {  	[sflag:s23] =	ssyncset.done $0x0  }
0x45: {  	s5 =	simm.s32 $0x40;
	s11 =	simm.s32 $0x0;
	[sflag:s23] =	ssyncadd.s32 $0xFFFFC000  }
.LBB2_4:
0x46: {  	p0 =	sne.s32 s5, $0x9FC0;
	[tilespmem:s11+$0x6980] =	vst v0;
	s11 =	smov.u32 s5;
	s5 =	sadd.s32 $0x40, s5  }
.Ltmp1:
0x47: {  	(pc) =	sbr.rel @p0 .LBB2_4-.Ltmp1, $2  }
0x48: {  	_ =	sdelay $0x2  }
0x49: {  	s11 =	sshra.s32 s11, $0x2  }
0x4a: {  	[tilespmem:s11+$0x6980] =	vst v0  }
0x4b: {  	s5 =	simm.s32 $0x0;
	[bflag:$0x0] =	sbarrier.arrive $0xFFFF  }
.LBB2_6:
0x4c: {  	s11 =	sadd.s32 s5, s20  }
0x4d: {  	[tilespmem:s3], [sflag:$0x2] =	stream.linear.gather [hbm4b:s11+s3], $0x80, $0x38;
	[tilespmem:$0x1FE80] =	vst v63  }
0x4e: {  	_ =	swait.ge [sflag:s23], $0x80  }
0x4f: {  	[sflag:s23] =	ssyncset.done $0x0  }
0x50: {  	s14 =	sadd.s32 s5, s21;
	[sflag:s23] =	ssyncadd.s32 $0xFFFFFF80  }
0x51: {  	[tilespmem:s25], [sflag:$0x2] =	stream.linear.gather [hbm4b:s14+s3], $0x80, $0x38;
	[tilespmem:$0x1FE80] =	vst v63  }
0x52: {  	_ =	swait.ge [sflag:s23], $0x80  }
0x53: {  	[sflag:s23] =	ssyncset.done $0x0  }
0x54: {  	[sflag:s23] =	ssyncadd.s32 $0xFFFFFF80  }
0x55: {  	v2 =	vld [tilespmem:$0x0]  }
0x56: {  	v3 =	vld [tilespmem:$0x80];
	_ =	sdelay $0x6  }
0x57: {  	v2 =	vld.idx.msk [tilespmem:v2+s22+$0x0], $0xffff  }
0x58: {  	v4 =	vld.idx.msk [tilespmem:v3+s22+$0x0], $0xffff;
	_ =	sdelay $0x4  }
0x59: {  	v2 =	vmul.f32 v4, v2;
	_ =	sdelay $0x1  }
0x5a: {  	vm0 =	vgt.f32 v2, $5.000000000e-01  }
0x5b: {  	v2 =	vnsel vm0, $0x2710, v3;
	_ =	sdelay $0x3  }
0x5c: {  	[tilespmem:$0x100] =	vst v2  }
0x5d: {  	[tilespmem:v2+s26+$0x0] =	vst.idx.add.f32.msk $0xffff, v1  }
0x5e: {  	v2 =	vld [tilespmem:$0x10]  }
0x5f: {  	v3 =	vld [tilespmem:$0x90];
	_ =	sdelay $0x6  }
0x60: {  	v2 =	vld.idx.msk [tilespmem:v2+s22+$0x0], $0xffff  }
0x61: {  	v57 =	vld.idx.msk [tilespmem:v3+s22+$0x0], $0xffff;
	_ =	sdelay $0x4  }
0x62: {  	v2 =	vmul.f32 v57, v2;
	_ =	sdelay $0x1  }
0x63: {  	vm9 =	vgt.f32 v2, $5.000000000e-01  }
0x64: {  	v2 =	vnsel vm9, $0x2710, v3;
	_ =	sdelay $0x3  }
0x65: {  	[tilespmem:$0x110] =	vst v2  }
0x66: {  	[tilespmem:v2+s26+$0x0] =	vst.idx.add.f32.msk $0xffff, v1  }
0x67: {  	v2 =	vld [tilespmem:$0x20]  }
0x68: {  	v3 =	vld [tilespmem:$0xA0];
	_ =	sdelay $0x6  }
0x69: {  	v2 =	vld.idx.msk [tilespmem:v2+s22+$0x0], $0xffff  }
0x6a: {  	v58 =	vld.idx.msk [tilespmem:v3+s22+$0x0], $0xffff;
	_ =	sdelay $0x4  }
0x6b: {  	v2 =	vmul.f32 v58, v2;
	_ =	sdelay $0x1  }
0x6c: {  	vm10 =	vgt.f32 v2, $5.000000000e-01  }
0x6d: {  	v2 =	vnsel vm10, $0x2710, v3;
	_ =	sdelay $0x3  }
0x6e: {  	[tilespmem:$0x120] =	vst v2  }
0x6f: {  	[tilespmem:v2+s26+$0x0] =	vst.idx.add.f32.msk $0xffff, v1  }
0x70: {  	v2 =	vld [tilespmem:$0x30]  }
0x71: {  	v3 =	vld [tilespmem:$0xB0];
	_ =	sdelay $0x6  }
0x72: {  	v2 =	vld.idx.msk [tilespmem:v2+s22+$0x0], $0xffff  }
0x73: {  	v59 =	vld.idx.msk [tilespmem:v3+s22+$0x0], $0xffff;
	_ =	sdelay $0x4  }
0x74: {  	v2 =	vmul.f32 v59, v2;
	_ =	sdelay $0x1  }
0x75: {  	vm11 =	vgt.f32 v2, $5.000000000e-01  }
0x76: {  	v2 =	vnsel vm11, $0x2710, v3;
	_ =	sdelay $0x3  }
0x77: {  	[tilespmem:$0x130] =	vst v2  }
0x78: {  	[tilespmem:v2+s26+$0x0] =	vst.idx.add.f32.msk $0xffff, v1  }
0x79: {  	v2 =	vld [tilespmem:$0x40]  }
0x7a: {  	v3 =	vld [tilespmem:$0xC0];
	_ =	sdelay $0x6  }
0x7b: {  	v2 =	vld.idx.msk [tilespmem:v2+s22+$0x0], $0xffff  }
0x7c: {  	v60 =	vld.idx.msk [tilespmem:v3+s22+$0x0], $0xffff;
	_ =	sdelay $0x4  }
0x7d: {  	v2 =	vmul.f32 v60, v2;
	_ =	sdelay $0x1  }
0x7e: {  	vm12 =	vgt.f32 v2, $5.000000000e-01  }
0x7f: {  	v2 =	vnsel vm12, $0x2710, v3;
	_ =	sdelay $0x3  }
0x80: {  	[tilespmem:$0x140] =	vst v2  }
0x81: {  	[tilespmem:v2+s26+$0x0] =	vst.idx.add.f32.msk $0xffff, v1  }
0x82: {  	v2 =	vld [tilespmem:$0x50]  }
0x83: {  	v3 =	vld [tilespmem:$0xD0];
	_ =	sdelay $0x6  }
0x84: {  	v2 =	vld.idx.msk [tilespmem:v2+s22+$0x0], $0xffff  }
0x85: {  	v61 =	vld.idx.msk [tilespmem:v3+s22+$0x0], $0xffff;
	_ =	sdelay $0x4  }
0x86: {  	v2 =	vmul.f32 v61, v2;
	_ =	sdelay $0x1  }
0x87: {  	vm13 =	vgt.f32 v2, $5.000000000e-01  }
0x88: {  	v2 =	vnsel vm13, $0x2710, v3;
	_ =	sdelay $0x3  }
0x89: {  	[tilespmem:$0x150] =	vst v2  }
0x8a: {  	[tilespmem:v2+s26+$0x0] =	vst.idx.add.f32.msk $0xffff, v1  }
0x8b: {  	v2 =	vld [tilespmem:$0x60]  }
0x8c: {  	v3 =	vld [tilespmem:$0xE0];
	_ =	sdelay $0x6  }
0x8d: {  	v2 =	vld.idx.msk [tilespmem:v2+s22+$0x0], $0xffff  }
0x8e: {  	v62 =	vld.idx.msk [tilespmem:v3+s22+$0x0], $0xffff;
	_ =	sdelay $0x4  }
0x8f: {  	v2 =	vmul.f32 v62, v2;
	_ =	sdelay $0x1  }
0x90: {  	vm14 =	vgt.f32 v2, $5.000000000e-01  }
0x91: {  	v2 =	vnsel vm14, $0x2710, v3;
	_ =	sdelay $0x3  }
0x92: {  	[tilespmem:$0x160] =	vst v2  }
0x93: {  	[tilespmem:v2+s26+$0x0] =	vst.idx.add.f32.msk $0xffff, v1  }
0x94: {  	v2 =	vld [tilespmem:$0x70]  }
0x95: {  	v3 =	vld [tilespmem:$0xF0];
	_ =	sdelay $0x6  }
0x96: {  	v2 =	vld.idx.msk [tilespmem:v2+s22+$0x0], $0xffff  }
0x97: {  	v63 =	vld.idx.msk [tilespmem:v3+s22+$0x0], $0xffff;
	_ =	sdelay $0x4  }
0x98: {  	v2 =	vmul.f32 v63, v2;
	_ =	sdelay $0x1  }
0x99: {  	vm15 =	vgt.f32 v2, $5.000000000e-01  }
0x9a: {  	v2 =	vnsel vm15, $0x2710, v3;
	_ =	sdelay $0x3  }
0x9b: {  	[tilespmem:$0x170] =	vst v2  }
0x9c: {  	[tilespmem:v2+s26+$0x0] =	vst.idx.add.f32.msk $0xffff, v1  }
0x9d: {  	[tilespmem:s24], [sflag:$0x1] =	stream.indirect.gather [hbm4b:s4+s25], $0x80, s3, s25, $0xb8;
	[tilespmem:$0x1FE80] =	vst v63  }
0x9e: {  	_ =	swait.ge [sflag:s28], $0x4000  }
0x9f: {  	p0 =	sne.s32 s5, $0x4E0;
	[sflag:s28] =	ssyncset.done $0x0  }
.Ltmp2:
0xa0: {  	[sflag:s28] =	ssyncadd.s32 $0xFFFFC000;
	(pc) =	sbr.rel @p0 .LBB2_6-.Ltmp2, $4  }
0xa1: {  	[spmem:s1] =	stream.indirect.scatter.add.f32 [tilespmem:s24], [sflag:$0x2], $0x80, s29, s25, $0xb8;
	[tilespmem:$0x1FE80] =	vst v63  }
0xa2: {  	_ =	swait.ge [sflag:s23], $0x4000  }
0xa3: {  	[sflag:s23] =	ssyncset.done $0x0  }
0xa4: {  	s5 =	sadd.s32 $0x10, s5;
	[sflag:s23] =	ssyncadd.s32 $0xFFFFC000  }
0xa5: {  	[bflag:$0x0] =	sbarrier.arrive $0xFFFF  }
0xa6: {  	s5 =	rddreg [dreg:$0x5]  }
0xa7: {  	[spmem:s5] =	stream.strided.scatter [tilespmem:s26], [sflag:$0x2], $0x2800, s30, s25, $0x38;
	[tilespmem:$0x1FE80] =	vst v63  }
0xa8: {  	_ =	swait.ge [sflag:s23], $0x2800  }
0xa9: {  	[sflag:s23] =	ssyncset.done $0x0  }
0xaa: {  	[sflag:s23] =	ssyncadd.s32 $0xFFFFD800  }
0xab: {  	[bflag:$0x0] =	sbarrier.arrive $0xFFFF  }
0xac: {  	[tilespmem:s31], [sflag:$0x2] =	stream.strided.gather [spmem:s12], $0x280, s30, s25, $0x38;
	[tilespmem:$0x1FE80] =	vst v63  }
0xad: {  	_ =	swait.ge [sflag:s23], $0x280  }
0xae: {  	[sflag:s23] =	ssyncset.done $0x0  }
0xaf: {  	s5 =	simm.s32 $0x1;
	[sflag:s23] =	ssyncadd.s32 $0xFFFFFD80  }
.LBB2_8:
0xb0: {  	s11 =	sshrl.u32 s5, $0x3  }
0xb1: {  	s11 =	smul.u32 $0x50000, s11;
	_ =	sdelay $0x1  }
0xb2: {  	s13 =	sshll.u32 s5, $0x7;
	s11 =	sshra.s32 s11, $0x2  }
0xb3: {  	s13 =	sand.u32 $0x380, s13;
	s11 =	sadd.s32 s11, s12  }
0xb4: {  	s11 =	sadd.s32 s13, s11  }
0xb5: {  	[tilespmem:s0], [sflag:$0x2] =	stream.strided.gather [spmem:s11], $0x280, s30, s25, $0x38;
	[tilespmem:$0x1FE80] =	vst v63  }
0xb6: {  	_ =	swait.ge [sflag:s23], $0x280  }
0xb7: {  	[sflag:s23] =	ssyncset.done $0x0  }
0xb8: {  	s11 =	simm.s32 $0x0;
	[sflag:s23] =	ssyncadd.s32 $0xFFFFFD80  }
0xb9: {  	s13 =	simm.s32 $0x40;
	v2 =	vld [tilespmem:s11+$0x9400]  }
.LBB2_9:
0xba: {  	p0 =	sne.s32 s13, $0x9C0;
	v3 =	vld [tilespmem:s11+$0x9180];
	_ =	sdelay $0x2  }
.Ltmp3:
0xbb: {  	(pc) =	sbr.rel @p0 .LBB2_9-.Ltmp3, $4  }
0xbc: {  	_ = 	snop  }
0xbd: {  	v3 =	vadd.f32 v2, v3  }
0xbe: {  	s14 =	sshra.s32 s13, $0x2  }
0xbf: {  	s13 =	sadd.s32 $0x40, s13;
	v2 =	vld [tilespmem:s14+$0x9400];
	[tilespmem:s11+$0x9180] =	vst v3;
	s11 =	smov.u32 s14  }
0xc0: {  	v3 =	vld [tilespmem:s11+$0x9180]  }
0xc1: {  	s5 =	sadd.s32 $0x1, s5  }
0xc2: {  	p0 =	sne.s32 s5, $0x10  }
.Ltmp4:
0xc3: {  	_ = 	snop;
	(pc) =	sbr.rel @p0 .LBB2_8-.Ltmp4, $3  }
0xc4: {  	_ = 	snop  }
0xc5: {  	v2 =	vadd.f32 v2, v3;
	_ =	sdelay $0x1  }
0xc6: {  	[tilespmem:s11+$0x9180] =	vst v2  }
0xc7: {  	s5 =	rddreg [dreg:$0x6]  }
0xc8: {  	[hbm4b:s5+s25] =	stream.strided.scatter [tilespmem:s31], [sflag:$0x2], $0x280, s29, s25, $0x38;
	[tilespmem:$0x1FE80] =	vst v63  }
0xc9: {  	s11 =	stileid.u32;
	_ =	swait.ge [sflag:s23], $0x280  }
0xca: {  	s5 =	sshll.u32 s11, $0x6;
	s11 =	sshrl.u32 s6, $0x3;
	[sflag:s23] =	ssyncset.done $0x0  }
0xcb: {  	s5 =	sor.u32 $0x1C02, s5;
	s13 =	rddreg [dreg:$0x7];
	[sflag:s23] =	ssyncadd.s32 $0xFFFFFD80  }
0xcc: {  	[hbm:s13], [sflag:s5] =	dma.local [spmem:s11], $0x800  }
0xcd: {  	_ =	swait.ge [sflag:s23], $0x800  }
0xce: {  	[sflag:s23] =	ssyncset.done $0x0  }
0xcf: {  	s13 =	sshrl.u32 s7, $0x3;
	[sflag:s23] =	ssyncadd.s32 $0xFFFFF800  }
0xd0: {  	[hbm:s15], [sflag:s5] =	dma.local [spmem:s13], $0x800  }
0xd1: {  	_ =	swait.ge [sflag:s23], $0x800  }
0xd2: {  	[sflag:s23] =	ssyncset.done $0x0  }
0xd3: {  	s14 =	sshrl.u32 s8, $0x3;
	[sflag:s23] =	ssyncadd.s32 $0xFFFFF800  }
0xd4: {  	[hbm:s16], [sflag:s5] =	dma.local [spmem:s14], $0x800  }
0xd5: {  	_ =	swait.ge [sflag:s23], $0x800  }
0xd6: {  	[sflag:s23] =	ssyncset.done $0x0  }
0xd7: {  	s13 =	sshrl.u32 s9, $0x3;
	[sflag:s23] =	ssyncadd.s32 $0xFFFFF800  }
0xd8: {  	[hbm:s17], [sflag:s5] =	dma.local [spmem:s13], $0x800  }
0xd9: {  	s2 =	sadd.s32 $0x1, s2;
	_ =	swait.ge [sflag:s23], $0x800  }
0xda: {  	p0 =	sne.s32 s2, s19;
	[sflag:s23] =	ssyncset.done $0x0  }
.Ltmp5:
0xdb: {  	s14 =	sshrl.u32 s10, $0x3;
	[sflag:s23] =	ssyncadd.s32 $0xFFFFF800;
	(pc) =	sbr.rel @p0 .LBB2_1-.Ltmp5, $4  }
0xdc: {  	[hbm:s18], [sflag:s5] =	dma.local [spmem:s14], $0x800  }
0xdd: {  	_ =	swait.ge [sflag:s23], $0x800  }
0xde: {  	[sflag:s23] =	ssyncset.done $0x0  }
0xdf: {  	[sflag:s23] =	ssyncadd.s32 $0xFFFFF800  }
0xe0: {  	_ =	sfence.sel $0x180000  }
0xe1: {  	[bflag:$0x0] =	sbarrier.arrive $0xFFFF  }
0xe2: {  	_ =	strace $0x90000053  }
0xe3: {  	s0 =	stileid.u32;
	[bflag:$0x2] =	sbarrier.arrive $0xFFFF  }
0xe4: {  	p0 =	sne.s32 s0, $0x0;
	s0 =	rddreg [dreg:$0x3]  }
0xe5: {  	s0 =	sadd.s32 @!p0 $0x100000, s0  }
0xe6: {  	[sflag:s0] =	ssyncadd.tile.s32 @!p0 $0x1;
	_ =	shalt  }
.Lfunc_end2:
_tile_overlayer_lowered:
.L_overlay_start_2:
0xe7: {  	(tag) =	ssettag $0x2  }
0xe8: {  	s0 =	rddreg [dreg:$0x0];
	s2 =	stileid.u32  }
0xe9: {  	s1 =	rddreg [dreg:$0x1];
	p0 =	sne.s32 s2, $0x0  }
0xea: {  	s3 =	rddreg [dreg:$0x2];
	[bflag:$0x3] =	sbarrier.arrive $0xFFFF;
	s2 =	simm.s32 @!p0 $0x1C02  }
0xeb: {  	[timem:s3], [sflag:s2] =	dma.local @!p0 [hbm:s0], s1  }
0xec: {  	s0 =	simm.s32 @!p0 $0x2  }
0xed: {  	_ =	swait.ge @!p0 [sflag:s0], s1  }
0xee: {  	s1 =	ssub.s32 @!p0 $0x0, s1;
	[sflag:s0] =	ssyncset.done @!p0 $0x0  }
0xef: {  	[sflag:s0] =	ssyncadd.s32 @!p0 s1  }
0xf0: {  	[bflag:$0x3] =	sbarrier.arrive $0xFFFF  }
0xf1: {  	_ =	shalt  }

// kernel: kernel.26.cloned.1.call-start
scs
__scs_entry_jumppad:
0x0: {  	(pc) =	sbr.rel $0x88, $3  }
0x1: {  	(tag) =	ssettag $0x0;
	lr =	simm.s32 $0x1  }
0x2: {  	[smem:$0x3F84] =	sst lr;
	_ =	strace $0xD0000000  }
0x3: {  	_ = 	snop  }
0x4: {  	_ = 	snop  }
0x5: {  	_ = 	snop  }
0x6: {  	_ = 	snop  }
0x7: {  	_ = 	snop  }
__scs_overlays_trampoline_lowered:
0x8: {  	[smem:$0x3F93] =	sst s0  }
0x9: {  	[smem:$0x3F94] =	sst s1  }
0xa: {  	[smem:$0x3F95] =	sst s2  }
0xb: {  	[smem:$0x3F96] =	sst s3  }
0xc: {  	[smem:$0x3F97] =	sst s4  }
0xd: {  	[smem:$0x3F98] =	sst s5  }
0xe: {  	[smem:$0x3F99] =	sst s6  }
0xf: {  	[smem:$0x3F9A] =	sst s7  }
0x10: {  	[smem:$0x3F9B] =	sst s8  }
0x11: {  	[smem:$0x3F9C] =	sst s9;
	s0 =	simm.s32 @!p0 $0x0  }
0x12: {  	s1 =	sld [smem:$0x3F82];
	s0 =	simm.s32 @p0 $0x1  }
0x13: {  	[smem:$0x3F9D] =	sst s0;
	s0 =	simm.s32 @!p1 $0x0  }
0x14: {  	s2 =	sld [smem:$0x3F81];
	s0 =	simm.s32 @p1 $0x1  }
0x15: {  	[smem:$0x3F9E] =	sst s0;
	s0 =	simm.s32 @!p2 $0x0  }
0x16: {  	s3 =	sld [smem:$0x3FDB];
	s0 =	simm.s32 @p2 $0x1  }
0x17: {  	s4 =	simm.s32 $0x1BF5;
	[smem:$0x3FA0] =	sst s0  }
0x18: {  	s0 =	sld [smem:$0x3F83];
	_ =	swait.ge [sflag:s4], $0x0  }
0x19: {  	s7 =	sld [smem:$0x3F84]  }
0x1a: {  	s8 =	sadd.s32 $0xFFFFE003, lr  }
0x1b: {  	s9 =	sadd.s32 $0xFFFFFEF7, lr;
	s5 =	simm.s32 $0xFFFFFFFF;
	p2 =	slt.u32 s8, $0xFFFFF086  }
0x1c: {  	p1 =	slt.u32 s9, $0xF7A;
	s5 =	simm.s32 @!p2 $0x0  }
0x1d: {  	s5 =	simm.s32 @p1 $0x1;
	p0 =	seq.s32 s7, s2  }
0x1e: {  	s7 =	smul.u32 @!p0 $0xF7A, s2;
	p2 =	seq.s32 @!p0 s5, $0x0  }
0x1f: {  	s9 =	smul.u32 $0xF7A, s1;
	s8 =	simm.s32 @!p0 $0x1BF5;
	p2 =	por !p2, p0  }
0x20: {  	[sflag:s8] =	ssyncset.s32 @!p0 $0xFFFFF086;
	s6 =	sadd.s32 @!p0 s3, s7;
	s7 =	simm.s32 @!p0 $0x108  }
0x21: {  	s3 =	sadd.s32 s3, s9;
	s6 =	sadd.s32 @!p0 $0x88, s6;
	s7 =	simm.s32 @p2 $0x1082  }
0x22: {  	[simem:s7], [sflag:s8] =	dma.local @!p0 [hbm:s6], $0xF7A  }
0x23: {  	s9 =	sor.u32 $0xD0000000, s2;
	s6 =	simm.s32 $0x108;
	_ =	swait.ge @!p0 [sflag:s8], $0x0  }
0x24: {  	s3 =	sadd.s32 $0x88, s3;
	s6 =	simm.s32 @!p1 $0x1082;
	[sflag:s4] =	ssyncset.s32 $0xFFFFF086  }
0x25: {  	[simem:s6], [sflag:s4] =	dma.local [hbm:s3], $0xF7A  }
0x26: {  	[smem:$0x3F84] =	sst s1;
	(tag) =	ssettag s2;
	_ =	strace s9  }
0x27: {  	s1 =	sld [smem:$0x3F94]  }
0x28: {  	s2 =	sld [smem:$0x3F95]  }
0x29: {  	s4 =	sld [smem:$0x3F97]  }
0x2a: {  	p0 =	seq.s32 s5, $0x0;
	s5 =	sld [smem:$0x3F98]  }
0x2b: {  	s6 =	sld [smem:$0x3F99]  }
0x2c: {  	s7 =	sld [smem:$0x3F9A]  }
0x2d: {  	s3 =	simm.s32 $0x108;
	s8 =	sld [smem:$0x3F9B]  }
0x2e: {  	s3 =	simm.s32 @!p0 $0x1082;
	s9 =	sld [smem:$0x3F9C]  }
0x2f: {  	lr =	sadd.s32 s0, s3;
	s0 =	sld [smem:$0x3F93]  }
0x30: {  	s3 =	sld [smem:$0x3F96]  }
0x31: {  	[smem:$0x3F9F] =	sst s10  }
0x32: {  	s10 =	sld [smem:$0x3F9D];
	_ =	sdelay $0x3  }
0x33: {  	p0 =	seq.s32 s10, $0x1;
	s10 =	sld [smem:$0x3F9F];
	_ =	sdelay $0x3  }
0x34: {  	[smem:$0x3F9F] =	sst s10  }
0x35: {  	s10 =	sld [smem:$0x3F9E];
	_ =	sdelay $0x3  }
0x36: {  	p1 =	seq.s32 s10, $0x1;
	s10 =	sld [smem:$0x3F9F];
	_ =	sdelay $0x3  }
0x37: {  	[smem:$0x3F9F] =	sst s10  }
0x38: {  	s10 =	sld [smem:$0x3FA0]  }
0x39: {  	_ = 	snop;
	(pc) =	sbr.ind lr, $3  }
0x3a: {  	_ = 	snop  }
0x3b: {  	_ = 	snop  }
0x3c: {  	p2 =	seq.s32 s10, $0x1;
	s10 =	sld [smem:$0x3F9F]  }
0x3d: {  	_ =	shalt  }
0x3e: {  	_ =	shalt  }
0x3f: {  	_ =	shalt  }
0x40: {  	_ =	shalt  }
0x41: {  	_ =	shalt  }
0x42: {  	_ =	shalt  }
0x43: {  	_ =	shalt  }
0x44: {  	_ =	shalt  }
0x45: {  	_ =	shalt  }
0x46: {  	_ =	shalt  }
0x47: {  	_ =	shalt  }
0x48: {  	_ =	shalt  }
0x49: {  	_ =	shalt  }
0x4a: {  	_ =	shalt  }
0x4b: {  	_ =	shalt  }
0x4c: {  	_ =	shalt  }
0x4d: {  	_ =	shalt  }
0x4e: {  	_ =	shalt  }
0x4f: {  	_ =	shalt  }
0x50: {  	_ =	shalt  }
0x51: {  	_ =	shalt  }
0x52: {  	_ =	shalt  }
0x53: {  	_ =	shalt  }
0x54: {  	_ =	shalt  }
0x55: {  	_ =	shalt  }
0x56: {  	_ =	shalt  }
0x57: {  	_ =	shalt  }
0x58: {  	_ =	shalt  }
0x59: {  	_ =	shalt  }
0x5a: {  	_ =	shalt  }
0x5b: {  	_ =	shalt  }
0x5c: {  	_ =	shalt  }
0x5d: {  	_ =	shalt  }
0x5e: {  	_ =	shalt  }
0x5f: {  	_ =	shalt  }
0x60: {  	_ =	shalt  }
0x61: {  	_ =	shalt  }
0x62: {  	_ =	shalt  }
0x63: {  	_ =	shalt  }
0x64: {  	_ =	shalt  }
0x65: {  	_ =	shalt  }
0x66: {  	_ =	shalt  }
0x67: {  	_ =	shalt  }
0x68: {  	_ =	shalt  }
0x69: {  	_ =	shalt  }
0x6a: {  	_ =	shalt  }
0x6b: {  	_ =	shalt  }
0x6c: {  	_ =	shalt  }
0x6d: {  	_ =	shalt  }
0x6e: {  	_ =	shalt  }
0x6f: {  	_ =	shalt  }
0x70: {  	_ =	shalt  }
0x71: {  	_ =	shalt  }
0x72: {  	_ =	shalt  }
0x73: {  	_ =	shalt  }
0x74: {  	_ =	shalt  }
0x75: {  	_ =	shalt  }
0x76: {  	_ =	shalt  }
0x77: {  	_ =	shalt  }
0x78: {  	_ =	shalt  }
0x79: {  	_ =	shalt  }
0x7a: {  	_ =	shalt  }
0x7b: {  	_ =	shalt  }
0x7c: {  	_ =	shalt  }
0x7d: {  	_ =	shalt  }
0x7e: {  	_ =	shalt  }
0x7f: {  	_ =	shalt  }
0x80: {  	_ =	shalt  }
0x81: {  	_ =	shalt  }
0x82: {  	_ =	shalt  }
0x83: {  	_ =	shalt  }
0x84: {  	_ =	shalt  }
0x85: {  	_ =	shalt  }
0x86: {  	_ =	shalt  }
0x87: {  	_ =	shalt  }
.Lfunc_end0:
.L_simem_size_0:
called_computation.5_lowered:
.L_overlay_start_0:
0x88: {  	s2 =	sld [smem:$0x3FD9]  }
0x89: {  	s3 =	sld [smem:$0x3FFE];
	_ =	sdelay $0x1  }
0x8a: {  	s1 =	srdreg.scid  }
0x8b: {  	s0 =	sand.u32 $0x1, s1  }
0x8c: {  	s16 =	sshll.u32 s0, $0xA;
	s2 =	sadd.s32 s3, s2  }
0x8d: {  	s2 =	sadd.s32 s2, s16  }
0x8e: {  	[smem:$0x3FAB] =	sst s2  }
0x8f: {  	_ = 	snop  }
0x90: {  	(tm) =	ssettm $0x1  }
0x91: {  	s17 =	sld [smem:$0x3FFB];
	_ =	sdelay $0x3  }
0x92: {  	_ =	strace s17  }
0x93: {  	s2 =	sld [smem:$0x3FFC];
	_ =	sdelay $0x3  }
0x94: {  	_ =	strace s2  }
0x95: {  	s2 =	sld [smem:$0x3FFD];
	_ =	sdelay $0x3  }
0x96: {  	_ =	strace s2  }
0x97: {  	_ =	strace $0x8FFFFFFF  }
0x98: {  	s18 =	sld [smem:$0x3FDB];
	_ =	sdelay $0x1  }
0x99: {  	s19 =	simm.s32 $_scs_section_size  }
0x9a: {  	s4 =	simm.s32 $_size__tile_overlayer_lowered;
	s5 =	simm.s32 $_tile_overlayer_lowered  }
0x9b: {  	s22 =	simm.s32 $0x1BFF;
	s21 =	sshll.u32 s5, $0x1;
	s2 =	sadd.s32 s19, s18  }
0x9c: {  	s6 =	simm.s32 $0x0;
	s20 =	sshll.u32 s4, $0x1;
	s4 =	sadd.s32 s21, s2  }
0x9d: {  	[timem:s6], [sflag:s22] =	dma.local [hbm:s4], s20  }
0x9e: {  	_ =	swait.ge [sflag:s22], s20  }
0x9f: {  	s3 =	ssub.s32 $0x0, s20;
	[sflag:s22] =	ssyncset.done $0x0  }
0xa0: {  	[sflag:s22] =	ssyncadd.s32 s3;
	_ =	sdelay $0x1  }
0xa1: {  	s23 =	simm.s32 $0x1B8B  }
0xa2: {  	_ =	swait.ge [sflag:s23], $0x1  }
0xa3: {  	[sflag:s23] =	ssyncset.done $0x0  }
0xa4: {  	s25 =	simm.s32 $0x1B8E;
	s24 =	sld [smem:$0x3FFE];
	[sflag:s23] =	ssyncadd.s32 $0xFFFFFFFF  }
0xa5: {  	s26 =	simm.s32 $execute0_lowered;
	[smem:$0x3FD2] =	sst s25  }
0xa6: {  	s4 =	sshll.u32 s26, $0x1;
	_ =	strace $0x80000055;
	[dreg:$0x1] =	wrdreg $0xFFFFFFFF  }
0xa7: {  	s28 =	simm.s32 $_size_execute0_lowered;
	s2 =	sadd.s32 s2, s4;
	[dreg:$0x0] =	wrdreg $0x0  }
0xa8: {  	s4 =	sshll.u32 s28, $0x1;
	[dreg:$0x2] =	wrdreg s2  }
0xa9: {  	[dreg:$0x3] =	wrdreg s4  }
0xaa: {  	[dreg:$0x4] =	wrdreg $0xC0  }
0xab: {  	_ =	task [dreg:s6], $0x5FFFF  }
0xac: {  	[dreg:$0x1] =	wrdreg $0xFFFFFFFF  }
0xad: {  	[dreg:$0x0] =	wrdreg $0x60  }
0xae: {  	[dreg:$0x2] =	wrdreg s24  }
0xaf: {  	[dreg:$0x3] =	wrdreg $0x96800  }
0xb0: {  	[dreg:$0x4] =	wrdreg $0x1D6800  }
0xb1: {  	[dreg:$0x5] =	wrdreg $0x9  }
0xb2: {  	_ =	task.clear_ibuf [dreg:s6], $0x6FFFF;
	_ =	strace $0x90000055  }
0xb3: {  	s29 =	simm.s32 $0x9;
	_ =	strace $0x80000057  }
0xb4: {  	_ =	swait.ge [sflag:s29], $0x1  }
0xb5: {  	[sflag:s29] =	ssyncadd.s32 $0xFFFFFFFF  }
0xb6: {  	_ =	strace $0x90000057  }
0xb7: {  	_ =	sfence  }
0xb8: {  	s30 =	sld [smem:$0x0];
	_ =	sdelay $0x2  }
0xb9: {  	s31 =	sshll.u32 s1, $0xD;
	s1 =	sshrl.u32 s1, $0x2  }
0xba: {  	s3 =	sand.u32 $0x4000, s31;
	s1 =	sadd.s32 s1, s30  }
0xbb: {  	s0 =	sor.u32 s3, s0;
	s1 =	sshll.u32 s1, $0x11  }
0xbc: {  	s0 =	sor.u32 s1, s0  }
0xbd: {  	s0 =	sadd.s32 $0x8F2B, s0  }
0xbe: {  	[sflag:s0] =	ssyncadd.remote.s32 $0x1  }
0xbf: {  	_ =	sfence.sel $0xFFFF  }
0xc0: {  	[dreg:$0x0] =	wrdreg $0xFFFFFFFF;
	(pc) =	sbr.abs _section_cstart, $3  }
0xc1: {  	[dreg:$0x1] =	wrdreg $0xFFFFFFFF  }
0xc2: {  	_ =	task.clear_ibuf [dreg:s6], $0x2FFFF;
	_ =	strace $0x9FFFFFFF  }
0xc3: {  	(tm) =	ssettm $0x7FFFFFFF  }
tec
execute0_lowered:
.L_overlay_start_1:
0x0: {  	(tag) =	ssettag $0x1  }
0x1: {  	s0 =	rddreg [dreg:$0x0]  }
0x2: {  	s1 =	rddreg [dreg:$0x1]  }
0x3: {  	s2 =	rddreg [dreg:$0x2];
	s3 =	simm.s32 $0x0;
	s4 =	srdreg.scid  }
0x4: {  	s23 =	stileid.u32;
	s28 =	simm.s32 $0x1;
	s29 =	simm.s32 $0x100  }
0x5: {  	s30 =	simm.s32 $0x400;
	s31 =	simm.s32 $0x9180;
	[smem:$0x7FF] =	sst s3  }
0x6: {  	s5 =	sand.u32 $0x1, s4;
	s6 =	smul.u32 $0x500, s23;
	s4 =	sadd.s32 $0x9E00, s0  }
0x7: {  	s7 =	sadd.s32 $0x3BC00, s0;
	s11 =	sadd.s32 $0x3CC00, s0;
	s24 =	smul.u32 $0x50000, s23  }
0x8: {  	s13 =	smul.u32 $0x14000, s23;
	s9 =	sshrl.u32 s23, $0x3;
	s12 =	sshll.u32 s23, $0x7  }
0x9: {  	s18 =	smul.u32 $0x5000, s23;
	_ =	strace $0x80000056;
	[dreg:$0x4] =	wrdreg s7  }
0xa: {  	s22 =	sshll.u32 s5, $0x7;
	s8 =	ssub.s32 $0x2, s5;
	s10 =	smul.u32 $0x50000, s9  }
0xb: {  	s12 =	sand.u32 $0x380, s12;
	s6 =	sor.u32 s22, s6;
	s25 =	sshrl.u32 s8, $0x1  }
0xc: {  	s7 =	sshrl.u32 s24, $0x2;
	s15 =	sadd.s32 $0x4000, s13;
	s16 =	sadd.s32 $0x8000, s13  }
0xd: {  	s17 =	sadd.s32 $0xC000, s13;
	s20 =	sadd.s32 $0x10000, s13;
	s22 =	smul.u32 $0x140000, s5  }
0xe: {  	s18 =	sshrl.u32 s18, $0x2;
	s5 =	smul.u32 $0x4F00, s5;
	s6 =	sshrl.u32 s6, $0x3  }
0xf: {  	s19 =	ssub.s32 s8, s25;
	s8 =	sadd.s32 s16, s1;
	s9 =	sadd.s32 s17, s1  }
0x10: {  	s10 =	sshrl.u32 s10, $0x2;
	s25 =	smul.u32 $0x4F0, s23;
	s23 =	simm.s32 $0x2  }
0x11: {  	s14 =	sadd.s32 s6, s0;
	s6 =	sadd.s32 s7, s1;
	s7 =	sadd.s32 s15, s1  }
0x12: {  	s21 =	sadd.s32 s10, s2;
	s10 =	sadd.s32 s20, s1;
	s15 =	sadd.s32 s22, s15  }
0x13: {  	s16 =	sadd.s32 s22, s16;
	s24 =	sadd.s32 s22, s20;
	s0 =	sadd.s32 s5, s0  }
0x14: {  	s19 =	smax.u32 s19, $0x1;
	s12 =	sadd.s32 s12, s21;
	s26 =	sadd.s32 $0x3C200, s14  }
0x15: {  	s14 =	sadd.s32 s13, s22;
	s13 =	sshrl.u32 s15, $0x3;
	s21 =	sadd.s32 s22, s17  }
0x16: {  	s20 =	sadd.s32 s25, s0;
	s22 =	simm.s32 $0x4180;
	s25 =	simm.s32 $0x80  }
0x17: {  	s0 =	simm.s32 $0x9400;
	[dreg:$0x5] =	wrdreg s12;
	s12 =	sadd.s32 s18, s2  }
0x18: {  	[dreg:$0x6] =	wrdreg s26;
	s2 =	sshrl.u32 s14, $0x3;
	s15 =	sadd.s32 s11, s13  }
0x19: {  	s18 =	sshrl.u32 s16, $0x3;
	s26 =	sshrl.u32 s24, $0x3;
	s24 =	simm.s32 $0x180  }
0x1a: {  	s2 =	sadd.s32 s11, s2;
	s16 =	sadd.s32 s11, s18;
	s18 =	sadd.s32 s11, s26  }
0x1b: {  	s26 =	simm.s32 $0x6980;
	[dreg:$0x7] =	wrdreg s2;
	s2 =	sshrl.u32 s21, $0x3  }
0x1c: {  	v0 =	vimm.f32 $0.0e+00;
	v1 =	vimm.f32 $1.000000000e+00;
	s21 =	sadd.s32 $0x31E00, s20;
	s17 =	sadd.s32 s11, s2;
	s2 =	simm.s32 $0x0  }
.LBB2_1:
0x1d: {  	s5 =	rddreg [dreg:$0x4]  }
0x1e: {  	[tilespmem:s22], [sflag:$0x2] =	stream.linear.gather [hbm4b:s5+s3], $0x2800, $0x38;
	[tilespmem:$0x1FE80] =	vst v63  }
0x1f: {  	_ =	swait.ge [sflag:s23], $0x2800  }
0x20: {  	[sflag:s23] =	ssyncset.done $0x0  }
0x21: {  	s11 =	simm.s32 $0x200;
	s5 =	simm.s32 $0x0;
	[sflag:s23] =	ssyncadd.s32 $0xFFFFD800  }
.LBB2_2:
0x22: {  	p0 =	sne.s32 s11, $0xFE00;
	[tilespmem:s5+$0x1F0] =	vst v0  }
0x23: {  	[tilespmem:s5+$0x180] =	vst v0  }
0x24: {  	[tilespmem:s5+$0x190] =	vst v0  }
.Ltmp0:
0x25: {  	[tilespmem:s5+$0x1A0] =	vst v0;
	(pc) =	sbr.rel @p0 .LBB2_2-.Ltmp0, $4  }
0x26: {  	[tilespmem:s5+$0x1B0] =	vst v0  }
0x27: {  	[tilespmem:s5+$0x1C0] =	vst v0  }
0x28: {  	[tilespmem:s5+$0x1D0] =	vst v0  }
0x29: {  	[tilespmem:s5+$0x1E0] =	vst v0;
	s5 =	sshra.s32 s11, $0x2;
	s11 =	sadd.s32 $0x200, s11  }
0x2a: {  	[tilespmem:s5+$0x1F0] =	vst v0  }
0x2b: {  	[tilespmem:s5+$0x180] =	vst v0  }
0x2c: {  	[tilespmem:s5+$0x190] =	vst v0  }
0x2d: {  	[tilespmem:s5+$0x1A0] =	vst v0  }
0x2e: {  	[tilespmem:s5+$0x1B0] =	vst v0  }
0x2f: {  	[tilespmem:s5+$0x1C0] =	vst v0  }
0x30: {  	[tilespmem:s5+$0x1D0] =	vst v0  }
0x31: {  	[tilespmem:s5+$0x1E0] =	vst v0  }
0x32: {  	[spmem:s6] =	stream.linear.scatter [tilespmem:s24], [sflag:$0x2], $0x4000, $0x38;
	[tilespmem:$0x1FE80] =	vst v63  }
0x33: {  	_ =	swait.ge [sflag:s23], $0x4000  }
0x34: {  	[sflag:s23] =	ssyncset.done $0x0  }
0x35: {  	[sflag:s23] =	ssyncadd.s32 $0xFFFFC000  }
0x36: {  	[spmem:s7] =	stream.linear.scatter [tilespmem:s24], [sflag:$0x2], $0x4000, $0x38;
	[tilespmem:$0x1FE80] =	vst v63  }
0x37: {  	_ =	swait.ge [sflag:s23], $0x4000  }
0x38: {  	[sflag:s23] =	ssyncset.done $0x0  }
0x39: {  	[sflag:s23] =	ssyncadd.s32 $0xFFFFC000  }
0x3a: {  	[spmem:s8] =	stream.linear.scatter [tilespmem:s24], [sflag:$0x2], $0x4000, $0x38;
	[tilespmem:$0x1FE80] =	vst v63  }
0x3b: {  	_ =	swait.ge [sflag:s23], $0x4000  }
0x3c: {  	[sflag:s23] =	ssyncset.done $0x0  }
0x3d: {  	[sflag:s23] =	ssyncadd.s32 $0xFFFFC000  }
0x3e: {  	[spmem:s9] =	stream.linear.scatter [tilespmem:s24], [sflag:$0x2], $0x4000, $0x38;
	[tilespmem:$0x1FE80] =	vst v63  }
0x3f: {  	_ =	swait.ge [sflag:s23], $0x4000  }
0x40: {  	[sflag:s23] =	ssyncset.done $0x0  }
0x41: {  	[sflag:s23] =	ssyncadd.s32 $0xFFFFC000  }
0x42: {  	[spmem:s10] =	stream.linear.scatter [tilespmem:s24], [sflag:$0x2], $0x4000, $0x38;
	[tilespmem:$0x1FE80] =	vst v63  }
0x43: {  	_ =	swait.ge [sflag:s23], $0x4000  }
0x44: {  	[sflag:s23] =	ssyncset.done $0x0  }
0x45: {  	s5 =	simm.s32 $0x40;
	s11 =	simm.s32 $0x0;
	[sflag:s23] =	ssyncadd.s32 $0xFFFFC000  }
.LBB2_4:
0x46: {  	p0 =	sne.s32 s5, $0x9FC0;
	[tilespmem:s11+$0x6980] =	vst v0;
	s11 =	smov.u32 s5;
	s5 =	sadd.s32 $0x40, s5  }
.Ltmp1:
0x47: {  	(pc) =	sbr.rel @p0 .LBB2_4-.Ltmp1, $2  }
0x48: {  	_ =	sdelay $0x2  }
0x49: {  	s11 =	sshra.s32 s11, $0x2  }
0x4a: {  	[tilespmem:s11+$0x6980] =	vst v0  }
0x4b: {  	s5 =	simm.s32 $0x0;
	[bflag:$0x0] =	sbarrier.arrive $0xFFFF  }
.LBB2_6:
0x4c: {  	s11 =	sadd.s32 s5, s20  }
0x4d: {  	[tilespmem:s3], [sflag:$0x2] =	stream.linear.gather [hbm4b:s11+s3], $0x80, $0x38;
	[tilespmem:$0x1FE80] =	vst v63  }
0x4e: {  	_ =	swait.ge [sflag:s23], $0x80  }
0x4f: {  	[sflag:s23] =	ssyncset.done $0x0  }
0x50: {  	s14 =	sadd.s32 s5, s21;
	[sflag:s23] =	ssyncadd.s32 $0xFFFFFF80  }
0x51: {  	[tilespmem:s25], [sflag:$0x2] =	stream.linear.gather [hbm4b:s14+s3], $0x80, $0x38;
	[tilespmem:$0x1FE80] =	vst v63  }
0x52: {  	_ =	swait.ge [sflag:s23], $0x80  }
0x53: {  	[sflag:s23] =	ssyncset.done $0x0  }
0x54: {  	[sflag:s23] =	ssyncadd.s32 $0xFFFFFF80  }
0x55: {  	v2 =	vld [tilespmem:$0x0]  }
0x56: {  	v3 =	vld [tilespmem:$0x80];
	_ =	sdelay $0x6  }
0x57: {  	v2 =	vld.idx.msk [tilespmem:v2+s22+$0x0], $0xffff  }
0x58: {  	v4 =	vld.idx.msk [tilespmem:v3+s22+$0x0], $0xffff;
	_ =	sdelay $0x4  }
0x59: {  	v2 =	vmul.f32 v4, v2;
	_ =	sdelay $0x1  }
0x5a: {  	vm0 =	vgt.f32 v2, $5.000000000e-01  }
0x5b: {  	v2 =	vnsel vm0, $0x2710, v3;
	_ =	sdelay $0x3  }
0x5c: {  	[tilespmem:$0x100] =	vst v2  }
0x5d: {  	[tilespmem:v2+s26+$0x0] =	vst.idx.add.f32.msk $0xffff, v1  }
0x5e: {  	v2 =	vld [tilespmem:$0x10]  }
0x5f: {  	v3 =	vld [tilespmem:$0x90];
	_ =	sdelay $0x6  }
0x60: {  	v2 =	vld.idx.msk [tilespmem:v2+s22+$0x0], $0xffff  }
0x61: {  	v57 =	vld.idx.msk [tilespmem:v3+s22+$0x0], $0xffff;
	_ =	sdelay $0x4  }
0x62: {  	v2 =	vmul.f32 v57, v2;
	_ =	sdelay $0x1  }
0x63: {  	vm9 =	vgt.f32 v2, $5.000000000e-01  }
0x64: {  	v2 =	vnsel vm9, $0x2710, v3;
	_ =	sdelay $0x3  }
0x65: {  	[tilespmem:$0x110] =	vst v2  }
0x66: {  	[tilespmem:v2+s26+$0x0] =	vst.idx.add.f32.msk $0xffff, v1  }
0x67: {  	v2 =	vld [tilespmem:$0x20]  }
0x68: {  	v3 =	vld [tilespmem:$0xA0];
	_ =	sdelay $0x6  }
0x69: {  	v2 =	vld.idx.msk [tilespmem:v2+s22+$0x0], $0xffff  }
0x6a: {  	v58 =	vld.idx.msk [tilespmem:v3+s22+$0x0], $0xffff;
	_ =	sdelay $0x4  }
0x6b: {  	v2 =	vmul.f32 v58, v2;
	_ =	sdelay $0x1  }
0x6c: {  	vm10 =	vgt.f32 v2, $5.000000000e-01  }
0x6d: {  	v2 =	vnsel vm10, $0x2710, v3;
	_ =	sdelay $0x3  }
0x6e: {  	[tilespmem:$0x120] =	vst v2  }
0x6f: {  	[tilespmem:v2+s26+$0x0] =	vst.idx.add.f32.msk $0xffff, v1  }
0x70: {  	v2 =	vld [tilespmem:$0x30]  }
0x71: {  	v3 =	vld [tilespmem:$0xB0];
	_ =	sdelay $0x6  }
0x72: {  	v2 =	vld.idx.msk [tilespmem:v2+s22+$0x0], $0xffff  }
0x73: {  	v59 =	vld.idx.msk [tilespmem:v3+s22+$0x0], $0xffff;
	_ =	sdelay $0x4  }
0x74: {  	v2 =	vmul.f32 v59, v2;
	_ =	sdelay $0x1  }
0x75: {  	vm11 =	vgt.f32 v2, $5.000000000e-01  }
0x76: {  	v2 =	vnsel vm11, $0x2710, v3;
	_ =	sdelay $0x3  }
0x77: {  	[tilespmem:$0x130] =	vst v2  }
0x78: {  	[tilespmem:v2+s26+$0x0] =	vst.idx.add.f32.msk $0xffff, v1  }
0x79: {  	v2 =	vld [tilespmem:$0x40]  }
0x7a: {  	v3 =	vld [tilespmem:$0xC0];
	_ =	sdelay $0x6  }
0x7b: {  	v2 =	vld.idx.msk [tilespmem:v2+s22+$0x0], $0xffff  }
0x7c: {  	v60 =	vld.idx.msk [tilespmem:v3+s22+$0x0], $0xffff;
	_ =	sdelay $0x4  }
0x7d: {  	v2 =	vmul.f32 v60, v2;
	_ =	sdelay $0x1  }
0x7e: {  	vm12 =	vgt.f32 v2, $5.000000000e-01  }
0x7f: {  	v2 =	vnsel vm12, $0x2710, v3;
	_ =	sdelay $0x3  }
0x80: {  	[tilespmem:$0x140] =	vst v2  }
0x81: {  	[tilespmem:v2+s26+$0x0] =	vst.idx.add.f32.msk $0xffff, v1  }
0x82: {  	v2 =	vld [tilespmem:$0x50]  }
0x83: {  	v3 =	vld [tilespmem:$0xD0];
	_ =	sdelay $0x6  }
0x84: {  	v2 =	vld.idx.msk [tilespmem:v2+s22+$0x0], $0xffff  }
0x85: {  	v61 =	vld.idx.msk [tilespmem:v3+s22+$0x0], $0xffff;
	_ =	sdelay $0x4  }
0x86: {  	v2 =	vmul.f32 v61, v2;
	_ =	sdelay $0x1  }
0x87: {  	vm13 =	vgt.f32 v2, $5.000000000e-01  }
0x88: {  	v2 =	vnsel vm13, $0x2710, v3;
	_ =	sdelay $0x3  }
0x89: {  	[tilespmem:$0x150] =	vst v2  }
0x8a: {  	[tilespmem:v2+s26+$0x0] =	vst.idx.add.f32.msk $0xffff, v1  }
0x8b: {  	v2 =	vld [tilespmem:$0x60]  }
0x8c: {  	v3 =	vld [tilespmem:$0xE0];
	_ =	sdelay $0x6  }
0x8d: {  	v2 =	vld.idx.msk [tilespmem:v2+s22+$0x0], $0xffff  }
0x8e: {  	v62 =	vld.idx.msk [tilespmem:v3+s22+$0x0], $0xffff;
	_ =	sdelay $0x4  }
0x8f: {  	v2 =	vmul.f32 v62, v2;
	_ =	sdelay $0x1  }
0x90: {  	vm14 =	vgt.f32 v2, $5.000000000e-01  }
0x91: {  	v2 =	vnsel vm14, $0x2710, v3;
	_ =	sdelay $0x3  }
0x92: {  	[tilespmem:$0x160] =	vst v2  }
0x93: {  	[tilespmem:v2+s26+$0x0] =	vst.idx.add.f32.msk $0xffff, v1  }
0x94: {  	v2 =	vld [tilespmem:$0x70]  }
0x95: {  	v3 =	vld [tilespmem:$0xF0];
	_ =	sdelay $0x6  }
0x96: {  	v2 =	vld.idx.msk [tilespmem:v2+s22+$0x0], $0xffff  }
0x97: {  	v63 =	vld.idx.msk [tilespmem:v3+s22+$0x0], $0xffff;
	_ =	sdelay $0x4  }
0x98: {  	v2 =	vmul.f32 v63, v2;
	_ =	sdelay $0x1  }
0x99: {  	vm15 =	vgt.f32 v2, $5.000000000e-01  }
0x9a: {  	v2 =	vnsel vm15, $0x2710, v3;
	_ =	sdelay $0x3  }
0x9b: {  	[tilespmem:$0x170] =	vst v2  }
0x9c: {  	[tilespmem:v2+s26+$0x0] =	vst.idx.add.f32.msk $0xffff, v1  }
0x9d: {  	[tilespmem:s24], [sflag:$0x1] =	stream.indirect.gather [hbm4b:s4+s25], $0x80, s3, s25, $0xb8;
	[tilespmem:$0x1FE80] =	vst v63  }
0x9e: {  	_ =	swait.ge [sflag:s28], $0x4000  }
0x9f: {  	p0 =	sne.s32 s5, $0x4E0;
	[sflag:s28] =	ssyncset.done $0x0  }
.Ltmp2:
0xa0: {  	[sflag:s28] =	ssyncadd.s32 $0xFFFFC000;
	(pc) =	sbr.rel @p0 .LBB2_6-.Ltmp2, $4  }
0xa1: {  	[spmem:s1] =	stream.indirect.scatter.add.f32 [tilespmem:s24], [sflag:$0x2], $0x80, s29, s25, $0xb8;
	[tilespmem:$0x1FE80] =	vst v63  }
0xa2: {  	_ =	swait.ge [sflag:s23], $0x4000  }
0xa3: {  	[sflag:s23] =	ssyncset.done $0x0  }
0xa4: {  	s5 =	sadd.s32 $0x10, s5;
	[sflag:s23] =	ssyncadd.s32 $0xFFFFC000  }
0xa5: {  	[bflag:$0x0] =	sbarrier.arrive $0xFFFF  }
0xa6: {  	s5 =	rddreg [dreg:$0x5]  }
0xa7: {  	[spmem:s5] =	stream.strided.scatter [tilespmem:s26], [sflag:$0x2], $0x2800, s30, s25, $0x38;
	[tilespmem:$0x1FE80] =	vst v63  }
0xa8: {  	_ =	swait.ge [sflag:s23], $0x2800  }
0xa9: {  	[sflag:s23] =	ssyncset.done $0x0  }
0xaa: {  	[sflag:s23] =	ssyncadd.s32 $0xFFFFD800  }
0xab: {  	[bflag:$0x0] =	sbarrier.arrive $0xFFFF  }
0xac: {  	[tilespmem:s31], [sflag:$0x2] =	stream.strided.gather [spmem:s12], $0x280, s30, s25, $0x38;
	[tilespmem:$0x1FE80] =	vst v63  }
0xad: {  	_ =	swait.ge [sflag:s23], $0x280  }
0xae: {  	[sflag:s23] =	ssyncset.done $0x0  }
0xaf: {  	s5 =	simm.s32 $0x1;
	[sflag:s23] =	ssyncadd.s32 $0xFFFFFD80  }
.LBB2_8:
0xb0: {  	s11 =	sshrl.u32 s5, $0x3  }
0xb1: {  	s11 =	smul.u32 $0x50000, s11;
	_ =	sdelay $0x1  }
0xb2: {  	s13 =	sshll.u32 s5, $0x7;
	s11 =	sshra.s32 s11, $0x2  }
0xb3: {  	s13 =	sand.u32 $0x380, s13;
	s11 =	sadd.s32 s11, s12  }
0xb4: {  	s11 =	sadd.s32 s13, s11  }
0xb5: {  	[tilespmem:s0], [sflag:$0x2] =	stream.strided.gather [spmem:s11], $0x280, s30, s25, $0x38;
	[tilespmem:$0x1FE80] =	vst v63  }
0xb6: {  	_ =	swait.ge [sflag:s23], $0x280  }
0xb7: {  	[sflag:s23] =	ssyncset.done $0x0  }
0xb8: {  	s11 =	simm.s32 $0x0;
	[sflag:s23] =	ssyncadd.s32 $0xFFFFFD80  }
0xb9: {  	s13 =	simm.s32 $0x40;
	v2 =	vld [tilespmem:s11+$0x9400]  }
.LBB2_9:
0xba: {  	p0 =	sne.s32 s13, $0x9C0;
	v3 =	vld [tilespmem:s11+$0x9180];
	_ =	sdelay $0x2  }
.Ltmp3:
0xbb: {  	(pc) =	sbr.rel @p0 .LBB2_9-.Ltmp3, $4  }
0xbc: {  	_ = 	snop  }
0xbd: {  	v3 =	vadd.f32 v2, v3  }
0xbe: {  	s14 =	sshra.s32 s13, $0x2  }
0xbf: {  	s13 =	sadd.s32 $0x40, s13;
	v2 =	vld [tilespmem:s14+$0x9400];
	[tilespmem:s11+$0x9180] =	vst v3;
	s11 =	smov.u32 s14  }
0xc0: {  	v3 =	vld [tilespmem:s11+$0x9180]  }
0xc1: {  	s5 =	sadd.s32 $0x1, s5  }
0xc2: {  	p0 =	sne.s32 s5, $0x10  }
.Ltmp4:
0xc3: {  	_ = 	snop;
	(pc) =	sbr.rel @p0 .LBB2_8-.Ltmp4, $3  }
0xc4: {  	_ = 	snop  }
0xc5: {  	v2 =	vadd.f32 v2, v3;
	_ =	sdelay $0x1  }
0xc6: {  	[tilespmem:s11+$0x9180] =	vst v2  }
0xc7: {  	s5 =	rddreg [dreg:$0x6]  }
0xc8: {  	[hbm4b:s5+s25] =	stream.strided.scatter [tilespmem:s31], [sflag:$0x2], $0x280, s29, s25, $0x38;
	[tilespmem:$0x1FE80] =	vst v63  }
0xc9: {  	s11 =	stileid.u32;
	_ =	swait.ge [sflag:s23], $0x280  }
0xca: {  	s5 =	sshll.u32 s11, $0x6;
	s11 =	sshrl.u32 s6, $0x3;
	[sflag:s23] =	ssyncset.done $0x0  }
0xcb: {  	s5 =	sor.u32 $0x1C02, s5;
	s13 =	rddreg [dreg:$0x7];
	[sflag:s23] =	ssyncadd.s32 $0xFFFFFD80  }
0xcc: {  	[hbm:s13], [sflag:s5] =	dma.local [spmem:s11], $0x800  }
0xcd: {  	_ =	swait.ge [sflag:s23], $0x800  }
0xce: {  	[sflag:s23] =	ssyncset.done $0x0  }
0xcf: {  	s13 =	sshrl.u32 s7, $0x3;
	[sflag:s23] =	ssyncadd.s32 $0xFFFFF800  }
0xd0: {  	[hbm:s15], [sflag:s5] =	dma.local [spmem:s13], $0x800  }
0xd1: {  	_ =	swait.ge [sflag:s23], $0x800  }
0xd2: {  	[sflag:s23] =	ssyncset.done $0x0  }
0xd3: {  	s14 =	sshrl.u32 s8, $0x3;
	[sflag:s23] =	ssyncadd.s32 $0xFFFFF800  }
0xd4: {  	[hbm:s16], [sflag:s5] =	dma.local [spmem:s14], $0x800  }
0xd5: {  	_ =	swait.ge [sflag:s23], $0x800  }
0xd6: {  	[sflag:s23] =	ssyncset.done $0x0  }
0xd7: {  	s13 =	sshrl.u32 s9, $0x3;
	[sflag:s23] =	ssyncadd.s32 $0xFFFFF800  }
0xd8: {  	[hbm:s17], [sflag:s5] =	dma.local [spmem:s13], $0x800  }
0xd9: {  	s2 =	sadd.s32 $0x1, s2;
	_ =	swait.ge [sflag:s23], $0x800  }
0xda: {  	p0 =	sne.s32 s2, s19;
	[sflag:s23] =	ssyncset.done $0x0  }
.Ltmp5:
0xdb: {  	s14 =	sshrl.u32 s10, $0x3;
	[sflag:s23] =	ssyncadd.s32 $0xFFFFF800;
	(pc) =	sbr.rel @p0 .LBB2_1-.Ltmp5, $4  }
0xdc: {  	[hbm:s18], [sflag:s5] =	dma.local [spmem:s14], $0x800  }
0xdd: {  	_ =	swait.ge [sflag:s23], $0x800  }
0xde: {  	[sflag:s23] =	ssyncset.done $0x0  }
0xdf: {  	[sflag:s23] =	ssyncadd.s32 $0xFFFFF800  }
0xe0: {  	_ =	sfence.sel $0x180000  }
0xe1: {  	[bflag:$0x0] =	sbarrier.arrive $0xFFFF  }
0xe2: {  	_ =	strace $0x90000056  }
0xe3: {  	s0 =	stileid.u32;
	[bflag:$0x2] =	sbarrier.arrive $0xFFFF  }
0xe4: {  	p0 =	sne.s32 s0, $0x0;
	s0 =	rddreg [dreg:$0x3]  }
0xe5: {  	s0 =	sadd.s32 @!p0 $0x100000, s0  }
0xe6: {  	[sflag:s0] =	ssyncadd.tile.s32 @!p0 $0x1;
	_ =	shalt  }
.Lfunc_end2:
_tile_overlayer_lowered:
.L_overlay_start_2:
0xe7: {  	(tag) =	ssettag $0x2  }
0xe8: {  	s0 =	rddreg [dreg:$0x0];
	s2 =	stileid.u32  }
0xe9: {  	s1 =	rddreg [dreg:$0x1];
	p0 =	sne.s32 s2, $0x0  }
0xea: {  	s3 =	rddreg [dreg:$0x2];
	[bflag:$0x3] =	sbarrier.arrive $0xFFFF;
	s2 =	simm.s32 @!p0 $0x1C02  }
0xeb: {  	[timem:s3], [sflag:s2] =	dma.local @!p0 [hbm:s0], s1  }
0xec: {  	s0 =	simm.s32 @!p0 $0x2  }
0xed: {  	_ =	swait.ge @!p0 [sflag:s0], s1  }
0xee: {  	s1 =	ssub.s32 @!p0 $0x0, s1;
	[sflag:s0] =	ssyncset.done @!p0 $0x0  }
0xef: {  	[sflag:s0] =	ssyncadd.s32 @!p0 s1  }
0xf0: {  	[bflag:$0x3] =	sbarrier.arrive $0xFFFF  }
0xf1: {  	_ =	shalt  }

</sc_bundles>
